<compile_context>
chip_gen: v7x
topology: tpu7x:2x2x1
jax: 0.10.2.dev20260603
libtpu: 0.0.44.dev20260713+nightly
codegen_flags: <defaults>
</compile_context>

<pallas_src>
import functools

import jax
import jax.numpy as jnp
from jax import lax
from jax.experimental import pallas as pl
from jax.experimental.pallas import tpu as pltpu
from jax.experimental.pallas import tpu_sc as plsc

EMB = 64
N_SEPA = 17
N_BIG = 50000
E_RC = 800000
CHUNK = 128
N_WORKERS = 32
CHUNKS_PER_W = 196
E_PAD = N_WORKERS * CHUNKS_PER_W * CHUNK
N_CHUNK_ROWS = E_PAD // CHUNK
HALF = 25000
HALF_PAD = 25008
ROWS_PER_TILE = HALF_PAD // 16
TRASH = HALF

_MESH = plsc.VectorSubcoreMesh(core_axis_name="c", subcore_axis_name="s")
_SC_PARAMS = pltpu.CompilerParams(use_tc_tiling_on_sc=False)


def _worker_id():
    return lax.axis_index("c") * 16 + lax.axis_index("s")



def _gather_body(a_hbm, b_hbm, dst_hbm, src_hbm, h_hbm,
                 dloc, sloc, ga0, gb0, ga1, gb1, sem0, sem1):
    w = _worker_id()
    base = w * CHUNKS_PER_W
    pltpu.sync_copy(dst_hbm.at[pl.ds(base, CHUNKS_PER_W)], dloc)
    pltpu.sync_copy(src_hbm.at[pl.ds(base, CHUNKS_PER_W)], sloc)

    slots = ((ga0, gb0, sem0), (ga1, gb1, sem1))

    def issue(g, slot):
        ga, gb, sem = slots[slot]
        pltpu.async_copy(a_hbm.at[dloc.at[g]], ga, sem)
        pltpu.async_copy(b_hbm.at[sloc.at[g]], gb, sem)

    def drain(g, slot):
        ga, gb, sem = slots[slot]
        pltpu.make_async_copy(a_hbm.at[dloc.at[g]], ga, sem).wait()
        pltpu.make_async_copy(b_hbm.at[sloc.at[g]], gb, sem).wait()

    def process(g, slot):
        ga, gb, _ = slots[slot]

        def add_row(rr, c2):
            for k in range(EMB // 32):
                sl = pl.ds(k * 32, 32)
                ga[rr, sl] += gb[rr, sl]
            return c2

        lax.fori_loop(0, CHUNK, add_row, 0, unroll=8)
        pltpu.sync_copy(ga, h_hbm.at[pl.ds((base + g) * CHUNK, CHUNK)])

    issue(0, 0)

    def step(i2, carry):
        for b in range(2):
            g = i2 * 2 + b
            nxt = 1 - b

            @pl.when(g + 1 < CHUNKS_PER_W)
            def _():
                issue(g + 1, nxt)

            drain(g, b)
            process(g, b)
        return carry

    lax.fori_loop(0, CHUNKS_PER_W // 2, step, 0)


def _sc_gather_add(a_tab, b_tab, dst2, src2):
    return pl.kernel(
        _gather_body,
        out_type=jax.ShapeDtypeStruct((E_PAD, EMB), jnp.bfloat16),
        mesh=_MESH,
        compiler_params=_SC_PARAMS,
        scratch_types=[
            pltpu.VMEM((CHUNKS_PER_W, CHUNK), jnp.int32),
            pltpu.VMEM((CHUNKS_PER_W, CHUNK), jnp.int32),
            pltpu.VMEM((CHUNK, EMB), jnp.bfloat16),
            pltpu.VMEM((CHUNK, EMB), jnp.bfloat16),
            pltpu.VMEM((CHUNK, EMB), jnp.bfloat16),
            pltpu.VMEM((CHUNK, EMB), jnp.bfloat16),
            pltpu.SemaphoreType.DMA,
            pltpu.SemaphoreType.DMA,
        ],
    )(a_tab, b_tab, dst2, src2)



def _scatter_body(msg_hbm, dstl_hbm, agg_hbm, ib0, ib1, mb0, mb1, zbuf, acc,
                  sem0, sem1):
    cid = lax.axis_index("c")
    sid = lax.axis_index("s")
    n_my = N_CHUNK_ROWS // 16
    base = sid * n_my
    lo = cid * HALF

    def zrow(rr, c):
        for k in range(EMB // 16):
            zbuf[rr, pl.ds(k * 16, 16)] = jnp.zeros((16,), jnp.float32)
        return c
    lax.fori_loop(0, CHUNK, zrow, 0, unroll=4)
    row0 = sid * ROWS_PER_TILE
    n_full = ROWS_PER_TILE // CHUNK
    rem = ROWS_PER_TILE - n_full * CHUNK

    def zcp(i, c):
        pltpu.sync_copy(zbuf, acc.at[pl.ds(row0 + i * CHUNK, CHUNK)])
        return c
    lax.fori_loop(0, n_full, zcp, 0)
    pltpu.sync_copy(zbuf.at[pl.ds(0, rem)],
                    acc.at[pl.ds(row0 + n_full * CHUNK, rem)])

    plsc.subcore_barrier()

    slots = ((mb0, ib0, sem0), (mb1, ib1, sem1))

    def issue(g, slot):
        mb, ib, sem = slots[slot]
        pltpu.async_copy(msg_hbm.at[pl.ds((base + g) * CHUNK, CHUNK)], mb, sem)
        pltpu.async_copy(dstl_hbm.at[base + g], ib, sem)

    def drain(g, slot):
        mb, ib, sem = slots[slot]
        pltpu.make_async_copy(
            msg_hbm.at[pl.ds((base + g) * CHUNK, CHUNK)], mb, sem).wait()
        pltpu.make_async_copy(dstl_hbm.at[base + g], ib, sem).wait()

    issue(0, 0)

    def step(i2, carry):
        for b in range(2):
            g = i2 * 2 + b
            nxt = 1 - b

            @pl.when(g + 1 < n_my)
            def _():
                issue(g + 1, nxt)

            drain(g, b)
            mb, ib, _ = slots[b]
            for k in range(CHUNK // 16):
                sl = pl.ds(k * 16, 16)
                v = ib[sl] - lo
                ok = (v >= 0) & (v < HALF)
                ib[sl] = jnp.where(ok, v, TRASH)
            pltpu.sync_copy(mb, acc.at[ib], add=True)
        return carry

    lax.fori_loop(0, n_my // 2, step, 0)
    plsc.subcore_barrier()

    out0 = cid * HALF_PAD + row0

    def wcp(i, c):
        pltpu.sync_copy(acc.at[pl.ds(row0 + i * CHUNK, CHUNK)], zbuf)
        pltpu.sync_copy(zbuf, agg_hbm.at[pl.ds(out0 + i * CHUNK, CHUNK)])
        return c
    lax.fori_loop(0, n_full, wcp, 0)
    pltpu.sync_copy(acc.at[pl.ds(row0 + n_full * CHUNK, rem)],
                    zbuf.at[pl.ds(0, rem)])
    pltpu.sync_copy(zbuf.at[pl.ds(0, rem)],
                    agg_hbm.at[pl.ds(out0 + n_full * CHUNK, rem)])


def _sc_scatter_add(msg, dstl2):
    return pl.kernel(
        _scatter_body,
        out_type=jax.ShapeDtypeStruct((2 * HALF_PAD, EMB), jnp.float32),
        mesh=_MESH,
        compiler_params=_SC_PARAMS,
        scratch_types=[
            pltpu.VMEM((CHUNK,), jnp.int32),
            pltpu.VMEM((CHUNK,), jnp.int32),
            pltpu.VMEM((CHUNK, EMB), jnp.float32),
            pltpu.VMEM((CHUNK, EMB), jnp.float32),
            pltpu.VMEM((CHUNK, EMB), jnp.float32),
            pltpu.VMEM_SHARED((HALF_PAD, EMB), jnp.float32),
            pltpu.SemaphoreType.DMA,
            pltpu.SemaphoreType.DMA,
        ],
    )(msg, dstl2)



BLK = 4096


def _edge_mlp_body(h_ref, ev_ref, eW_ref, g_ref, b_ref, fW_ref, fb_ref, o_ref):
    h = h_ref[...].astype(jnp.float32)
    ev = ev_ref[...]
    c = ev[0][:, None] * eW_ref[0][None, :] + ev[1][:, None] * eW_ref[1][None, :]
    h = h + c
    m = jnp.mean(h, axis=-1, keepdims=True)
    v = jnp.mean((h - m) * (h - m), axis=-1, keepdims=True)
    u = (h - m) * lax.rsqrt(v + 1e-5) * g_ref[0][None, :] + b_ref[0][None, :]
    u = jnp.maximum(u, 0.0)
    o_ref[...] = jnp.dot(u, fW_ref[...],
                         preferred_element_type=jnp.float32) + fb_ref[0][None, :]


def _edge_mlp(h, evT, eW, g, b, fW, fb):
    n = E_PAD // BLK
    return pl.pallas_call(
        _edge_mlp_body,
        grid=(n,),
        in_specs=[
            pl.BlockSpec((BLK, EMB), lambda i: (i, 0)),
            pl.BlockSpec((2, BLK), lambda i: (0, i)),
            pl.BlockSpec((2, EMB), lambda i: (0, 0)),
            pl.BlockSpec((1, EMB), lambda i: (0, 0)),
            pl.BlockSpec((1, EMB), lambda i: (0, 0)),
            pl.BlockSpec((EMB, EMB), lambda i: (0, 0)),
            pl.BlockSpec((1, EMB), lambda i: (0, 0)),
        ],
        out_specs=pl.BlockSpec((BLK, EMB), lambda i: (i, 0)),
        out_shape=jax.ShapeDtypeStruct((E_PAD, EMB), jnp.float32),
    )(h, evT, eW, g[None, :], b[None, :], fW, fb[None, :])



def _lin(x, W, b=None):
    y = x @ W
    return y if b is None else y + b


def _bn(x, g, b):
    m = jnp.mean(x, axis=0)
    v = jnp.var(x, axis=0)
    return (x - m) / jnp.sqrt(v + 1e-5) * g + b


def _bn_affine(x, g, b):
    m = jnp.mean(x, axis=0)
    v = jnp.var(x, axis=0)
    s = g / jnp.sqrt(v + 1e-5)
    return s, b - m * s


def _ln(x, g, b):
    m = jnp.mean(x, axis=-1, keepdims=True)
    v = jnp.var(x, axis=-1, keepdims=True)
    return (x - m) / jnp.sqrt(v + 1e-5) * g + b


def _bgc_tail(agg, right, p):
    out = _ln(agg, p['post_g'], p['post_b'])
    out = jnp.concatenate([out, right], axis=-1)
    out = jax.nn.relu(_lin(out, p['o1_W'], p['o1_b']))
    return _lin(out, p['o2_W'], p['o2_b'])


def _bgc_big(left, dst2, src2, dstl2, evT, ev_s, ev_t, right, p):
    eW = ev_s[:, None] * p['e_W']
    eb = ev_t @ p['e_W']
    a = _lin(right, p['l_W'], p['l_b']) + eb
    b = left @ p['r_W']
    h = _sc_gather_add(a.astype(jnp.bfloat16), b.astype(jnp.bfloat16),
                       dst2, src2)
    msg = _edge_mlp(h, evT, eW, p['fin_g'], p['fin_bln'], p['fin_W'], p['fin_b'])
    aggp = _sc_scatter_add(msg, dstl2)
    agg = jnp.concatenate([aggp[:HALF], aggp[HALF_PAD:HALF_PAD + HALF]], axis=0)
    return _bgc_tail(agg, right, p)


def _bgc_small(left, src, dst, ev, ev_s, ev_t, right, p, n_right):
    eW = ev_s[:, None] * p['e_W']
    eb = ev_t @ p['e_W']
    a = _lin(right[:N_SEPA], p['l_W'], p['l_b']) + eb
    b = left[:N_SEPA] @ p['r_W']
    oh_dst = (dst[:, None] == jnp.arange(N_SEPA)[None, :]).astype(jnp.float32)
    oh_src = (src[:, None] == jnp.arange(N_SEPA)[None, :]).astype(jnp.float32)
    h = oh_dst @ a + oh_src @ b + ev @ eW
    h = jax.nn.relu(_ln(h, p['fin_g'], p['fin_bln']))
    msg = _lin(h, p['fin_W'], p['fin_b'])
    agg17 = oh_dst.T @ msg
    if n_right > N_SEPA:
        agg = jnp.zeros((n_right, EMB), dtype=h.dtype).at[:N_SEPA].set(agg17)
    else:
        agg = agg17
    return _bgc_tail(agg, right, p)


def _tconv17(x, src, dst, eattr, p, heads=4, dh=16):
    N = x.shape[0]
    E = src.shape[0]
    q = _lin(x, p['tq_W'], p['tq_b']).reshape(N, heads, dh)
    k = _lin(x, p['tk_W'], p['tk_b']).reshape(N, heads, dh)
    v = _lin(x, p['tv_W'], p['tv_b']).reshape(N, heads, dh)
    e = (eattr @ p['te_W']).reshape(E, heads, dh)
    oh_dst = (dst[:, None] == jnp.arange(N)[None, :]).astype(jnp.float32)
    kj = k[src] + e
    alpha = jnp.sum(q[dst] * kj, axis=-1) / jnp.sqrt(dh)
    neg = jnp.float32(-1e30)
    amax = jnp.max(jnp.where(oh_dst[:, :, None] > 0, alpha[:, None, :], neg),
                   axis=0)
    ex = jnp.exp(alpha - amax[dst])
    den = oh_dst.T @ ex
    a = ex / (den[dst] + 1e-16)
    out = ((v[src] + e) * a[:, :, None]).reshape(E, heads * dh)
    agg = oh_dst.T @ out
    return agg + _lin(x, p['tskip_W'], p['tskip_b'])


def _head_kernel(pooled_ref, w1_ref, b1_ref, w2_ref, b2_ref, o_ref):
    h = jnp.maximum(pooled_ref[...] @ w1_ref[...] + b1_ref[...], 0.0)
    y = h @ w2_ref[...] + b2_ref[...]
    o_ref[...] = jax.nn.sigmoid(y)


def _head(pooled, w1, b1, w2, b2):
    return pl.pallas_call(
        _head_kernel,
        out_shape=jax.ShapeDtypeStruct((1, 1), jnp.float32),
    )(pooled, w1, b1[None, :], w2, b2[None, :])


def _pad_idx(idx, fill):
    out = jnp.full((E_PAD,), fill, jnp.int32)
    out = lax.dynamic_update_slice(out, idx.astype(jnp.int32), (0,))
    return out.reshape(N_CHUNK_ROWS, CHUNK)


def kernel(x_rows, x_cols, x_sepas, edge_index_rowcols, edge_vals_rowcols,
           edge_index_sepa_cols, edge_vals_sepa_cols, edge_index_sepa_rows,
           edge_vals_sepa_rows, edge_index_sepa_self, edge_vals_sepa_self,
           params):
    p = params
    ei_rc = edge_index_rowcols.astype(jnp.int32)
    ei_sc = edge_index_sepa_cols.astype(jnp.int32)
    ei_sr = edge_index_sepa_rows.astype(jnp.int32)
    ei_ss = edge_index_sepa_self.astype(jnp.int32)

    row = _bn(x_rows, p['row_bn_g'], p['row_bn_b'])
    row = jax.nn.relu(_lin(row, p['row_W1'], p['row_b1']))
    row = jax.nn.relu(_lin(row, p['row_W2'], p['row_b2']))
    sep = _ln(x_sepas, p['sepa_ln_g'], p['sepa_ln_b'])
    sep = jax.nn.relu(_lin(sep, p['sepa_W1'], p['sepa_b1']))
    sep = jax.nn.relu(_lin(sep, p['sepa_W2'], p['sepa_b2']))
    col = _bn(x_cols, p['col_bn_g'], p['col_bn_b'])
    col = jax.nn.relu(_lin(col, p['col_W1'], p['col_b1']))
    col = jax.nn.relu(_lin(col, p['col_W2'], p['col_b2']))

    sc_s, sc_t = _bn_affine(edge_vals_sepa_cols, p['en_sepas_g'], p['en_sepas_b'])
    sr_s, sr_t = _bn_affine(edge_vals_sepa_rows, p['en_rows_g'], p['en_rows_b'])
    rc_s, rc_t = _bn_affine(edge_vals_rowcols, p['en_rowcols_g'], p['en_rowcols_b'])

    evT = jnp.zeros((2, E_PAD), jnp.float32)
    evT = lax.dynamic_update_slice(evT, edge_vals_rowcols.T, (0, 0))

    r_idx2 = _pad_idx(ei_rc[0], 0)
    c_idx2 = _pad_idx(ei_rc[1], 0)
    r_idxl = _pad_idx(ei_rc[0], 1 << 28)
    c_idxl = _pad_idx(ei_rc[1], 1 << 28)

    row = _bgc_big(col, r_idx2, c_idx2, r_idxl, evT, rc_s, rc_t, row, p['c2r'])
    col = _bgc_big(row, c_idx2, r_idx2, c_idxl, evT, rc_s, rc_t, col, p['r2c'])
    sep = _bgc_small(col, ei_sc[1], ei_sc[0], edge_vals_sepa_cols, sc_s, sc_t,
                     sep, p['c2s'], N_SEPA)
    row = _bgc_small(sep, ei_sr[0], ei_sr[1], edge_vals_sepa_rows, sr_s, sr_t,
                     row, p['s2r'], row.shape[0])
    sep = _bgc_small(row, ei_sr[1], ei_sr[0], edge_vals_sepa_rows, sr_s, sr_t,
                     sep, p['r2s'], N_SEPA)

    att = _tconv17(sep, ei_ss[0], ei_ss[1], edge_vals_sepa_self, p)
    satt = jax.nn.relu(_lin(jnp.concatenate([sep, att, x_sepas], axis=-1),
                            p['so_W'], p['so_b']))
    ratt = jax.nn.relu(_lin(row, p['ro_W'], p['ro_b']))
    pooled = jnp.concatenate([
        jnp.mean(satt, axis=0, keepdims=True),
        jnp.mean(ratt, axis=0, keepdims=True),
        jnp.mean(col, axis=0, keepdims=True)], axis=-1)
    return _head(pooled, p['out_W1'], p['out_b1'], p['out_W2'], p['out_b2'])

# --- scband reference (transcript-rebuilt; emitter-appended) ---
"""Pipeline reference for scband-neural-ucb-23055384445435 (READ-ONLY COPY).

The authoritative reference and input builder live on the scoring server;
editing this copy changes nothing except your own understanding.
"""

import jax, jax.numpy as jnp
import numpy as np

EMB = 64; ROW_DIM = 14; COL_DIM = 20; SEPA_DIM = 1
N_ROWS = 50000; N_COLS = 50000; N_SEPA = 17
E_RC = 800000; E_SC = 85000; E_SR = 85000; E_SS = 289

def _lin(x, W, b=None):
    y = x @ W
    return y if b is None else y + b

def _bn(x, g, b):
    m = jnp.mean(x, axis=0); v = jnp.var(x, axis=0)
    return (x - m) / jnp.sqrt(v + 1e-5) * g + b

def _ln(x, g, b):
    m = jnp.mean(x, axis=-1, keepdims=True); v = jnp.var(x, axis=-1, keepdims=True)
    return (x - m) / jnp.sqrt(v + 1e-5) * g + b

def _bgc(left, eidx, efeat, right, p):
    src = eidx[0]; dst = eidx[1]
    h = _lin(right[dst], p['l_W'], p['l_b']) + efeat @ p['e_W'] + left[src] @ p['r_W']
    h = _ln(h, p['fin_g'], p['fin_bln'])
    h = jax.nn.relu(h)
    msg = _lin(h, p['fin_W'], p['fin_b'])
    agg = jnp.zeros((right.shape[0], EMB), dtype=msg.dtype).at[dst].add(msg)
    out = _ln(agg, p['post_g'], p['post_b'])
    out = jnp.concatenate([out, right], axis=-1)
    out = jax.nn.relu(_lin(out, p['o1_W'], p['o1_b']))
    return _lin(out, p['o2_W'], p['o2_b'])

def _tconv(x, eidx, eattr, p, heads=4, dh=16):
    src = eidx[0]; dst = eidx[1]; N = x.shape[0]
    q = _lin(x, p['tq_W'], p['tq_b']).reshape(N, heads, dh)
    k = _lin(x, p['tk_W'], p['tk_b']).reshape(N, heads, dh)
    v = _lin(x, p['tv_W'], p['tv_b']).reshape(N, heads, dh)
    e = (eattr @ p['te_W']).reshape(-1, heads, dh)
    kj = k[src] + e
    alpha = jnp.sum(q[dst] * kj, axis=-1) / jnp.sqrt(dh)
    amax = jax.ops.segment_max(alpha, dst, num_segments=N)
    ex = jnp.exp(alpha - amax[dst])
    den = jax.ops.segment_sum(ex, dst, num_segments=N)
    a = ex / (den[dst] + 1e-16)
    out = (v[src] + e) * a[:, :, None]
    agg = jax.ops.segment_sum(out, dst, num_segments=N).reshape(N, heads * dh)
    return agg + _lin(x, p['tskip_W'], p['tskip_b'])

def _forward(x_rows, x_cols, x_sepas, ev_rc, ev_sc, ev_sr, ev_ss, p, ei_rc, ei_sc, ei_sr, ei_ss):
    row = _bn(x_rows, p['row_bn_g'], p['row_bn_b'])
    row = jax.nn.relu(_lin(row, p['row_W1'], p['row_b1']))
    row = jax.nn.relu(_lin(row, p['row_W2'], p['row_b2']))
    sep = _ln(x_sepas, p['sepa_ln_g'], p['sepa_ln_b'])
    sep = jax.nn.relu(_lin(sep, p['sepa_W1'], p['sepa_b1']))
    sep = jax.nn.relu(_lin(sep, p['sepa_W2'], p['sepa_b2']))
    col = _bn(x_cols, p['col_bn_g'], p['col_bn_b'])
    col = jax.nn.relu(_lin(col, p['col_W1'], p['col_b1']))
    col = jax.nn.relu(_lin(col, p['col_W2'], p['col_b2']))
    e_sc = _bn(ev_sc, p['en_sepas_g'], p['en_sepas_b'])
    e_sr = _bn(ev_sr, p['en_rows_g'], p['en_rows_b'])
    e_rc = _bn(ev_rc, p['en_rowcols_g'], p['en_rowcols_b'])
    r_sc = jnp.stack([ei_sc[1], ei_sc[0]], axis=0)
    r_sr = jnp.stack([ei_sr[1], ei_sr[0]], axis=0)
    r_rc = jnp.stack([ei_rc[1], ei_rc[0]], axis=0)
    row = _bgc(col, r_rc, e_rc, row, p['c2r'])
    col = _bgc(row, ei_rc, e_rc, col, p['r2c'])
    sep = _bgc(col, r_sc, e_sc, sep, p['c2s'])
    row = _bgc(sep, ei_sr, e_sr, row, p['s2r'])
    sep = _bgc(row, r_sr, e_sr, sep, p['r2s'])
    att = _tconv(sep, ei_ss, ev_ss, p)
    satt = jax.nn.relu(_lin(jnp.concatenate([sep, att, x_sepas], axis=-1), p['so_W'], p['so_b']))
    ratt = jax.nn.relu(_lin(row, p['ro_W'], p['ro_b']))
    pooled = jnp.concatenate([jnp.mean(satt, axis=0, keepdims=True), jnp.mean(ratt, axis=0, keepdims=True), jnp.mean(col, axis=0, keepdims=True)], axis=-1)
    h = jax.nn.relu(_lin(pooled, p['out_W1'], p['out_b1']))
    return jax.nn.sigmoid(_lin(h, p['out_W2'], p['out_b2']))

def _bgc_params(key, idx, edge_dim):
    def w(i, shape):
        return jax.random.normal(jax.random.fold_in(key, idx * 100 + i), shape, dtype=jnp.float32) * 0.05
    return {'l_W': w(0, (EMB, EMB)), 'l_b': jnp.zeros(EMB), 'e_W': w(1, (edge_dim, EMB)), 'r_W': w(2, (EMB, EMB)), 'fin_g': jnp.ones(EMB), 'fin_bln': jnp.zeros(EMB), 'fin_W': w(3, (EMB, EMB)), 'fin_b': jnp.zeros(EMB), 'post_g': jnp.ones(EMB), 'post_b': jnp.zeros(EMB), 'o1_W': w(4, (2 * EMB, EMB)), 'o1_b': jnp.zeros(EMB), 'o2_W': w(5, (EMB, EMB)), 'o2_b': jnp.zeros(EMB)}

def _make_params(key):
    def w(i, shape):
        return jax.random.normal(jax.random.fold_in(key, 10000 + i), shape, dtype=jnp.float32) * 0.05
    p = {'row_bn_g': jnp.ones(ROW_DIM), 'row_bn_b': jnp.zeros(ROW_DIM), 'row_W1': w(0, (ROW_DIM, EMB)), 'row_b1': jnp.zeros(EMB), 'row_W2': w(1, (EMB, EMB)), 'row_b2': jnp.zeros(EMB), 'sepa_ln_g': jnp.ones(SEPA_DIM), 'sepa_ln_b': jnp.zeros(SEPA_DIM), 'sepa_W1': w(2, (SEPA_DIM, EMB)), 'sepa_b1': jnp.zeros(EMB), 'sepa_W2': w(3, (EMB, EMB)), 'sepa_b2': jnp.zeros(EMB), 'col_bn_g': jnp.ones(COL_DIM), 'col_bn_b': jnp.zeros(COL_DIM), 'col_W1': w(4, (COL_DIM, EMB)), 'col_b1': jnp.zeros(EMB), 'col_W2': w(5, (EMB, EMB)), 'col_b2': jnp.zeros(EMB), 'en_sepas_g': jnp.ones(1), 'en_sepas_b': jnp.zeros(1), 'en_rowcols_g': jnp.ones(2), 'en_rowcols_b': jnp.zeros(2), 'en_rows_g': jnp.ones(1), 'en_rows_b': jnp.zeros(1), 'c2r': _bgc_params(key, 1, 2), 'r2c': _bgc_params(key, 2, 2), 'c2s': _bgc_params(key, 3, 1), 's2r': _bgc_params(key, 4, 1), 'r2s': _bgc_params(key, 5, 1), 'tq_W': w(6, (EMB, EMB)), 'tq_b': jnp.zeros(EMB), 'tk_W': w(7, (EMB, EMB)), 'tk_b': jnp.zeros(EMB), 'tv_W': w(8, (EMB, EMB)), 'tv_b': jnp.zeros(EMB), 'te_W': w(9, (1, EMB)), 'tskip_W': w(10, (EMB, EMB)), 'tskip_b': jnp.zeros(EMB), 'so_W': w(11, (2 * EMB + 1, EMB)), 'so_b': jnp.zeros(EMB), 'ro_W': w(12, (EMB, EMB)), 'ro_b': jnp.zeros(EMB), 'out_W1': w(13, (3 * EMB, EMB)), 'out_b1': jnp.zeros(EMB), 'out_W2': w(14, (EMB, 1)), 'out_b2': jnp.zeros(1)}
    return p

def setup_inputs(seed: int = 0):
    key = jax.random.key(seed)
    def nk(i):
        return jax.random.fold_in(key, i)
    inp = {}
    inp['x_rows'] = jax.random.normal(nk(1), (N_ROWS, ROW_DIM), dtype=jnp.float32)
    inp['x_cols'] = jax.random.normal(nk(2), (N_COLS, COL_DIM), dtype=jnp.float32)
    inp['x_sepas'] = jax.random.normal(nk(3), (N_SEPA, SEPA_DIM), dtype=jnp.float32)
    inp['edge_index_rowcols'] = jax.random.randint(nk(4), (2, E_RC), 0, N_ROWS)
    inp['edge_vals_rowcols'] = jax.random.normal(nk(5), (E_RC, 2), dtype=jnp.float32)
    inp['edge_index_sepa_cols'] = jax.random.randint(nk(6), (2, E_SC), 0, N_SEPA)
    inp['edge_vals_sepa_cols'] = jax.random.normal(nk(7), (E_SC, 1), dtype=jnp.float32)
    inp['edge_index_sepa_rows'] = jax.random.randint(nk(8), (2, E_SR), 0, N_SEPA)
    inp['edge_vals_sepa_rows'] = jax.random.normal(nk(9), (E_SR, 1), dtype=jnp.float32)
    inp['edge_index_sepa_self'] = jax.random.randint(nk(10), (2, E_SS), 0, N_SEPA)
    inp['edge_vals_sepa_self'] = jax.random.normal(nk(11), (E_SS, 1), dtype=jnp.float32)
    inp['params'] = _make_params(key)
    return inp

def reference(x_rows, x_cols, x_sepas, edge_index_rowcols, edge_vals_rowcols, edge_index_sepa_cols, edge_vals_sepa_cols, edge_index_sepa_rows, edge_vals_sepa_rows, edge_index_sepa_self, edge_vals_sepa_self, params):
    return _forward(x_rows, x_cols, x_sepas, edge_vals_rowcols, edge_vals_sepa_cols, edge_vals_sepa_rows, edge_vals_sepa_self, params, edge_index_rowcols, edge_index_sepa_cols, edge_index_sepa_rows, edge_index_sepa_self)

if __name__ == "__main__":
    import jax
    _d = setup_inputs()
    print(jax.jit(kernel)(*tuple(_d.values())))

</pallas_src>

<mosaic_0001>
#map = affine_map<(d0, d1) -> (0, 0)>
module attributes {stable_mosaic.version = 14 : i64} {
  func.func @_scatter_body(%arg0: i32, %arg1: i32, %arg2: memref<802816x64xf32, #tpu.memory_space<hbm>>, %arg3: memref<6272x128xi32, #tpu.memory_space<hbm>>, %arg4: memref<50016x64xf32, #tpu.memory_space<hbm>>, %arg5: memref<128xi32, #tpu.memory_space<vmem>>, %arg6: memref<128xi32, #tpu.memory_space<vmem>>, %arg7: memref<128x64xf32, #tpu.memory_space<vmem>>, %arg8: memref<128x64xf32, #tpu.memory_space<vmem>>, %arg9: memref<128x64xf32, #tpu.memory_space<vmem>>, %arg10: memref<25008x64xf32, #tpu.memory_space<vmem_shared>>, %arg11: memref<!tpu.dma_semaphore, #tpu.memory_space<semaphore_mem>>, %arg12: memref<!tpu.dma_semaphore, #tpu.memory_space<semaphore_mem>>) attributes {dimension_semantics = [#tpu.dimension_semantics<core_parallel>, #tpu.dimension_semantics<subcore_parallel>], iteration_bounds = array<i64: 2, 16>, scalar_prefetch = 0 : i64, scratch_operands = 8 : i64, tpu.core_type = #tpu.core_type<sc_vector_subcore>, window_params = [{transform_indices = #map}, {transform_indices = #map}, {transform_indices = #map}]} {
    %mul3A = arith.constant 392 : i32
    %mul3A_0 = arith.muli %arg1, %mul3A : i32
    %mul3A_1 = arith.constant 25000 : i32
    %mul3A_2 = arith.muli %arg0, %mul3A_1 : i32
    %scan3A = arith.constant 0 : i32
    %scan3A_3 = arith.constant 0 : i32
    %scan3A_4 = arith.constant 128 : i32
    %scan3A_5 = arith.addi %scan3A_3, %scan3A_4 : i32
    %scan3A_6 = arith.constant 4 : i32
    scf.for %scan3A_52 = %scan3A_3 to %scan3A_5 step %scan3A_6  : i32 {
      %broadcast_in_dim3A = arith.constant 0.000000e+00 : f32
      %broadcast_in_dim3A_53 = vector.broadcast %broadcast_in_dim3A : f32 to vector<16xf32>
      %swap3A = arith.index_cast %scan3A_52 : i32 to index
      %swap3A_54 = arith.constant 0 : index
      %swap3A_55 = tpu.vector_load %arg9[%swap3A, %swap3A_54] {strides = array<i32>} : memref<128x64xf32, #tpu.memory_space<vmem>>, vector<1x16xf32>,
      %swap3A_56 = vector.shape_cast %swap3A_55 : vector<1x16xf32> to vector<16xf32>
      %swap3A_57 = vector.shape_cast %broadcast_in_dim3A_53 : vector<16xf32> to vector<1x16xf32>
      tpu.vector_store %arg9[%swap3A, %swap3A_54], %swap3A_57 {strides = array<i32>} : memref<128x64xf32, #tpu.memory_space<vmem>>, vector<1x16xf32>,
      %broadcast_in_dim3A_58 = arith.constant 0.000000e+00 : f32
      %broadcast_in_dim3A_59 = vector.broadcast %broadcast_in_dim3A_58 : f32 to vector<16xf32>
      %swap3A_60 = arith.index_cast %scan3A_52 : i32 to index
      %swap3A_61 = arith.constant 16 : index
      %swap3A_62 = tpu.vector_load %arg9[%swap3A_60, %swap3A_61] {strides = array<i32>} : memref<128x64xf32, #tpu.memory_space<vmem>>, vector<1x16xf32>,
      %swap3A_63 = vector.shape_cast %swap3A_62 : vector<1x16xf32> to vector<16xf32>
      %swap3A_64 = vector.shape_cast %broadcast_in_dim3A_59 : vector<16xf32> to vector<1x16xf32>
      tpu.vector_store %arg9[%swap3A_60, %swap3A_61], %swap3A_64 {strides = array<i32>} : memref<128x64xf32, #tpu.memory_space<vmem>>, vector<1x16xf32>,
      %broadcast_in_dim3A_65 = arith.constant 0.000000e+00 : f32
      %broadcast_in_dim3A_66 = vector.broadcast %broadcast_in_dim3A_65 : f32 to vector<16xf32>
      %swap3A_67 = arith.index_cast %scan3A_52 : i32 to index
      %swap3A_68 = arith.constant 32 : index
      %swap3A_69 = tpu.vector_load %arg9[%swap3A_67, %swap3A_68] {strides = array<i32>} : memref<128x64xf32, #tpu.memory_space<vmem>>, vector<1x16xf32>,
      %swap3A_70 = vector.shape_cast %swap3A_69 : vector<1x16xf32> to vector<16xf32>
      %swap3A_71 = vector.shape_cast %broadcast_in_dim3A_66 : vector<16xf32> to vector<1x16xf32>
      tpu.vector_store %arg9[%swap3A_67, %swap3A_68], %swap3A_71 {strides = array<i32>} : memref<128x64xf32, #tpu.memory_space<vmem>>, vector<1x16xf32>,
      %broadcast_in_dim3A_72 = arith.constant 0.000000e+00 : f32
      %broadcast_in_dim3A_73 = vector.broadcast %broadcast_in_dim3A_72 : f32 to vector<16xf32>
      %swap3A_74 = arith.index_cast %scan3A_52 : i32 to index
      %swap3A_75 = arith.constant 48 : index
      %swap3A_76 = tpu.vector_load %arg9[%swap3A_74, %swap3A_75] {strides = array<i32>} : memref<128x64xf32, #tpu.memory_space<vmem>>, vector<1x16xf32>,
      %swap3A_77 = vector.shape_cast %swap3A_76 : vector<1x16xf32> to vector<16xf32>
      %swap3A_78 = vector.shape_cast %broadcast_in_dim3A_73 : vector<16xf32> to vector<1x16xf32>
      tpu.vector_store %arg9[%swap3A_74, %swap3A_75], %swap3A_78 {strides = array<i32>} : memref<128x64xf32, #tpu.memory_space<vmem>>, vector<1x16xf32>,
      %scan3A_79 = arith.constant 1 : i32
      %scan3A_80 = arith.addi %scan3A_52, %scan3A_79 : i32
      %broadcast_in_dim3A_81 = arith.constant 0.000000e+00 : f32
      %broadcast_in_dim3A_82 = vector.broadcast %broadcast_in_dim3A_81 : f32 to vector<16xf32>
      %swap3A_83 = arith.index_cast %scan3A_80 : i32 to index
      %swap3A_84 = arith.constant 0 : index
      %swap3A_85 = tpu.vector_load %arg9[%swap3A_83, %swap3A_84] {strides = array<i32>} : memref<128x64xf32, #tpu.memory_space<vmem>>, vector<1x16xf32>,
      %swap3A_86 = vector.shape_cast %swap3A_85 : vector<1x16xf32> to vector<16xf32>
      %swap3A_87 = vector.shape_cast %broadcast_in_dim3A_82 : vector<16xf32> to vector<1x16xf32>
      tpu.vector_store %arg9[%swap3A_83, %swap3A_84], %swap3A_87 {strides = array<i32>} : memref<128x64xf32, #tpu.memory_space<vmem>>, vector<1x16xf32>,
      %broadcast_in_dim3A_88 = arith.constant 0.000000e+00 : f32
      %broadcast_in_dim3A_89 = vector.broadcast %broadcast_in_dim3A_88 : f32 to vector<16xf32>
      %swap3A_90 = arith.index_cast %scan3A_80 : i32 to index
      %swap3A_91 = arith.constant 16 : index
      %swap3A_92 = tpu.vector_load %arg9[%swap3A_90, %swap3A_91] {strides = array<i32>} : memref<128x64xf32, #tpu.memory_space<vmem>>, vector<1x16xf32>,
      %swap3A_93 = vector.shape_cast %swap3A_92 : vector<1x16xf32> to vector<16xf32>
      %swap3A_94 = vector.shape_cast %broadcast_in_dim3A_89 : vector<16xf32> to vector<1x16xf32>
      tpu.vector_store %arg9[%swap3A_90, %swap3A_91], %swap3A_94 {strides = array<i32>} : memref<128x64xf32, #tpu.memory_space<vmem>>, vector<1x16xf32>,
      %broadcast_in_dim3A_95 = arith.constant 0.000000e+00 : f32
      %broadcast_in_dim3A_96 = vector.broadcast %broadcast_in_dim3A_95 : f32 to vector<16xf32>
      %swap3A_97 = arith.index_cast %scan3A_80 : i32 to index
      %swap3A_98 = arith.constant 32 : index
      %swap3A_99 = tpu.vector_load %arg9[%swap3A_97, %swap3A_98] {strides = array<i32>} : memref<128x64xf32, #tpu.memory_space<vmem>>, vector<1x16xf32>,
      %swap3A_100 = vector.shape_cast %swap3A_99 : vector<1x16xf32> to vector<16xf32>
      %swap3A_101 = vector.shape_cast %broadcast_in_dim3A_96 : vector<16xf32> to vector<1x16xf32>
      tpu.vector_store %arg9[%swap3A_97, %swap3A_98], %swap3A_101 {strides = array<i32>} : memref<128x64xf32, #tpu.memory_space<vmem>>, vector<1x16xf32>,
      %broadcast_in_dim3A_102 = arith.constant 0.000000e+00 : f32
      %broadcast_in_dim3A_103 = vector.broadcast %broadcast_in_dim3A_102 : f32 to vector<16xf32>
      %swap3A_104 = arith.index_cast %scan3A_80 : i32 to index
      %swap3A_105 = arith.constant 48 : index
      %swap3A_106 = tpu.vector_load %arg9[%swap3A_104, %swap3A_105] {strides = array<i32>} : memref<128x64xf32, #tpu.memory_space<vmem>>, vector<1x16xf32>,
      %swap3A_107 = vector.shape_cast %swap3A_106 : vector<1x16xf32> to vector<16xf32>
      %swap3A_108 = vector.shape_cast %broadcast_in_dim3A_103 : vector<16xf32> to vector<1x16xf32>
      tpu.vector_store %arg9[%swap3A_104, %swap3A_105], %swap3A_108 {strides = array<i32>} : memref<128x64xf32, #tpu.memory_space<vmem>>, vector<1x16xf32>,
      %scan3A_109 = arith.constant 2 : i32
      %scan3A_110 = arith.addi %scan3A_52, %scan3A_109 : i32
      %broadcast_in_dim3A_111 = arith.constant 0.000000e+00 : f32
      %broadcast_in_dim3A_112 = vector.broadcast %broadcast_in_dim3A_111 : f32 to vector<16xf32>
      %swap3A_113 = arith.index_cast %scan3A_110 : i32 to index
      %swap3A_114 = arith.constant 0 : index
      %swap3A_115 = tpu.vector_load %arg9[%swap3A_113, %swap3A_114] {strides = array<i32>} : memref<128x64xf32, #tpu.memory_space<vmem>>, vector<1x16xf32>,
      %swap3A_116 = vector.shape_cast %swap3A_115 : vector<1x16xf32> to vector<16xf32>
      %swap3A_117 = vector.shape_cast %broadcast_in_dim3A_112 : vector<16xf32> to vector<1x16xf32>
      tpu.vector_store %arg9[%swap3A_113, %swap3A_114], %swap3A_117 {strides = array<i32>} : memref<128x64xf32, #tpu.memory_space<vmem>>, vector<1x16xf32>,
      %broadcast_in_dim3A_118 = arith.constant 0.000000e+00 : f32
      %broadcast_in_dim3A_119 = vector.broadcast %broadcast_in_dim3A_118 : f32 to vector<16xf32>
      %swap3A_120 = arith.index_cast %scan3A_110 : i32 to index
      %swap3A_121 = arith.constant 16 : index
      %swap3A_122 = tpu.vector_load %arg9[%swap3A_120, %swap3A_121] {strides = array<i32>} : memref<128x64xf32, #tpu.memory_space<vmem>>, vector<1x16xf32>,
      %swap3A_123 = vector.shape_cast %swap3A_122 : vector<1x16xf32> to vector<16xf32>
      %swap3A_124 = vector.shape_cast %broadcast_in_dim3A_119 : vector<16xf32> to vector<1x16xf32>
      tpu.vector_store %arg9[%swap3A_120, %swap3A_121], %swap3A_124 {strides = array<i32>} : memref<128x64xf32, #tpu.memory_space<vmem>>, vector<1x16xf32>,
      %broadcast_in_dim3A_125 = arith.constant 0.000000e+00 : f32
      %broadcast_in_dim3A_126 = vector.broadcast %broadcast_in_dim3A_125 : f32 to vector<16xf32>
      %swap3A_127 = arith.index_cast %scan3A_110 : i32 to index
      %swap3A_128 = arith.constant 32 : index
      %swap3A_129 = tpu.vector_load %arg9[%swap3A_127, %swap3A_128] {strides = array<i32>} : memref<128x64xf32, #tpu.memory_space<vmem>>, vector<1x16xf32>,
      %swap3A_130 = vector.shape_cast %swap3A_129 : vector<1x16xf32> to vector<16xf32>
      %swap3A_131 = vector.shape_cast %broadcast_in_dim3A_126 : vector<16xf32> to vector<1x16xf32>
      tpu.vector_store %arg9[%swap3A_127, %swap3A_128], %swap3A_131 {strides = array<i32>} : memref<128x64xf32, #tpu.memory_space<vmem>>, vector<1x16xf32>,
      %broadcast_in_dim3A_132 = arith.constant 0.000000e+00 : f32
      %broadcast_in_dim3A_133 = vector.broadcast %broadcast_in_dim3A_132 : f32 to vector<16xf32>
      %swap3A_134 = arith.index_cast %scan3A_110 : i32 to index
      %swap3A_135 = arith.constant 48 : index
      %swap3A_136 = tpu.vector_load %arg9[%swap3A_134, %swap3A_135] {strides = array<i32>} : memref<128x64xf32, #tpu.memory_space<vmem>>, vector<1x16xf32>,
      %swap3A_137 = vector.shape_cast %swap3A_136 : vector<1x16xf32> to vector<16xf32>
      %swap3A_138 = vector.shape_cast %broadcast_in_dim3A_133 : vector<16xf32> to vector<1x16xf32>
      tpu.vector_store %arg9[%swap3A_134, %swap3A_135], %swap3A_138 {strides = array<i32>} : memref<128x64xf32, #tpu.memory_space<vmem>>, vector<1x16xf32>,
      %scan3A_139 = arith.constant 3 : i32
      %scan3A_140 = arith.addi %scan3A_52, %scan3A_139 : i32
      %broadcast_in_dim3A_141 = arith.constant 0.000000e+00 : f32
      %broadcast_in_dim3A_142 = vector.broadcast %broadcast_in_dim3A_141 : f32 to vector<16xf32>
      %swap3A_143 = arith.index_cast %scan3A_140 : i32 to index
      %swap3A_144 = arith.constant 0 : index
      %swap3A_145 = tpu.vector_load %arg9[%swap3A_143, %swap3A_144] {strides = array<i32>} : memref<128x64xf32, #tpu.memory_space<vmem>>, vector<1x16xf32>,
      %swap3A_146 = vector.shape_cast %swap3A_145 : vector<1x16xf32> to vector<16xf32>
      %swap3A_147 = vector.shape_cast %broadcast_in_dim3A_142 : vector<16xf32> to vector<1x16xf32>
      tpu.vector_store %arg9[%swap3A_143, %swap3A_144], %swap3A_147 {strides = array<i32>} : memref<128x64xf32, #tpu.memory_space<vmem>>, vector<1x16xf32>,
      %broadcast_in_dim3A_148 = arith.constant 0.000000e+00 : f32
      %broadcast_in_dim3A_149 = vector.broadcast %broadcast_in_dim3A_148 : f32 to vector<16xf32>
      %swap3A_150 = arith.index_cast %scan3A_140 : i32 to index
      %swap3A_151 = arith.constant 16 : index
      %swap3A_152 = tpu.vector_load %arg9[%swap3A_150, %swap3A_151] {strides = array<i32>} : memref<128x64xf32, #tpu.memory_space<vmem>>, vector<1x16xf32>,
      %swap3A_153 = vector.shape_cast %swap3A_152 : vector<1x16xf32> to vector<16xf32>
      %swap3A_154 = vector.shape_cast %broadcast_in_dim3A_149 : vector<16xf32> to vector<1x16xf32>
      tpu.vector_store %arg9[%swap3A_150, %swap3A_151], %swap3A_154 {strides = array<i32>} : memref<128x64xf32, #tpu.memory_space<vmem>>, vector<1x16xf32>,
      %broadcast_in_dim3A_155 = arith.constant 0.000000e+00 : f32
      %broadcast_in_dim3A_156 = vector.broadcast %broadcast_in_dim3A_155 : f32 to vector<16xf32>
      %swap3A_157 = arith.index_cast %scan3A_140 : i32 to index
      %swap3A_158 = arith.constant 32 : index
      %swap3A_159 = tpu.vector_load %arg9[%swap3A_157, %swap3A_158] {strides = array<i32>} : memref<128x64xf32, #tpu.memory_space<vmem>>, vector<1x16xf32>,
      %swap3A_160 = vector.shape_cast %swap3A_159 : vector<1x16xf32> to vector<16xf32>
      %swap3A_161 = vector.shape_cast %broadcast_in_dim3A_156 : vector<16xf32> to vector<1x16xf32>
      tpu.vector_store %arg9[%swap3A_157, %swap3A_158], %swap3A_161 {strides = array<i32>} : memref<128x64xf32, #tpu.memory_space<vmem>>, vector<1x16xf32>,
      %broadcast_in_dim3A_162 = arith.constant 0.000000e+00 : f32
      %broadcast_in_dim3A_163 = vector.broadcast %broadcast_in_dim3A_162 : f32 to vector<16xf32>
      %swap3A_164 = arith.index_cast %scan3A_140 : i32 to index
      %swap3A_165 = arith.constant 48 : index
      %swap3A_166 = tpu.vector_load %arg9[%swap3A_164, %swap3A_165] {strides = array<i32>} : memref<128x64xf32, #tpu.memory_space<vmem>>, vector<1x16xf32>,
      %swap3A_167 = vector.shape_cast %swap3A_166 : vector<1x16xf32> to vector<16xf32>
      %swap3A_168 = vector.shape_cast %broadcast_in_dim3A_163 : vector<16xf32> to vector<1x16xf32>
      tpu.vector_store %arg9[%swap3A_164, %swap3A_165], %swap3A_168 {strides = array<i32>} : memref<128x64xf32, #tpu.memory_space<vmem>>, vector<1x16xf32>,
    }
    %scan3A_7 = arith.constant 128 : i32
    %mul3A_8 = arith.constant 1563 : i32
    %mul3A_9 = arith.muli %arg1, %mul3A_8 : i32
    %scan3A_10 = arith.constant 0 : i32
    %scan3A_11 = arith.constant 0 : i32
    %scan3A_12 = arith.constant 12 : i32
    %scan3A_13 = arith.addi %scan3A_11, %scan3A_12 : i32
    %scan3A_14 = arith.constant 1 : i32
    scf.for %scan3A_52 = %scan3A_11 to %scan3A_13 step %scan3A_14  : i32 {
      %mul3A_53 = arith.constant 128 : i32
      %mul3A_54 = arith.muli %scan3A_52, %mul3A_53 : i32
      %add3A_55 = arith.addi %mul3A_9, %mul3A_54 : i32
      "tpu.region"() ({
        %run_scoped3A = tpu.sem_alloc : memref<!tpu.dma_semaphore, #tpu.memory_space<semaphore_mem>>
        %dma_start3A_56 = arith.constant 0 : i32
        %dma_start3A_57 = tpu.memref_slice %arg10[%add3A_55, %dma_start3A_56] : memref<25008x64xf32, #tpu.memory_space<vmem_shared>> -> memref<128x64xf32, #tpu.memory_space<vmem_shared>>
        %dma_start3A_58 = arith.constant 0 : i32
        %dma_start3A_59 = tpu.memref_slice %arg10[%add3A_55, %dma_start3A_58] : memref<25008x64xf32, #tpu.memory_space<vmem_shared>> -> memref<128x64xf32, #tpu.memory_space<vmem_shared>>
        tpu.enqueue_dma source(%arg9 : memref<128x64xf32, #tpu.memory_space<vmem>>) target(%dma_start3A_59 : memref<128x64xf32, #tpu.memory_space<vmem_shared>>) target_semaphore(%run_scoped3A : memref<!tpu.dma_semaphore, #tpu.memory_space<semaphore_mem>>)
        %dma_wait3A = arith.constant 0 : i32
        %dma_wait3A_60 = tpu.memref_slice %arg10[%add3A_55, %dma_wait3A] : memref<25008x64xf32, #tpu.memory_space<vmem_shared>> -> memref<128x64xf32, #tpu.memory_space<vmem_shared>>
        %dma_wait3A_61 = arith.constant 0 : i32
        %dma_wait3A_62 = tpu.memref_slice %arg10[%add3A_55, %dma_wait3A_61] : memref<25008x64xf32, #tpu.memory_space<vmem_shared>> -> memref<128x64xf32, #tpu.memory_space<vmem_shared>>
        tpu.wait_dma2 semaphore(%run_scoped3A : memref<!tpu.dma_semaphore, #tpu.memory_space<semaphore_mem>>) src(%arg9 : memref<128x64xf32, #tpu.memory_space<vmem>>) dst(%dma_wait3A_62 : memref<128x64xf32, #tpu.memory_space<vmem_shared>>)
        tpu.yield
      }) : () -> ()
    }
    %scan3A_15 = arith.constant 12 : i32
    %add3A = arith.constant 1536 : i32
    %add3A_16 = arith.addi %mul3A_9, %add3A : i32
    "tpu.region"() ({
      %run_scoped3A = tpu.sem_alloc : memref<!tpu.dma_semaphore, #tpu.memory_space<semaphore_mem>>
      %dma_start3A_52 = arith.constant 0 : i32
      %dma_start3A_53 = arith.constant 0 : i32
      %dma_start3A_54 = tpu.memref_slice %arg9[%dma_start3A_52, %dma_start3A_53] : memref<128x64xf32, #tpu.memory_space<vmem>> -> memref<27x64xf32, #tpu.memory_space<vmem>>
      %dma_start3A_55 = arith.constant 0 : i32
      %dma_start3A_56 = tpu.memref_slice %arg10[%add3A_16, %dma_start3A_55] : memref<25008x64xf32, #tpu.memory_space<vmem_shared>> -> memref<27x64xf32, #tpu.memory_space<vmem_shared>>
      %dma_start3A_57 = arith.constant 0 : i32
      %dma_start3A_58 = tpu.memref_slice %arg10[%add3A_16, %dma_start3A_57] : memref<25008x64xf32, #tpu.memory_space<vmem_shared>> -> memref<27x64xf32, #tpu.memory_space<vmem_shared>>
      %dma_start3A_59 = arith.constant 0 : i32
      %dma_start3A_60 = arith.constant 0 : i32
      %dma_start3A_61 = tpu.memref_slice %arg9[%dma_start3A_59, %dma_start3A_60] : memref<128x64xf32, #tpu.memory_space<vmem>> -> memref<27x64xf32, #tpu.memory_space<vmem>>
      tpu.enqueue_dma source(%dma_start3A_61 : memref<27x64xf32, #tpu.memory_space<vmem>>) target(%dma_start3A_58 : memref<27x64xf32, #tpu.memory_space<vmem_shared>>) target_semaphore(%run_scoped3A : memref<!tpu.dma_semaphore, #tpu.memory_space<semaphore_mem>>)
      %dma_wait3A = arith.constant 0 : i32
      %dma_wait3A_62 = arith.constant 0 : i32
      %dma_wait3A_63 = tpu.memref_slice %arg9[%dma_wait3A, %dma_wait3A_62] : memref<128x64xf32, #tpu.memory_space<vmem>> -> memref<27x64xf32, #tpu.memory_space<vmem>>
      %dma_wait3A_64 = arith.constant 0 : i32
      %dma_wait3A_65 = tpu.memref_slice %arg10[%add3A_16, %dma_wait3A_64] : memref<25008x64xf32, #tpu.memory_space<vmem_shared>> -> memref<27x64xf32, #tpu.memory_space<vmem_shared>>
      %dma_wait3A_66 = arith.constant 0 : i32
      %dma_wait3A_67 = tpu.memref_slice %arg10[%add3A_16, %dma_wait3A_66] : memref<25008x64xf32, #tpu.memory_space<vmem_shared>> -> memref<27x64xf32, #tpu.memory_space<vmem_shared>>
      %dma_wait3A_68 = arith.constant 0 : i32
      %dma_wait3A_69 = arith.constant 0 : i32
      %dma_wait3A_70 = tpu.memref_slice %arg9[%dma_wait3A_68, %dma_wait3A_69] : memref<128x64xf32, #tpu.memory_space<vmem>> -> memref<27x64xf32, #tpu.memory_space<vmem>>
      tpu.wait_dma2 semaphore(%run_scoped3A : memref<!tpu.dma_semaphore, #tpu.memory_space<semaphore_mem>>) src(%dma_wait3A_70 : memref<27x64xf32, #tpu.memory_space<vmem>>) dst(%dma_wait3A_67 : memref<27x64xf32, #tpu.memory_space<vmem_shared>>)
      tpu.yield
    }) : () -> ()
    %barrier3A = arith.constant 0 : index
    tpu.barrier barrier_id(%barrier3A)
    %add3A_17 = arith.constant 0 : i32
    %add3A_18 = arith.addi %mul3A_0, %add3A_17 : i32
    %mul3A_19 = arith.constant 128 : i32
    %mul3A_20 = arith.muli %add3A_18, %mul3A_19 : i32
    %dma_start3A = arith.constant 0 : i32
    %dma_start3A_21 = tpu.memref_slice %arg2[%mul3A_20, %dma_start3A] : memref<802816x64xf32, #tpu.memory_space<hbm>> -> memref<128x64xf32, #tpu.memory_space<hbm>>
    %dma_start3A_22 = arith.constant 0 : i32
    %dma_start3A_23 = tpu.memref_slice %arg2[%mul3A_20, %dma_start3A_22] : memref<802816x64xf32, #tpu.memory_space<hbm>> -> memref<128x64xf32, #tpu.memory_space<hbm>>
    tpu.enqueue_dma source(%dma_start3A_23 : memref<128x64xf32, #tpu.memory_space<hbm>>) target(%arg7 : memref<128x64xf32, #tpu.memory_space<vmem>>) target_semaphore(%arg11 : memref<!tpu.dma_semaphore, #tpu.memory_space<semaphore_mem>>)
    %add3A_24 = arith.constant 0 : i32
    %add3A_25 = arith.addi %mul3A_0, %add3A_24 : i32
    %dma_start3A_26 = arith.constant 0 : i32
    %dma_start3A_27 = tpu.memref_slice %arg3[%add3A_25, %dma_start3A_26] : memref<6272x128xi32, #tpu.memory_space<hbm>> -> memref<1x128xi32, #tpu.memory_space<hbm>>
    %dma_start3A_28 = tpu.memref_squeeze %dma_start3A_27 : memref<1x128xi32, #tpu.memory_space<hbm>> -> memref<128xi32, #tpu.memory_space<hbm>>
    %dma_start3A_29 = arith.constant 0 : i32
    %dma_start3A_30 = tpu.memref_slice %arg3[%add3A_25, %dma_start3A_29] : memref<6272x128xi32, #tpu.memory_space<hbm>> -> memref<1x128xi32, #tpu.memory_space<hbm>>
    %dma_start3A_31 = tpu.memref_squeeze %dma_start3A_30 : memref<1x128xi32, #tpu.memory_space<hbm>> -> memref<128xi32, #tpu.memory_space<hbm>>
    tpu.enqueue_dma source(%dma_start3A_31 : memref<128xi32, #tpu.memory_space<hbm>>) target(%arg5 : memref<128xi32, #tpu.memory_space<vmem>>) target_semaphore(%arg11 : memref<!tpu.dma_semaphore, #tpu.memory_space<semaphore_mem>>)
    %scan3A_32 = arith.constant 0 : i32
    %scan3A_33 = arith.constant 0 : i32
    %scan3A_34 = arith.constant 196 : i32
    %scan3A_35 = arith.addi %scan3A_33, %scan3A_34 : i32
    %scan3A_36 = arith.constant 1 : i32
    scf.for %scan3A_52 = %scan3A_33 to %scan3A_35 step %scan3A_36  : i32 {
      %mul3A_53 = arith.constant 2 : i32
      %mul3A_54 = arith.muli %scan3A_52, %mul3A_53 : i32
      %add3A_55 = arith.constant 0 : i32
      %add3A_56 = arith.addi %mul3A_54, %add3A_55 : i32
      %add3A_57 = arith.constant 1 : i32
      %add3A_58 = arith.addi %add3A_56, %add3A_57 : i32
      %lt3A = arith.constant 392 : i32
      %lt3A_59 = arith.cmpi slt, %add3A_58, %lt3A : i32
      %convert_element_type3A = arith.extui %lt3A_59 : i1 to i32
      %cond3A = arith.constant 0 : i32
      %cond3A_60 = arith.cmpi ne, %convert_element_type3A, %cond3A : i32
      scf.if %cond3A_60 {
        %add3A_395 = arith.constant 1 : i32
        %add3A_396 = arith.addi %add3A_56, %add3A_395 : i32
        %add3A_397 = arith.addi %mul3A_0, %add3A_396 : i32
        %mul3A_398 = arith.constant 128 : i32
        %mul3A_399 = arith.muli %add3A_397, %mul3A_398 : i32
        %dma_start3A_400 = arith.constant 0 : i32
        %dma_start3A_401 = tpu.memref_slice %arg2[%mul3A_399, %dma_start3A_400] : memref<802816x64xf32, #tpu.memory_space<hbm>> -> memref<128x64xf32, #tpu.memory_space<hbm>>
        %dma_start3A_402 = arith.constant 0 : i32
        %dma_start3A_403 = tpu.memref_slice %arg2[%mul3A_399, %dma_start3A_402] : memref<802816x64xf32, #tpu.memory_space<hbm>> -> memref<128x64xf32, #tpu.memory_space<hbm>>
        tpu.enqueue_dma source(%dma_start3A_403 : memref<128x64xf32, #tpu.memory_space<hbm>>) target(%arg8 : memref<128x64xf32, #tpu.memory_space<vmem>>) target_semaphore(%arg12 : memref<!tpu.dma_semaphore, #tpu.memory_space<semaphore_mem>>)
        %add3A_404 = arith.addi %mul3A_0, %add3A_396 : i32
        %dma_start3A_405 = arith.constant 0 : i32
        %dma_start3A_406 = tpu.memref_slice %arg3[%add3A_404, %dma_start3A_405] : memref<6272x128xi32, #tpu.memory_space<hbm>> -> memref<1x128xi32, #tpu.memory_space<hbm>>
        %dma_start3A_407 = tpu.memref_squeeze %dma_start3A_406 : memref<1x128xi32, #tpu.memory_space<hbm>> -> memref<128xi32, #tpu.memory_space<hbm>>
        %dma_start3A_408 = arith.constant 0 : i32
        %dma_start3A_409 = tpu.memref_slice %arg3[%add3A_404, %dma_start3A_408] : memref<6272x128xi32, #tpu.memory_space<hbm>> -> memref<1x128xi32, #tpu.memory_space<hbm>>
        %dma_start3A_410 = tpu.memref_squeeze %dma_start3A_409 : memref<1x128xi32, #tpu.memory_space<hbm>> -> memref<128xi32, #tpu.memory_space<hbm>>
        tpu.enqueue_dma source(%dma_start3A_410 : memref<128xi32, #tpu.memory_space<hbm>>) target(%arg6 : memref<128xi32, #tpu.memory_space<vmem>>) target_semaphore(%arg12 : memref<!tpu.dma_semaphore, #tpu.memory_space<semaphore_mem>>)
      } else {
      }
      %add3A_61 = arith.addi %mul3A_0, %add3A_56 : i32
      %mul3A_62 = arith.constant 128 : i32
      %mul3A_63 = arith.muli %add3A_61, %mul3A_62 : i32
      %dma_wait3A = arith.constant 0 : i32
      %dma_wait3A_64 = tpu.memref_slice %arg2[%mul3A_63, %dma_wait3A] : memref<802816x64xf32, #tpu.memory_space<hbm>> -> memref<128x64xf32, #tpu.memory_space<hbm>>
      %dma_wait3A_65 = arith.constant 0 : i32
      %dma_wait3A_66 = tpu.memref_slice %arg2[%mul3A_63, %dma_wait3A_65] : memref<802816x64xf32, #tpu.memory_space<hbm>> -> memref<128x64xf32, #tpu.memory_space<hbm>>
      tpu.wait_dma2 semaphore(%arg11 : memref<!tpu.dma_semaphore, #tpu.memory_space<semaphore_mem>>) src(%dma_wait3A_66 : memref<128x64xf32, #tpu.memory_space<hbm>>) dst(%arg7 : memref<128x64xf32, #tpu.memory_space<vmem>>)
      %add3A_67 = arith.addi %mul3A_0, %add3A_56 : i32
      %dma_wait3A_68 = arith.constant 0 : i32
      %dma_wait3A_69 = tpu.memref_slice %arg3[%add3A_67, %dma_wait3A_68] : memref<6272x128xi32, #tpu.memory_space<hbm>> -> memref<1x128xi32, #tpu.memory_space<hbm>>
      %dma_wait3A_70 = tpu.memref_squeeze %dma_wait3A_69 : memref<1x128xi32, #tpu.memory_space<hbm>> -> memref<128xi32, #tpu.memory_space<hbm>>
      %dma_wait3A_71 = arith.constant 0 : i32
      %dma_wait3A_72 = tpu.memref_slice %arg3[%add3A_67, %dma_wait3A_71] : memref<6272x128xi32, #tpu.memory_space<hbm>> -> memref<1x128xi32, #tpu.memory_space<hbm>>
      %dma_wait3A_73 = tpu.memref_squeeze %dma_wait3A_72 : memref<1x128xi32, #tpu.memory_space<hbm>> -> memref<128xi32, #tpu.memory_space<hbm>>
      tpu.wait_dma2 semaphore(%arg11 : memref<!tpu.dma_semaphore, #tpu.memory_space<semaphore_mem>>) src(%dma_wait3A_73 : memref<128xi32, #tpu.memory_space<hbm>>) dst(%arg5 : memref<128xi32, #tpu.memory_space<vmem>>)
      %get3A = arith.constant 0 : index
      %get3A_74 = tpu.vector_load %arg5[%get3A] {strides = array<i32>} : memref<128xi32, #tpu.memory_space<vmem>>, vector<16xi32>,
      %get3A_75 = vector.shape_cast %get3A_74 : vector<16xi32> to vector<16xi32>
      %sub3A = vector.broadcast %mul3A_2 : i32 to vector<16xi32>
      %sub3A_76 = arith.subi %get3A_75, %sub3A : vector<16xi32>
      %ge3A = arith.constant 0 : i32
      %ge3A_77 = vector.broadcast %ge3A : i32 to vector<16xi32>
      %ge3A_78 = arith.cmpi sge, %sub3A_76, %ge3A_77 : vector<16xi32>
      %lt3A_79 = arith.constant 25000 : i32
      %lt3A_80 = vector.broadcast %lt3A_79 : i32 to vector<16xi32>
      %lt3A_81 = arith.cmpi slt, %sub3A_76, %lt3A_80 : vector<16xi32>
      %and3A = arith.andi %ge3A_78, %lt3A_81 : vector<16xi1>
      %jit3A = arith.constant 25000 : i32
      %broadcast_in_dim3A = vector.broadcast %jit3A : i32 to vector<16xi32>
      %select_n3A = arith.select %and3A, %sub3A_76, %broadcast_in_dim3A : vector<16xi1>, vector<16xi32>
      %swap3A = arith.constant 0 : index
      %swap3A_82 = tpu.vector_load %arg5[%swap3A] {strides = array<i32>} : memref<128xi32, #tpu.memory_space<vmem>>, vector<16xi32>,
      %swap3A_83 = vector.shape_cast %swap3A_82 : vector<16xi32> to vector<16xi32>
      %swap3A_84 = vector.shape_cast %select_n3A : vector<16xi32> to vector<16xi32>
      tpu.vector_store %arg5[%swap3A], %swap3A_84 {strides = array<i32>} : memref<128xi32, #tpu.memory_space<vmem>>, vector<16xi32>,
      %get3A_85 = arith.constant 16 : index
      %get3A_86 = tpu.vector_load %arg5[%get3A_85] {strides = array<i32>} : memref<128xi32, #tpu.memory_space<vmem>>, vector<16xi32>,
      %get3A_87 = vector.shape_cast %get3A_86 : vector<16xi32> to vector<16xi32>
      %sub3A_88 = vector.broadcast %mul3A_2 : i32 to vector<16xi32>
      %sub3A_89 = arith.subi %get3A_87, %sub3A_88 : vector<16xi32>
      %ge3A_90 = arith.constant 0 : i32
      %ge3A_91 = vector.broadcast %ge3A_90 : i32 to vector<16xi32>
      %ge3A_92 = arith.cmpi sge, %sub3A_89, %ge3A_91 : vector<16xi32>
      %lt3A_93 = arith.constant 25000 : i32
      %lt3A_94 = vector.broadcast %lt3A_93 : i32 to vector<16xi32>
      %lt3A_95 = arith.cmpi slt, %sub3A_89, %lt3A_94 : vector<16xi32>
      %and3A_96 = arith.andi %ge3A_92, %lt3A_95 : vector<16xi1>
      %jit3A_97 = arith.constant 25000 : i32
      %broadcast_in_dim3A_98 = vector.broadcast %jit3A_97 : i32 to vector<16xi32>
      %select_n3A_99 = arith.select %and3A_96, %sub3A_89, %broadcast_in_dim3A_98 : vector<16xi1>, vector<16xi32>
      %swap3A_100 = arith.constant 16 : index
      %swap3A_101 = tpu.vector_load %arg5[%swap3A_100] {strides = array<i32>} : memref<128xi32, #tpu.memory_space<vmem>>, vector<16xi32>,
      %swap3A_102 = vector.shape_cast %swap3A_101 : vector<16xi32> to vector<16xi32>
      %swap3A_103 = vector.shape_cast %select_n3A_99 : vector<16xi32> to vector<16xi32>
      tpu.vector_store %arg5[%swap3A_100], %swap3A_103 {strides = array<i32>} : memref<128xi32, #tpu.memory_space<vmem>>, vector<16xi32>,
      %get3A_104 = arith.constant 32 : index
      %get3A_105 = tpu.vector_load %arg5[%get3A_104] {strides = array<i32>} : memref<128xi32, #tpu.memory_space<vmem>>, vector<16xi32>,
      %get3A_106 = vector.shape_cast %get3A_105 : vector<16xi32> to vector<16xi32>
      %sub3A_107 = vector.broadcast %mul3A_2 : i32 to vector<16xi32>
      %sub3A_108 = arith.subi %get3A_106, %sub3A_107 : vector<16xi32>
      %ge3A_109 = arith.constant 0 : i32
      %ge3A_110 = vector.broadcast %ge3A_109 : i32 to vector<16xi32>
      %ge3A_111 = arith.cmpi sge, %sub3A_108, %ge3A_110 : vector<16xi32>
      %lt3A_112 = arith.constant 25000 : i32
      %lt3A_113 = vector.broadcast %lt3A_112 : i32 to vector<16xi32>
      %lt3A_114 = arith.cmpi slt, %sub3A_108, %lt3A_113 : vector<16xi32>
      %and3A_115 = arith.andi %ge3A_111, %lt3A_114 : vector<16xi1>
      %jit3A_116 = arith.constant 25000 : i32
      %broadcast_in_dim3A_117 = vector.broadcast %jit3A_116 : i32 to vector<16xi32>
      %select_n3A_118 = arith.select %and3A_115, %sub3A_108, %broadcast_in_dim3A_117 : vector<16xi1>, vector<16xi32>
      %swap3A_119 = arith.constant 32 : index
      %swap3A_120 = tpu.vector_load %arg5[%swap3A_119] {strides = array<i32>} : memref<128xi32, #tpu.memory_space<vmem>>, vector<16xi32>,
      %swap3A_121 = vector.shape_cast %swap3A_120 : vector<16xi32> to vector<16xi32>
      %swap3A_122 = vector.shape_cast %select_n3A_118 : vector<16xi32> to vector<16xi32>
      tpu.vector_store %arg5[%swap3A_119], %swap3A_122 {strides = array<i32>} : memref<128xi32, #tpu.memory_space<vmem>>, vector<16xi32>,
      %get3A_123 = arith.constant 48 : index
      %get3A_124 = tpu.vector_load %arg5[%get3A_123] {strides = array<i32>} : memref<128xi32, #tpu.memory_space<vmem>>, vector<16xi32>,
      %get3A_125 = vector.shape_cast %get3A_124 : vector<16xi32> to vector<16xi32>
      %sub3A_126 = vector.broadcast %mul3A_2 : i32 to vector<16xi32>
      %sub3A_127 = arith.subi %get3A_125, %sub3A_126 : vector<16xi32>
      %ge3A_128 = arith.constant 0 : i32
      %ge3A_129 = vector.broadcast %ge3A_128 : i32 to vector<16xi32>
      %ge3A_130 = arith.cmpi sge, %sub3A_127, %ge3A_129 : vector<16xi32>
      %lt3A_131 = arith.constant 25000 : i32
      %lt3A_132 = vector.broadcast %lt3A_131 : i32 to vector<16xi32>
      %lt3A_133 = arith.cmpi slt, %sub3A_127, %lt3A_132 : vector<16xi32>
      %and3A_134 = arith.andi %ge3A_130, %lt3A_133 : vector<16xi1>
      %jit3A_135 = arith.constant 25000 : i32
      %broadcast_in_dim3A_136 = vector.broadcast %jit3A_135 : i32 to vector<16xi32>
      %select_n3A_137 = arith.select %and3A_134, %sub3A_127, %broadcast_in_dim3A_136 : vector<16xi1>, vector<16xi32>
      %swap3A_138 = arith.constant 48 : index
      %swap3A_139 = tpu.vector_load %arg5[%swap3A_138] {strides = array<i32>} : memref<128xi32, #tpu.memory_space<vmem>>, vector<16xi32>,
      %swap3A_140 = vector.shape_cast %swap3A_139 : vector<16xi32> to vector<16xi32>
      %swap3A_141 = vector.shape_cast %select_n3A_137 : vector<16xi32> to vector<16xi32>
      tpu.vector_store %arg5[%swap3A_138], %swap3A_141 {strides = array<i32>} : memref<128xi32, #tpu.memory_space<vmem>>, vector<16xi32>,
      %get3A_142 = arith.constant 64 : index
      %get3A_143 = tpu.vector_load %arg5[%get3A_142] {strides = array<i32>} : memref<128xi32, #tpu.memory_space<vmem>>, vector<16xi32>,
      %get3A_144 = vector.shape_cast %get3A_143 : vector<16xi32> to vector<16xi32>
      %sub3A_145 = vector.broadcast %mul3A_2 : i32 to vector<16xi32>
      %sub3A_146 = arith.subi %get3A_144, %sub3A_145 : vector<16xi32>
      %ge3A_147 = arith.constant 0 : i32
      %ge3A_148 = vector.broadcast %ge3A_147 : i32 to vector<16xi32>
      %ge3A_149 = arith.cmpi sge, %sub3A_146, %ge3A_148 : vector<16xi32>
      %lt3A_150 = arith.constant 25000 : i32
      %lt3A_151 = vector.broadcast %lt3A_150 : i32 to vector<16xi32>
      %lt3A_152 = arith.cmpi slt, %sub3A_146, %lt3A_151 : vector<16xi32>
      %and3A_153 = arith.andi %ge3A_149, %lt3A_152 : vector<16xi1>
      %jit3A_154 = arith.constant 25000 : i32
      %broadcast_in_dim3A_155 = vector.broadcast %jit3A_154 : i32 to vector<16xi32>
      %select_n3A_156 = arith.select %and3A_153, %sub3A_146, %broadcast_in_dim3A_155 : vector<16xi1>, vector<16xi32>
      %swap3A_157 = arith.constant 64 : index
      %swap3A_158 = tpu.vector_load %arg5[%swap3A_157] {strides = array<i32>} : memref<128xi32, #tpu.memory_space<vmem>>, vector<16xi32>,
      %swap3A_159 = vector.shape_cast %swap3A_158 : vector<16xi32> to vector<16xi32>
      %swap3A_160 = vector.shape_cast %select_n3A_156 : vector<16xi32> to vector<16xi32>
      tpu.vector_store %arg5[%swap3A_157], %swap3A_160 {strides = array<i32>} : memref<128xi32, #tpu.memory_space<vmem>>, vector<16xi32>,
      %get3A_161 = arith.constant 80 : index
      %get3A_162 = tpu.vector_load %arg5[%get3A_161] {strides = array<i32>} : memref<128xi32, #tpu.memory_space<vmem>>, vector<16xi32>,
      %get3A_163 = vector.shape_cast %get3A_162 : vector<16xi32> to vector<16xi32>
      %sub3A_164 = vector.broadcast %mul3A_2 : i32 to vector<16xi32>
      %sub3A_165 = arith.subi %get3A_163, %sub3A_164 : vector<16xi32>
      %ge3A_166 = arith.constant 0 : i32
      %ge3A_167 = vector.broadcast %ge3A_166 : i32 to vector<16xi32>
      %ge3A_168 = arith.cmpi sge, %sub3A_165, %ge3A_167 : vector<16xi32>
      %lt3A_169 = arith.constant 25000 : i32
      %lt3A_170 = vector.broadcast %lt3A_169 : i32 to vector<16xi32>
      %lt3A_171 = arith.cmpi slt, %sub3A_165, %lt3A_170 : vector<16xi32>
      %and3A_172 = arith.andi %ge3A_168, %lt3A_171 : vector<16xi1>
      %jit3A_173 = arith.constant 25000 : i32
      %broadcast_in_dim3A_174 = vector.broadcast %jit3A_173 : i32 to vector<16xi32>
      %select_n3A_175 = arith.select %and3A_172, %sub3A_165, %broadcast_in_dim3A_174 : vector<16xi1>, vector<16xi32>
      %swap3A_176 = arith.constant 80 : index
      %swap3A_177 = tpu.vector_load %arg5[%swap3A_176] {strides = array<i32>} : memref<128xi32, #tpu.memory_space<vmem>>, vector<16xi32>,
      %swap3A_178 = vector.shape_cast %swap3A_177 : vector<16xi32> to vector<16xi32>
      %swap3A_179 = vector.shape_cast %select_n3A_175 : vector<16xi32> to vector<16xi32>
      tpu.vector_store %arg5[%swap3A_176], %swap3A_179 {strides = array<i32>} : memref<128xi32, #tpu.memory_space<vmem>>, vector<16xi32>,
      %get3A_180 = arith.constant 96 : index
      %get3A_181 = tpu.vector_load %arg5[%get3A_180] {strides = array<i32>} : memref<128xi32, #tpu.memory_space<vmem>>, vector<16xi32>,
      %get3A_182 = vector.shape_cast %get3A_181 : vector<16xi32> to vector<16xi32>
      %sub3A_183 = vector.broadcast %mul3A_2 : i32 to vector<16xi32>
      %sub3A_184 = arith.subi %get3A_182, %sub3A_183 : vector<16xi32>
      %ge3A_185 = arith.constant 0 : i32
      %ge3A_186 = vector.broadcast %ge3A_185 : i32 to vector<16xi32>
      %ge3A_187 = arith.cmpi sge, %sub3A_184, %ge3A_186 : vector<16xi32>
      %lt3A_188 = arith.constant 25000 : i32
      %lt3A_189 = vector.broadcast %lt3A_188 : i32 to vector<16xi32>
      %lt3A_190 = arith.cmpi slt, %sub3A_184, %lt3A_189 : vector<16xi32>
      %and3A_191 = arith.andi %ge3A_187, %lt3A_190 : vector<16xi1>
      %jit3A_192 = arith.constant 25000 : i32
      %broadcast_in_dim3A_193 = vector.broadcast %jit3A_192 : i32 to vector<16xi32>
      %select_n3A_194 = arith.select %and3A_191, %sub3A_184, %broadcast_in_dim3A_193 : vector<16xi1>, vector<16xi32>
      %swap3A_195 = arith.constant 96 : index
      %swap3A_196 = tpu.vector_load %arg5[%swap3A_195] {strides = array<i32>} : memref<128xi32, #tpu.memory_space<vmem>>, vector<16xi32>,
      %swap3A_197 = vector.shape_cast %swap3A_196 : vector<16xi32> to vector<16xi32>
      %swap3A_198 = vector.shape_cast %select_n3A_194 : vector<16xi32> to vector<16xi32>
      tpu.vector_store %arg5[%swap3A_195], %swap3A_198 {strides = array<i32>} : memref<128xi32, #tpu.memory_space<vmem>>, vector<16xi32>,
      %get3A_199 = arith.constant 112 : index
      %get3A_200 = tpu.vector_load %arg5[%get3A_199] {strides = array<i32>} : memref<128xi32, #tpu.memory_space<vmem>>, vector<16xi32>,
      %get3A_201 = vector.shape_cast %get3A_200 : vector<16xi32> to vector<16xi32>
      %sub3A_202 = vector.broadcast %mul3A_2 : i32 to vector<16xi32>
      %sub3A_203 = arith.subi %get3A_201, %sub3A_202 : vector<16xi32>
      %ge3A_204 = arith.constant 0 : i32
      %ge3A_205 = vector.broadcast %ge3A_204 : i32 to vector<16xi32>
      %ge3A_206 = arith.cmpi sge, %sub3A_203, %ge3A_205 : vector<16xi32>
      %lt3A_207 = arith.constant 25000 : i32
      %lt3A_208 = vector.broadcast %lt3A_207 : i32 to vector<16xi32>
      %lt3A_209 = arith.cmpi slt, %sub3A_203, %lt3A_208 : vector<16xi32>
      %and3A_210 = arith.andi %ge3A_206, %lt3A_209 : vector<16xi1>
      %jit3A_211 = arith.constant 25000 : i32
      %broadcast_in_dim3A_212 = vector.broadcast %jit3A_211 : i32 to vector<16xi32>
      %select_n3A_213 = arith.select %and3A_210, %sub3A_203, %broadcast_in_dim3A_212 : vector<16xi1>, vector<16xi32>
      %swap3A_214 = arith.constant 112 : index
      %swap3A_215 = tpu.vector_load %arg5[%swap3A_214] {strides = array<i32>} : memref<128xi32, #tpu.memory_space<vmem>>, vector<16xi32>,
      %swap3A_216 = vector.shape_cast %swap3A_215 : vector<16xi32> to vector<16xi32>
      %swap3A_217 = vector.shape_cast %select_n3A_213 : vector<16xi32> to vector<16xi32>
      tpu.vector_store %arg5[%swap3A_214], %swap3A_217 {strides = array<i32>} : memref<128xi32, #tpu.memory_space<vmem>>, vector<16xi32>,
      "tpu.region"() ({
        %run_scoped3A = tpu.sem_alloc : memref<!tpu.dma_semaphore, #tpu.memory_space<semaphore_mem>>
        %dma_start3A_395 = arith.constant 0 : i32
        %dma_start3A_396 = arith.constant 0 : i32
        %dma_start3A_397 = tpu.memref_slice %arg10[%dma_start3A_395, %dma_start3A_396] : memref<25008x64xf32, #tpu.memory_space<vmem_shared>> -> memref<25008x64xf32, #tpu.memory_space<vmem_shared>>
        tpu.enqueue_indirect_dma source(%arg7 : memref<128x64xf32, #tpu.memory_space<vmem>>) target(%dma_start3A_397 : memref<25008x64xf32, #tpu.memory_space<vmem_shared>>) offsets(%arg5 : memref<128xi32, #tpu.memory_space<vmem>>) semaphore(%run_scoped3A : memref<!tpu.dma_semaphore, #tpu.memory_space<semaphore_mem>>) {add = true}
        %dma_wait3A_398 = arith.constant 0 : i32
        %dma_wait3A_399 = arith.constant 0 : i32
        %dma_wait3A_400 = tpu.memref_slice %arg10[%dma_wait3A_398, %dma_wait3A_399] : memref<25008x64xf32, #tpu.memory_space<vmem_shared>> -> memref<25008x64xf32, #tpu.memory_space<vmem_shared>>
        tpu.wait_indirect_dma semaphore(%run_scoped3A : memref<!tpu.dma_semaphore, #tpu.memory_space<semaphore_mem>>) src(%arg7 : memref<128x64xf32, #tpu.memory_space<vmem>>) dst(%dma_wait3A_400 : memref<25008x64xf32, #tpu.memory_space<vmem_shared>>)
        tpu.yield
      }) : () -> ()
      %mul3A_218 = arith.constant 2 : i32
      %mul3A_219 = arith.muli %scan3A_52, %mul3A_218 : i32
      %add3A_220 = arith.constant 1 : i32
      %add3A_221 = arith.addi %mul3A_219, %add3A_220 : i32
      %add3A_222 = arith.constant 1 : i32
      %add3A_223 = arith.addi %add3A_221, %add3A_222 : i32
      %lt3A_224 = arith.constant 392 : i32
      %lt3A_225 = arith.cmpi slt, %add3A_223, %lt3A_224 : i32
      %convert_element_type3A_226 = arith.extui %lt3A_225 : i1 to i32
      %cond3A_227 = arith.constant 0 : i32
      %cond3A_228 = arith.cmpi ne, %convert_element_type3A_226, %cond3A_227 : i32
      scf.if %cond3A_228 {
        %add3A_395 = arith.constant 1 : i32
        %add3A_396 = arith.addi %add3A_221, %add3A_395 : i32
        %add3A_397 = arith.addi %mul3A_0, %add3A_396 : i32
        %mul3A_398 = arith.constant 128 : i32
        %mul3A_399 = arith.muli %add3A_397, %mul3A_398 : i32
        %dma_start3A_400 = arith.constant 0 : i32
        %dma_start3A_401 = tpu.memref_slice %arg2[%mul3A_399, %dma_start3A_400] : memref<802816x64xf32, #tpu.memory_space<hbm>> -> memref<128x64xf32, #tpu.memory_space<hbm>>
        %dma_start3A_402 = arith.constant 0 : i32
        %dma_start3A_403 = tpu.memref_slice %arg2[%mul3A_399, %dma_start3A_402] : memref<802816x64xf32, #tpu.memory_space<hbm>> -> memref<128x64xf32, #tpu.memory_space<hbm>>
        tpu.enqueue_dma source(%dma_start3A_403 : memref<128x64xf32, #tpu.memory_space<hbm>>) target(%arg7 : memref<128x64xf32, #tpu.memory_space<vmem>>) target_semaphore(%arg11 : memref<!tpu.dma_semaphore, #tpu.memory_space<semaphore_mem>>)
        %add3A_404 = arith.addi %mul3A_0, %add3A_396 : i32
        %dma_start3A_405 = arith.constant 0 : i32
        %dma_start3A_406 = tpu.memref_slice %arg3[%add3A_404, %dma_start3A_405] : memref<6272x128xi32, #tpu.memory_space<hbm>> -> memref<1x128xi32, #tpu.memory_space<hbm>>
        %dma_start3A_407 = tpu.memref_squeeze %dma_start3A_406 : memref<1x128xi32, #tpu.memory_space<hbm>> -> memref<128xi32, #tpu.memory_space<hbm>>
        %dma_start3A_408 = arith.constant 0 : i32
        %dma_start3A_409 = tpu.memref_slice %arg3[%add3A_404, %dma_start3A_408] : memref<6272x128xi32, #tpu.memory_space<hbm>> -> memref<1x128xi32, #tpu.memory_space<hbm>>
        %dma_start3A_410 = tpu.memref_squeeze %dma_start3A_409 : memref<1x128xi32, #tpu.memory_space<hbm>> -> memref<128xi32, #tpu.memory_space<hbm>>
        tpu.enqueue_dma source(%dma_start3A_410 : memref<128xi32, #tpu.memory_space<hbm>>) target(%arg5 : memref<128xi32, #tpu.memory_space<vmem>>) target_semaphore(%arg11 : memref<!tpu.dma_semaphore, #tpu.memory_space<semaphore_mem>>)
      } else {
      }
      %add3A_229 = arith.addi %mul3A_0, %add3A_221 : i32
      %mul3A_230 = arith.constant 128 : i32
      %mul3A_231 = arith.muli %add3A_229, %mul3A_230 : i32
      %dma_wait3A_232 = arith.constant 0 : i32
      %dma_wait3A_233 = tpu.memref_slice %arg2[%mul3A_231, %dma_wait3A_232] : memref<802816x64xf32, #tpu.memory_space<hbm>> -> memref<128x64xf32, #tpu.memory_space<hbm>>
      %dma_wait3A_234 = arith.constant 0 : i32
      %dma_wait3A_235 = tpu.memref_slice %arg2[%mul3A_231, %dma_wait3A_234] : memref<802816x64xf32, #tpu.memory_space<hbm>> -> memref<128x64xf32, #tpu.memory_space<hbm>>
      tpu.wait_dma2 semaphore(%arg12 : memref<!tpu.dma_semaphore, #tpu.memory_space<semaphore_mem>>) src(%dma_wait3A_235 : memref<128x64xf32, #tpu.memory_space<hbm>>) dst(%arg8 : memref<128x64xf32, #tpu.memory_space<vmem>>)
      %add3A_236 = arith.addi %mul3A_0, %add3A_221 : i32
      %dma_wait3A_237 = arith.constant 0 : i32
      %dma_wait3A_238 = tpu.memref_slice %arg3[%add3A_236, %dma_wait3A_237] : memref<6272x128xi32, #tpu.memory_space<hbm>> -> memref<1x128xi32, #tpu.memory_space<hbm>>
      %dma_wait3A_239 = tpu.memref_squeeze %dma_wait3A_238 : memref<1x128xi32, #tpu.memory_space<hbm>> -> memref<128xi32, #tpu.memory_space<hbm>>
      %dma_wait3A_240 = arith.constant 0 : i32
      %dma_wait3A_241 = tpu.memref_slice %arg3[%add3A_236, %dma_wait3A_240] : memref<6272x128xi32, #tpu.memory_space<hbm>> -> memref<1x128xi32, #tpu.memory_space<hbm>>
      %dma_wait3A_242 = tpu.memref_squeeze %dma_wait3A_241 : memref<1x128xi32, #tpu.memory_space<hbm>> -> memref<128xi32, #tpu.memory_space<hbm>>
      tpu.wait_dma2 semaphore(%arg12 : memref<!tpu.dma_semaphore, #tpu.memory_space<semaphore_mem>>) src(%dma_wait3A_242 : memref<128xi32, #tpu.memory_space<hbm>>) dst(%arg6 : memref<128xi32, #tpu.memory_space<vmem>>)
      %get3A_243 = arith.constant 0 : index
      %get3A_244 = tpu.vector_load %arg6[%get3A_243] {strides = array<i32>} : memref<128xi32, #tpu.memory_space<vmem>>, vector<16xi32>,
      %get3A_245 = vector.shape_cast %get3A_244 : vector<16xi32> to vector<16xi32>
      %sub3A_246 = vector.broadcast %mul3A_2 : i32 to vector<16xi32>
      %sub3A_247 = arith.subi %get3A_245, %sub3A_246 : vector<16xi32>
      %ge3A_248 = arith.constant 0 : i32
      %ge3A_249 = vector.broadcast %ge3A_248 : i32 to vector<16xi32>
      %ge3A_250 = arith.cmpi sge, %sub3A_247, %ge3A_249 : vector<16xi32>
      %lt3A_251 = arith.constant 25000 : i32
      %lt3A_252 = vector.broadcast %lt3A_251 : i32 to vector<16xi32>
      %lt3A_253 = arith.cmpi slt, %sub3A_247, %lt3A_252 : vector<16xi32>
      %and3A_254 = arith.andi %ge3A_250, %lt3A_253 : vector<16xi1>
      %jit3A_255 = arith.constant 25000 : i32
      %broadcast_in_dim3A_256 = vector.broadcast %jit3A_255 : i32 to vector<16xi32>
      %select_n3A_257 = arith.select %and3A_254, %sub3A_247, %broadcast_in_dim3A_256 : vector<16xi1>, vector<16xi32>
      %swap3A_258 = arith.constant 0 : index
      %swap3A_259 = tpu.vector_load %arg6[%swap3A_258] {strides = array<i32>} : memref<128xi32, #tpu.memory_space<vmem>>, vector<16xi32>,
      %swap3A_260 = vector.shape_cast %swap3A_259 : vector<16xi32> to vector<16xi32>
      %swap3A_261 = vector.shape_cast %select_n3A_257 : vector<16xi32> to vector<16xi32>
      tpu.vector_store %arg6[%swap3A_258], %swap3A_261 {strides = array<i32>} : memref<128xi32, #tpu.memory_space<vmem>>, vector<16xi32>,
      %get3A_262 = arith.constant 16 : index
      %get3A_263 = tpu.vector_load %arg6[%get3A_262] {strides = array<i32>} : memref<128xi32, #tpu.memory_space<vmem>>, vector<16xi32>,
      %get3A_264 = vector.shape_cast %get3A_263 : vector<16xi32> to vector<16xi32>
      %sub3A_265 = vector.broadcast %mul3A_2 : i32 to vector<16xi32>
      %sub3A_266 = arith.subi %get3A_264, %sub3A_265 : vector<16xi32>
      %ge3A_267 = arith.constant 0 : i32
      %ge3A_268 = vector.broadcast %ge3A_267 : i32 to vector<16xi32>
      %ge3A_269 = arith.cmpi sge, %sub3A_266, %ge3A_268 : vector<16xi32>
      %lt3A_270 = arith.constant 25000 : i32
      %lt3A_271 = vector.broadcast %lt3A_270 : i32 to vector<16xi32>
      %lt3A_272 = arith.cmpi slt, %sub3A_266, %lt3A_271 : vector<16xi32>
      %and3A_273 = arith.andi %ge3A_269, %lt3A_272 : vector<16xi1>
      %jit3A_274 = arith.constant 25000 : i32
      %broadcast_in_dim3A_275 = vector.broadcast %jit3A_274 : i32 to vector<16xi32>
      %select_n3A_276 = arith.select %and3A_273, %sub3A_266, %broadcast_in_dim3A_275 : vector<16xi1>, vector<16xi32>
      %swap3A_277 = arith.constant 16 : index
      %swap3A_278 = tpu.vector_load %arg6[%swap3A_277] {strides = array<i32>} : memref<128xi32, #tpu.memory_space<vmem>>, vector<16xi32>,
      %swap3A_279 = vector.shape_cast %swap3A_278 : vector<16xi32> to vector<16xi32>
      %swap3A_280 = vector.shape_cast %select_n3A_276 : vector<16xi32> to vector<16xi32>
      tpu.vector_store %arg6[%swap3A_277], %swap3A_280 {strides = array<i32>} : memref<128xi32, #tpu.memory_space<vmem>>, vector<16xi32>,
      %get3A_281 = arith.constant 32 : index
      %get3A_282 = tpu.vector_load %arg6[%get3A_281] {strides = array<i32>} : memref<128xi32, #tpu.memory_space<vmem>>, vector<16xi32>,
      %get3A_283 = vector.shape_cast %get3A_282 : vector<16xi32> to vector<16xi32>
      %sub3A_284 = vector.broadcast %mul3A_2 : i32 to vector<16xi32>
      %sub3A_285 = arith.subi %get3A_283, %sub3A_284 : vector<16xi32>
      %ge3A_286 = arith.constant 0 : i32
      %ge3A_287 = vector.broadcast %ge3A_286 : i32 to vector<16xi32>
      %ge3A_288 = arith.cmpi sge, %sub3A_285, %ge3A_287 : vector<16xi32>
      %lt3A_289 = arith.constant 25000 : i32
      %lt3A_290 = vector.broadcast %lt3A_289 : i32 to vector<16xi32>
      %lt3A_291 = arith.cmpi slt, %sub3A_285, %lt3A_290 : vector<16xi32>
      %and3A_292 = arith.andi %ge3A_288, %lt3A_291 : vector<16xi1>
      %jit3A_293 = arith.constant 25000 : i32
      %broadcast_in_dim3A_294 = vector.broadcast %jit3A_293 : i32 to vector<16xi32>
      %select_n3A_295 = arith.select %and3A_292, %sub3A_285, %broadcast_in_dim3A_294 : vector<16xi1>, vector<16xi32>
      %swap3A_296 = arith.constant 32 : index
      %swap3A_297 = tpu.vector_load %arg6[%swap3A_296] {strides = array<i32>} : memref<128xi32, #tpu.memory_space<vmem>>, vector<16xi32>,
      %swap3A_298 = vector.shape_cast %swap3A_297 : vector<16xi32> to vector<16xi32>
      %swap3A_299 = vector.shape_cast %select_n3A_295 : vector<16xi32> to vector<16xi32>
      tpu.vector_store %arg6[%swap3A_296], %swap3A_299 {strides = array<i32>} : memref<128xi32, #tpu.memory_space<vmem>>, vector<16xi32>,
      %get3A_300 = arith.constant 48 : index
      %get3A_301 = tpu.vector_load %arg6[%get3A_300] {strides = array<i32>} : memref<128xi32, #tpu.memory_space<vmem>>, vector<16xi32>,
      %get3A_302 = vector.shape_cast %get3A_301 : vector<16xi32> to vector<16xi32>
      %sub3A_303 = vector.broadcast %mul3A_2 : i32 to vector<16xi32>
      %sub3A_304 = arith.subi %get3A_302, %sub3A_303 : vector<16xi32>
      %ge3A_305 = arith.constant 0 : i32
      %ge3A_306 = vector.broadcast %ge3A_305 : i32 to vector<16xi32>
      %ge3A_307 = arith.cmpi sge, %sub3A_304, %ge3A_306 : vector<16xi32>
      %lt3A_308 = arith.constant 25000 : i32
      %lt3A_309 = vector.broadcast %lt3A_308 : i32 to vector<16xi32>
      %lt3A_310 = arith.cmpi slt, %sub3A_304, %lt3A_309 : vector<16xi32>
      %and3A_311 = arith.andi %ge3A_307, %lt3A_310 : vector<16xi1>
      %jit3A_312 = arith.constant 25000 : i32
      %broadcast_in_dim3A_313 = vector.broadcast %jit3A_312 : i32 to vector<16xi32>
      %select_n3A_314 = arith.select %and3A_311, %sub3A_304, %broadcast_in_dim3A_313 : vector<16xi1>, vector<16xi32>
      %swap3A_315 = arith.constant 48 : index
      %swap3A_316 = tpu.vector_load %arg6[%swap3A_315] {strides = array<i32>} : memref<128xi32, #tpu.memory_space<vmem>>, vector<16xi32>,
      %swap3A_317 = vector.shape_cast %swap3A_316 : vector<16xi32> to vector<16xi32>
      %swap3A_318 = vector.shape_cast %select_n3A_314 : vector<16xi32> to vector<16xi32>
      tpu.vector_store %arg6[%swap3A_315], %swap3A_318 {strides = array<i32>} : memref<128xi32, #tpu.memory_space<vmem>>, vector<16xi32>,
      %get3A_319 = arith.constant 64 : index
      %get3A_320 = tpu.vector_load %arg6[%get3A_319] {strides = array<i32>} : memref<128xi32, #tpu.memory_space<vmem>>, vector<16xi32>,
      %get3A_321 = vector.shape_cast %get3A_320 : vector<16xi32> to vector<16xi32>
      %sub3A_322 = vector.broadcast %mul3A_2 : i32 to vector<16xi32>
      %sub3A_323 = arith.subi %get3A_321, %sub3A_322 : vector<16xi32>
      %ge3A_324 = arith.constant 0 : i32
      %ge3A_325 = vector.broadcast %ge3A_324 : i32 to vector<16xi32>
      %ge3A_326 = arith.cmpi sge, %sub3A_323, %ge3A_325 : vector<16xi32>
      %lt3A_327 = arith.constant 25000 : i32
      %lt3A_328 = vector.broadcast %lt3A_327 : i32 to vector<16xi32>
      %lt3A_329 = arith.cmpi slt, %sub3A_323, %lt3A_328 : vector<16xi32>
      %and3A_330 = arith.andi %ge3A_326, %lt3A_329 : vector<16xi1>
      %jit3A_331 = arith.constant 25000 : i32
      %broadcast_in_dim3A_332 = vector.broadcast %jit3A_331 : i32 to vector<16xi32>
      %select_n3A_333 = arith.select %and3A_330, %sub3A_323, %broadcast_in_dim3A_332 : vector<16xi1>, vector<16xi32>
      %swap3A_334 = arith.constant 64 : index
      %swap3A_335 = tpu.vector_load %arg6[%swap3A_334] {strides = array<i32>} : memref<128xi32, #tpu.memory_space<vmem>>, vector<16xi32>,
      %swap3A_336 = vector.shape_cast %swap3A_335 : vector<16xi32> to vector<16xi32>
      %swap3A_337 = vector.shape_cast %select_n3A_333 : vector<16xi32> to vector<16xi32>
      tpu.vector_store %arg6[%swap3A_334], %swap3A_337 {strides = array<i32>} : memref<128xi32, #tpu.memory_space<vmem>>, vector<16xi32>,
      %get3A_338 = arith.constant 80 : index
      %get3A_339 = tpu.vector_load %arg6[%get3A_338] {strides = array<i32>} : memref<128xi32, #tpu.memory_space<vmem>>, vector<16xi32>,
      %get3A_340 = vector.shape_cast %get3A_339 : vector<16xi32> to vector<16xi32>
      %sub3A_341 = vector.broadcast %mul3A_2 : i32 to vector<16xi32>
      %sub3A_342 = arith.subi %get3A_340, %sub3A_341 : vector<16xi32>
      %ge3A_343 = arith.constant 0 : i32
      %ge3A_344 = vector.broadcast %ge3A_343 : i32 to vector<16xi32>
      %ge3A_345 = arith.cmpi sge, %sub3A_342, %ge3A_344 : vector<16xi32>
      %lt3A_346 = arith.constant 25000 : i32
      %lt3A_347 = vector.broadcast %lt3A_346 : i32 to vector<16xi32>
      %lt3A_348 = arith.cmpi slt, %sub3A_342, %lt3A_347 : vector<16xi32>
      %and3A_349 = arith.andi %ge3A_345, %lt3A_348 : vector<16xi1>
      %jit3A_350 = arith.constant 25000 : i32
      %broadcast_in_dim3A_351 = vector.broadcast %jit3A_350 : i32 to vector<16xi32>
      %select_n3A_352 = arith.select %and3A_349, %sub3A_342, %broadcast_in_dim3A_351 : vector<16xi1>, vector<16xi32>
      %swap3A_353 = arith.constant 80 : index
      %swap3A_354 = tpu.vector_load %arg6[%swap3A_353] {strides = array<i32>} : memref<128xi32, #tpu.memory_space<vmem>>, vector<16xi32>,
      %swap3A_355 = vector.shape_cast %swap3A_354 : vector<16xi32> to vector<16xi32>
      %swap3A_356 = vector.shape_cast %select_n3A_352 : vector<16xi32> to vector<16xi32>
      tpu.vector_store %arg6[%swap3A_353], %swap3A_356 {strides = array<i32>} : memref<128xi32, #tpu.memory_space<vmem>>, vector<16xi32>,
      %get3A_357 = arith.constant 96 : index
      %get3A_358 = tpu.vector_load %arg6[%get3A_357] {strides = array<i32>} : memref<128xi32, #tpu.memory_space<vmem>>, vector<16xi32>,
      %get3A_359 = vector.shape_cast %get3A_358 : vector<16xi32> to vector<16xi32>
      %sub3A_360 = vector.broadcast %mul3A_2 : i32 to vector<16xi32>
      %sub3A_361 = arith.subi %get3A_359, %sub3A_360 : vector<16xi32>
      %ge3A_362 = arith.constant 0 : i32
      %ge3A_363 = vector.broadcast %ge3A_362 : i32 to vector<16xi32>
      %ge3A_364 = arith.cmpi sge, %sub3A_361, %ge3A_363 : vector<16xi32>
      %lt3A_365 = arith.constant 25000 : i32
      %lt3A_366 = vector.broadcast %lt3A_365 : i32 to vector<16xi32>
      %lt3A_367 = arith.cmpi slt, %sub3A_361, %lt3A_366 : vector<16xi32>
      %and3A_368 = arith.andi %ge3A_364, %lt3A_367 : vector<16xi1>
      %jit3A_369 = arith.constant 25000 : i32
      %broadcast_in_dim3A_370 = vector.broadcast %jit3A_369 : i32 to vector<16xi32>
      %select_n3A_371 = arith.select %and3A_368, %sub3A_361, %broadcast_in_dim3A_370 : vector<16xi1>, vector<16xi32>
      %swap3A_372 = arith.constant 96 : index
      %swap3A_373 = tpu.vector_load %arg6[%swap3A_372] {strides = array<i32>} : memref<128xi32, #tpu.memory_space<vmem>>, vector<16xi32>,
      %swap3A_374 = vector.shape_cast %swap3A_373 : vector<16xi32> to vector<16xi32>
      %swap3A_375 = vector.shape_cast %select_n3A_371 : vector<16xi32> to vector<16xi32>
      tpu.vector_store %arg6[%swap3A_372], %swap3A_375 {strides = array<i32>} : memref<128xi32, #tpu.memory_space<vmem>>, vector<16xi32>,
      %get3A_376 = arith.constant 112 : index
      %get3A_377 = tpu.vector_load %arg6[%get3A_376] {strides = array<i32>} : memref<128xi32, #tpu.memory_space<vmem>>, vector<16xi32>,
      %get3A_378 = vector.shape_cast %get3A_377 : vector<16xi32> to vector<16xi32>
      %sub3A_379 = vector.broadcast %mul3A_2 : i32 to vector<16xi32>
      %sub3A_380 = arith.subi %get3A_378, %sub3A_379 : vector<16xi32>
      %ge3A_381 = arith.constant 0 : i32
      %ge3A_382 = vector.broadcast %ge3A_381 : i32 to vector<16xi32>
      %ge3A_383 = arith.cmpi sge, %sub3A_380, %ge3A_382 : vector<16xi32>
      %lt3A_384 = arith.constant 25000 : i32
      %lt3A_385 = vector.broadcast %lt3A_384 : i32 to vector<16xi32>
      %lt3A_386 = arith.cmpi slt, %sub3A_380, %lt3A_385 : vector<16xi32>
      %and3A_387 = arith.andi %ge3A_383, %lt3A_386 : vector<16xi1>
      %jit3A_388 = arith.constant 25000 : i32
      %broadcast_in_dim3A_389 = vector.broadcast %jit3A_388 : i32 to vector<16xi32>
      %select_n3A_390 = arith.select %and3A_387, %sub3A_380, %broadcast_in_dim3A_389 : vector<16xi1>, vector<16xi32>
      %swap3A_391 = arith.constant 112 : index
      %swap3A_392 = tpu.vector_load %arg6[%swap3A_391] {strides = array<i32>} : memref<128xi32, #tpu.memory_space<vmem>>, vector<16xi32>,
      %swap3A_393 = vector.shape_cast %swap3A_392 : vector<16xi32> to vector<16xi32>
      %swap3A_394 = vector.shape_cast %select_n3A_390 : vector<16xi32> to vector<16xi32>
      tpu.vector_store %arg6[%swap3A_391], %swap3A_394 {strides = array<i32>} : memref<128xi32, #tpu.memory_space<vmem>>, vector<16xi32>,
      "tpu.region"() ({
        %run_scoped3A = tpu.sem_alloc : memref<!tpu.dma_semaphore, #tpu.memory_space<semaphore_mem>>
        %dma_start3A_395 = arith.constant 0 : i32
        %dma_start3A_396 = arith.constant 0 : i32
        %dma_start3A_397 = tpu.memref_slice %arg10[%dma_start3A_395, %dma_start3A_396] : memref<25008x64xf32, #tpu.memory_space<vmem_shared>> -> memref<25008x64xf32, #tpu.memory_space<vmem_shared>>
        tpu.enqueue_indirect_dma source(%arg8 : memref<128x64xf32, #tpu.memory_space<vmem>>) target(%dma_start3A_397 : memref<25008x64xf32, #tpu.memory_space<vmem_shared>>) offsets(%arg6 : memref<128xi32, #tpu.memory_space<vmem>>) semaphore(%run_scoped3A : memref<!tpu.dma_semaphore, #tpu.memory_space<semaphore_mem>>) {add = true}
        %dma_wait3A_398 = arith.constant 0 : i32
        %dma_wait3A_399 = arith.constant 0 : i32
        %dma_wait3A_400 = tpu.memref_slice %arg10[%dma_wait3A_398, %dma_wait3A_399] : memref<25008x64xf32, #tpu.memory_space<vmem_shared>> -> memref<25008x64xf32, #tpu.memory_space<vmem_shared>>
        tpu.wait_indirect_dma semaphore(%run_scoped3A : memref<!tpu.dma_semaphore, #tpu.memory_space<semaphore_mem>>) src(%arg8 : memref<128x64xf32, #tpu.memory_space<vmem>>) dst(%dma_wait3A_400 : memref<25008x64xf32, #tpu.memory_space<vmem_shared>>)
        tpu.yield
      }) : () -> ()
    }
    %scan3A_37 = arith.constant 196 : i32
    %barrier3A_38 = arith.constant 0 : index
    tpu.barrier barrier_id(%barrier3A_38)
    %mul3A_39 = arith.constant 25008 : i32
    %mul3A_40 = arith.muli %arg0, %mul3A_39 : i32
    %add3A_41 = arith.addi %mul3A_40, %mul3A_9 : i32
    %scan3A_42 = arith.constant 0 : i32
    %scan3A_43 = arith.constant 0 : i32
    %scan3A_44 = arith.constant 12 : i32
    %scan3A_45 = arith.addi %scan3A_43, %scan3A_44 : i32
    %scan3A_46 = arith.constant 1 : i32
    scf.for %scan3A_52 = %scan3A_43 to %scan3A_45 step %scan3A_46  : i32 {
      %mul3A_53 = arith.constant 128 : i32
      %mul3A_54 = arith.muli %scan3A_52, %mul3A_53 : i32
      %add3A_55 = arith.addi %mul3A_9, %mul3A_54 : i32
      "tpu.region"() ({
        %run_scoped3A = tpu.sem_alloc : memref<!tpu.dma_semaphore, #tpu.memory_space<semaphore_mem>>
        %dma_start3A_59 = arith.constant 0 : i32
        %dma_start3A_60 = tpu.memref_slice %arg10[%add3A_55, %dma_start3A_59] : memref<25008x64xf32, #tpu.memory_space<vmem_shared>> -> memref<128x64xf32, #tpu.memory_space<vmem_shared>>
        %dma_start3A_61 = arith.constant 0 : i32
        %dma_start3A_62 = tpu.memref_slice %arg10[%add3A_55, %dma_start3A_61] : memref<25008x64xf32, #tpu.memory_space<vmem_shared>> -> memref<128x64xf32, #tpu.memory_space<vmem_shared>>
        tpu.enqueue_dma source(%dma_start3A_62 : memref<128x64xf32, #tpu.memory_space<vmem_shared>>) target(%arg9 : memref<128x64xf32, #tpu.memory_space<vmem>>) target_semaphore(%run_scoped3A : memref<!tpu.dma_semaphore, #tpu.memory_space<semaphore_mem>>)
        %dma_wait3A = arith.constant 0 : i32
        %dma_wait3A_63 = tpu.memref_slice %arg10[%add3A_55, %dma_wait3A] : memref<25008x64xf32, #tpu.memory_space<vmem_shared>> -> memref<128x64xf32, #tpu.memory_space<vmem_shared>>
        %dma_wait3A_64 = arith.constant 0 : i32
        %dma_wait3A_65 = tpu.memref_slice %arg10[%add3A_55, %dma_wait3A_64] : memref<25008x64xf32, #tpu.memory_space<vmem_shared>> -> memref<128x64xf32, #tpu.memory_space<vmem_shared>>
        tpu.wait_dma2 semaphore(%run_scoped3A : memref<!tpu.dma_semaphore, #tpu.memory_space<semaphore_mem>>) src(%dma_wait3A_65 : memref<128x64xf32, #tpu.memory_space<vmem_shared>>) dst(%arg9 : memref<128x64xf32, #tpu.memory_space<vmem>>)
        tpu.yield
      }) : () -> ()
      %mul3A_56 = arith.constant 128 : i32
      %mul3A_57 = arith.muli %scan3A_52, %mul3A_56 : i32
      %add3A_58 = arith.addi %add3A_41, %mul3A_57 : i32
      "tpu.region"() ({
        %run_scoped3A = tpu.sem_alloc : memref<!tpu.dma_semaphore, #tpu.memory_space<semaphore_mem>>
        %dma_start3A_59 = arith.constant 0 : i32
        %dma_start3A_60 = tpu.memref_slice %arg4[%add3A_58, %dma_start3A_59] : memref<50016x64xf32, #tpu.memory_space<hbm>> -> memref<128x64xf32, #tpu.memory_space<hbm>>
        %dma_start3A_61 = arith.constant 0 : i32
        %dma_start3A_62 = tpu.memref_slice %arg4[%add3A_58, %dma_start3A_61] : memref<50016x64xf32, #tpu.memory_space<hbm>> -> memref<128x64xf32, #tpu.memory_space<hbm>>
        tpu.enqueue_dma source(%arg9 : memref<128x64xf32, #tpu.memory_space<vmem>>) target(%dma_start3A_62 : memref<128x64xf32, #tpu.memory_space<hbm>>) target_semaphore(%run_scoped3A : memref<!tpu.dma_semaphore, #tpu.memory_space<semaphore_mem>>)
        %dma_wait3A = arith.constant 0 : i32
        %dma_wait3A_63 = tpu.memref_slice %arg4[%add3A_58, %dma_wait3A] : memref<50016x64xf32, #tpu.memory_space<hbm>> -> memref<128x64xf32, #tpu.memory_space<hbm>>
        %dma_wait3A_64 = arith.constant 0 : i32
        %dma_wait3A_65 = tpu.memref_slice %arg4[%add3A_58, %dma_wait3A_64] : memref<50016x64xf32, #tpu.memory_space<hbm>> -> memref<128x64xf32, #tpu.memory_space<hbm>>
        tpu.wait_dma2 semaphore(%run_scoped3A : memref<!tpu.dma_semaphore, #tpu.memory_space<semaphore_mem>>) src(%arg9 : memref<128x64xf32, #tpu.memory_space<vmem>>) dst(%dma_wait3A_65 : memref<128x64xf32, #tpu.memory_space<hbm>>)
        tpu.yield
      }) : () -> ()
    }
    %scan3A_47 = arith.constant 12 : i32
    %add3A_48 = arith.constant 1536 : i32
    %add3A_49 = arith.addi %mul3A_9, %add3A_48 : i32
    "tpu.region"() ({
      %run_scoped3A = tpu.sem_alloc : memref<!tpu.dma_semaphore, #tpu.memory_space<semaphore_mem>>
      %dma_start3A_52 = arith.constant 0 : i32
      %dma_start3A_53 = arith.constant 0 : i32
      %dma_start3A_54 = tpu.memref_slice %arg9[%dma_start3A_52, %dma_start3A_53] : memref<128x64xf32, #tpu.memory_space<vmem>> -> memref<27x64xf32, #tpu.memory_space<vmem>>
      %dma_start3A_55 = arith.constant 0 : i32
      %dma_start3A_56 = tpu.memref_slice %arg10[%add3A_49, %dma_start3A_55] : memref<25008x64xf32, #tpu.memory_space<vmem_shared>> -> memref<27x64xf32, #tpu.memory_space<vmem_shared>>
      %dma_start3A_57 = arith.constant 0 : i32
      %dma_start3A_58 = arith.constant 0 : i32
      %dma_start3A_59 = tpu.memref_slice %arg9[%dma_start3A_57, %dma_start3A_58] : memref<128x64xf32, #tpu.memory_space<vmem>> -> memref<27x64xf32, #tpu.memory_space<vmem>>
      %dma_start3A_60 = arith.constant 0 : i32
      %dma_start3A_61 = tpu.memref_slice %arg10[%add3A_49, %dma_start3A_60] : memref<25008x64xf32, #tpu.memory_space<vmem_shared>> -> memref<27x64xf32, #tpu.memory_space<vmem_shared>>
      tpu.enqueue_dma source(%dma_start3A_61 : memref<27x64xf32, #tpu.memory_space<vmem_shared>>) target(%dma_start3A_59 : memref<27x64xf32, #tpu.memory_space<vmem>>) target_semaphore(%run_scoped3A : memref<!tpu.dma_semaphore, #tpu.memory_space<semaphore_mem>>)
      %dma_wait3A = arith.constant 0 : i32
      %dma_wait3A_62 = arith.constant 0 : i32
      %dma_wait3A_63 = tpu.memref_slice %arg9[%dma_wait3A, %dma_wait3A_62] : memref<128x64xf32, #tpu.memory_space<vmem>> -> memref<27x64xf32, #tpu.memory_space<vmem>>
      %dma_wait3A_64 = arith.constant 0 : i32
      %dma_wait3A_65 = tpu.memref_slice %arg10[%add3A_49, %dma_wait3A_64] : memref<25008x64xf32, #tpu.memory_space<vmem_shared>> -> memref<27x64xf32, #tpu.memory_space<vmem_shared>>
      %dma_wait3A_66 = arith.constant 0 : i32
      %dma_wait3A_67 = arith.constant 0 : i32
      %dma_wait3A_68 = tpu.memref_slice %arg9[%dma_wait3A_66, %dma_wait3A_67] : memref<128x64xf32, #tpu.memory_space<vmem>> -> memref<27x64xf32, #tpu.memory_space<vmem>>
      %dma_wait3A_69 = arith.constant 0 : i32
      %dma_wait3A_70 = tpu.memref_slice %arg10[%add3A_49, %dma_wait3A_69] : memref<25008x64xf32, #tpu.memory_space<vmem_shared>> -> memref<27x64xf32, #tpu.memory_space<vmem_shared>>
      tpu.wait_dma2 semaphore(%run_scoped3A : memref<!tpu.dma_semaphore, #tpu.memory_space<semaphore_mem>>) src(%dma_wait3A_70 : memref<27x64xf32, #tpu.memory_space<vmem_shared>>) dst(%dma_wait3A_68 : memref<27x64xf32, #tpu.memory_space<vmem>>)
      tpu.yield
    }) : () -> ()
    %add3A_50 = arith.constant 1536 : i32
    %add3A_51 = arith.addi %add3A_41, %add3A_50 : i32
    "tpu.region"() ({
      %run_scoped3A = tpu.sem_alloc : memref<!tpu.dma_semaphore, #tpu.memory_space<semaphore_mem>>
      %dma_start3A_52 = arith.constant 0 : i32
      %dma_start3A_53 = arith.constant 0 : i32
      %dma_start3A_54 = tpu.memref_slice %arg9[%dma_start3A_52, %dma_start3A_53] : memref<128x64xf32, #tpu.memory_space<vmem>> -> memref<27x64xf32, #tpu.memory_space<vmem>>
      %dma_start3A_55 = arith.constant 0 : i32
      %dma_start3A_56 = tpu.memref_slice %arg4[%add3A_51, %dma_start3A_55] : memref<50016x64xf32, #tpu.memory_space<hbm>> -> memref<27x64xf32, #tpu.memory_space<hbm>>
      %dma_start3A_57 = arith.constant 0 : i32
      %dma_start3A_58 = tpu.memref_slice %arg4[%add3A_51, %dma_start3A_57] : memref<50016x64xf32, #tpu.memory_space<hbm>> -> memref<27x64xf32, #tpu.memory_space<hbm>>
      %dma_start3A_59 = arith.constant 0 : i32
      %dma_start3A_60 = arith.constant 0 : i32
      %dma_start3A_61 = tpu.memref_slice %arg9[%dma_start3A_59, %dma_start3A_60] : memref<128x64xf32, #tpu.memory_space<vmem>> -> memref<27x64xf32, #tpu.memory_space<vmem>>
      tpu.enqueue_dma source(%dma_start3A_61 : memref<27x64xf32, #tpu.memory_space<vmem>>) target(%dma_start3A_58 : memref<27x64xf32, #tpu.memory_space<hbm>>) target_semaphore(%run_scoped3A : memref<!tpu.dma_semaphore, #tpu.memory_space<semaphore_mem>>)
      %dma_wait3A = arith.constant 0 : i32
      %dma_wait3A_62 = arith.constant 0 : i32
      %dma_wait3A_63 = tpu.memref_slice %arg9[%dma_wait3A, %dma_wait3A_62] : memref<128x64xf32, #tpu.memory_space<vmem>> -> memref<27x64xf32, #tpu.memory_space<vmem>>
      %dma_wait3A_64 = arith.constant 0 : i32
      %dma_wait3A_65 = tpu.memref_slice %arg4[%add3A_51, %dma_wait3A_64] : memref<50016x64xf32, #tpu.memory_space<hbm>> -> memref<27x64xf32, #tpu.memory_space<hbm>>
      %dma_wait3A_66 = arith.constant 0 : i32
      %dma_wait3A_67 = tpu.memref_slice %arg4[%add3A_51, %dma_wait3A_66] : memref<50016x64xf32, #tpu.memory_space<hbm>> -> memref<27x64xf32, #tpu.memory_space<hbm>>
      %dma_wait3A_68 = arith.constant 0 : i32
      %dma_wait3A_69 = arith.constant 0 : i32
      %dma_wait3A_70 = tpu.memref_slice %arg9[%dma_wait3A_68, %dma_wait3A_69] : memref<128x64xf32, #tpu.memory_space<vmem>> -> memref<27x64xf32, #tpu.memory_space<vmem>>
      tpu.wait_dma2 semaphore(%run_scoped3A : memref<!tpu.dma_semaphore, #tpu.memory_space<semaphore_mem>>) src(%dma_wait3A_70 : memref<27x64xf32, #tpu.memory_space<vmem>>) dst(%dma_wait3A_67 : memref<27x64xf32, #tpu.memory_space<hbm>>)
      tpu.yield
    }) : () -> ()
    return
  }
}

#map = affine_map<(d0, d1) -> (0, 0)>
module attributes {stable_mosaic.version = 14 : i64} {
  func.func @_gather_body(%arg0: i32, %arg1: i32, %arg2: memref<50000x64xbf16, #tpu.memory_space<hbm>>, %arg3: memref<50000x64xbf16, #tpu.memory_space<hbm>>, %arg4: memref<6272x128xi32, #tpu.memory_space<hbm>>, %arg5: memref<6272x128xi32, #tpu.memory_space<hbm>>, %arg6: memref<802816x64xbf16, #tpu.memory_space<hbm>>, %arg7: memref<196x128xi32, #tpu.memory_space<vmem>>, %arg8: memref<196x128xi32, #tpu.memory_space<vmem>>, %arg9: memref<128x64xbf16, #tpu.memory_space<vmem>>, %arg10: memref<128x64xbf16, #tpu.memory_space<vmem>>, %arg11: memref<128x64xbf16, #tpu.memory_space<vmem>>, %arg12: memref<128x64xbf16, #tpu.memory_space<vmem>>, %arg13: memref<!tpu.dma_semaphore, #tpu.memory_space<semaphore_mem>>, %arg14: memref<!tpu.dma_semaphore, #tpu.memory_space<semaphore_mem>>) attributes {dimension_semantics = [#tpu.dimension_semantics<core_parallel>, #tpu.dimension_semantics<subcore_parallel>], iteration_bounds = array<i64: 2, 16>, scalar_prefetch = 0 : i64, scratch_operands = 8 : i64, tpu.core_type = #tpu.core_type<sc_vector_subcore>, window_params = [{transform_indices = #map}, {transform_indices = #map}, {transform_indices = #map}, {transform_indices = #map}, {transform_indices = #map}]} {
    %mul3A = arith.constant 16 : i32
    %mul3A_0 = arith.muli %arg0, %mul3A : i32
    %add3A = arith.addi %mul3A_0, %arg1 : i32
    %mul3A_1 = arith.constant 196 : i32
    %mul3A_2 = arith.muli %add3A, %mul3A_1 : i32
    "tpu.region"() ({
      %run_scoped3A = tpu.sem_alloc : memref<!tpu.dma_semaphore, #tpu.memory_space<semaphore_mem>>
      %dma_start3A_21 = arith.constant 0 : i32
      %dma_start3A_22 = tpu.memref_slice %arg4[%mul3A_2, %dma_start3A_21] : memref<6272x128xi32, #tpu.memory_space<hbm>> -> memref<196x128xi32, #tpu.memory_space<hbm>>
      %dma_start3A_23 = arith.constant 0 : i32
      %dma_start3A_24 = tpu.memref_slice %arg4[%mul3A_2, %dma_start3A_23] : memref<6272x128xi32, #tpu.memory_space<hbm>> -> memref<196x128xi32, #tpu.memory_space<hbm>>
      tpu.enqueue_dma source(%dma_start3A_24 : memref<196x128xi32, #tpu.memory_space<hbm>>) target(%arg7 : memref<196x128xi32, #tpu.memory_space<vmem>>) target_semaphore(%run_scoped3A : memref<!tpu.dma_semaphore, #tpu.memory_space<semaphore_mem>>)
      %dma_wait3A = arith.constant 0 : i32
      %dma_wait3A_25 = tpu.memref_slice %arg4[%mul3A_2, %dma_wait3A] : memref<6272x128xi32, #tpu.memory_space<hbm>> -> memref<196x128xi32, #tpu.memory_space<hbm>>
      %dma_wait3A_26 = arith.constant 0 : i32
      %dma_wait3A_27 = tpu.memref_slice %arg4[%mul3A_2, %dma_wait3A_26] : memref<6272x128xi32, #tpu.memory_space<hbm>> -> memref<196x128xi32, #tpu.memory_space<hbm>>
      tpu.wait_dma2 semaphore(%run_scoped3A : memref<!tpu.dma_semaphore, #tpu.memory_space<semaphore_mem>>) src(%dma_wait3A_27 : memref<196x128xi32, #tpu.memory_space<hbm>>) dst(%arg7 : memref<196x128xi32, #tpu.memory_space<vmem>>)
      tpu.yield
    }) : () -> ()
    "tpu.region"() ({
      %run_scoped3A = tpu.sem_alloc : memref<!tpu.dma_semaphore, #tpu.memory_space<semaphore_mem>>
      %dma_start3A_21 = arith.constant 0 : i32
      %dma_start3A_22 = tpu.memref_slice %arg5[%mul3A_2, %dma_start3A_21] : memref<6272x128xi32, #tpu.memory_space<hbm>> -> memref<196x128xi32, #tpu.memory_space<hbm>>
      %dma_start3A_23 = arith.constant 0 : i32
      %dma_start3A_24 = tpu.memref_slice %arg5[%mul3A_2, %dma_start3A_23] : memref<6272x128xi32, #tpu.memory_space<hbm>> -> memref<196x128xi32, #tpu.memory_space<hbm>>
      tpu.enqueue_dma source(%dma_start3A_24 : memref<196x128xi32, #tpu.memory_space<hbm>>) target(%arg8 : memref<196x128xi32, #tpu.memory_space<vmem>>) target_semaphore(%run_scoped3A : memref<!tpu.dma_semaphore, #tpu.memory_space<semaphore_mem>>)
      %dma_wait3A = arith.constant 0 : i32
      %dma_wait3A_25 = tpu.memref_slice %arg5[%mul3A_2, %dma_wait3A] : memref<6272x128xi32, #tpu.memory_space<hbm>> -> memref<196x128xi32, #tpu.memory_space<hbm>>
      %dma_wait3A_26 = arith.constant 0 : i32
      %dma_wait3A_27 = tpu.memref_slice %arg5[%mul3A_2, %dma_wait3A_26] : memref<6272x128xi32, #tpu.memory_space<hbm>> -> memref<196x128xi32, #tpu.memory_space<hbm>>
      tpu.wait_dma2 semaphore(%run_scoped3A : memref<!tpu.dma_semaphore, #tpu.memory_space<semaphore_mem>>) src(%dma_wait3A_27 : memref<196x128xi32, #tpu.memory_space<hbm>>) dst(%arg8 : memref<196x128xi32, #tpu.memory_space<vmem>>)
      tpu.yield
    }) : () -> ()
    %dma_start3A = arith.constant 0 : i32
    %dma_start3A_3 = arith.constant 0 : i32
    %dma_start3A_4 = tpu.memref_slice %arg7[%dma_start3A, %dma_start3A_3] : memref<196x128xi32, #tpu.memory_space<vmem>> -> memref<1x128xi32, #tpu.memory_space<vmem>>
    %dma_start3A_5 = tpu.memref_squeeze %dma_start3A_4 : memref<1x128xi32, #tpu.memory_space<vmem>> -> memref<128xi32, #tpu.memory_space<vmem>>
    %dma_start3A_6 = arith.constant 0 : i32
    %dma_start3A_7 = arith.constant 0 : i32
    %dma_start3A_8 = tpu.memref_slice %arg2[%dma_start3A_6, %dma_start3A_7] : memref<50000x64xbf16, #tpu.memory_space<hbm>> -> memref<50000x64xbf16, #tpu.memory_space<hbm>>
    tpu.enqueue_indirect_dma source(%dma_start3A_8 : memref<50000x64xbf16, #tpu.memory_space<hbm>>) target(%arg9 : memref<128x64xbf16, #tpu.memory_space<vmem>>) offsets(%dma_start3A_5 : memref<128xi32, #tpu.memory_space<vmem>>) semaphore(%arg13 : memref<!tpu.dma_semaphore, #tpu.memory_space<semaphore_mem>>)
    %dma_start3A_9 = arith.constant 0 : i32
    %dma_start3A_10 = arith.constant 0 : i32
    %dma_start3A_11 = tpu.memref_slice %arg8[%dma_start3A_9, %dma_start3A_10] : memref<196x128xi32, #tpu.memory_space<vmem>> -> memref<1x128xi32, #tpu.memory_space<vmem>>
    %dma_start3A_12 = tpu.memref_squeeze %dma_start3A_11 : memref<1x128xi32, #tpu.memory_space<vmem>> -> memref<128xi32, #tpu.memory_space<vmem>>
    %dma_start3A_13 = arith.constant 0 : i32
    %dma_start3A_14 = arith.constant 0 : i32
    %dma_start3A_15 = tpu.memref_slice %arg3[%dma_start3A_13, %dma_start3A_14] : memref<50000x64xbf16, #tpu.memory_space<hbm>> -> memref<50000x64xbf16, #tpu.memory_space<hbm>>
    tpu.enqueue_indirect_dma source(%dma_start3A_15 : memref<50000x64xbf16, #tpu.memory_space<hbm>>) target(%arg10 : memref<128x64xbf16, #tpu.memory_space<vmem>>) offsets(%dma_start3A_12 : memref<128xi32, #tpu.memory_space<vmem>>) semaphore(%arg13 : memref<!tpu.dma_semaphore, #tpu.memory_space<semaphore_mem>>)
    %scan3A = arith.constant 0 : i32
    %scan3A_16 = arith.constant 0 : i32
    %scan3A_17 = arith.constant 98 : i32
    %scan3A_18 = arith.addi %scan3A_16, %scan3A_17 : i32
    %scan3A_19 = arith.constant 1 : i32
    scf.for %scan3A_21 = %scan3A_16 to %scan3A_18 step %scan3A_19  : i32 {
      %mul3A_22 = arith.constant 2 : i32
      %mul3A_23 = arith.muli %scan3A_21, %mul3A_22 : i32
      %add3A_24 = arith.constant 0 : i32
      %add3A_25 = arith.addi %mul3A_23, %add3A_24 : i32
      %add3A_26 = arith.constant 1 : i32
      %add3A_27 = arith.addi %add3A_25, %add3A_26 : i32
      %lt3A = arith.constant 196 : i32
      %lt3A_28 = arith.cmpi slt, %add3A_27, %lt3A : i32
      %convert_element_type3A = arith.extui %lt3A_28 : i1 to i32
      %cond3A = arith.constant 0 : i32
      %cond3A_29 = arith.cmpi ne, %convert_element_type3A, %cond3A : i32
      scf.if %cond3A_29 {
        %add3A_82 = arith.constant 1 : i32
        %add3A_83 = arith.addi %add3A_25, %add3A_82 : i32
        %dma_start3A_84 = arith.constant 0 : i32
        %dma_start3A_85 = tpu.memref_slice %arg7[%add3A_83, %dma_start3A_84] : memref<196x128xi32, #tpu.memory_space<vmem>> -> memref<1x128xi32, #tpu.memory_space<vmem>>
        %dma_start3A_86 = tpu.memref_squeeze %dma_start3A_85 : memref<1x128xi32, #tpu.memory_space<vmem>> -> memref<128xi32, #tpu.memory_space<vmem>>
        %dma_start3A_87 = arith.constant 0 : i32
        %dma_start3A_88 = arith.constant 0 : i32
        %dma_start3A_89 = tpu.memref_slice %arg2[%dma_start3A_87, %dma_start3A_88] : memref<50000x64xbf16, #tpu.memory_space<hbm>> -> memref<50000x64xbf16, #tpu.memory_space<hbm>>
        tpu.enqueue_indirect_dma source(%dma_start3A_89 : memref<50000x64xbf16, #tpu.memory_space<hbm>>) target(%arg11 : memref<128x64xbf16, #tpu.memory_space<vmem>>) offsets(%dma_start3A_86 : memref<128xi32, #tpu.memory_space<vmem>>) semaphore(%arg14 : memref<!tpu.dma_semaphore, #tpu.memory_space<semaphore_mem>>)
        %dma_start3A_90 = arith.constant 0 : i32
        %dma_start3A_91 = tpu.memref_slice %arg8[%add3A_83, %dma_start3A_90] : memref<196x128xi32, #tpu.memory_space<vmem>> -> memref<1x128xi32, #tpu.memory_space<vmem>>
        %dma_start3A_92 = tpu.memref_squeeze %dma_start3A_91 : memref<1x128xi32, #tpu.memory_space<vmem>> -> memref<128xi32, #tpu.memory_space<vmem>>
        %dma_start3A_93 = arith.constant 0 : i32
        %dma_start3A_94 = arith.constant 0 : i32
        %dma_start3A_95 = tpu.memref_slice %arg3[%dma_start3A_93, %dma_start3A_94] : memref<50000x64xbf16, #tpu.memory_space<hbm>> -> memref<50000x64xbf16, #tpu.memory_space<hbm>>
        tpu.enqueue_indirect_dma source(%dma_start3A_95 : memref<50000x64xbf16, #tpu.memory_space<hbm>>) target(%arg12 : memref<128x64xbf16, #tpu.memory_space<vmem>>) offsets(%dma_start3A_92 : memref<128xi32, #tpu.memory_space<vmem>>) semaphore(%arg14 : memref<!tpu.dma_semaphore, #tpu.memory_space<semaphore_mem>>)
      } else {
      }
      %dma_wait3A = arith.constant 0 : i32
      %dma_wait3A_30 = tpu.memref_slice %arg7[%add3A_25, %dma_wait3A] : memref<196x128xi32, #tpu.memory_space<vmem>> -> memref<1x128xi32, #tpu.memory_space<vmem>>
      %dma_wait3A_31 = tpu.memref_squeeze %dma_wait3A_30 : memref<1x128xi32, #tpu.memory_space<vmem>> -> memref<128xi32, #tpu.memory_space<vmem>>
      %dma_wait3A_32 = arith.constant 0 : i32
      %dma_wait3A_33 = arith.constant 0 : i32
      %dma_wait3A_34 = tpu.memref_slice %arg2[%dma_wait3A_32, %dma_wait3A_33] : memref<50000x64xbf16, #tpu.memory_space<hbm>> -> memref<50000x64xbf16, #tpu.memory_space<hbm>>
      tpu.wait_indirect_dma semaphore(%arg13 : memref<!tpu.dma_semaphore, #tpu.memory_space<semaphore_mem>>) src(%dma_wait3A_34 : memref<50000x64xbf16, #tpu.memory_space<hbm>>) dst(%arg9 : memref<128x64xbf16, #tpu.memory_space<vmem>>)
      %dma_wait3A_35 = arith.constant 0 : i32
      %dma_wait3A_36 = tpu.memref_slice %arg8[%add3A_25, %dma_wait3A_35] : memref<196x128xi32, #tpu.memory_space<vmem>> -> memref<1x128xi32, #tpu.memory_space<vmem>>
      %dma_wait3A_37 = tpu.memref_squeeze %dma_wait3A_36 : memref<1x128xi32, #tpu.memory_space<vmem>> -> memref<128xi32, #tpu.memory_space<vmem>>
      %dma_wait3A_38 = arith.constant 0 : i32
      %dma_wait3A_39 = arith.constant 0 : i32
      %dma_wait3A_40 = tpu.memref_slice %arg3[%dma_wait3A_38, %dma_wait3A_39] : memref<50000x64xbf16, #tpu.memory_space<hbm>> -> memref<50000x64xbf16, #tpu.memory_space<hbm>>
      tpu.wait_indirect_dma semaphore(%arg13 : memref<!tpu.dma_semaphore, #tpu.memory_space<semaphore_mem>>) src(%dma_wait3A_40 : memref<50000x64xbf16, #tpu.memory_space<hbm>>) dst(%arg10 : memref<128x64xbf16, #tpu.memory_space<vmem>>)
      %scan3A_41 = arith.constant 0 : i32
      %scan3A_42 = arith.constant 0 : i32
      %scan3A_43 = arith.constant 128 : i32
      %scan3A_44 = arith.addi %scan3A_42, %scan3A_43 : i32
      %scan3A_45 = arith.constant 8 : i32
      scf.for %scan3A_82 = %scan3A_42 to %scan3A_44 step %scan3A_45  : i32 {
        %get3A = arith.index_cast %scan3A_82 : i32 to index
        %get3A_83 = arith.constant 0 : index
        %get3A_84 = tpu.vector_load %arg9[%get3A, %get3A_83] {strides = array<i32>} : memref<128x64xbf16, #tpu.memory_space<vmem>>, vector<1x32xbf16>,
        %get3A_85 = vector.shape_cast %get3A_84 : vector<1x32xbf16> to vector<32xbf16>
        %get3A_86 = arith.index_cast %scan3A_82 : i32 to index
        %get3A_87 = arith.constant 0 : index
        %get3A_88 = tpu.vector_load %arg10[%get3A_86, %get3A_87] {strides = array<i32>} : memref<128x64xbf16, #tpu.memory_space<vmem>>, vector<1x32xbf16>,
        %get3A_89 = vector.shape_cast %get3A_88 : vector<1x32xbf16> to vector<32xbf16>
        %add3A_90 = arith.addf %get3A_85, %get3A_89 : vector<32xbf16>
        %swap3A = arith.index_cast %scan3A_82 : i32 to index
        %swap3A_91 = arith.constant 0 : index
        %swap3A_92 = tpu.vector_load %arg9[%swap3A, %swap3A_91] {strides = array<i32>} : memref<128x64xbf16, #tpu.memory_space<vmem>>, vector<1x32xbf16>,
        %swap3A_93 = vector.shape_cast %swap3A_92 : vector<1x32xbf16> to vector<32xbf16>
        %swap3A_94 = vector.shape_cast %add3A_90 : vector<32xbf16> to vector<1x32xbf16>
        tpu.vector_store %arg9[%swap3A, %swap3A_91], %swap3A_94 {strides = array<i32>} : memref<128x64xbf16, #tpu.memory_space<vmem>>, vector<1x32xbf16>,
        %get3A_95 = arith.index_cast %scan3A_82 : i32 to index
        %get3A_96 = arith.constant 32 : index
        %get3A_97 = tpu.vector_load %arg9[%get3A_95, %get3A_96] {strides = array<i32>} : memref<128x64xbf16, #tpu.memory_space<vmem>>, vector<1x32xbf16>,
        %get3A_98 = vector.shape_cast %get3A_97 : vector<1x32xbf16> to vector<32xbf16>
        %get3A_99 = arith.index_cast %scan3A_82 : i32 to index
        %get3A_100 = arith.constant 32 : index
        %get3A_101 = tpu.vector_load %arg10[%get3A_99, %get3A_100] {strides = array<i32>} : memref<128x64xbf16, #tpu.memory_space<vmem>>, vector<1x32xbf16>,
        %get3A_102 = vector.shape_cast %get3A_101 : vector<1x32xbf16> to vector<32xbf16>
        %add3A_103 = arith.addf %get3A_98, %get3A_102 : vector<32xbf16>
        %swap3A_104 = arith.index_cast %scan3A_82 : i32 to index
        %swap3A_105 = arith.constant 32 : index
        %swap3A_106 = tpu.vector_load %arg9[%swap3A_104, %swap3A_105] {strides = array<i32>} : memref<128x64xbf16, #tpu.memory_space<vmem>>, vector<1x32xbf16>,
        %swap3A_107 = vector.shape_cast %swap3A_106 : vector<1x32xbf16> to vector<32xbf16>
        %swap3A_108 = vector.shape_cast %add3A_103 : vector<32xbf16> to vector<1x32xbf16>
        tpu.vector_store %arg9[%swap3A_104, %swap3A_105], %swap3A_108 {strides = array<i32>} : memref<128x64xbf16, #tpu.memory_space<vmem>>, vector<1x32xbf16>,
        %scan3A_109 = arith.constant 1 : i32
        %scan3A_110 = arith.addi %scan3A_82, %scan3A_109 : i32
        %get3A_111 = arith.index_cast %scan3A_110 : i32 to index
        %get3A_112 = arith.constant 0 : index
        %get3A_113 = tpu.vector_load %arg9[%get3A_111, %get3A_112] {strides = array<i32>} : memref<128x64xbf16, #tpu.memory_space<vmem>>, vector<1x32xbf16>,
        %get3A_114 = vector.shape_cast %get3A_113 : vector<1x32xbf16> to vector<32xbf16>
        %get3A_115 = arith.index_cast %scan3A_110 : i32 to index
        %get3A_116 = arith.constant 0 : index
        %get3A_117 = tpu.vector_load %arg10[%get3A_115, %get3A_116] {strides = array<i32>} : memref<128x64xbf16, #tpu.memory_space<vmem>>, vector<1x32xbf16>,
        %get3A_118 = vector.shape_cast %get3A_117 : vector<1x32xbf16> to vector<32xbf16>
        %add3A_119 = arith.addf %get3A_114, %get3A_118 : vector<32xbf16>
        %swap3A_120 = arith.index_cast %scan3A_110 : i32 to index
        %swap3A_121 = arith.constant 0 : index
        %swap3A_122 = tpu.vector_load %arg9[%swap3A_120, %swap3A_121] {strides = array<i32>} : memref<128x64xbf16, #tpu.memory_space<vmem>>, vector<1x32xbf16>,
        %swap3A_123 = vector.shape_cast %swap3A_122 : vector<1x32xbf16> to vector<32xbf16>
        %swap3A_124 = vector.shape_cast %add3A_119 : vector<32xbf16> to vector<1x32xbf16>
        tpu.vector_store %arg9[%swap3A_120, %swap3A_121], %swap3A_124 {strides = array<i32>} : memref<128x64xbf16, #tpu.memory_space<vmem>>, vector<1x32xbf16>,
        %get3A_125 = arith.index_cast %scan3A_110 : i32 to index
        %get3A_126 = arith.constant 32 : index
        %get3A_127 = tpu.vector_load %arg9[%get3A_125, %get3A_126] {strides = array<i32>} : memref<128x64xbf16, #tpu.memory_space<vmem>>, vector<1x32xbf16>,
        %get3A_128 = vector.shape_cast %get3A_127 : vector<1x32xbf16> to vector<32xbf16>
        %get3A_129 = arith.index_cast %scan3A_110 : i32 to index
        %get3A_130 = arith.constant 32 : index
        %get3A_131 = tpu.vector_load %arg10[%get3A_129, %get3A_130] {strides = array<i32>} : memref<128x64xbf16, #tpu.memory_space<vmem>>, vector<1x32xbf16>,
        %get3A_132 = vector.shape_cast %get3A_131 : vector<1x32xbf16> to vector<32xbf16>
        %add3A_133 = arith.addf %get3A_128, %get3A_132 : vector<32xbf16>
        %swap3A_134 = arith.index_cast %scan3A_110 : i32 to index
        %swap3A_135 = arith.constant 32 : index
        %swap3A_136 = tpu.vector_load %arg9[%swap3A_134, %swap3A_135] {strides = array<i32>} : memref<128x64xbf16, #tpu.memory_space<vmem>>, vector<1x32xbf16>,
        %swap3A_137 = vector.shape_cast %swap3A_136 : vector<1x32xbf16> to vector<32xbf16>
        %swap3A_138 = vector.shape_cast %add3A_133 : vector<32xbf16> to vector<1x32xbf16>
        tpu.vector_store %arg9[%swap3A_134, %swap3A_135], %swap3A_138 {strides = array<i32>} : memref<128x64xbf16, #tpu.memory_space<vmem>>, vector<1x32xbf16>,
        %scan3A_139 = arith.constant 2 : i32
        %scan3A_140 = arith.addi %scan3A_82, %scan3A_139 : i32
        %get3A_141 = arith.index_cast %scan3A_140 : i32 to index
        %get3A_142 = arith.constant 0 : index
        %get3A_143 = tpu.vector_load %arg9[%get3A_141, %get3A_142] {strides = array<i32>} : memref<128x64xbf16, #tpu.memory_space<vmem>>, vector<1x32xbf16>,
        %get3A_144 = vector.shape_cast %get3A_143 : vector<1x32xbf16> to vector<32xbf16>
        %get3A_145 = arith.index_cast %scan3A_140 : i32 to index
        %get3A_146 = arith.constant 0 : index
        %get3A_147 = tpu.vector_load %arg10[%get3A_145, %get3A_146] {strides = array<i32>} : memref<128x64xbf16, #tpu.memory_space<vmem>>, vector<1x32xbf16>,
        %get3A_148 = vector.shape_cast %get3A_147 : vector<1x32xbf16> to vector<32xbf16>
        %add3A_149 = arith.addf %get3A_144, %get3A_148 : vector<32xbf16>
        %swap3A_150 = arith.index_cast %scan3A_140 : i32 to index
        %swap3A_151 = arith.constant 0 : index
        %swap3A_152 = tpu.vector_load %arg9[%swap3A_150, %swap3A_151] {strides = array<i32>} : memref<128x64xbf16, #tpu.memory_space<vmem>>, vector<1x32xbf16>,
        %swap3A_153 = vector.shape_cast %swap3A_152 : vector<1x32xbf16> to vector<32xbf16>
        %swap3A_154 = vector.shape_cast %add3A_149 : vector<32xbf16> to vector<1x32xbf16>
        tpu.vector_store %arg9[%swap3A_150, %swap3A_151], %swap3A_154 {strides = array<i32>} : memref<128x64xbf16, #tpu.memory_space<vmem>>, vector<1x32xbf16>,
        %get3A_155 = arith.index_cast %scan3A_140 : i32 to index
        %get3A_156 = arith.constant 32 : index
        %get3A_157 = tpu.vector_load %arg9[%get3A_155, %get3A_156] {strides = array<i32>} : memref<128x64xbf16, #tpu.memory_space<vmem>>, vector<1x32xbf16>,
        %get3A_158 = vector.shape_cast %get3A_157 : vector<1x32xbf16> to vector<32xbf16>
        %get3A_159 = arith.index_cast %scan3A_140 : i32 to index
        %get3A_160 = arith.constant 32 : index
        %get3A_161 = tpu.vector_load %arg10[%get3A_159, %get3A_160] {strides = array<i32>} : memref<128x64xbf16, #tpu.memory_space<vmem>>, vector<1x32xbf16>,
        %get3A_162 = vector.shape_cast %get3A_161 : vector<1x32xbf16> to vector<32xbf16>
        %add3A_163 = arith.addf %get3A_158, %get3A_162 : vector<32xbf16>
        %swap3A_164 = arith.index_cast %scan3A_140 : i32 to index
        %swap3A_165 = arith.constant 32 : index
        %swap3A_166 = tpu.vector_load %arg9[%swap3A_164, %swap3A_165] {strides = array<i32>} : memref<128x64xbf16, #tpu.memory_space<vmem>>, vector<1x32xbf16>,
        %swap3A_167 = vector.shape_cast %swap3A_166 : vector<1x32xbf16> to vector<32xbf16>
        %swap3A_168 = vector.shape_cast %add3A_163 : vector<32xbf16> to vector<1x32xbf16>
        tpu.vector_store %arg9[%swap3A_164, %swap3A_165], %swap3A_168 {strides = array<i32>} : memref<128x64xbf16, #tpu.memory_space<vmem>>, vector<1x32xbf16>,
        %scan3A_169 = arith.constant 3 : i32
        %scan3A_170 = arith.addi %scan3A_82, %scan3A_169 : i32
        %get3A_171 = arith.index_cast %scan3A_170 : i32 to index
        %get3A_172 = arith.constant 0 : index
        %get3A_173 = tpu.vector_load %arg9[%get3A_171, %get3A_172] {strides = array<i32>} : memref<128x64xbf16, #tpu.memory_space<vmem>>, vector<1x32xbf16>,
        %get3A_174 = vector.shape_cast %get3A_173 : vector<1x32xbf16> to vector<32xbf16>
        %get3A_175 = arith.index_cast %scan3A_170 : i32 to index
        %get3A_176 = arith.constant 0 : index
        %get3A_177 = tpu.vector_load %arg10[%get3A_175, %get3A_176] {strides = array<i32>} : memref<128x64xbf16, #tpu.memory_space<vmem>>, vector<1x32xbf16>,
        %get3A_178 = vector.shape_cast %get3A_177 : vector<1x32xbf16> to vector<32xbf16>
        %add3A_179 = arith.addf %get3A_174, %get3A_178 : vector<32xbf16>
        %swap3A_180 = arith.index_cast %scan3A_170 : i32 to index
        %swap3A_181 = arith.constant 0 : index
        %swap3A_182 = tpu.vector_load %arg9[%swap3A_180, %swap3A_181] {strides = array<i32>} : memref<128x64xbf16, #tpu.memory_space<vmem>>, vector<1x32xbf16>,
        %swap3A_183 = vector.shape_cast %swap3A_182 : vector<1x32xbf16> to vector<32xbf16>
        %swap3A_184 = vector.shape_cast %add3A_179 : vector<32xbf16> to vector<1x32xbf16>
        tpu.vector_store %arg9[%swap3A_180, %swap3A_181], %swap3A_184 {strides = array<i32>} : memref<128x64xbf16, #tpu.memory_space<vmem>>, vector<1x32xbf16>,
        %get3A_185 = arith.index_cast %scan3A_170 : i32 to index
        %get3A_186 = arith.constant 32 : index
        %get3A_187 = tpu.vector_load %arg9[%get3A_185, %get3A_186] {strides = array<i32>} : memref<128x64xbf16, #tpu.memory_space<vmem>>, vector<1x32xbf16>,
        %get3A_188 = vector.shape_cast %get3A_187 : vector<1x32xbf16> to vector<32xbf16>
        %get3A_189 = arith.index_cast %scan3A_170 : i32 to index
        %get3A_190 = arith.constant 32 : index
        %get3A_191 = tpu.vector_load %arg10[%get3A_189, %get3A_190] {strides = array<i32>} : memref<128x64xbf16, #tpu.memory_space<vmem>>, vector<1x32xbf16>,
        %get3A_192 = vector.shape_cast %get3A_191 : vector<1x32xbf16> to vector<32xbf16>
        %add3A_193 = arith.addf %get3A_188, %get3A_192 : vector<32xbf16>
        %swap3A_194 = arith.index_cast %scan3A_170 : i32 to index
        %swap3A_195 = arith.constant 32 : index
        %swap3A_196 = tpu.vector_load %arg9[%swap3A_194, %swap3A_195] {strides = array<i32>} : memref<128x64xbf16, #tpu.memory_space<vmem>>, vector<1x32xbf16>,
        %swap3A_197 = vector.shape_cast %swap3A_196 : vector<1x32xbf16> to vector<32xbf16>
        %swap3A_198 = vector.shape_cast %add3A_193 : vector<32xbf16> to vector<1x32xbf16>
        tpu.vector_store %arg9[%swap3A_194, %swap3A_195], %swap3A_198 {strides = array<i32>} : memref<128x64xbf16, #tpu.memory_space<vmem>>, vector<1x32xbf16>,
        %scan3A_199 = arith.constant 4 : i32
        %scan3A_200 = arith.addi %scan3A_82, %scan3A_199 : i32
        %get3A_201 = arith.index_cast %scan3A_200 : i32 to index
        %get3A_202 = arith.constant 0 : index
        %get3A_203 = tpu.vector_load %arg9[%get3A_201, %get3A_202] {strides = array<i32>} : memref<128x64xbf16, #tpu.memory_space<vmem>>, vector<1x32xbf16>,
        %get3A_204 = vector.shape_cast %get3A_203 : vector<1x32xbf16> to vector<32xbf16>
        %get3A_205 = arith.index_cast %scan3A_200 : i32 to index
        %get3A_206 = arith.constant 0 : index
        %get3A_207 = tpu.vector_load %arg10[%get3A_205, %get3A_206] {strides = array<i32>} : memref<128x64xbf16, #tpu.memory_space<vmem>>, vector<1x32xbf16>,
        %get3A_208 = vector.shape_cast %get3A_207 : vector<1x32xbf16> to vector<32xbf16>
        %add3A_209 = arith.addf %get3A_204, %get3A_208 : vector<32xbf16>
        %swap3A_210 = arith.index_cast %scan3A_200 : i32 to index
        %swap3A_211 = arith.constant 0 : index
        %swap3A_212 = tpu.vector_load %arg9[%swap3A_210, %swap3A_211] {strides = array<i32>} : memref<128x64xbf16, #tpu.memory_space<vmem>>, vector<1x32xbf16>,
        %swap3A_213 = vector.shape_cast %swap3A_212 : vector<1x32xbf16> to vector<32xbf16>
        %swap3A_214 = vector.shape_cast %add3A_209 : vector<32xbf16> to vector<1x32xbf16>
        tpu.vector_store %arg9[%swap3A_210, %swap3A_211], %swap3A_214 {strides = array<i32>} : memref<128x64xbf16, #tpu.memory_space<vmem>>, vector<1x32xbf16>,
        %get3A_215 = arith.index_cast %scan3A_200 : i32 to index
        %get3A_216 = arith.constant 32 : index
        %get3A_217 = tpu.vector_load %arg9[%get3A_215, %get3A_216] {strides = array<i32>} : memref<128x64xbf16, #tpu.memory_space<vmem>>, vector<1x32xbf16>,
        %get3A_218 = vector.shape_cast %get3A_217 : vector<1x32xbf16> to vector<32xbf16>
        %get3A_219 = arith.index_cast %scan3A_200 : i32 to index
        %get3A_220 = arith.constant 32 : index
        %get3A_221 = tpu.vector_load %arg10[%get3A_219, %get3A_220] {strides = array<i32>} : memref<128x64xbf16, #tpu.memory_space<vmem>>, vector<1x32xbf16>,
        %get3A_222 = vector.shape_cast %get3A_221 : vector<1x32xbf16> to vector<32xbf16>
        %add3A_223 = arith.addf %get3A_218, %get3A_222 : vector<32xbf16>
        %swap3A_224 = arith.index_cast %scan3A_200 : i32 to index
        %swap3A_225 = arith.constant 32 : index
        %swap3A_226 = tpu.vector_load %arg9[%swap3A_224, %swap3A_225] {strides = array<i32>} : memref<128x64xbf16, #tpu.memory_space<vmem>>, vector<1x32xbf16>,
        %swap3A_227 = vector.shape_cast %swap3A_226 : vector<1x32xbf16> to vector<32xbf16>
        %swap3A_228 = vector.shape_cast %add3A_223 : vector<32xbf16> to vector<1x32xbf16>
        tpu.vector_store %arg9[%swap3A_224, %swap3A_225], %swap3A_228 {strides = array<i32>} : memref<128x64xbf16, #tpu.memory_space<vmem>>, vector<1x32xbf16>,
        %scan3A_229 = arith.constant 5 : i32
        %scan3A_230 = arith.addi %scan3A_82, %scan3A_229 : i32
        %get3A_231 = arith.index_cast %scan3A_230 : i32 to index
        %get3A_232 = arith.constant 0 : index
        %get3A_233 = tpu.vector_load %arg9[%get3A_231, %get3A_232] {strides = array<i32>} : memref<128x64xbf16, #tpu.memory_space<vmem>>, vector<1x32xbf16>,
        %get3A_234 = vector.shape_cast %get3A_233 : vector<1x32xbf16> to vector<32xbf16>
        %get3A_235 = arith.index_cast %scan3A_230 : i32 to index
        %get3A_236 = arith.constant 0 : index
        %get3A_237 = tpu.vector_load %arg10[%get3A_235, %get3A_236] {strides = array<i32>} : memref<128x64xbf16, #tpu.memory_space<vmem>>, vector<1x32xbf16>,
        %get3A_238 = vector.shape_cast %get3A_237 : vector<1x32xbf16> to vector<32xbf16>
        %add3A_239 = arith.addf %get3A_234, %get3A_238 : vector<32xbf16>
        %swap3A_240 = arith.index_cast %scan3A_230 : i32 to index
        %swap3A_241 = arith.constant 0 : index
        %swap3A_242 = tpu.vector_load %arg9[%swap3A_240, %swap3A_241] {strides = array<i32>} : memref<128x64xbf16, #tpu.memory_space<vmem>>, vector<1x32xbf16>,
        %swap3A_243 = vector.shape_cast %swap3A_242 : vector<1x32xbf16> to vector<32xbf16>
        %swap3A_244 = vector.shape_cast %add3A_239 : vector<32xbf16> to vector<1x32xbf16>
        tpu.vector_store %arg9[%swap3A_240, %swap3A_241], %swap3A_244 {strides = array<i32>} : memref<128x64xbf16, #tpu.memory_space<vmem>>, vector<1x32xbf16>,
        %get3A_245 = arith.index_cast %scan3A_230 : i32 to index
        %get3A_246 = arith.constant 32 : index
        %get3A_247 = tpu.vector_load %arg9[%get3A_245, %get3A_246] {strides = array<i32>} : memref<128x64xbf16, #tpu.memory_space<vmem>>, vector<1x32xbf16>,
        %get3A_248 = vector.shape_cast %get3A_247 : vector<1x32xbf16> to vector<32xbf16>
        %get3A_249 = arith.index_cast %scan3A_230 : i32 to index
        %get3A_250 = arith.constant 32 : index
        %get3A_251 = tpu.vector_load %arg10[%get3A_249, %get3A_250] {strides = array<i32>} : memref<128x64xbf16, #tpu.memory_space<vmem>>, vector<1x32xbf16>,
        %get3A_252 = vector.shape_cast %get3A_251 : vector<1x32xbf16> to vector<32xbf16>
        %add3A_253 = arith.addf %get3A_248, %get3A_252 : vector<32xbf16>
        %swap3A_254 = arith.index_cast %scan3A_230 : i32 to index
        %swap3A_255 = arith.constant 32 : index
        %swap3A_256 = tpu.vector_load %arg9[%swap3A_254, %swap3A_255] {strides = array<i32>} : memref<128x64xbf16, #tpu.memory_space<vmem>>, vector<1x32xbf16>,
        %swap3A_257 = vector.shape_cast %swap3A_256 : vector<1x32xbf16> to vector<32xbf16>
        %swap3A_258 = vector.shape_cast %add3A_253 : vector<32xbf16> to vector<1x32xbf16>
        tpu.vector_store %arg9[%swap3A_254, %swap3A_255], %swap3A_258 {strides = array<i32>} : memref<128x64xbf16, #tpu.memory_space<vmem>>, vector<1x32xbf16>,
        %scan3A_259 = arith.constant 6 : i32
        %scan3A_260 = arith.addi %scan3A_82, %scan3A_259 : i32
        %get3A_261 = arith.index_cast %scan3A_260 : i32 to index
        %get3A_262 = arith.constant 0 : index
        %get3A_263 = tpu.vector_load %arg9[%get3A_261, %get3A_262] {strides = array<i32>} : memref<128x64xbf16, #tpu.memory_space<vmem>>, vector<1x32xbf16>,
        %get3A_264 = vector.shape_cast %get3A_263 : vector<1x32xbf16> to vector<32xbf16>
        %get3A_265 = arith.index_cast %scan3A_260 : i32 to index
        %get3A_266 = arith.constant 0 : index
        %get3A_267 = tpu.vector_load %arg10[%get3A_265, %get3A_266] {strides = array<i32>} : memref<128x64xbf16, #tpu.memory_space<vmem>>, vector<1x32xbf16>,
        %get3A_268 = vector.shape_cast %get3A_267 : vector<1x32xbf16> to vector<32xbf16>
        %add3A_269 = arith.addf %get3A_264, %get3A_268 : vector<32xbf16>
        %swap3A_270 = arith.index_cast %scan3A_260 : i32 to index
        %swap3A_271 = arith.constant 0 : index
        %swap3A_272 = tpu.vector_load %arg9[%swap3A_270, %swap3A_271] {strides = array<i32>} : memref<128x64xbf16, #tpu.memory_space<vmem>>, vector<1x32xbf16>,
        %swap3A_273 = vector.shape_cast %swap3A_272 : vector<1x32xbf16> to vector<32xbf16>
        %swap3A_274 = vector.shape_cast %add3A_269 : vector<32xbf16> to vector<1x32xbf16>
        tpu.vector_store %arg9[%swap3A_270, %swap3A_271], %swap3A_274 {strides = array<i32>} : memref<128x64xbf16, #tpu.memory_space<vmem>>, vector<1x32xbf16>,
        %get3A_275 = arith.index_cast %scan3A_260 : i32 to index
        %get3A_276 = arith.constant 32 : index
        %get3A_277 = tpu.vector_load %arg9[%get3A_275, %get3A_276] {strides = array<i32>} : memref<128x64xbf16, #tpu.memory_space<vmem>>, vector<1x32xbf16>,
        %get3A_278 = vector.shape_cast %get3A_277 : vector<1x32xbf16> to vector<32xbf16>
        %get3A_279 = arith.index_cast %scan3A_260 : i32 to index
        %get3A_280 = arith.constant 32 : index
        %get3A_281 = tpu.vector_load %arg10[%get3A_279, %get3A_280] {strides = array<i32>} : memref<128x64xbf16, #tpu.memory_space<vmem>>, vector<1x32xbf16>,
        %get3A_282 = vector.shape_cast %get3A_281 : vector<1x32xbf16> to vector<32xbf16>
        %add3A_283 = arith.addf %get3A_278, %get3A_282 : vector<32xbf16>
        %swap3A_284 = arith.index_cast %scan3A_260 : i32 to index
        %swap3A_285 = arith.constant 32 : index
        %swap3A_286 = tpu.vector_load %arg9[%swap3A_284, %swap3A_285] {strides = array<i32>} : memref<128x64xbf16, #tpu.memory_space<vmem>>, vector<1x32xbf16>,
        %swap3A_287 = vector.shape_cast %swap3A_286 : vector<1x32xbf16> to vector<32xbf16>
        %swap3A_288 = vector.shape_cast %add3A_283 : vector<32xbf16> to vector<1x32xbf16>
        tpu.vector_store %arg9[%swap3A_284, %swap3A_285], %swap3A_288 {strides = array<i32>} : memref<128x64xbf16, #tpu.memory_space<vmem>>, vector<1x32xbf16>,
        %scan3A_289 = arith.constant 7 : i32
        %scan3A_290 = arith.addi %scan3A_82, %scan3A_289 : i32
        %get3A_291 = arith.index_cast %scan3A_290 : i32 to index
        %get3A_292 = arith.constant 0 : index
        %get3A_293 = tpu.vector_load %arg9[%get3A_291, %get3A_292] {strides = array<i32>} : memref<128x64xbf16, #tpu.memory_space<vmem>>, vector<1x32xbf16>,
        %get3A_294 = vector.shape_cast %get3A_293 : vector<1x32xbf16> to vector<32xbf16>
        %get3A_295 = arith.index_cast %scan3A_290 : i32 to index
        %get3A_296 = arith.constant 0 : index
        %get3A_297 = tpu.vector_load %arg10[%get3A_295, %get3A_296] {strides = array<i32>} : memref<128x64xbf16, #tpu.memory_space<vmem>>, vector<1x32xbf16>,
        %get3A_298 = vector.shape_cast %get3A_297 : vector<1x32xbf16> to vector<32xbf16>
        %add3A_299 = arith.addf %get3A_294, %get3A_298 : vector<32xbf16>
        %swap3A_300 = arith.index_cast %scan3A_290 : i32 to index
        %swap3A_301 = arith.constant 0 : index
        %swap3A_302 = tpu.vector_load %arg9[%swap3A_300, %swap3A_301] {strides = array<i32>} : memref<128x64xbf16, #tpu.memory_space<vmem>>, vector<1x32xbf16>,
        %swap3A_303 = vector.shape_cast %swap3A_302 : vector<1x32xbf16> to vector<32xbf16>
        %swap3A_304 = vector.shape_cast %add3A_299 : vector<32xbf16> to vector<1x32xbf16>
        tpu.vector_store %arg9[%swap3A_300, %swap3A_301], %swap3A_304 {strides = array<i32>} : memref<128x64xbf16, #tpu.memory_space<vmem>>, vector<1x32xbf16>,
        %get3A_305 = arith.index_cast %scan3A_290 : i32 to index
        %get3A_306 = arith.constant 32 : index
        %get3A_307 = tpu.vector_load %arg9[%get3A_305, %get3A_306] {strides = array<i32>} : memref<128x64xbf16, #tpu.memory_space<vmem>>, vector<1x32xbf16>,
        %get3A_308 = vector.shape_cast %get3A_307 : vector<1x32xbf16> to vector<32xbf16>
        %get3A_309 = arith.index_cast %scan3A_290 : i32 to index
        %get3A_310 = arith.constant 32 : index
        %get3A_311 = tpu.vector_load %arg10[%get3A_309, %get3A_310] {strides = array<i32>} : memref<128x64xbf16, #tpu.memory_space<vmem>>, vector<1x32xbf16>,
        %get3A_312 = vector.shape_cast %get3A_311 : vector<1x32xbf16> to vector<32xbf16>
        %add3A_313 = arith.addf %get3A_308, %get3A_312 : vector<32xbf16>
        %swap3A_314 = arith.index_cast %scan3A_290 : i32 to index
        %swap3A_315 = arith.constant 32 : index
        %swap3A_316 = tpu.vector_load %arg9[%swap3A_314, %swap3A_315] {strides = array<i32>} : memref<128x64xbf16, #tpu.memory_space<vmem>>, vector<1x32xbf16>,
        %swap3A_317 = vector.shape_cast %swap3A_316 : vector<1x32xbf16> to vector<32xbf16>
        %swap3A_318 = vector.shape_cast %add3A_313 : vector<32xbf16> to vector<1x32xbf16>
        tpu.vector_store %arg9[%swap3A_314, %swap3A_315], %swap3A_318 {strides = array<i32>} : memref<128x64xbf16, #tpu.memory_space<vmem>>, vector<1x32xbf16>,
      }
      %scan3A_46 = arith.constant 128 : i32
      %add3A_47 = arith.addi %mul3A_2, %add3A_25 : i32
      %mul3A_48 = arith.constant 128 : i32
      %mul3A_49 = arith.muli %add3A_47, %mul3A_48 : i32
      "tpu.region"() ({
        %run_scoped3A = tpu.sem_alloc : memref<!tpu.dma_semaphore, #tpu.memory_space<semaphore_mem>>
        %dma_start3A_82 = arith.constant 0 : i32
        %dma_start3A_83 = tpu.memref_slice %arg6[%mul3A_49, %dma_start3A_82] : memref<802816x64xbf16, #tpu.memory_space<hbm>> -> memref<128x64xbf16, #tpu.memory_space<hbm>>
        %dma_start3A_84 = arith.constant 0 : i32
        %dma_start3A_85 = tpu.memref_slice %arg6[%mul3A_49, %dma_start3A_84] : memref<802816x64xbf16, #tpu.memory_space<hbm>> -> memref<128x64xbf16, #tpu.memory_space<hbm>>
        tpu.enqueue_dma source(%arg9 : memref<128x64xbf16, #tpu.memory_space<vmem>>) target(%dma_start3A_85 : memref<128x64xbf16, #tpu.memory_space<hbm>>) target_semaphore(%run_scoped3A : memref<!tpu.dma_semaphore, #tpu.memory_space<semaphore_mem>>)
        %dma_wait3A_86 = arith.constant 0 : i32
        %dma_wait3A_87 = tpu.memref_slice %arg6[%mul3A_49, %dma_wait3A_86] : memref<802816x64xbf16, #tpu.memory_space<hbm>> -> memref<128x64xbf16, #tpu.memory_space<hbm>>
        %dma_wait3A_88 = arith.constant 0 : i32
        %dma_wait3A_89 = tpu.memref_slice %arg6[%mul3A_49, %dma_wait3A_88] : memref<802816x64xbf16, #tpu.memory_space<hbm>> -> memref<128x64xbf16, #tpu.memory_space<hbm>>
        tpu.wait_dma2 semaphore(%run_scoped3A : memref<!tpu.dma_semaphore, #tpu.memory_space<semaphore_mem>>) src(%arg9 : memref<128x64xbf16, #tpu.memory_space<vmem>>) dst(%dma_wait3A_89 : memref<128x64xbf16, #tpu.memory_space<hbm>>)
        tpu.yield
      }) : () -> ()
      %mul3A_50 = arith.constant 2 : i32
      %mul3A_51 = arith.muli %scan3A_21, %mul3A_50 : i32
      %add3A_52 = arith.constant 1 : i32
      %add3A_53 = arith.addi %mul3A_51, %add3A_52 : i32
      %add3A_54 = arith.constant 1 : i32
      %add3A_55 = arith.addi %add3A_53, %add3A_54 : i32
      %lt3A_56 = arith.constant 196 : i32
      %lt3A_57 = arith.cmpi slt, %add3A_55, %lt3A_56 : i32
      %convert_element_type3A_58 = arith.extui %lt3A_57 : i1 to i32
      %cond3A_59 = arith.constant 0 : i32
      %cond3A_60 = arith.cmpi ne, %convert_element_type3A_58, %cond3A_59 : i32
      scf.if %cond3A_60 {
        %add3A_82 = arith.constant 1 : i32
        %add3A_83 = arith.addi %add3A_53, %add3A_82 : i32
        %dma_start3A_84 = arith.constant 0 : i32
        %dma_start3A_85 = tpu.memref_slice %arg7[%add3A_83, %dma_start3A_84] : memref<196x128xi32, #tpu.memory_space<vmem>> -> memref<1x128xi32, #tpu.memory_space<vmem>>
        %dma_start3A_86 = tpu.memref_squeeze %dma_start3A_85 : memref<1x128xi32, #tpu.memory_space<vmem>> -> memref<128xi32, #tpu.memory_space<vmem>>
        %dma_start3A_87 = arith.constant 0 : i32
        %dma_start3A_88 = arith.constant 0 : i32
        %dma_start3A_89 = tpu.memref_slice %arg2[%dma_start3A_87, %dma_start3A_88] : memref<50000x64xbf16, #tpu.memory_space<hbm>> -> memref<50000x64xbf16, #tpu.memory_space<hbm>>
        tpu.enqueue_indirect_dma source(%dma_start3A_89 : memref<50000x64xbf16, #tpu.memory_space<hbm>>) target(%arg9 : memref<128x64xbf16, #tpu.memory_space<vmem>>) offsets(%dma_start3A_86 : memref<128xi32, #tpu.memory_space<vmem>>) semaphore(%arg13 : memref<!tpu.dma_semaphore, #tpu.memory_space<semaphore_mem>>)
        %dma_start3A_90 = arith.constant 0 : i32
        %dma_start3A_91 = tpu.memref_slice %arg8[%add3A_83, %dma_start3A_90] : memref<196x128xi32, #tpu.memory_space<vmem>> -> memref<1x128xi32, #tpu.memory_space<vmem>>
        %dma_start3A_92 = tpu.memref_squeeze %dma_start3A_91 : memref<1x128xi32, #tpu.memory_space<vmem>> -> memref<128xi32, #tpu.memory_space<vmem>>
        %dma_start3A_93 = arith.constant 0 : i32
        %dma_start3A_94 = arith.constant 0 : i32
        %dma_start3A_95 = tpu.memref_slice %arg3[%dma_start3A_93, %dma_start3A_94] : memref<50000x64xbf16, #tpu.memory_space<hbm>> -> memref<50000x64xbf16, #tpu.memory_space<hbm>>
        tpu.enqueue_indirect_dma source(%dma_start3A_95 : memref<50000x64xbf16, #tpu.memory_space<hbm>>) target(%arg10 : memref<128x64xbf16, #tpu.memory_space<vmem>>) offsets(%dma_start3A_92 : memref<128xi32, #tpu.memory_space<vmem>>) semaphore(%arg13 : memref<!tpu.dma_semaphore, #tpu.memory_space<semaphore_mem>>)
      } else {
      }
      %dma_wait3A_61 = arith.constant 0 : i32
      %dma_wait3A_62 = tpu.memref_slice %arg7[%add3A_53, %dma_wait3A_61] : memref<196x128xi32, #tpu.memory_space<vmem>> -> memref<1x128xi32, #tpu.memory_space<vmem>>
      %dma_wait3A_63 = tpu.memref_squeeze %dma_wait3A_62 : memref<1x128xi32, #tpu.memory_space<vmem>> -> memref<128xi32, #tpu.memory_space<vmem>>
      %dma_wait3A_64 = arith.constant 0 : i32
      %dma_wait3A_65 = arith.constant 0 : i32
      %dma_wait3A_66 = tpu.memref_slice %arg2[%dma_wait3A_64, %dma_wait3A_65] : memref<50000x64xbf16, #tpu.memory_space<hbm>> -> memref<50000x64xbf16, #tpu.memory_space<hbm>>
      tpu.wait_indirect_dma semaphore(%arg14 : memref<!tpu.dma_semaphore, #tpu.memory_space<semaphore_mem>>) src(%dma_wait3A_66 : memref<50000x64xbf16, #tpu.memory_space<hbm>>) dst(%arg11 : memref<128x64xbf16, #tpu.memory_space<vmem>>)
      %dma_wait3A_67 = arith.constant 0 : i32
      %dma_wait3A_68 = tpu.memref_slice %arg8[%add3A_53, %dma_wait3A_67] : memref<196x128xi32, #tpu.memory_space<vmem>> -> memref<1x128xi32, #tpu.memory_space<vmem>>
      %dma_wait3A_69 = tpu.memref_squeeze %dma_wait3A_68 : memref<1x128xi32, #tpu.memory_space<vmem>> -> memref<128xi32, #tpu.memory_space<vmem>>
      %dma_wait3A_70 = arith.constant 0 : i32
      %dma_wait3A_71 = arith.constant 0 : i32
      %dma_wait3A_72 = tpu.memref_slice %arg3[%dma_wait3A_70, %dma_wait3A_71] : memref<50000x64xbf16, #tpu.memory_space<hbm>> -> memref<50000x64xbf16, #tpu.memory_space<hbm>>
      tpu.wait_indirect_dma semaphore(%arg14 : memref<!tpu.dma_semaphore, #tpu.memory_space<semaphore_mem>>) src(%dma_wait3A_72 : memref<50000x64xbf16, #tpu.memory_space<hbm>>) dst(%arg12 : memref<128x64xbf16, #tpu.memory_space<vmem>>)
      %scan3A_73 = arith.constant 0 : i32
      %scan3A_74 = arith.constant 0 : i32
      %scan3A_75 = arith.constant 128 : i32
      %scan3A_76 = arith.addi %scan3A_74, %scan3A_75 : i32
      %scan3A_77 = arith.constant 8 : i32
      scf.for %scan3A_82 = %scan3A_74 to %scan3A_76 step %scan3A_77  : i32 {
        %get3A = arith.index_cast %scan3A_82 : i32 to index
        %get3A_83 = arith.constant 0 : index
        %get3A_84 = tpu.vector_load %arg11[%get3A, %get3A_83] {strides = array<i32>} : memref<128x64xbf16, #tpu.memory_space<vmem>>, vector<1x32xbf16>,
        %get3A_85 = vector.shape_cast %get3A_84 : vector<1x32xbf16> to vector<32xbf16>
        %get3A_86 = arith.index_cast %scan3A_82 : i32 to index
        %get3A_87 = arith.constant 0 : index
        %get3A_88 = tpu.vector_load %arg12[%get3A_86, %get3A_87] {strides = array<i32>} : memref<128x64xbf16, #tpu.memory_space<vmem>>, vector<1x32xbf16>,
        %get3A_89 = vector.shape_cast %get3A_88 : vector<1x32xbf16> to vector<32xbf16>
        %add3A_90 = arith.addf %get3A_85, %get3A_89 : vector<32xbf16>
        %swap3A = arith.index_cast %scan3A_82 : i32 to index
        %swap3A_91 = arith.constant 0 : index
        %swap3A_92 = tpu.vector_load %arg11[%swap3A, %swap3A_91] {strides = array<i32>} : memref<128x64xbf16, #tpu.memory_space<vmem>>, vector<1x32xbf16>,
        %swap3A_93 = vector.shape_cast %swap3A_92 : vector<1x32xbf16> to vector<32xbf16>
        %swap3A_94 = vector.shape_cast %add3A_90 : vector<32xbf16> to vector<1x32xbf16>
        tpu.vector_store %arg11[%swap3A, %swap3A_91], %swap3A_94 {strides = array<i32>} : memref<128x64xbf16, #tpu.memory_space<vmem>>, vector<1x32xbf16>,
        %get3A_95 = arith.index_cast %scan3A_82 : i32 to index
        %get3A_96 = arith.constant 32 : index
        %get3A_97 = tpu.vector_load %arg11[%get3A_95, %get3A_96] {strides = array<i32>} : memref<128x64xbf16, #tpu.memory_space<vmem>>, vector<1x32xbf16>,
        %get3A_98 = vector.shape_cast %get3A_97 : vector<1x32xbf16> to vector<32xbf16>
        %get3A_99 = arith.index_cast %scan3A_82 : i32 to index
        %get3A_100 = arith.constant 32 : index
        %get3A_101 = tpu.vector_load %arg12[%get3A_99, %get3A_100] {strides = array<i32>} : memref<128x64xbf16, #tpu.memory_space<vmem>>, vector<1x32xbf16>,
        %get3A_102 = vector.shape_cast %get3A_101 : vector<1x32xbf16> to vector<32xbf16>
        %add3A_103 = arith.addf %get3A_98, %get3A_102 : vector<32xbf16>
        %swap3A_104 = arith.index_cast %scan3A_82 : i32 to index
        %swap3A_105 = arith.constant 32 : index
        %swap3A_106 = tpu.vector_load %arg11[%swap3A_104, %swap3A_105] {strides = array<i32>} : memref<128x64xbf16, #tpu.memory_space<vmem>>, vector<1x32xbf16>,
        %swap3A_107 = vector.shape_cast %swap3A_106 : vector<1x32xbf16> to vector<32xbf16>
        %swap3A_108 = vector.shape_cast %add3A_103 : vector<32xbf16> to vector<1x32xbf16>
        tpu.vector_store %arg11[%swap3A_104, %swap3A_105], %swap3A_108 {strides = array<i32>} : memref<128x64xbf16, #tpu.memory_space<vmem>>, vector<1x32xbf16>,
        %scan3A_109 = arith.constant 1 : i32
        %scan3A_110 = arith.addi %scan3A_82, %scan3A_109 : i32
        %get3A_111 = arith.index_cast %scan3A_110 : i32 to index
        %get3A_112 = arith.constant 0 : index
        %get3A_113 = tpu.vector_load %arg11[%get3A_111, %get3A_112] {strides = array<i32>} : memref<128x64xbf16, #tpu.memory_space<vmem>>, vector<1x32xbf16>,
        %get3A_114 = vector.shape_cast %get3A_113 : vector<1x32xbf16> to vector<32xbf16>
        %get3A_115 = arith.index_cast %scan3A_110 : i32 to index
        %get3A_116 = arith.constant 0 : index
        %get3A_117 = tpu.vector_load %arg12[%get3A_115, %get3A_116] {strides = array<i32>} : memref<128x64xbf16, #tpu.memory_space<vmem>>, vector<1x32xbf16>,
        %get3A_118 = vector.shape_cast %get3A_117 : vector<1x32xbf16> to vector<32xbf16>
        %add3A_119 = arith.addf %get3A_114, %get3A_118 : vector<32xbf16>
        %swap3A_120 = arith.index_cast %scan3A_110 : i32 to index
        %swap3A_121 = arith.constant 0 : index
        %swap3A_122 = tpu.vector_load %arg11[%swap3A_120, %swap3A_121] {strides = array<i32>} : memref<128x64xbf16, #tpu.memory_space<vmem>>, vector<1x32xbf16>,
        %swap3A_123 = vector.shape_cast %swap3A_122 : vector<1x32xbf16> to vector<32xbf16>
        %swap3A_124 = vector.shape_cast %add3A_119 : vector<32xbf16> to vector<1x32xbf16>
        tpu.vector_store %arg11[%swap3A_120, %swap3A_121], %swap3A_124 {strides = array<i32>} : memref<128x64xbf16, #tpu.memory_space<vmem>>, vector<1x32xbf16>,
        %get3A_125 = arith.index_cast %scan3A_110 : i32 to index
        %get3A_126 = arith.constant 32 : index
        %get3A_127 = tpu.vector_load %arg11[%get3A_125, %get3A_126] {strides = array<i32>} : memref<128x64xbf16, #tpu.memory_space<vmem>>, vector<1x32xbf16>,
        %get3A_128 = vector.shape_cast %get3A_127 : vector<1x32xbf16> to vector<32xbf16>
        %get3A_129 = arith.index_cast %scan3A_110 : i32 to index
        %get3A_130 = arith.constant 32 : index
        %get3A_131 = tpu.vector_load %arg12[%get3A_129, %get3A_130] {strides = array<i32>} : memref<128x64xbf16, #tpu.memory_space<vmem>>, vector<1x32xbf16>,
        %get3A_132 = vector.shape_cast %get3A_131 : vector<1x32xbf16> to vector<32xbf16>
        %add3A_133 = arith.addf %get3A_128, %get3A_132 : vector<32xbf16>
        %swap3A_134 = arith.index_cast %scan3A_110 : i32 to index
        %swap3A_135 = arith.constant 32 : index
        %swap3A_136 = tpu.vector_load %arg11[%swap3A_134, %swap3A_135] {strides = array<i32>} : memref<128x64xbf16, #tpu.memory_space<vmem>>, vector<1x32xbf16>,
        %swap3A_137 = vector.shape_cast %swap3A_136 : vector<1x32xbf16> to vector<32xbf16>
        %swap3A_138 = vector.shape_cast %add3A_133 : vector<32xbf16> to vector<1x32xbf16>
        tpu.vector_store %arg11[%swap3A_134, %swap3A_135], %swap3A_138 {strides = array<i32>} : memref<128x64xbf16, #tpu.memory_space<vmem>>, vector<1x32xbf16>,
        %scan3A_139 = arith.constant 2 : i32
        %scan3A_140 = arith.addi %scan3A_82, %scan3A_139 : i32
        %get3A_141 = arith.index_cast %scan3A_140 : i32 to index
        %get3A_142 = arith.constant 0 : index
        %get3A_143 = tpu.vector_load %arg11[%get3A_141, %get3A_142] {strides = array<i32>} : memref<128x64xbf16, #tpu.memory_space<vmem>>, vector<1x32xbf16>,
        %get3A_144 = vector.shape_cast %get3A_143 : vector<1x32xbf16> to vector<32xbf16>
        %get3A_145 = arith.index_cast %scan3A_140 : i32 to index
        %get3A_146 = arith.constant 0 : index
        %get3A_147 = tpu.vector_load %arg12[%get3A_145, %get3A_146] {strides = array<i32>} : memref<128x64xbf16, #tpu.memory_space<vmem>>, vector<1x32xbf16>,
        %get3A_148 = vector.shape_cast %get3A_147 : vector<1x32xbf16> to vector<32xbf16>
        %add3A_149 = arith.addf %get3A_144, %get3A_148 : vector<32xbf16>
        %swap3A_150 = arith.index_cast %scan3A_140 : i32 to index
        %swap3A_151 = arith.constant 0 : index
        %swap3A_152 = tpu.vector_load %arg11[%swap3A_150, %swap3A_151] {strides = array<i32>} : memref<128x64xbf16, #tpu.memory_space<vmem>>, vector<1x32xbf16>,
        %swap3A_153 = vector.shape_cast %swap3A_152 : vector<1x32xbf16> to vector<32xbf16>
        %swap3A_154 = vector.shape_cast %add3A_149 : vector<32xbf16> to vector<1x32xbf16>
        tpu.vector_store %arg11[%swap3A_150, %swap3A_151], %swap3A_154 {strides = array<i32>} : memref<128x64xbf16, #tpu.memory_space<vmem>>, vector<1x32xbf16>,
        %get3A_155 = arith.index_cast %scan3A_140 : i32 to index
        %get3A_156 = arith.constant 32 : index
        %get3A_157 = tpu.vector_load %arg11[%get3A_155, %get3A_156] {strides = array<i32>} : memref<128x64xbf16, #tpu.memory_space<vmem>>, vector<1x32xbf16>,
        %get3A_158 = vector.shape_cast %get3A_157 : vector<1x32xbf16> to vector<32xbf16>
        %get3A_159 = arith.index_cast %scan3A_140 : i32 to index
        %get3A_160 = arith.constant 32 : index
        %get3A_161 = tpu.vector_load %arg12[%get3A_159, %get3A_160] {strides = array<i32>} : memref<128x64xbf16, #tpu.memory_space<vmem>>, vector<1x32xbf16>,
        %get3A_162 = vector.shape_cast %get3A_161 : vector<1x32xbf16> to vector<32xbf16>
        %add3A_163 = arith.addf %get3A_158, %get3A_162 : vector<32xbf16>
        %swap3A_164 = arith.index_cast %scan3A_140 : i32 to index
        %swap3A_165 = arith.constant 32 : index
        %swap3A_166 = tpu.vector_load %arg11[%swap3A_164, %swap3A_165] {strides = array<i32>} : memref<128x64xbf16, #tpu.memory_space<vmem>>, vector<1x32xbf16>,
        %swap3A_167 = vector.shape_cast %swap3A_166 : vector<1x32xbf16> to vector<32xbf16>
        %swap3A_168 = vector.shape_cast %add3A_163 : vector<32xbf16> to vector<1x32xbf16>
        tpu.vector_store %arg11[%swap3A_164, %swap3A_165], %swap3A_168 {strides = array<i32>} : memref<128x64xbf16, #tpu.memory_space<vmem>>, vector<1x32xbf16>,
        %scan3A_169 = arith.constant 3 : i32
        %scan3A_170 = arith.addi %scan3A_82, %scan3A_169 : i32
        %get3A_171 = arith.index_cast %scan3A_170 : i32 to index
        %get3A_172 = arith.constant 0 : index
        %get3A_173 = tpu.vector_load %arg11[%get3A_171, %get3A_172] {strides = array<i32>} : memref<128x64xbf16, #tpu.memory_space<vmem>>, vector<1x32xbf16>,
        %get3A_174 = vector.shape_cast %get3A_173 : vector<1x32xbf16> to vector<32xbf16>
        %get3A_175 = arith.index_cast %scan3A_170 : i32 to index
        %get3A_176 = arith.constant 0 : index
        %get3A_177 = tpu.vector_load %arg12[%get3A_175, %get3A_176] {strides = array<i32>} : memref<128x64xbf16, #tpu.memory_space<vmem>>, vector<1x32xbf16>,
        %get3A_178 = vector.shape_cast %get3A_177 : vector<1x32xbf16> to vector<32xbf16>
        %add3A_179 = arith.addf %get3A_174, %get3A_178 : vector<32xbf16>
        %swap3A_180 = arith.index_cast %scan3A_170 : i32 to index
        %swap3A_181 = arith.constant 0 : index
        %swap3A_182 = tpu.vector_load %arg11[%swap3A_180, %swap3A_181] {strides = array<i32>} : memref<128x64xbf16, #tpu.memory_space<vmem>>, vector<1x32xbf16>,
        %swap3A_183 = vector.shape_cast %swap3A_182 : vector<1x32xbf16> to vector<32xbf16>
        %swap3A_184 = vector.shape_cast %add3A_179 : vector<32xbf16> to vector<1x32xbf16>
        tpu.vector_store %arg11[%swap3A_180, %swap3A_181], %swap3A_184 {strides = array<i32>} : memref<128x64xbf16, #tpu.memory_space<vmem>>, vector<1x32xbf16>,
        %get3A_185 = arith.index_cast %scan3A_170 : i32 to index
        %get3A_186 = arith.constant 32 : index
        %get3A_187 = tpu.vector_load %arg11[%get3A_185, %get3A_186] {strides = array<i32>} : memref<128x64xbf16, #tpu.memory_space<vmem>>, vector<1x32xbf16>,
        %get3A_188 = vector.shape_cast %get3A_187 : vector<1x32xbf16> to vector<32xbf16>
        %get3A_189 = arith.index_cast %scan3A_170 : i32 to index
        %get3A_190 = arith.constant 32 : index
        %get3A_191 = tpu.vector_load %arg12[%get3A_189, %get3A_190] {strides = array<i32>} : memref<128x64xbf16, #tpu.memory_space<vmem>>, vector<1x32xbf16>,
        %get3A_192 = vector.shape_cast %get3A_191 : vector<1x32xbf16> to vector<32xbf16>
        %add3A_193 = arith.addf %get3A_188, %get3A_192 : vector<32xbf16>
        %swap3A_194 = arith.index_cast %scan3A_170 : i32 to index
        %swap3A_195 = arith.constant 32 : index
        %swap3A_196 = tpu.vector_load %arg11[%swap3A_194, %swap3A_195] {strides = array<i32>} : memref<128x64xbf16, #tpu.memory_space<vmem>>, vector<1x32xbf16>,
        %swap3A_197 = vector.shape_cast %swap3A_196 : vector<1x32xbf16> to vector<32xbf16>
        %swap3A_198 = vector.shape_cast %add3A_193 : vector<32xbf16> to vector<1x32xbf16>
        tpu.vector_store %arg11[%swap3A_194, %swap3A_195], %swap3A_198 {strides = array<i32>} : memref<128x64xbf16, #tpu.memory_space<vmem>>, vector<1x32xbf16>,
        %scan3A_199 = arith.constant 4 : i32
        %scan3A_200 = arith.addi %scan3A_82, %scan3A_199 : i32
        %get3A_201 = arith.index_cast %scan3A_200 : i32 to index
        %get3A_202 = arith.constant 0 : index
        %get3A_203 = tpu.vector_load %arg11[%get3A_201, %get3A_202] {strides = array<i32>} : memref<128x64xbf16, #tpu.memory_space<vmem>>, vector<1x32xbf16>,
        %get3A_204 = vector.shape_cast %get3A_203 : vector<1x32xbf16> to vector<32xbf16>
        %get3A_205 = arith.index_cast %scan3A_200 : i32 to index
        %get3A_206 = arith.constant 0 : index
        %get3A_207 = tpu.vector_load %arg12[%get3A_205, %get3A_206] {strides = array<i32>} : memref<128x64xbf16, #tpu.memory_space<vmem>>, vector<1x32xbf16>,
        %get3A_208 = vector.shape_cast %get3A_207 : vector<1x32xbf16> to vector<32xbf16>
        %add3A_209 = arith.addf %get3A_204, %get3A_208 : vector<32xbf16>
        %swap3A_210 = arith.index_cast %scan3A_200 : i32 to index
        %swap3A_211 = arith.constant 0 : index
        %swap3A_212 = tpu.vector_load %arg11[%swap3A_210, %swap3A_211] {strides = array<i32>} : memref<128x64xbf16, #tpu.memory_space<vmem>>, vector<1x32xbf16>,
        %swap3A_213 = vector.shape_cast %swap3A_212 : vector<1x32xbf16> to vector<32xbf16>
        %swap3A_214 = vector.shape_cast %add3A_209 : vector<32xbf16> to vector<1x32xbf16>
        tpu.vector_store %arg11[%swap3A_210, %swap3A_211], %swap3A_214 {strides = array<i32>} : memref<128x64xbf16, #tpu.memory_space<vmem>>, vector<1x32xbf16>,
        %get3A_215 = arith.index_cast %scan3A_200 : i32 to index
        %get3A_216 = arith.constant 32 : index
        %get3A_217 = tpu.vector_load %arg11[%get3A_215, %get3A_216] {strides = array<i32>} : memref<128x64xbf16, #tpu.memory_space<vmem>>, vector<1x32xbf16>,
        %get3A_218 = vector.shape_cast %get3A_217 : vector<1x32xbf16> to vector<32xbf16>
        %get3A_219 = arith.index_cast %scan3A_200 : i32 to index
        %get3A_220 = arith.constant 32 : index
        %get3A_221 = tpu.vector_load %arg12[%get3A_219, %get3A_220] {strides = array<i32>} : memref<128x64xbf16, #tpu.memory_space<vmem>>, vector<1x32xbf16>,
        %get3A_222 = vector.shape_cast %get3A_221 : vector<1x32xbf16> to vector<32xbf16>
        %add3A_223 = arith.addf %get3A_218, %get3A_222 : vector<32xbf16>
        %swap3A_224 = arith.index_cast %scan3A_200 : i32 to index
        %swap3A_225 = arith.constant 32 : index
        %swap3A_226 = tpu.vector_load %arg11[%swap3A_224, %swap3A_225] {strides = array<i32>} : memref<128x64xbf16, #tpu.memory_space<vmem>>, vector<1x32xbf16>,
        %swap3A_227 = vector.shape_cast %swap3A_226 : vector<1x32xbf16> to vector<32xbf16>
        %swap3A_228 = vector.shape_cast %add3A_223 : vector<32xbf16> to vector<1x32xbf16>
        tpu.vector_store %arg11[%swap3A_224, %swap3A_225], %swap3A_228 {strides = array<i32>} : memref<128x64xbf16, #tpu.memory_space<vmem>>, vector<1x32xbf16>,
        %scan3A_229 = arith.constant 5 : i32
        %scan3A_230 = arith.addi %scan3A_82, %scan3A_229 : i32
        %get3A_231 = arith.index_cast %scan3A_230 : i32 to index
        %get3A_232 = arith.constant 0 : index
        %get3A_233 = tpu.vector_load %arg11[%get3A_231, %get3A_232] {strides = array<i32>} : memref<128x64xbf16, #tpu.memory_space<vmem>>, vector<1x32xbf16>,
        %get3A_234 = vector.shape_cast %get3A_233 : vector<1x32xbf16> to vector<32xbf16>
        %get3A_235 = arith.index_cast %scan3A_230 : i32 to index
        %get3A_236 = arith.constant 0 : index
        %get3A_237 = tpu.vector_load %arg12[%get3A_235, %get3A_236] {strides = array<i32>} : memref<128x64xbf16, #tpu.memory_space<vmem>>, vector<1x32xbf16>,
        %get3A_238 = vector.shape_cast %get3A_237 : vector<1x32xbf16> to vector<32xbf16>
        %add3A_239 = arith.addf %get3A_234, %get3A_238 : vector<32xbf16>
        %swap3A_240 = arith.index_cast %scan3A_230 : i32 to index
        %swap3A_241 = arith.constant 0 : index
        %swap3A_242 = tpu.vector_load %arg11[%swap3A_240, %swap3A_241] {strides = array<i32>} : memref<128x64xbf16, #tpu.memory_space<vmem>>, vector<1x32xbf16>,
        %swap3A_243 = vector.shape_cast %swap3A_242 : vector<1x32xbf16> to vector<32xbf16>
        %swap3A_244 = vector.shape_cast %add3A_239 : vector<32xbf16> to vector<1x32xbf16>
        tpu.vector_store %arg11[%swap3A_240, %swap3A_241], %swap3A_244 {strides = array<i32>} : memref<128x64xbf16, #tpu.memory_space<vmem>>, vector<1x32xbf16>,
        %get3A_245 = arith.index_cast %scan3A_230 : i32 to index
        %get3A_246 = arith.constant 32 : index
        %get3A_247 = tpu.vector_load %arg11[%get3A_245, %get3A_246] {strides = array<i32>} : memref<128x64xbf16, #tpu.memory_space<vmem>>, vector<1x32xbf16>,
        %get3A_248 = vector.shape_cast %get3A_247 : vector<1x32xbf16> to vector<32xbf16>
        %get3A_249 = arith.index_cast %scan3A_230 : i32 to index
        %get3A_250 = arith.constant 32 : index
        %get3A_251 = tpu.vector_load %arg12[%get3A_249, %get3A_250] {strides = array<i32>} : memref<128x64xbf16, #tpu.memory_space<vmem>>, vector<1x32xbf16>,
        %get3A_252 = vector.shape_cast %get3A_251 : vector<1x32xbf16> to vector<32xbf16>
        %add3A_253 = arith.addf %get3A_248, %get3A_252 : vector<32xbf16>
        %swap3A_254 = arith.index_cast %scan3A_230 : i32 to index
        %swap3A_255 = arith.constant 32 : index
        %swap3A_256 = tpu.vector_load %arg11[%swap3A_254, %swap3A_255] {strides = array<i32>} : memref<128x64xbf16, #tpu.memory_space<vmem>>, vector<1x32xbf16>,
        %swap3A_257 = vector.shape_cast %swap3A_256 : vector<1x32xbf16> to vector<32xbf16>
        %swap3A_258 = vector.shape_cast %add3A_253 : vector<32xbf16> to vector<1x32xbf16>
        tpu.vector_store %arg11[%swap3A_254, %swap3A_255], %swap3A_258 {strides = array<i32>} : memref<128x64xbf16, #tpu.memory_space<vmem>>, vector<1x32xbf16>,
        %scan3A_259 = arith.constant 6 : i32
        %scan3A_260 = arith.addi %scan3A_82, %scan3A_259 : i32
        %get3A_261 = arith.index_cast %scan3A_260 : i32 to index
        %get3A_262 = arith.constant 0 : index
        %get3A_263 = tpu.vector_load %arg11[%get3A_261, %get3A_262] {strides = array<i32>} : memref<128x64xbf16, #tpu.memory_space<vmem>>, vector<1x32xbf16>,
        %get3A_264 = vector.shape_cast %get3A_263 : vector<1x32xbf16> to vector<32xbf16>
        %get3A_265 = arith.index_cast %scan3A_260 : i32 to index
        %get3A_266 = arith.constant 0 : index
        %get3A_267 = tpu.vector_load %arg12[%get3A_265, %get3A_266] {strides = array<i32>} : memref<128x64xbf16, #tpu.memory_space<vmem>>, vector<1x32xbf16>,
        %get3A_268 = vector.shape_cast %get3A_267 : vector<1x32xbf16> to vector<32xbf16>
        %add3A_269 = arith.addf %get3A_264, %get3A_268 : vector<32xbf16>
        %swap3A_270 = arith.index_cast %scan3A_260 : i32 to index
        %swap3A_271 = arith.constant 0 : index
        %swap3A_272 = tpu.vector_load %arg11[%swap3A_270, %swap3A_271] {strides = array<i32>} : memref<128x64xbf16, #tpu.memory_space<vmem>>, vector<1x32xbf16>,
        %swap3A_273 = vector.shape_cast %swap3A_272 : vector<1x32xbf16> to vector<32xbf16>
        %swap3A_274 = vector.shape_cast %add3A_269 : vector<32xbf16> to vector<1x32xbf16>
        tpu.vector_store %arg11[%swap3A_270, %swap3A_271], %swap3A_274 {strides = array<i32>} : memref<128x64xbf16, #tpu.memory_space<vmem>>, vector<1x32xbf16>,
        %get3A_275 = arith.index_cast %scan3A_260 : i32 to index
        %get3A_276 = arith.constant 32 : index
        %get3A_277 = tpu.vector_load %arg11[%get3A_275, %get3A_276] {strides = array<i32>} : memref<128x64xbf16, #tpu.memory_space<vmem>>, vector<1x32xbf16>,
        %get3A_278 = vector.shape_cast %get3A_277 : vector<1x32xbf16> to vector<32xbf16>
        %get3A_279 = arith.index_cast %scan3A_260 : i32 to index
        %get3A_280 = arith.constant 32 : index
        %get3A_281 = tpu.vector_load %arg12[%get3A_279, %get3A_280] {strides = array<i32>} : memref<128x64xbf16, #tpu.memory_space<vmem>>, vector<1x32xbf16>,
        %get3A_282 = vector.shape_cast %get3A_281 : vector<1x32xbf16> to vector<32xbf16>
        %add3A_283 = arith.addf %get3A_278, %get3A_282 : vector<32xbf16>
        %swap3A_284 = arith.index_cast %scan3A_260 : i32 to index
        %swap3A_285 = arith.constant 32 : index
        %swap3A_286 = tpu.vector_load %arg11[%swap3A_284, %swap3A_285] {strides = array<i32>} : memref<128x64xbf16, #tpu.memory_space<vmem>>, vector<1x32xbf16>,
        %swap3A_287 = vector.shape_cast %swap3A_286 : vector<1x32xbf16> to vector<32xbf16>
        %swap3A_288 = vector.shape_cast %add3A_283 : vector<32xbf16> to vector<1x32xbf16>
        tpu.vector_store %arg11[%swap3A_284, %swap3A_285], %swap3A_288 {strides = array<i32>} : memref<128x64xbf16, #tpu.memory_space<vmem>>, vector<1x32xbf16>,
        %scan3A_289 = arith.constant 7 : i32
        %scan3A_290 = arith.addi %scan3A_82, %scan3A_289 : i32
        %get3A_291 = arith.index_cast %scan3A_290 : i32 to index
        %get3A_292 = arith.constant 0 : index
        %get3A_293 = tpu.vector_load %arg11[%get3A_291, %get3A_292] {strides = array<i32>} : memref<128x64xbf16, #tpu.memory_space<vmem>>, vector<1x32xbf16>,
        %get3A_294 = vector.shape_cast %get3A_293 : vector<1x32xbf16> to vector<32xbf16>
        %get3A_295 = arith.index_cast %scan3A_290 : i32 to index
        %get3A_296 = arith.constant 0 : index
        %get3A_297 = tpu.vector_load %arg12[%get3A_295, %get3A_296] {strides = array<i32>} : memref<128x64xbf16, #tpu.memory_space<vmem>>, vector<1x32xbf16>,
        %get3A_298 = vector.shape_cast %get3A_297 : vector<1x32xbf16> to vector<32xbf16>
        %add3A_299 = arith.addf %get3A_294, %get3A_298 : vector<32xbf16>
        %swap3A_300 = arith.index_cast %scan3A_290 : i32 to index
        %swap3A_301 = arith.constant 0 : index
        %swap3A_302 = tpu.vector_load %arg11[%swap3A_300, %swap3A_301] {strides = array<i32>} : memref<128x64xbf16, #tpu.memory_space<vmem>>, vector<1x32xbf16>,
        %swap3A_303 = vector.shape_cast %swap3A_302 : vector<1x32xbf16> to vector<32xbf16>
        %swap3A_304 = vector.shape_cast %add3A_299 : vector<32xbf16> to vector<1x32xbf16>
        tpu.vector_store %arg11[%swap3A_300, %swap3A_301], %swap3A_304 {strides = array<i32>} : memref<128x64xbf16, #tpu.memory_space<vmem>>, vector<1x32xbf16>,
        %get3A_305 = arith.index_cast %scan3A_290 : i32 to index
        %get3A_306 = arith.constant 32 : index
        %get3A_307 = tpu.vector_load %arg11[%get3A_305, %get3A_306] {strides = array<i32>} : memref<128x64xbf16, #tpu.memory_space<vmem>>, vector<1x32xbf16>,
        %get3A_308 = vector.shape_cast %get3A_307 : vector<1x32xbf16> to vector<32xbf16>
        %get3A_309 = arith.index_cast %scan3A_290 : i32 to index
        %get3A_310 = arith.constant 32 : index
        %get3A_311 = tpu.vector_load %arg12[%get3A_309, %get3A_310] {strides = array<i32>} : memref<128x64xbf16, #tpu.memory_space<vmem>>, vector<1x32xbf16>,
        %get3A_312 = vector.shape_cast %get3A_311 : vector<1x32xbf16> to vector<32xbf16>
        %add3A_313 = arith.addf %get3A_308, %get3A_312 : vector<32xbf16>
        %swap3A_314 = arith.index_cast %scan3A_290 : i32 to index
        %swap3A_315 = arith.constant 32 : index
        %swap3A_316 = tpu.vector_load %arg11[%swap3A_314, %swap3A_315] {strides = array<i32>} : memref<128x64xbf16, #tpu.memory_space<vmem>>, vector<1x32xbf16>,
        %swap3A_317 = vector.shape_cast %swap3A_316 : vector<1x32xbf16> to vector<32xbf16>
        %swap3A_318 = vector.shape_cast %add3A_313 : vector<32xbf16> to vector<1x32xbf16>
        tpu.vector_store %arg11[%swap3A_314, %swap3A_315], %swap3A_318 {strides = array<i32>} : memref<128x64xbf16, #tpu.memory_space<vmem>>, vector<1x32xbf16>,
      }
      %scan3A_78 = arith.constant 128 : i32
      %add3A_79 = arith.addi %mul3A_2, %add3A_53 : i32
      %mul3A_80 = arith.constant 128 : i32
      %mul3A_81 = arith.muli %add3A_79, %mul3A_80 : i32
      "tpu.region"() ({
        %run_scoped3A = tpu.sem_alloc : memref<!tpu.dma_semaphore, #tpu.memory_space<semaphore_mem>>
        %dma_start3A_82 = arith.constant 0 : i32
        %dma_start3A_83 = tpu.memref_slice %arg6[%mul3A_81, %dma_start3A_82] : memref<802816x64xbf16, #tpu.memory_space<hbm>> -> memref<128x64xbf16, #tpu.memory_space<hbm>>
        %dma_start3A_84 = arith.constant 0 : i32
        %dma_start3A_85 = tpu.memref_slice %arg6[%mul3A_81, %dma_start3A_84] : memref<802816x64xbf16, #tpu.memory_space<hbm>> -> memref<128x64xbf16, #tpu.memory_space<hbm>>
        tpu.enqueue_dma source(%arg11 : memref<128x64xbf16, #tpu.memory_space<vmem>>) target(%dma_start3A_85 : memref<128x64xbf16, #tpu.memory_space<hbm>>) target_semaphore(%run_scoped3A : memref<!tpu.dma_semaphore, #tpu.memory_space<semaphore_mem>>)
        %dma_wait3A_86 = arith.constant 0 : i32
        %dma_wait3A_87 = tpu.memref_slice %arg6[%mul3A_81, %dma_wait3A_86] : memref<802816x64xbf16, #tpu.memory_space<hbm>> -> memref<128x64xbf16, #tpu.memory_space<hbm>>
        %dma_wait3A_88 = arith.constant 0 : i32
        %dma_wait3A_89 = tpu.memref_slice %arg6[%mul3A_81, %dma_wait3A_88] : memref<802816x64xbf16, #tpu.memory_space<hbm>> -> memref<128x64xbf16, #tpu.memory_space<hbm>>
        tpu.wait_dma2 semaphore(%run_scoped3A : memref<!tpu.dma_semaphore, #tpu.memory_space<semaphore_mem>>) src(%arg11 : memref<128x64xbf16, #tpu.memory_space<vmem>>) dst(%dma_wait3A_89 : memref<128x64xbf16, #tpu.memory_space<hbm>>)
        tpu.yield
      }) : () -> ()
    }
    %scan3A_20 = arith.constant 98 : i32
    return
  }
}

#map = affine_map<(d0, d1) -> (0, 0)>
module attributes {stable_mosaic.version = 14 : i64} {
  func.func @_gather_body(%arg0: i32, %arg1: i32, %arg2: memref<50000x64xbf16, #tpu.memory_space<hbm>>, %arg3: memref<50000x64xbf16, #tpu.memory_space<hbm>>, %arg4: memref<6272x128xi32, #tpu.memory_space<hbm>>, %arg5: memref<6272x128xi32, #tpu.memory_space<hbm>>, %arg6: memref<802816x64xbf16, #tpu.memory_space<hbm>>, %arg7: memref<196x128xi32, #tpu.memory_space<vmem>>, %arg8: memref<196x128xi32, #tpu.memory_space<vmem>>, %arg9: memref<128x64xbf16, #tpu.memory_space<vmem>>, %arg10: memref<128x64xbf16, #tpu.memory_space<vmem>>, %arg11: memref<128x64xbf16, #tpu.memory_space<vmem>>, %arg12: memref<128x64xbf16, #tpu.memory_space<vmem>>, %arg13: memref<!tpu.dma_semaphore, #tpu.memory_space<semaphore_mem>>, %arg14: memref<!tpu.dma_semaphore, #tpu.memory_space<semaphore_mem>>) attributes {dimension_semantics = [#tpu.dimension_semantics<core_parallel>, #tpu.dimension_semantics<subcore_parallel>], iteration_bounds = array<i64: 2, 16>, scalar_prefetch = 0 : i64, scratch_operands = 8 : i64, tpu.core_type = #tpu.core_type<sc_vector_subcore>, window_params = [{transform_indices = #map}, {transform_indices = #map}, {transform_indices = #map}, {transform_indices = #map}, {transform_indices = #map}]} {
    %mul3A = arith.constant 16 : i32
    %mul3A_0 = arith.muli %arg0, %mul3A : i32
    %add3A = arith.addi %mul3A_0, %arg1 : i32
    %mul3A_1 = arith.constant 196 : i32
    %mul3A_2 = arith.muli %add3A, %mul3A_1 : i32
    "tpu.region"() ({
      %run_scoped3A = tpu.sem_alloc : memref<!tpu.dma_semaphore, #tpu.memory_space<semaphore_mem>>
      %dma_start3A_21 = arith.constant 0 : i32
      %dma_start3A_22 = tpu.memref_slice %arg4[%mul3A_2, %dma_start3A_21] : memref<6272x128xi32, #tpu.memory_space<hbm>> -> memref<196x128xi32, #tpu.memory_space<hbm>>
      %dma_start3A_23 = arith.constant 0 : i32
      %dma_start3A_24 = tpu.memref_slice %arg4[%mul3A_2, %dma_start3A_23] : memref<6272x128xi32, #tpu.memory_space<hbm>> -> memref<196x128xi32, #tpu.memory_space<hbm>>
      tpu.enqueue_dma source(%dma_start3A_24 : memref<196x128xi32, #tpu.memory_space<hbm>>) target(%arg7 : memref<196x128xi32, #tpu.memory_space<vmem>>) target_semaphore(%run_scoped3A : memref<!tpu.dma_semaphore, #tpu.memory_space<semaphore_mem>>)
      %dma_wait3A = arith.constant 0 : i32
      %dma_wait3A_25 = tpu.memref_slice %arg4[%mul3A_2, %dma_wait3A] : memref<6272x128xi32, #tpu.memory_space<hbm>> -> memref<196x128xi32, #tpu.memory_space<hbm>>
      %dma_wait3A_26 = arith.constant 0 : i32
      %dma_wait3A_27 = tpu.memref_slice %arg4[%mul3A_2, %dma_wait3A_26] : memref<6272x128xi32, #tpu.memory_space<hbm>> -> memref<196x128xi32, #tpu.memory_space<hbm>>
      tpu.wait_dma2 semaphore(%run_scoped3A : memref<!tpu.dma_semaphore, #tpu.memory_space<semaphore_mem>>) src(%dma_wait3A_27 : memref<196x128xi32, #tpu.memory_space<hbm>>) dst(%arg7 : memref<196x128xi32, #tpu.memory_space<vmem>>)
      tpu.yield
    }) : () -> ()
    "tpu.region"() ({
      %run_scoped3A = tpu.sem_alloc : memref<!tpu.dma_semaphore, #tpu.memory_space<semaphore_mem>>
      %dma_start3A_21 = arith.constant 0 : i32
      %dma_start3A_22 = tpu.memref_slice %arg5[%mul3A_2, %dma_start3A_21] : memref<6272x128xi32, #tpu.memory_space<hbm>> -> memref<196x128xi32, #tpu.memory_space<hbm>>
      %dma_start3A_23 = arith.constant 0 : i32
      %dma_start3A_24 = tpu.memref_slice %arg5[%mul3A_2, %dma_start3A_23] : memref<6272x128xi32, #tpu.memory_space<hbm>> -> memref<196x128xi32, #tpu.memory_space<hbm>>
      tpu.enqueue_dma source(%dma_start3A_24 : memref<196x128xi32, #tpu.memory_space<hbm>>) target(%arg8 : memref<196x128xi32, #tpu.memory_space<vmem>>) target_semaphore(%run_scoped3A : memref<!tpu.dma_semaphore, #tpu.memory_space<semaphore_mem>>)
      %dma_wait3A = arith.constant 0 : i32
      %dma_wait3A_25 = tpu.memref_slice %arg5[%mul3A_2, %dma_wait3A] : memref<6272x128xi32, #tpu.memory_space<hbm>> -> memref<196x128xi32, #tpu.memory_space<hbm>>
      %dma_wait3A_26 = arith.constant 0 : i32
      %dma_wait3A_27 = tpu.memref_slice %arg5[%mul3A_2, %dma_wait3A_26] : memref<6272x128xi32, #tpu.memory_space<hbm>> -> memref<196x128xi32, #tpu.memory_space<hbm>>
      tpu.wait_dma2 semaphore(%run_scoped3A : memref<!tpu.dma_semaphore, #tpu.memory_space<semaphore_mem>>) src(%dma_wait3A_27 : memref<196x128xi32, #tpu.memory_space<hbm>>) dst(%arg8 : memref<196x128xi32, #tpu.memory_space<vmem>>)
      tpu.yield
    }) : () -> ()
    %dma_start3A = arith.constant 0 : i32
    %dma_start3A_3 = arith.constant 0 : i32
    %dma_start3A_4 = tpu.memref_slice %arg7[%dma_start3A, %dma_start3A_3] : memref<196x128xi32, #tpu.memory_space<vmem>> -> memref<1x128xi32, #tpu.memory_space<vmem>>
    %dma_start3A_5 = tpu.memref_squeeze %dma_start3A_4 : memref<1x128xi32, #tpu.memory_space<vmem>> -> memref<128xi32, #tpu.memory_space<vmem>>
    %dma_start3A_6 = arith.constant 0 : i32
    %dma_start3A_7 = arith.constant 0 : i32
    %dma_start3A_8 = tpu.memref_slice %arg2[%dma_start3A_6, %dma_start3A_7] : memref<50000x64xbf16, #tpu.memory_space<hbm>> -> memref<50000x64xbf16, #tpu.memory_space<hbm>>
    tpu.enqueue_indirect_dma source(%dma_start3A_8 : memref<50000x64xbf16, #tpu.memory_space<hbm>>) target(%arg9 : memref<128x64xbf16, #tpu.memory_space<vmem>>) offsets(%dma_start3A_5 : memref<128xi32, #tpu.memory_space<vmem>>) semaphore(%arg13 : memref<!tpu.dma_semaphore, #tpu.memory_space<semaphore_mem>>)
    %dma_start3A_9 = arith.constant 0 : i32
    %dma_start3A_10 = arith.constant 0 : i32
    %dma_start3A_11 = tpu.memref_slice %arg8[%dma_start3A_9, %dma_start3A_10] : memref<196x128xi32, #tpu.memory_space<vmem>> -> memref<1x128xi32, #tpu.memory_space<vmem>>
    %dma_start3A_12 = tpu.memref_squeeze %dma_start3A_11 : memref<1x128xi32, #tpu.memory_space<vmem>> -> memref<128xi32, #tpu.memory_space<vmem>>
    %dma_start3A_13 = arith.constant 0 : i32
    %dma_start3A_14 = arith.constant 0 : i32
    %dma_start3A_15 = tpu.memref_slice %arg3[%dma_start3A_13, %dma_start3A_14] : memref<50000x64xbf16, #tpu.memory_space<hbm>> -> memref<50000x64xbf16, #tpu.memory_space<hbm>>
    tpu.enqueue_indirect_dma source(%dma_start3A_15 : memref<50000x64xbf16, #tpu.memory_space<hbm>>) target(%arg10 : memref<128x64xbf16, #tpu.memory_space<vmem>>) offsets(%dma_start3A_12 : memref<128xi32, #tpu.memory_space<vmem>>) semaphore(%arg13 : memref<!tpu.dma_semaphore, #tpu.memory_space<semaphore_mem>>)
    %scan3A = arith.constant 0 : i32
    %scan3A_16 = arith.constant 0 : i32
    %scan3A_17 = arith.constant 98 : i32
    %scan3A_18 = arith.addi %scan3A_16, %scan3A_17 : i32
    %scan3A_19 = arith.constant 1 : i32
    scf.for %scan3A_21 = %scan3A_16 to %scan3A_18 step %scan3A_19  : i32 {
      %mul3A_22 = arith.constant 2 : i32
      %mul3A_23 = arith.muli %scan3A_21, %mul3A_22 : i32
      %add3A_24 = arith.constant 0 : i32
      %add3A_25 = arith.addi %mul3A_23, %add3A_24 : i32
      %add3A_26 = arith.constant 1 : i32
      %add3A_27 = arith.addi %add3A_25, %add3A_26 : i32
      %lt3A = arith.constant 196 : i32
      %lt3A_28 = arith.cmpi slt, %add3A_27, %lt3A : i32
      %convert_element_type3A = arith.extui %lt3A_28 : i1 to i32
      %cond3A = arith.constant 0 : i32
      %cond3A_29 = arith.cmpi ne, %convert_element_type3A, %cond3A : i32
      scf.if %cond3A_29 {
        %add3A_82 = arith.constant 1 : i32
        %add3A_83 = arith.addi %add3A_25, %add3A_82 : i32
        %dma_start3A_84 = arith.constant 0 : i32
        %dma_start3A_85 = tpu.memref_slice %arg7[%add3A_83, %dma_start3A_84] : memref<196x128xi32, #tpu.memory_space<vmem>> -> memref<1x128xi32, #tpu.memory_space<vmem>>
        %dma_start3A_86 = tpu.memref_squeeze %dma_start3A_85 : memref<1x128xi32, #tpu.memory_space<vmem>> -> memref<128xi32, #tpu.memory_space<vmem>>
        %dma_start3A_87 = arith.constant 0 : i32
        %dma_start3A_88 = arith.constant 0 : i32
        %dma_start3A_89 = tpu.memref_slice %arg2[%dma_start3A_87, %dma_start3A_88] : memref<50000x64xbf16, #tpu.memory_space<hbm>> -> memref<50000x64xbf16, #tpu.memory_space<hbm>>
        tpu.enqueue_indirect_dma source(%dma_start3A_89 : memref<50000x64xbf16, #tpu.memory_space<hbm>>) target(%arg11 : memref<128x64xbf16, #tpu.memory_space<vmem>>) offsets(%dma_start3A_86 : memref<128xi32, #tpu.memory_space<vmem>>) semaphore(%arg14 : memref<!tpu.dma_semaphore, #tpu.memory_space<semaphore_mem>>)
        %dma_start3A_90 = arith.constant 0 : i32
        %dma_start3A_91 = tpu.memref_slice %arg8[%add3A_83, %dma_start3A_90] : memref<196x128xi32, #tpu.memory_space<vmem>> -> memref<1x128xi32, #tpu.memory_space<vmem>>
        %dma_start3A_92 = tpu.memref_squeeze %dma_start3A_91 : memref<1x128xi32, #tpu.memory_space<vmem>> -> memref<128xi32, #tpu.memory_space<vmem>>
        %dma_start3A_93 = arith.constant 0 : i32
        %dma_start3A_94 = arith.constant 0 : i32
        %dma_start3A_95 = tpu.memref_slice %arg3[%dma_start3A_93, %dma_start3A_94] : memref<50000x64xbf16, #tpu.memory_space<hbm>> -> memref<50000x64xbf16, #tpu.memory_space<hbm>>
        tpu.enqueue_indirect_dma source(%dma_start3A_95 : memref<50000x64xbf16, #tpu.memory_space<hbm>>) target(%arg12 : memref<128x64xbf16, #tpu.memory_space<vmem>>) offsets(%dma_start3A_92 : memref<128xi32, #tpu.memory_space<vmem>>) semaphore(%arg14 : memref<!tpu.dma_semaphore, #tpu.memory_space<semaphore_mem>>)
      } else {
      }
      %dma_wait3A = arith.constant 0 : i32
      %dma_wait3A_30 = tpu.memref_slice %arg7[%add3A_25, %dma_wait3A] : memref<196x128xi32, #tpu.memory_space<vmem>> -> memref<1x128xi32, #tpu.memory_space<vmem>>
      %dma_wait3A_31 = tpu.memref_squeeze %dma_wait3A_30 : memref<1x128xi32, #tpu.memory_space<vmem>> -> memref<128xi32, #tpu.memory_space<vmem>>
      %dma_wait3A_32 = arith.constant 0 : i32
      %dma_wait3A_33 = arith.constant 0 : i32
      %dma_wait3A_34 = tpu.memref_slice %arg2[%dma_wait3A_32, %dma_wait3A_33] : memref<50000x64xbf16, #tpu.memory_space<hbm>> -> memref<50000x64xbf16, #tpu.memory_space<hbm>>
      tpu.wait_indirect_dma semaphore(%arg13 : memref<!tpu.dma_semaphore, #tpu.memory_space<semaphore_mem>>) src(%dma_wait3A_34 : memref<50000x64xbf16, #tpu.memory_space<hbm>>) dst(%arg9 : memref<128x64xbf16, #tpu.memory_space<vmem>>)
      %dma_wait3A_35 = arith.constant 0 : i32
      %dma_wait3A_36 = tpu.memref_slice %arg8[%add3A_25, %dma_wait3A_35] : memref<196x128xi32, #tpu.memory_space<vmem>> -> memref<1x128xi32, #tpu.memory_space<vmem>>
      %dma_wait3A_37 = tpu.memref_squeeze %dma_wait3A_36 : memref<1x128xi32, #tpu.memory_space<vmem>> -> memref<128xi32, #tpu.memory_space<vmem>>
      %dma_wait3A_38 = arith.constant 0 : i32
      %dma_wait3A_39 = arith.constant 0 : i32
      %dma_wait3A_40 = tpu.memref_slice %arg3[%dma_wait3A_38, %dma_wait3A_39] : memref<50000x64xbf16, #tpu.memory_space<hbm>> -> memref<50000x64xbf16, #tpu.memory_space<hbm>>
      tpu.wait_indirect_dma semaphore(%arg13 : memref<!tpu.dma_semaphore, #tpu.memory_space<semaphore_mem>>) src(%dma_wait3A_40 : memref<50000x64xbf16, #tpu.memory_space<hbm>>) dst(%arg10 : memref<128x64xbf16, #tpu.memory_space<vmem>>)
      %scan3A_41 = arith.constant 0 : i32
      %scan3A_42 = arith.constant 0 : i32
      %scan3A_43 = arith.constant 128 : i32
      %scan3A_44 = arith.addi %scan3A_42, %scan3A_43 : i32
      %scan3A_45 = arith.constant 8 : i32
      scf.for %scan3A_82 = %scan3A_42 to %scan3A_44 step %scan3A_45  : i32 {
        %get3A = arith.index_cast %scan3A_82 : i32 to index
        %get3A_83 = arith.constant 0 : index
        %get3A_84 = tpu.vector_load %arg9[%get3A, %get3A_83] {strides = array<i32>} : memref<128x64xbf16, #tpu.memory_space<vmem>>, vector<1x32xbf16>,
        %get3A_85 = vector.shape_cast %get3A_84 : vector<1x32xbf16> to vector<32xbf16>
        %get3A_86 = arith.index_cast %scan3A_82 : i32 to index
        %get3A_87 = arith.constant 0 : index
        %get3A_88 = tpu.vector_load %arg10[%get3A_86, %get3A_87] {strides = array<i32>} : memref<128x64xbf16, #tpu.memory_space<vmem>>, vector<1x32xbf16>,
        %get3A_89 = vector.shape_cast %get3A_88 : vector<1x32xbf16> to vector<32xbf16>
        %add3A_90 = arith.addf %get3A_85, %get3A_89 : vector<32xbf16>
        %swap3A = arith.index_cast %scan3A_82 : i32 to index
        %swap3A_91 = arith.constant 0 : index
        %swap3A_92 = tpu.vector_load %arg9[%swap3A, %swap3A_91] {strides = array<i32>} : memref<128x64xbf16, #tpu.memory_space<vmem>>, vector<1x32xbf16>,
        %swap3A_93 = vector.shape_cast %swap3A_92 : vector<1x32xbf16> to vector<32xbf16>
        %swap3A_94 = vector.shape_cast %add3A_90 : vector<32xbf16> to vector<1x32xbf16>
        tpu.vector_store %arg9[%swap3A, %swap3A_91], %swap3A_94 {strides = array<i32>} : memref<128x64xbf16, #tpu.memory_space<vmem>>, vector<1x32xbf16>,
        %get3A_95 = arith.index_cast %scan3A_82 : i32 to index
        %get3A_96 = arith.constant 32 : index
        %get3A_97 = tpu.vector_load %arg9[%get3A_95, %get3A_96] {strides = array<i32>} : memref<128x64xbf16, #tpu.memory_space<vmem>>, vector<1x32xbf16>,
        %get3A_98 = vector.shape_cast %get3A_97 : vector<1x32xbf16> to vector<32xbf16>
        %get3A_99 = arith.index_cast %scan3A_82 : i32 to index
        %get3A_100 = arith.constant 32 : index
        %get3A_101 = tpu.vector_load %arg10[%get3A_99, %get3A_100] {strides = array<i32>} : memref<128x64xbf16, #tpu.memory_space<vmem>>, vector<1x32xbf16>,
        %get3A_102 = vector.shape_cast %get3A_101 : vector<1x32xbf16> to vector<32xbf16>
        %add3A_103 = arith.addf %get3A_98, %get3A_102 : vector<32xbf16>
        %swap3A_104 = arith.index_cast %scan3A_82 : i32 to index
        %swap3A_105 = arith.constant 32 : index
        %swap3A_106 = tpu.vector_load %arg9[%swap3A_104, %swap3A_105] {strides = array<i32>} : memref<128x64xbf16, #tpu.memory_space<vmem>>, vector<1x32xbf16>,
        %swap3A_107 = vector.shape_cast %swap3A_106 : vector<1x32xbf16> to vector<32xbf16>
        %swap3A_108 = vector.shape_cast %add3A_103 : vector<32xbf16> to vector<1x32xbf16>
        tpu.vector_store %arg9[%swap3A_104, %swap3A_105], %swap3A_108 {strides = array<i32>} : memref<128x64xbf16, #tpu.memory_space<vmem>>, vector<1x32xbf16>,
        %scan3A_109 = arith.constant 1 : i32
        %scan3A_110 = arith.addi %scan3A_82, %scan3A_109 : i32
        %get3A_111 = arith.index_cast %scan3A_110 : i32 to index
        %get3A_112 = arith.constant 0 : index
        %get3A_113 = tpu.vector_load %arg9[%get3A_111, %get3A_112] {strides = array<i32>} : memref<128x64xbf16, #tpu.memory_space<vmem>>, vector<1x32xbf16>,
        %get3A_114 = vector.shape_cast %get3A_113 : vector<1x32xbf16> to vector<32xbf16>
        %get3A_115 = arith.index_cast %scan3A_110 : i32 to index
        %get3A_116 = arith.constant 0 : index
        %get3A_117 = tpu.vector_load %arg10[%get3A_115, %get3A_116] {strides = array<i32>} : memref<128x64xbf16, #tpu.memory_space<vmem>>, vector<1x32xbf16>,
        %get3A_118 = vector.shape_cast %get3A_117 : vector<1x32xbf16> to vector<32xbf16>
        %add3A_119 = arith.addf %get3A_114, %get3A_118 : vector<32xbf16>
        %swap3A_120 = arith.index_cast %scan3A_110 : i32 to index
        %swap3A_121 = arith.constant 0 : index
        %swap3A_122 = tpu.vector_load %arg9[%swap3A_120, %swap3A_121] {strides = array<i32>} : memref<128x64xbf16, #tpu.memory_space<vmem>>, vector<1x32xbf16>,
        %swap3A_123 = vector.shape_cast %swap3A_122 : vector<1x32xbf16> to vector<32xbf16>
        %swap3A_124 = vector.shape_cast %add3A_119 : vector<32xbf16> to vector<1x32xbf16>
        tpu.vector_store %arg9[%swap3A_120, %swap3A_121], %swap3A_124 {strides = array<i32>} : memref<128x64xbf16, #tpu.memory_space<vmem>>, vector<1x32xbf16>,
        %get3A_125 = arith.index_cast %scan3A_110 : i32 to index
        %get3A_126 = arith.constant 32 : index
        %get3A_127 = tpu.vector_load %arg9[%get3A_125, %get3A_126] {strides = array<i32>} : memref<128x64xbf16, #tpu.memory_space<vmem>>, vector<1x32xbf16>,
        %get3A_128 = vector.shape_cast %get3A_127 : vector<1x32xbf16> to vector<32xbf16>
        %get3A_129 = arith.index_cast %scan3A_110 : i32 to index
        %get3A_130 = arith.constant 32 : index
        %get3A_131 = tpu.vector_load %arg10[%get3A_129, %get3A_130] {strides = array<i32>} : memref<128x64xbf16, #tpu.memory_space<vmem>>, vector<1x32xbf16>,
        %get3A_132 = vector.shape_cast %get3A_131 : vector<1x32xbf16> to vector<32xbf16>
        %add3A_133 = arith.addf %get3A_128, %get3A_132 : vector<32xbf16>
        %swap3A_134 = arith.index_cast %scan3A_110 : i32 to index
        %swap3A_135 = arith.constant 32 : index
        %swap3A_136 = tpu.vector_load %arg9[%swap3A_134, %swap3A_135] {strides = array<i32>} : memref<128x64xbf16, #tpu.memory_space<vmem>>, vector<1x32xbf16>,
        %swap3A_137 = vector.shape_cast %swap3A_136 : vector<1x32xbf16> to vector<32xbf16>
        %swap3A_138 = vector.shape_cast %add3A_133 : vector<32xbf16> to vector<1x32xbf16>
        tpu.vector_store %arg9[%swap3A_134, %swap3A_135], %swap3A_138 {strides = array<i32>} : memref<128x64xbf16, #tpu.memory_space<vmem>>, vector<1x32xbf16>,
        %scan3A_139 = arith.constant 2 : i32
        %scan3A_140 = arith.addi %scan3A_82, %scan3A_139 : i32
        %get3A_141 = arith.index_cast %scan3A_140 : i32 to index
        %get3A_142 = arith.constant 0 : index
        %get3A_143 = tpu.vector_load %arg9[%get3A_141, %get3A_142] {strides = array<i32>} : memref<128x64xbf16, #tpu.memory_space<vmem>>, vector<1x32xbf16>,
        %get3A_144 = vector.shape_cast %get3A_143 : vector<1x32xbf16> to vector<32xbf16>
        %get3A_145 = arith.index_cast %scan3A_140 : i32 to index
        %get3A_146 = arith.constant 0 : index
        %get3A_147 = tpu.vector_load %arg10[%get3A_145, %get3A_146] {strides = array<i32>} : memref<128x64xbf16, #tpu.memory_space<vmem>>, vector<1x32xbf16>,
        %get3A_148 = vector.shape_cast %get3A_147 : vector<1x32xbf16> to vector<32xbf16>
        %add3A_149 = arith.addf %get3A_144, %get3A_148 : vector<32xbf16>
        %swap3A_150 = arith.index_cast %scan3A_140 : i32 to index
        %swap3A_151 = arith.constant 0 : index
        %swap3A_152 = tpu.vector_load %arg9[%swap3A_150, %swap3A_151] {strides = array<i32>} : memref<128x64xbf16, #tpu.memory_space<vmem>>, vector<1x32xbf16>,
        %swap3A_153 = vector.shape_cast %swap3A_152 : vector<1x32xbf16> to vector<32xbf16>
        %swap3A_154 = vector.shape_cast %add3A_149 : vector<32xbf16> to vector<1x32xbf16>
        tpu.vector_store %arg9[%swap3A_150, %swap3A_151], %swap3A_154 {strides = array<i32>} : memref<128x64xbf16, #tpu.memory_space<vmem>>, vector<1x32xbf16>,
        %get3A_155 = arith.index_cast %scan3A_140 : i32 to index
        %get3A_156 = arith.constant 32 : index
        %get3A_157 = tpu.vector_load %arg9[%get3A_155, %get3A_156] {strides = array<i32>} : memref<128x64xbf16, #tpu.memory_space<vmem>>, vector<1x32xbf16>,
        %get3A_158 = vector.shape_cast %get3A_157 : vector<1x32xbf16> to vector<32xbf16>
        %get3A_159 = arith.index_cast %scan3A_140 : i32 to index
        %get3A_160 = arith.constant 32 : index
        %get3A_161 = tpu.vector_load %arg10[%get3A_159, %get3A_160] {strides = array<i32>} : memref<128x64xbf16, #tpu.memory_space<vmem>>, vector<1x32xbf16>,
        %get3A_162 = vector.shape_cast %get3A_161 : vector<1x32xbf16> to vector<32xbf16>
        %add3A_163 = arith.addf %get3A_158, %get3A_162 : vector<32xbf16>
        %swap3A_164 = arith.index_cast %scan3A_140 : i32 to index
        %swap3A_165 = arith.constant 32 : index
        %swap3A_166 = tpu.vector_load %arg9[%swap3A_164, %swap3A_165] {strides = array<i32>} : memref<128x64xbf16, #tpu.memory_space<vmem>>, vector<1x32xbf16>,
        %swap3A_167 = vector.shape_cast %swap3A_166 : vector<1x32xbf16> to vector<32xbf16>
        %swap3A_168 = vector.shape_cast %add3A_163 : vector<32xbf16> to vector<1x32xbf16>
        tpu.vector_store %arg9[%swap3A_164, %swap3A_165], %swap3A_168 {strides = array<i32>} : memref<128x64xbf16, #tpu.memory_space<vmem>>, vector<1x32xbf16>,
        %scan3A_169 = arith.constant 3 : i32
        %scan3A_170 = arith.addi %scan3A_82, %scan3A_169 : i32
        %get3A_171 = arith.index_cast %scan3A_170 : i32 to index
        %get3A_172 = arith.constant 0 : index
        %get3A_173 = tpu.vector_load %arg9[%get3A_171, %get3A_172] {strides = array<i32>} : memref<128x64xbf16, #tpu.memory_space<vmem>>, vector<1x32xbf16>,
        %get3A_174 = vector.shape_cast %get3A_173 : vector<1x32xbf16> to vector<32xbf16>
        %get3A_175 = arith.index_cast %scan3A_170 : i32 to index
        %get3A_176 = arith.constant 0 : index
        %get3A_177 = tpu.vector_load %arg10[%get3A_175, %get3A_176] {strides = array<i32>} : memref<128x64xbf16, #tpu.memory_space<vmem>>, vector<1x32xbf16>,
        %get3A_178 = vector.shape_cast %get3A_177 : vector<1x32xbf16> to vector<32xbf16>
        %add3A_179 = arith.addf %get3A_174, %get3A_178 : vector<32xbf16>
        %swap3A_180 = arith.index_cast %scan3A_170 : i32 to index
        %swap3A_181 = arith.constant 0 : index
        %swap3A_182 = tpu.vector_load %arg9[%swap3A_180, %swap3A_181] {strides = array<i32>} : memref<128x64xbf16, #tpu.memory_space<vmem>>, vector<1x32xbf16>,
        %swap3A_183 = vector.shape_cast %swap3A_182 : vector<1x32xbf16> to vector<32xbf16>
        %swap3A_184 = vector.shape_cast %add3A_179 : vector<32xbf16> to vector<1x32xbf16>
        tpu.vector_store %arg9[%swap3A_180, %swap3A_181], %swap3A_184 {strides = array<i32>} : memref<128x64xbf16, #tpu.memory_space<vmem>>, vector<1x32xbf16>,
        %get3A_185 = arith.index_cast %scan3A_170 : i32 to index
        %get3A_186 = arith.constant 32 : index
        %get3A_187 = tpu.vector_load %arg9[%get3A_185, %get3A_186] {strides = array<i32>} : memref<128x64xbf16, #tpu.memory_space<vmem>>, vector<1x32xbf16>,
        %get3A_188 = vector.shape_cast %get3A_187 : vector<1x32xbf16> to vector<32xbf16>
        %get3A_189 = arith.index_cast %scan3A_170 : i32 to index
        %get3A_190 = arith.constant 32 : index
        %get3A_191 = tpu.vector_load %arg10[%get3A_189, %get3A_190] {strides = array<i32>} : memref<128x64xbf16, #tpu.memory_space<vmem>>, vector<1x32xbf16>,
        %get3A_192 = vector.shape_cast %get3A_191 : vector<1x32xbf16> to vector<32xbf16>
        %add3A_193 = arith.addf %get3A_188, %get3A_192 : vector<32xbf16>
        %swap3A_194 = arith.index_cast %scan3A_170 : i32 to index
        %swap3A_195 = arith.constant 32 : index
        %swap3A_196 = tpu.vector_load %arg9[%swap3A_194, %swap3A_195] {strides = array<i32>} : memref<128x64xbf16, #tpu.memory_space<vmem>>, vector<1x32xbf16>,
        %swap3A_197 = vector.shape_cast %swap3A_196 : vector<1x32xbf16> to vector<32xbf16>
        %swap3A_198 = vector.shape_cast %add3A_193 : vector<32xbf16> to vector<1x32xbf16>
        tpu.vector_store %arg9[%swap3A_194, %swap3A_195], %swap3A_198 {strides = array<i32>} : memref<128x64xbf16, #tpu.memory_space<vmem>>, vector<1x32xbf16>,
        %scan3A_199 = arith.constant 4 : i32
        %scan3A_200 = arith.addi %scan3A_82, %scan3A_199 : i32
        %get3A_201 = arith.index_cast %scan3A_200 : i32 to index
        %get3A_202 = arith.constant 0 : index
        %get3A_203 = tpu.vector_load %arg9[%get3A_201, %get3A_202] {strides = array<i32>} : memref<128x64xbf16, #tpu.memory_space<vmem>>, vector<1x32xbf16>,
        %get3A_204 = vector.shape_cast %get3A_203 : vector<1x32xbf16> to vector<32xbf16>
        %get3A_205 = arith.index_cast %scan3A_200 : i32 to index
        %get3A_206 = arith.constant 0 : index
        %get3A_207 = tpu.vector_load %arg10[%get3A_205, %get3A_206] {strides = array<i32>} : memref<128x64xbf16, #tpu.memory_space<vmem>>, vector<1x32xbf16>,
        %get3A_208 = vector.shape_cast %get3A_207 : vector<1x32xbf16> to vector<32xbf16>
        %add3A_209 = arith.addf %get3A_204, %get3A_208 : vector<32xbf16>
        %swap3A_210 = arith.index_cast %scan3A_200 : i32 to index
        %swap3A_211 = arith.constant 0 : index
        %swap3A_212 = tpu.vector_load %arg9[%swap3A_210, %swap3A_211] {strides = array<i32>} : memref<128x64xbf16, #tpu.memory_space<vmem>>, vector<1x32xbf16>,
        %swap3A_213 = vector.shape_cast %swap3A_212 : vector<1x32xbf16> to vector<32xbf16>
        %swap3A_214 = vector.shape_cast %add3A_209 : vector<32xbf16> to vector<1x32xbf16>
        tpu.vector_store %arg9[%swap3A_210, %swap3A_211], %swap3A_214 {strides = array<i32>} : memref<128x64xbf16, #tpu.memory_space<vmem>>, vector<1x32xbf16>,
        %get3A_215 = arith.index_cast %scan3A_200 : i32 to index
        %get3A_216 = arith.constant 32 : index
        %get3A_217 = tpu.vector_load %arg9[%get3A_215, %get3A_216] {strides = array<i32>} : memref<128x64xbf16, #tpu.memory_space<vmem>>, vector<1x32xbf16>,
        %get3A_218 = vector.shape_cast %get3A_217 : vector<1x32xbf16> to vector<32xbf16>
        %get3A_219 = arith.index_cast %scan3A_200 : i32 to index
        %get3A_220 = arith.constant 32 : index
        %get3A_221 = tpu.vector_load %arg10[%get3A_219, %get3A_220] {strides = array<i32>} : memref<128x64xbf16, #tpu.memory_space<vmem>>, vector<1x32xbf16>,
        %get3A_222 = vector.shape_cast %get3A_221 : vector<1x32xbf16> to vector<32xbf16>
        %add3A_223 = arith.addf %get3A_218, %get3A_222 : vector<32xbf16>
        %swap3A_224 = arith.index_cast %scan3A_200 : i32 to index
        %swap3A_225 = arith.constant 32 : index
        %swap3A_226 = tpu.vector_load %arg9[%swap3A_224, %swap3A_225] {strides = array<i32>} : memref<128x64xbf16, #tpu.memory_space<vmem>>, vector<1x32xbf16>,
        %swap3A_227 = vector.shape_cast %swap3A_226 : vector<1x32xbf16> to vector<32xbf16>
        %swap3A_228 = vector.shape_cast %add3A_223 : vector<32xbf16> to vector<1x32xbf16>
        tpu.vector_store %arg9[%swap3A_224, %swap3A_225], %swap3A_228 {strides = array<i32>} : memref<128x64xbf16, #tpu.memory_space<vmem>>, vector<1x32xbf16>,
        %scan3A_229 = arith.constant 5 : i32
        %scan3A_230 = arith.addi %scan3A_82, %scan3A_229 : i32
        %get3A_231 = arith.index_cast %scan3A_230 : i32 to index
        %get3A_232 = arith.constant 0 : index
        %get3A_233 = tpu.vector_load %arg9[%get3A_231, %get3A_232] {strides = array<i32>} : memref<128x64xbf16, #tpu.memory_space<vmem>>, vector<1x32xbf16>,
        %get3A_234 = vector.shape_cast %get3A_233 : vector<1x32xbf16> to vector<32xbf16>
        %get3A_235 = arith.index_cast %scan3A_230 : i32 to index
        %get3A_236 = arith.constant 0 : index
        %get3A_237 = tpu.vector_load %arg10[%get3A_235, %get3A_236] {strides = array<i32>} : memref<128x64xbf16, #tpu.memory_space<vmem>>, vector<1x32xbf16>,
        %get3A_238 = vector.shape_cast %get3A_237 : vector<1x32xbf16> to vector<32xbf16>
        %add3A_239 = arith.addf %get3A_234, %get3A_238 : vector<32xbf16>
        %swap3A_240 = arith.index_cast %scan3A_230 : i32 to index
        %swap3A_241 = arith.constant 0 : index
        %swap3A_242 = tpu.vector_load %arg9[%swap3A_240, %swap3A_241] {strides = array<i32>} : memref<128x64xbf16, #tpu.memory_space<vmem>>, vector<1x32xbf16>,
        %swap3A_243 = vector.shape_cast %swap3A_242 : vector<1x32xbf16> to vector<32xbf16>
        %swap3A_244 = vector.shape_cast %add3A_239 : vector<32xbf16> to vector<1x32xbf16>
        tpu.vector_store %arg9[%swap3A_240, %swap3A_241], %swap3A_244 {strides = array<i32>} : memref<128x64xbf16, #tpu.memory_space<vmem>>, vector<1x32xbf16>,
        %get3A_245 = arith.index_cast %scan3A_230 : i32 to index
        %get3A_246 = arith.constant 32 : index
        %get3A_247 = tpu.vector_load %arg9[%get3A_245, %get3A_246] {strides = array<i32>} : memref<128x64xbf16, #tpu.memory_space<vmem>>, vector<1x32xbf16>,
        %get3A_248 = vector.shape_cast %get3A_247 : vector<1x32xbf16> to vector<32xbf16>
        %get3A_249 = arith.index_cast %scan3A_230 : i32 to index
        %get3A_250 = arith.constant 32 : index
        %get3A_251 = tpu.vector_load %arg10[%get3A_249, %get3A_250] {strides = array<i32>} : memref<128x64xbf16, #tpu.memory_space<vmem>>, vector<1x32xbf16>,
        %get3A_252 = vector.shape_cast %get3A_251 : vector<1x32xbf16> to vector<32xbf16>
        %add3A_253 = arith.addf %get3A_248, %get3A_252 : vector<32xbf16>
        %swap3A_254 = arith.index_cast %scan3A_230 : i32 to index
        %swap3A_255 = arith.constant 32 : index
        %swap3A_256 = tpu.vector_load %arg9[%swap3A_254, %swap3A_255] {strides = array<i32>} : memref<128x64xbf16, #tpu.memory_space<vmem>>, vector<1x32xbf16>,
        %swap3A_257 = vector.shape_cast %swap3A_256 : vector<1x32xbf16> to vector<32xbf16>
        %swap3A_258 = vector.shape_cast %add3A_253 : vector<32xbf16> to vector<1x32xbf16>
        tpu.vector_store %arg9[%swap3A_254, %swap3A_255], %swap3A_258 {strides = array<i32>} : memref<128x64xbf16, #tpu.memory_space<vmem>>, vector<1x32xbf16>,
        %scan3A_259 = arith.constant 6 : i32
        %scan3A_260 = arith.addi %scan3A_82, %scan3A_259 : i32
        %get3A_261 = arith.index_cast %scan3A_260 : i32 to index
        %get3A_262 = arith.constant 0 : index
        %get3A_263 = tpu.vector_load %arg9[%get3A_261, %get3A_262] {strides = array<i32>} : memref<128x64xbf16, #tpu.memory_space<vmem>>, vector<1x32xbf16>,
        %get3A_264 = vector.shape_cast %get3A_263 : vector<1x32xbf16> to vector<32xbf16>
        %get3A_265 = arith.index_cast %scan3A_260 : i32 to index
        %get3A_266 = arith.constant 0 : index
        %get3A_267 = tpu.vector_load %arg10[%get3A_265, %get3A_266] {strides = array<i32>} : memref<128x64xbf16, #tpu.memory_space<vmem>>, vector<1x32xbf16>,
        %get3A_268 = vector.shape_cast %get3A_267 : vector<1x32xbf16> to vector<32xbf16>
        %add3A_269 = arith.addf %get3A_264, %get3A_268 : vector<32xbf16>
        %swap3A_270 = arith.index_cast %scan3A_260 : i32 to index
        %swap3A_271 = arith.constant 0 : index
        %swap3A_272 = tpu.vector_load %arg9[%swap3A_270, %swap3A_271] {strides = array<i32>} : memref<128x64xbf16, #tpu.memory_space<vmem>>, vector<1x32xbf16>,
        %swap3A_273 = vector.shape_cast %swap3A_272 : vector<1x32xbf16> to vector<32xbf16>
        %swap3A_274 = vector.shape_cast %add3A_269 : vector<32xbf16> to vector<1x32xbf16>
        tpu.vector_store %arg9[%swap3A_270, %swap3A_271], %swap3A_274 {strides = array<i32>} : memref<128x64xbf16, #tpu.memory_space<vmem>>, vector<1x32xbf16>,
        %get3A_275 = arith.index_cast %scan3A_260 : i32 to index
        %get3A_276 = arith.constant 32 : index
        %get3A_277 = tpu.vector_load %arg9[%get3A_275, %get3A_276] {strides = array<i32>} : memref<128x64xbf16, #tpu.memory_space<vmem>>, vector<1x32xbf16>,
        %get3A_278 = vector.shape_cast %get3A_277 : vector<1x32xbf16> to vector<32xbf16>
        %get3A_279 = arith.index_cast %scan3A_260 : i32 to index
        %get3A_280 = arith.constant 32 : index
        %get3A_281 = tpu.vector_load %arg10[%get3A_279, %get3A_280] {strides = array<i32>} : memref<128x64xbf16, #tpu.memory_space<vmem>>, vector<1x32xbf16>,
        %get3A_282 = vector.shape_cast %get3A_281 : vector<1x32xbf16> to vector<32xbf16>
        %add3A_283 = arith.addf %get3A_278, %get3A_282 : vector<32xbf16>
        %swap3A_284 = arith.index_cast %scan3A_260 : i32 to index
        %swap3A_285 = arith.constant 32 : index
        %swap3A_286 = tpu.vector_load %arg9[%swap3A_284, %swap3A_285] {strides = array<i32>} : memref<128x64xbf16, #tpu.memory_space<vmem>>, vector<1x32xbf16>,
        %swap3A_287 = vector.shape_cast %swap3A_286 : vector<1x32xbf16> to vector<32xbf16>
        %swap3A_288 = vector.shape_cast %add3A_283 : vector<32xbf16> to vector<1x32xbf16>
        tpu.vector_store %arg9[%swap3A_284, %swap3A_285], %swap3A_288 {strides = array<i32>} : memref<128x64xbf16, #tpu.memory_space<vmem>>, vector<1x32xbf16>,
        %scan3A_289 = arith.constant 7 : i32
        %scan3A_290 = arith.addi %scan3A_82, %scan3A_289 : i32
        %get3A_291 = arith.index_cast %scan3A_290 : i32 to index
        %get3A_292 = arith.constant 0 : index
        %get3A_293 = tpu.vector_load %arg9[%get3A_291, %get3A_292] {strides = array<i32>} : memref<128x64xbf16, #tpu.memory_space<vmem>>, vector<1x32xbf16>,
        %get3A_294 = vector.shape_cast %get3A_293 : vector<1x32xbf16> to vector<32xbf16>
        %get3A_295 = arith.index_cast %scan3A_290 : i32 to index
        %get3A_296 = arith.constant 0 : index
        %get3A_297 = tpu.vector_load %arg10[%get3A_295, %get3A_296] {strides = array<i32>} : memref<128x64xbf16, #tpu.memory_space<vmem>>, vector<1x32xbf16>,
        %get3A_298 = vector.shape_cast %get3A_297 : vector<1x32xbf16> to vector<32xbf16>
        %add3A_299 = arith.addf %get3A_294, %get3A_298 : vector<32xbf16>
        %swap3A_300 = arith.index_cast %scan3A_290 : i32 to index
        %swap3A_301 = arith.constant 0 : index
        %swap3A_302 = tpu.vector_load %arg9[%swap3A_300, %swap3A_301] {strides = array<i32>} : memref<128x64xbf16, #tpu.memory_space<vmem>>, vector<1x32xbf16>,
        %swap3A_303 = vector.shape_cast %swap3A_302 : vector<1x32xbf16> to vector<32xbf16>
        %swap3A_304 = vector.shape_cast %add3A_299 : vector<32xbf16> to vector<1x32xbf16>
        tpu.vector_store %arg9[%swap3A_300, %swap3A_301], %swap3A_304 {strides = array<i32>} : memref<128x64xbf16, #tpu.memory_space<vmem>>, vector<1x32xbf16>,
        %get3A_305 = arith.index_cast %scan3A_290 : i32 to index
        %get3A_306 = arith.constant 32 : index
        %get3A_307 = tpu.vector_load %arg9[%get3A_305, %get3A_306] {strides = array<i32>} : memref<128x64xbf16, #tpu.memory_space<vmem>>, vector<1x32xbf16>,
        %get3A_308 = vector.shape_cast %get3A_307 : vector<1x32xbf16> to vector<32xbf16>
        %get3A_309 = arith.index_cast %scan3A_290 : i32 to index
        %get3A_310 = arith.constant 32 : index
        %get3A_311 = tpu.vector_load %arg10[%get3A_309, %get3A_310] {strides = array<i32>} : memref<128x64xbf16, #tpu.memory_space<vmem>>, vector<1x32xbf16>,
        %get3A_312 = vector.shape_cast %get3A_311 : vector<1x32xbf16> to vector<32xbf16>
        %add3A_313 = arith.addf %get3A_308, %get3A_312 : vector<32xbf16>
        %swap3A_314 = arith.index_cast %scan3A_290 : i32 to index
        %swap3A_315 = arith.constant 32 : index
        %swap3A_316 = tpu.vector_load %arg9[%swap3A_314, %swap3A_315] {strides = array<i32>} : memref<128x64xbf16, #tpu.memory_space<vmem>>, vector<1x32xbf16>,
        %swap3A_317 = vector.shape_cast %swap3A_316 : vector<1x32xbf16> to vector<32xbf16>
        %swap3A_318 = vector.shape_cast %add3A_313 : vector<32xbf16> to vector<1x32xbf16>
        tpu.vector_store %arg9[%swap3A_314, %swap3A_315], %swap3A_318 {strides = array<i32>} : memref<128x64xbf16, #tpu.memory_space<vmem>>, vector<1x32xbf16>,
      }
      %scan3A_46 = arith.constant 128 : i32
      %add3A_47 = arith.addi %mul3A_2, %add3A_25 : i32
      %mul3A_48 = arith.constant 128 : i32
      %mul3A_49 = arith.muli %add3A_47, %mul3A_48 : i32
      "tpu.region"() ({
        %run_scoped3A = tpu.sem_alloc : memref<!tpu.dma_semaphore, #tpu.memory_space<semaphore_mem>>
        %dma_start3A_82 = arith.constant 0 : i32
        %dma_start3A_83 = tpu.memref_slice %arg6[%mul3A_49, %dma_start3A_82] : memref<802816x64xbf16, #tpu.memory_space<hbm>> -> memref<128x64xbf16, #tpu.memory_space<hbm>>
        %dma_start3A_84 = arith.constant 0 : i32
        %dma_start3A_85 = tpu.memref_slice %arg6[%mul3A_49, %dma_start3A_84] : memref<802816x64xbf16, #tpu.memory_space<hbm>> -> memref<128x64xbf16, #tpu.memory_space<hbm>>
        tpu.enqueue_dma source(%arg9 : memref<128x64xbf16, #tpu.memory_space<vmem>>) target(%dma_start3A_85 : memref<128x64xbf16, #tpu.memory_space<hbm>>) target_semaphore(%run_scoped3A : memref<!tpu.dma_semaphore, #tpu.memory_space<semaphore_mem>>)
        %dma_wait3A_86 = arith.constant 0 : i32
        %dma_wait3A_87 = tpu.memref_slice %arg6[%mul3A_49, %dma_wait3A_86] : memref<802816x64xbf16, #tpu.memory_space<hbm>> -> memref<128x64xbf16, #tpu.memory_space<hbm>>
        %dma_wait3A_88 = arith.constant 0 : i32
        %dma_wait3A_89 = tpu.memref_slice %arg6[%mul3A_49, %dma_wait3A_88] : memref<802816x64xbf16, #tpu.memory_space<hbm>> -> memref<128x64xbf16, #tpu.memory_space<hbm>>
        tpu.wait_dma2 semaphore(%run_scoped3A : memref<!tpu.dma_semaphore, #tpu.memory_space<semaphore_mem>>) src(%arg9 : memref<128x64xbf16, #tpu.memory_space<vmem>>) dst(%dma_wait3A_89 : memref<128x64xbf16, #tpu.memory_space<hbm>>)
        tpu.yield
      }) : () -> ()
      %mul3A_50 = arith.constant 2 : i32
      %mul3A_51 = arith.muli %scan3A_21, %mul3A_50 : i32
      %add3A_52 = arith.constant 1 : i32
      %add3A_53 = arith.addi %mul3A_51, %add3A_52 : i32
      %add3A_54 = arith.constant 1 : i32
      %add3A_55 = arith.addi %add3A_53, %add3A_54 : i32
      %lt3A_56 = arith.constant 196 : i32
      %lt3A_57 = arith.cmpi slt, %add3A_55, %lt3A_56 : i32
      %convert_element_type3A_58 = arith.extui %lt3A_57 : i1 to i32
      %cond3A_59 = arith.constant 0 : i32
      %cond3A_60 = arith.cmpi ne, %convert_element_type3A_58, %cond3A_59 : i32
      scf.if %cond3A_60 {
        %add3A_82 = arith.constant 1 : i32
        %add3A_83 = arith.addi %add3A_53, %add3A_82 : i32
        %dma_start3A_84 = arith.constant 0 : i32
        %dma_start3A_85 = tpu.memref_slice %arg7[%add3A_83, %dma_start3A_84] : memref<196x128xi32, #tpu.memory_space<vmem>> -> memref<1x128xi32, #tpu.memory_space<vmem>>
        %dma_start3A_86 = tpu.memref_squeeze %dma_start3A_85 : memref<1x128xi32, #tpu.memory_space<vmem>> -> memref<128xi32, #tpu.memory_space<vmem>>
        %dma_start3A_87 = arith.constant 0 : i32
        %dma_start3A_88 = arith.constant 0 : i32
        %dma_start3A_89 = tpu.memref_slice %arg2[%dma_start3A_87, %dma_start3A_88] : memref<50000x64xbf16, #tpu.memory_space<hbm>> -> memref<50000x64xbf16, #tpu.memory_space<hbm>>
        tpu.enqueue_indirect_dma source(%dma_start3A_89 : memref<50000x64xbf16, #tpu.memory_space<hbm>>) target(%arg9 : memref<128x64xbf16, #tpu.memory_space<vmem>>) offsets(%dma_start3A_86 : memref<128xi32, #tpu.memory_space<vmem>>) semaphore(%arg13 : memref<!tpu.dma_semaphore, #tpu.memory_space<semaphore_mem>>)
        %dma_start3A_90 = arith.constant 0 : i32
        %dma_start3A_91 = tpu.memref_slice %arg8[%add3A_83, %dma_start3A_90] : memref<196x128xi32, #tpu.memory_space<vmem>> -> memref<1x128xi32, #tpu.memory_space<vmem>>
        %dma_start3A_92 = tpu.memref_squeeze %dma_start3A_91 : memref<1x128xi32, #tpu.memory_space<vmem>> -> memref<128xi32, #tpu.memory_space<vmem>>
        %dma_start3A_93 = arith.constant 0 : i32
        %dma_start3A_94 = arith.constant 0 : i32
        %dma_start3A_95 = tpu.memref_slice %arg3[%dma_start3A_93, %dma_start3A_94] : memref<50000x64xbf16, #tpu.memory_space<hbm>> -> memref<50000x64xbf16, #tpu.memory_space<hbm>>
        tpu.enqueue_indirect_dma source(%dma_start3A_95 : memref<50000x64xbf16, #tpu.memory_space<hbm>>) target(%arg10 : memref<128x64xbf16, #tpu.memory_space<vmem>>) offsets(%dma_start3A_92 : memref<128xi32, #tpu.memory_space<vmem>>) semaphore(%arg13 : memref<!tpu.dma_semaphore, #tpu.memory_space<semaphore_mem>>)
      } else {
      }
      %dma_wait3A_61 = arith.constant 0 : i32
      %dma_wait3A_62 = tpu.memref_slice %arg7[%add3A_53, %dma_wait3A_61] : memref<196x128xi32, #tpu.memory_space<vmem>> -> memref<1x128xi32, #tpu.memory_space<vmem>>
      %dma_wait3A_63 = tpu.memref_squeeze %dma_wait3A_62 : memref<1x128xi32, #tpu.memory_space<vmem>> -> memref<128xi32, #tpu.memory_space<vmem>>
      %dma_wait3A_64 = arith.constant 0 : i32
      %dma_wait3A_65 = arith.constant 0 : i32
      %dma_wait3A_66 = tpu.memref_slice %arg2[%dma_wait3A_64, %dma_wait3A_65] : memref<50000x64xbf16, #tpu.memory_space<hbm>> -> memref<50000x64xbf16, #tpu.memory_space<hbm>>
      tpu.wait_indirect_dma semaphore(%arg14 : memref<!tpu.dma_semaphore, #tpu.memory_space<semaphore_mem>>) src(%dma_wait3A_66 : memref<50000x64xbf16, #tpu.memory_space<hbm>>) dst(%arg11 : memref<128x64xbf16, #tpu.memory_space<vmem>>)
      %dma_wait3A_67 = arith.constant 0 : i32
      %dma_wait3A_68 = tpu.memref_slice %arg8[%add3A_53, %dma_wait3A_67] : memref<196x128xi32, #tpu.memory_space<vmem>> -> memref<1x128xi32, #tpu.memory_space<vmem>>
      %dma_wait3A_69 = tpu.memref_squeeze %dma_wait3A_68 : memref<1x128xi32, #tpu.memory_space<vmem>> -> memref<128xi32, #tpu.memory_space<vmem>>
      %dma_wait3A_70 = arith.constant 0 : i32
      %dma_wait3A_71 = arith.constant 0 : i32
      %dma_wait3A_72 = tpu.memref_slice %arg3[%dma_wait3A_70, %dma_wait3A_71] : memref<50000x64xbf16, #tpu.memory_space<hbm>> -> memref<50000x64xbf16, #tpu.memory_space<hbm>>
      tpu.wait_indirect_dma semaphore(%arg14 : memref<!tpu.dma_semaphore, #tpu.memory_space<semaphore_mem>>) src(%dma_wait3A_72 : memref<50000x64xbf16, #tpu.memory_space<hbm>>) dst(%arg12 : memref<128x64xbf16, #tpu.memory_space<vmem>>)
      %scan3A_73 = arith.constant 0 : i32
      %scan3A_74 = arith.constant 0 : i32
      %scan3A_75 = arith.constant 128 : i32
      %scan3A_76 = arith.addi %scan3A_74, %scan3A_75 : i32
      %scan3A_77 = arith.constant 8 : i32
      scf.for %scan3A_82 = %scan3A_74 to %scan3A_76 step %scan3A_77  : i32 {
        %get3A = arith.index_cast %scan3A_82 : i32 to index
        %get3A_83 = arith.constant 0 : index
        %get3A_84 = tpu.vector_load %arg11[%get3A, %get3A_83] {strides = array<i32>} : memref<128x64xbf16, #tpu.memory_space<vmem>>, vector<1x32xbf16>,
        %get3A_85 = vector.shape_cast %get3A_84 : vector<1x32xbf16> to vector<32xbf16>
        %get3A_86 = arith.index_cast %scan3A_82 : i32 to index
        %get3A_87 = arith.constant 0 : index
        %get3A_88 = tpu.vector_load %arg12[%get3A_86, %get3A_87] {strides = array<i32>} : memref<128x64xbf16, #tpu.memory_space<vmem>>, vector<1x32xbf16>,
        %get3A_89 = vector.shape_cast %get3A_88 : vector<1x32xbf16> to vector<32xbf16>
        %add3A_90 = arith.addf %get3A_85, %get3A_89 : vector<32xbf16>
        %swap3A = arith.index_cast %scan3A_82 : i32 to index
        %swap3A_91 = arith.constant 0 : index
        %swap3A_92 = tpu.vector_load %arg11[%swap3A, %swap3A_91] {strides = array<i32>} : memref<128x64xbf16, #tpu.memory_space<vmem>>, vector<1x32xbf16>,
        %swap3A_93 = vector.shape_cast %swap3A_92 : vector<1x32xbf16> to vector<32xbf16>
        %swap3A_94 = vector.shape_cast %add3A_90 : vector<32xbf16> to vector<1x32xbf16>
        tpu.vector_store %arg11[%swap3A, %swap3A_91], %swap3A_94 {strides = array<i32>} : memref<128x64xbf16, #tpu.memory_space<vmem>>, vector<1x32xbf16>,
        %get3A_95 = arith.index_cast %scan3A_82 : i32 to index
        %get3A_96 = arith.constant 32 : index
        %get3A_97 = tpu.vector_load %arg11[%get3A_95, %get3A_96] {strides = array<i32>} : memref<128x64xbf16, #tpu.memory_space<vmem>>, vector<1x32xbf16>,
        %get3A_98 = vector.shape_cast %get3A_97 : vector<1x32xbf16> to vector<32xbf16>
        %get3A_99 = arith.index_cast %scan3A_82 : i32 to index
        %get3A_100 = arith.constant 32 : index
        %get3A_101 = tpu.vector_load %arg12[%get3A_99, %get3A_100] {strides = array<i32>} : memref<128x64xbf16, #tpu.memory_space<vmem>>, vector<1x32xbf16>,
        %get3A_102 = vector.shape_cast %get3A_101 : vector<1x32xbf16> to vector<32xbf16>
        %add3A_103 = arith.addf %get3A_98, %get3A_102 : vector<32xbf16>
        %swap3A_104 = arith.index_cast %scan3A_82 : i32 to index
        %swap3A_105 = arith.constant 32 : index
        %swap3A_106 = tpu.vector_load %arg11[%swap3A_104, %swap3A_105] {strides = array<i32>} : memref<128x64xbf16, #tpu.memory_space<vmem>>, vector<1x32xbf16>,
        %swap3A_107 = vector.shape_cast %swap3A_106 : vector<1x32xbf16> to vector<32xbf16>
        %swap3A_108 = vector.shape_cast %add3A_103 : vector<32xbf16> to vector<1x32xbf16>
        tpu.vector_store %arg11[%swap3A_104, %swap3A_105], %swap3A_108 {strides = array<i32>} : memref<128x64xbf16, #tpu.memory_space<vmem>>, vector<1x32xbf16>,
        %scan3A_109 = arith.constant 1 : i32
        %scan3A_110 = arith.addi %scan3A_82, %scan3A_109 : i32
        %get3A_111 = arith.index_cast %scan3A_110 : i32 to index
        %get3A_112 = arith.constant 0 : index
        %get3A_113 = tpu.vector_load %arg11[%get3A_111, %get3A_112] {strides = array<i32>} : memref<128x64xbf16, #tpu.memory_space<vmem>>, vector<1x32xbf16>,
        %get3A_114 = vector.shape_cast %get3A_113 : vector<1x32xbf16> to vector<32xbf16>
        %get3A_115 = arith.index_cast %scan3A_110 : i32 to index
        %get3A_116 = arith.constant 0 : index
        %get3A_117 = tpu.vector_load %arg12[%get3A_115, %get3A_116] {strides = array<i32>} : memref<128x64xbf16, #tpu.memory_space<vmem>>, vector<1x32xbf16>,
        %get3A_118 = vector.shape_cast %get3A_117 : vector<1x32xbf16> to vector<32xbf16>
        %add3A_119 = arith.addf %get3A_114, %get3A_118 : vector<32xbf16>
        %swap3A_120 = arith.index_cast %scan3A_110 : i32 to index
        %swap3A_121 = arith.constant 0 : index
        %swap3A_122 = tpu.vector_load %arg11[%swap3A_120, %swap3A_121] {strides = array<i32>} : memref<128x64xbf16, #tpu.memory_space<vmem>>, vector<1x32xbf16>,
        %swap3A_123 = vector.shape_cast %swap3A_122 : vector<1x32xbf16> to vector<32xbf16>
        %swap3A_124 = vector.shape_cast %add3A_119 : vector<32xbf16> to vector<1x32xbf16>
        tpu.vector_store %arg11[%swap3A_120, %swap3A_121], %swap3A_124 {strides = array<i32>} : memref<128x64xbf16, #tpu.memory_space<vmem>>, vector<1x32xbf16>,
        %get3A_125 = arith.index_cast %scan3A_110 : i32 to index
        %get3A_126 = arith.constant 32 : index
        %get3A_127 = tpu.vector_load %arg11[%get3A_125, %get3A_126] {strides = array<i32>} : memref<128x64xbf16, #tpu.memory_space<vmem>>, vector<1x32xbf16>,
        %get3A_128 = vector.shape_cast %get3A_127 : vector<1x32xbf16> to vector<32xbf16>
        %get3A_129 = arith.index_cast %scan3A_110 : i32 to index
        %get3A_130 = arith.constant 32 : index
        %get3A_131 = tpu.vector_load %arg12[%get3A_129, %get3A_130] {strides = array<i32>} : memref<128x64xbf16, #tpu.memory_space<vmem>>, vector<1x32xbf16>,
        %get3A_132 = vector.shape_cast %get3A_131 : vector<1x32xbf16> to vector<32xbf16>
        %add3A_133 = arith.addf %get3A_128, %get3A_132 : vector<32xbf16>
        %swap3A_134 = arith.index_cast %scan3A_110 : i32 to index
        %swap3A_135 = arith.constant 32 : index
        %swap3A_136 = tpu.vector_load %arg11[%swap3A_134, %swap3A_135] {strides = array<i32>} : memref<128x64xbf16, #tpu.memory_space<vmem>>, vector<1x32xbf16>,
        %swap3A_137 = vector.shape_cast %swap3A_136 : vector<1x32xbf16> to vector<32xbf16>
        %swap3A_138 = vector.shape_cast %add3A_133 : vector<32xbf16> to vector<1x32xbf16>
        tpu.vector_store %arg11[%swap3A_134, %swap3A_135], %swap3A_138 {strides = array<i32>} : memref<128x64xbf16, #tpu.memory_space<vmem>>, vector<1x32xbf16>,
        %scan3A_139 = arith.constant 2 : i32
        %scan3A_140 = arith.addi %scan3A_82, %scan3A_139 : i32
        %get3A_141 = arith.index_cast %scan3A_140 : i32 to index
        %get3A_142 = arith.constant 0 : index
        %get3A_143 = tpu.vector_load %arg11[%get3A_141, %get3A_142] {strides = array<i32>} : memref<128x64xbf16, #tpu.memory_space<vmem>>, vector<1x32xbf16>,
        %get3A_144 = vector.shape_cast %get3A_143 : vector<1x32xbf16> to vector<32xbf16>
        %get3A_145 = arith.index_cast %scan3A_140 : i32 to index
        %get3A_146 = arith.constant 0 : index
        %get3A_147 = tpu.vector_load %arg12[%get3A_145, %get3A_146] {strides = array<i32>} : memref<128x64xbf16, #tpu.memory_space<vmem>>, vector<1x32xbf16>,
        %get3A_148 = vector.shape_cast %get3A_147 : vector<1x32xbf16> to vector<32xbf16>
        %add3A_149 = arith.addf %get3A_144, %get3A_148 : vector<32xbf16>
        %swap3A_150 = arith.index_cast %scan3A_140 : i32 to index
        %swap3A_151 = arith.constant 0 : index
        %swap3A_152 = tpu.vector_load %arg11[%swap3A_150, %swap3A_151] {strides = array<i32>} : memref<128x64xbf16, #tpu.memory_space<vmem>>, vector<1x32xbf16>,
        %swap3A_153 = vector.shape_cast %swap3A_152 : vector<1x32xbf16> to vector<32xbf16>
        %swap3A_154 = vector.shape_cast %add3A_149 : vector<32xbf16> to vector<1x32xbf16>
        tpu.vector_store %arg11[%swap3A_150, %swap3A_151], %swap3A_154 {strides = array<i32>} : memref<128x64xbf16, #tpu.memory_space<vmem>>, vector<1x32xbf16>,
        %get3A_155 = arith.index_cast %scan3A_140 : i32 to index
        %get3A_156 = arith.constant 32 : index
        %get3A_157 = tpu.vector_load %arg11[%get3A_155, %get3A_156] {strides = array<i32>} : memref<128x64xbf16, #tpu.memory_space<vmem>>, vector<1x32xbf16>,
        %get3A_158 = vector.shape_cast %get3A_157 : vector<1x32xbf16> to vector<32xbf16>
        %get3A_159 = arith.index_cast %scan3A_140 : i32 to index
        %get3A_160 = arith.constant 32 : index
        %get3A_161 = tpu.vector_load %arg12[%get3A_159, %get3A_160] {strides = array<i32>} : memref<128x64xbf16, #tpu.memory_space<vmem>>, vector<1x32xbf16>,
        %get3A_162 = vector.shape_cast %get3A_161 : vector<1x32xbf16> to vector<32xbf16>
        %add3A_163 = arith.addf %get3A_158, %get3A_162 : vector<32xbf16>
        %swap3A_164 = arith.index_cast %scan3A_140 : i32 to index
        %swap3A_165 = arith.constant 32 : index
        %swap3A_166 = tpu.vector_load %arg11[%swap3A_164, %swap3A_165] {strides = array<i32>} : memref<128x64xbf16, #tpu.memory_space<vmem>>, vector<1x32xbf16>,
        %swap3A_167 = vector.shape_cast %swap3A_166 : vector<1x32xbf16> to vector<32xbf16>
        %swap3A_168 = vector.shape_cast %add3A_163 : vector<32xbf16> to vector<1x32xbf16>
        tpu.vector_store %arg11[%swap3A_164, %swap3A_165], %swap3A_168 {strides = array<i32>} : memref<128x64xbf16, #tpu.memory_space<vmem>>, vector<1x32xbf16>,
        %scan3A_169 = arith.constant 3 : i32
        %scan3A_170 = arith.addi %scan3A_82, %scan3A_169 : i32
        %get3A_171 = arith.index_cast %scan3A_170 : i32 to index
        %get3A_172 = arith.constant 0 : index
        %get3A_173 = tpu.vector_load %arg11[%get3A_171, %get3A_172] {strides = array<i32>} : memref<128x64xbf16, #tpu.memory_space<vmem>>, vector<1x32xbf16>,
        %get3A_174 = vector.shape_cast %get3A_173 : vector<1x32xbf16> to vector<32xbf16>
        %get3A_175 = arith.index_cast %scan3A_170 : i32 to index
        %get3A_176 = arith.constant 0 : index
        %get3A_177 = tpu.vector_load %arg12[%get3A_175, %get3A_176] {strides = array<i32>} : memref<128x64xbf16, #tpu.memory_space<vmem>>, vector<1x32xbf16>,
        %get3A_178 = vector.shape_cast %get3A_177 : vector<1x32xbf16> to vector<32xbf16>
        %add3A_179 = arith.addf %get3A_174, %get3A_178 : vector<32xbf16>
        %swap3A_180 = arith.index_cast %scan3A_170 : i32 to index
        %swap3A_181 = arith.constant 0 : index
        %swap3A_182 = tpu.vector_load %arg11[%swap3A_180, %swap3A_181] {strides = array<i32>} : memref<128x64xbf16, #tpu.memory_space<vmem>>, vector<1x32xbf16>,
        %swap3A_183 = vector.shape_cast %swap3A_182 : vector<1x32xbf16> to vector<32xbf16>
        %swap3A_184 = vector.shape_cast %add3A_179 : vector<32xbf16> to vector<1x32xbf16>
        tpu.vector_store %arg11[%swap3A_180, %swap3A_181], %swap3A_184 {strides = array<i32>} : memref<128x64xbf16, #tpu.memory_space<vmem>>, vector<1x32xbf16>,
        %get3A_185 = arith.index_cast %scan3A_170 : i32 to index
        %get3A_186 = arith.constant 32 : index
        %get3A_187 = tpu.vector_load %arg11[%get3A_185, %get3A_186] {strides = array<i32>} : memref<128x64xbf16, #tpu.memory_space<vmem>>, vector<1x32xbf16>,
        %get3A_188 = vector.shape_cast %get3A_187 : vector<1x32xbf16> to vector<32xbf16>
        %get3A_189 = arith.index_cast %scan3A_170 : i32 to index
        %get3A_190 = arith.constant 32 : index
        %get3A_191 = tpu.vector_load %arg12[%get3A_189, %get3A_190] {strides = array<i32>} : memref<128x64xbf16, #tpu.memory_space<vmem>>, vector<1x32xbf16>,
        %get3A_192 = vector.shape_cast %get3A_191 : vector<1x32xbf16> to vector<32xbf16>
        %add3A_193 = arith.addf %get3A_188, %get3A_192 : vector<32xbf16>
        %swap3A_194 = arith.index_cast %scan3A_170 : i32 to index
        %swap3A_195 = arith.constant 32 : index
        %swap3A_196 = tpu.vector_load %arg11[%swap3A_194, %swap3A_195] {strides = array<i32>} : memref<128x64xbf16, #tpu.memory_space<vmem>>, vector<1x32xbf16>,
        %swap3A_197 = vector.shape_cast %swap3A_196 : vector<1x32xbf16> to vector<32xbf16>
        %swap3A_198 = vector.shape_cast %add3A_193 : vector<32xbf16> to vector<1x32xbf16>
        tpu.vector_store %arg11[%swap3A_194, %swap3A_195], %swap3A_198 {strides = array<i32>} : memref<128x64xbf16, #tpu.memory_space<vmem>>, vector<1x32xbf16>,
        %scan3A_199 = arith.constant 4 : i32
        %scan3A_200 = arith.addi %scan3A_82, %scan3A_199 : i32
        %get3A_201 = arith.index_cast %scan3A_200 : i32 to index
        %get3A_202 = arith.constant 0 : index
        %get3A_203 = tpu.vector_load %arg11[%get3A_201, %get3A_202] {strides = array<i32>} : memref<128x64xbf16, #tpu.memory_space<vmem>>, vector<1x32xbf16>,
        %get3A_204 = vector.shape_cast %get3A_203 : vector<1x32xbf16> to vector<32xbf16>
        %get3A_205 = arith.index_cast %scan3A_200 : i32 to index
        %get3A_206 = arith.constant 0 : index
        %get3A_207 = tpu.vector_load %arg12[%get3A_205, %get3A_206] {strides = array<i32>} : memref<128x64xbf16, #tpu.memory_space<vmem>>, vector<1x32xbf16>,
        %get3A_208 = vector.shape_cast %get3A_207 : vector<1x32xbf16> to vector<32xbf16>
        %add3A_209 = arith.addf %get3A_204, %get3A_208 : vector<32xbf16>
        %swap3A_210 = arith.index_cast %scan3A_200 : i32 to index
        %swap3A_211 = arith.constant 0 : index
        %swap3A_212 = tpu.vector_load %arg11[%swap3A_210, %swap3A_211] {strides = array<i32>} : memref<128x64xbf16, #tpu.memory_space<vmem>>, vector<1x32xbf16>,
        %swap3A_213 = vector.shape_cast %swap3A_212 : vector<1x32xbf16> to vector<32xbf16>
        %swap3A_214 = vector.shape_cast %add3A_209 : vector<32xbf16> to vector<1x32xbf16>
        tpu.vector_store %arg11[%swap3A_210, %swap3A_211], %swap3A_214 {strides = array<i32>} : memref<128x64xbf16, #tpu.memory_space<vmem>>, vector<1x32xbf16>,
        %get3A_215 = arith.index_cast %scan3A_200 : i32 to index
        %get3A_216 = arith.constant 32 : index
        %get3A_217 = tpu.vector_load %arg11[%get3A_215, %get3A_216] {strides = array<i32>} : memref<128x64xbf16, #tpu.memory_space<vmem>>, vector<1x32xbf16>,
        %get3A_218 = vector.shape_cast %get3A_217 : vector<1x32xbf16> to vector<32xbf16>
        %get3A_219 = arith.index_cast %scan3A_200 : i32 to index
        %get3A_220 = arith.constant 32 : index
        %get3A_221 = tpu.vector_load %arg12[%get3A_219, %get3A_220] {strides = array<i32>} : memref<128x64xbf16, #tpu.memory_space<vmem>>, vector<1x32xbf16>,
        %get3A_222 = vector.shape_cast %get3A_221 : vector<1x32xbf16> to vector<32xbf16>
        %add3A_223 = arith.addf %get3A_218, %get3A_222 : vector<32xbf16>
        %swap3A_224 = arith.index_cast %scan3A_200 : i32 to index
        %swap3A_225 = arith.constant 32 : index
        %swap3A_226 = tpu.vector_load %arg11[%swap3A_224, %swap3A_225] {strides = array<i32>} : memref<128x64xbf16, #tpu.memory_space<vmem>>, vector<1x32xbf16>,
        %swap3A_227 = vector.shape_cast %swap3A_226 : vector<1x32xbf16> to vector<32xbf16>
        %swap3A_228 = vector.shape_cast %add3A_223 : vector<32xbf16> to vector<1x32xbf16>
        tpu.vector_store %arg11[%swap3A_224, %swap3A_225], %swap3A_228 {strides = array<i32>} : memref<128x64xbf16, #tpu.memory_space<vmem>>, vector<1x32xbf16>,
        %scan3A_229 = arith.constant 5 : i32
        %scan3A_230 = arith.addi %scan3A_82, %scan3A_229 : i32
        %get3A_231 = arith.index_cast %scan3A_230 : i32 to index
        %get3A_232 = arith.constant 0 : index
        %get3A_233 = tpu.vector_load %arg11[%get3A_231, %get3A_232] {strides = array<i32>} : memref<128x64xbf16, #tpu.memory_space<vmem>>, vector<1x32xbf16>,
        %get3A_234 = vector.shape_cast %get3A_233 : vector<1x32xbf16> to vector<32xbf16>
        %get3A_235 = arith.index_cast %scan3A_230 : i32 to index
        %get3A_236 = arith.constant 0 : index
        %get3A_237 = tpu.vector_load %arg12[%get3A_235, %get3A_236] {strides = array<i32>} : memref<128x64xbf16, #tpu.memory_space<vmem>>, vector<1x32xbf16>,
        %get3A_238 = vector.shape_cast %get3A_237 : vector<1x32xbf16> to vector<32xbf16>
        %add3A_239 = arith.addf %get3A_234, %get3A_238 : vector<32xbf16>
        %swap3A_240 = arith.index_cast %scan3A_230 : i32 to index
        %swap3A_241 = arith.constant 0 : index
        %swap3A_242 = tpu.vector_load %arg11[%swap3A_240, %swap3A_241] {strides = array<i32>} : memref<128x64xbf16, #tpu.memory_space<vmem>>, vector<1x32xbf16>,
        %swap3A_243 = vector.shape_cast %swap3A_242 : vector<1x32xbf16> to vector<32xbf16>
        %swap3A_244 = vector.shape_cast %add3A_239 : vector<32xbf16> to vector<1x32xbf16>
        tpu.vector_store %arg11[%swap3A_240, %swap3A_241], %swap3A_244 {strides = array<i32>} : memref<128x64xbf16, #tpu.memory_space<vmem>>, vector<1x32xbf16>,
        %get3A_245 = arith.index_cast %scan3A_230 : i32 to index
        %get3A_246 = arith.constant 32 : index
        %get3A_247 = tpu.vector_load %arg11[%get3A_245, %get3A_246] {strides = array<i32>} : memref<128x64xbf16, #tpu.memory_space<vmem>>, vector<1x32xbf16>,
        %get3A_248 = vector.shape_cast %get3A_247 : vector<1x32xbf16> to vector<32xbf16>
        %get3A_249 = arith.index_cast %scan3A_230 : i32 to index
        %get3A_250 = arith.constant 32 : index
        %get3A_251 = tpu.vector_load %arg12[%get3A_249, %get3A_250] {strides = array<i32>} : memref<128x64xbf16, #tpu.memory_space<vmem>>, vector<1x32xbf16>,
        %get3A_252 = vector.shape_cast %get3A_251 : vector<1x32xbf16> to vector<32xbf16>
        %add3A_253 = arith.addf %get3A_248, %get3A_252 : vector<32xbf16>
        %swap3A_254 = arith.index_cast %scan3A_230 : i32 to index
        %swap3A_255 = arith.constant 32 : index
        %swap3A_256 = tpu.vector_load %arg11[%swap3A_254, %swap3A_255] {strides = array<i32>} : memref<128x64xbf16, #tpu.memory_space<vmem>>, vector<1x32xbf16>,
        %swap3A_257 = vector.shape_cast %swap3A_256 : vector<1x32xbf16> to vector<32xbf16>
        %swap3A_258 = vector.shape_cast %add3A_253 : vector<32xbf16> to vector<1x32xbf16>
        tpu.vector_store %arg11[%swap3A_254, %swap3A_255], %swap3A_258 {strides = array<i32>} : memref<128x64xbf16, #tpu.memory_space<vmem>>, vector<1x32xbf16>,
        %scan3A_259 = arith.constant 6 : i32
        %scan3A_260 = arith.addi %scan3A_82, %scan3A_259 : i32
        %get3A_261 = arith.index_cast %scan3A_260 : i32 to index
        %get3A_262 = arith.constant 0 : index
        %get3A_263 = tpu.vector_load %arg11[%get3A_261, %get3A_262] {strides = array<i32>} : memref<128x64xbf16, #tpu.memory_space<vmem>>, vector<1x32xbf16>,
        %get3A_264 = vector.shape_cast %get3A_263 : vector<1x32xbf16> to vector<32xbf16>
        %get3A_265 = arith.index_cast %scan3A_260 : i32 to index
        %get3A_266 = arith.constant 0 : index
        %get3A_267 = tpu.vector_load %arg12[%get3A_265, %get3A_266] {strides = array<i32>} : memref<128x64xbf16, #tpu.memory_space<vmem>>, vector<1x32xbf16>,
        %get3A_268 = vector.shape_cast %get3A_267 : vector<1x32xbf16> to vector<32xbf16>
        %add3A_269 = arith.addf %get3A_264, %get3A_268 : vector<32xbf16>
        %swap3A_270 = arith.index_cast %scan3A_260 : i32 to index
        %swap3A_271 = arith.constant 0 : index
        %swap3A_272 = tpu.vector_load %arg11[%swap3A_270, %swap3A_271] {strides = array<i32>} : memref<128x64xbf16, #tpu.memory_space<vmem>>, vector<1x32xbf16>,
        %swap3A_273 = vector.shape_cast %swap3A_272 : vector<1x32xbf16> to vector<32xbf16>
        %swap3A_274 = vector.shape_cast %add3A_269 : vector<32xbf16> to vector<1x32xbf16>
        tpu.vector_store %arg11[%swap3A_270, %swap3A_271], %swap3A_274 {strides = array<i32>} : memref<128x64xbf16, #tpu.memory_space<vmem>>, vector<1x32xbf16>,
        %get3A_275 = arith.index_cast %scan3A_260 : i32 to index
        %get3A_276 = arith.constant 32 : index
        %get3A_277 = tpu.vector_load %arg11[%get3A_275, %get3A_276] {strides = array<i32>} : memref<128x64xbf16, #tpu.memory_space<vmem>>, vector<1x32xbf16>,
        %get3A_278 = vector.shape_cast %get3A_277 : vector<1x32xbf16> to vector<32xbf16>
        %get3A_279 = arith.index_cast %scan3A_260 : i32 to index
        %get3A_280 = arith.constant 32 : index
        %get3A_281 = tpu.vector_load %arg12[%get3A_279, %get3A_280] {strides = array<i32>} : memref<128x64xbf16, #tpu.memory_space<vmem>>, vector<1x32xbf16>,
        %get3A_282 = vector.shape_cast %get3A_281 : vector<1x32xbf16> to vector<32xbf16>
        %add3A_283 = arith.addf %get3A_278, %get3A_282 : vector<32xbf16>
        %swap3A_284 = arith.index_cast %scan3A_260 : i32 to index
        %swap3A_285 = arith.constant 32 : index
        %swap3A_286 = tpu.vector_load %arg11[%swap3A_284, %swap3A_285] {strides = array<i32>} : memref<128x64xbf16, #tpu.memory_space<vmem>>, vector<1x32xbf16>,
        %swap3A_287 = vector.shape_cast %swap3A_286 : vector<1x32xbf16> to vector<32xbf16>
        %swap3A_288 = vector.shape_cast %add3A_283 : vector<32xbf16> to vector<1x32xbf16>
        tpu.vector_store %arg11[%swap3A_284, %swap3A_285], %swap3A_288 {strides = array<i32>} : memref<128x64xbf16, #tpu.memory_space<vmem>>, vector<1x32xbf16>,
        %scan3A_289 = arith.constant 7 : i32
        %scan3A_290 = arith.addi %scan3A_82, %scan3A_289 : i32
        %get3A_291 = arith.index_cast %scan3A_290 : i32 to index
        %get3A_292 = arith.constant 0 : index
        %get3A_293 = tpu.vector_load %arg11[%get3A_291, %get3A_292] {strides = array<i32>} : memref<128x64xbf16, #tpu.memory_space<vmem>>, vector<1x32xbf16>,
        %get3A_294 = vector.shape_cast %get3A_293 : vector<1x32xbf16> to vector<32xbf16>
        %get3A_295 = arith.index_cast %scan3A_290 : i32 to index
        %get3A_296 = arith.constant 0 : index
        %get3A_297 = tpu.vector_load %arg12[%get3A_295, %get3A_296] {strides = array<i32>} : memref<128x64xbf16, #tpu.memory_space<vmem>>, vector<1x32xbf16>,
        %get3A_298 = vector.shape_cast %get3A_297 : vector<1x32xbf16> to vector<32xbf16>
        %add3A_299 = arith.addf %get3A_294, %get3A_298 : vector<32xbf16>
        %swap3A_300 = arith.index_cast %scan3A_290 : i32 to index
        %swap3A_301 = arith.constant 0 : index
        %swap3A_302 = tpu.vector_load %arg11[%swap3A_300, %swap3A_301] {strides = array<i32>} : memref<128x64xbf16, #tpu.memory_space<vmem>>, vector<1x32xbf16>,
        %swap3A_303 = vector.shape_cast %swap3A_302 : vector<1x32xbf16> to vector<32xbf16>
        %swap3A_304 = vector.shape_cast %add3A_299 : vector<32xbf16> to vector<1x32xbf16>
        tpu.vector_store %arg11[%swap3A_300, %swap3A_301], %swap3A_304 {strides = array<i32>} : memref<128x64xbf16, #tpu.memory_space<vmem>>, vector<1x32xbf16>,
        %get3A_305 = arith.index_cast %scan3A_290 : i32 to index
        %get3A_306 = arith.constant 32 : index
        %get3A_307 = tpu.vector_load %arg11[%get3A_305, %get3A_306] {strides = array<i32>} : memref<128x64xbf16, #tpu.memory_space<vmem>>, vector<1x32xbf16>,
        %get3A_308 = vector.shape_cast %get3A_307 : vector<1x32xbf16> to vector<32xbf16>
        %get3A_309 = arith.index_cast %scan3A_290 : i32 to index
        %get3A_310 = arith.constant 32 : index
        %get3A_311 = tpu.vector_load %arg12[%get3A_309, %get3A_310] {strides = array<i32>} : memref<128x64xbf16, #tpu.memory_space<vmem>>, vector<1x32xbf16>,
        %get3A_312 = vector.shape_cast %get3A_311 : vector<1x32xbf16> to vector<32xbf16>
        %add3A_313 = arith.addf %get3A_308, %get3A_312 : vector<32xbf16>
        %swap3A_314 = arith.index_cast %scan3A_290 : i32 to index
        %swap3A_315 = arith.constant 32 : index
        %swap3A_316 = tpu.vector_load %arg11[%swap3A_314, %swap3A_315] {strides = array<i32>} : memref<128x64xbf16, #tpu.memory_space<vmem>>, vector<1x32xbf16>,
        %swap3A_317 = vector.shape_cast %swap3A_316 : vector<1x32xbf16> to vector<32xbf16>
        %swap3A_318 = vector.shape_cast %add3A_313 : vector<32xbf16> to vector<1x32xbf16>
        tpu.vector_store %arg11[%swap3A_314, %swap3A_315], %swap3A_318 {strides = array<i32>} : memref<128x64xbf16, #tpu.memory_space<vmem>>, vector<1x32xbf16>,
      }
      %scan3A_78 = arith.constant 128 : i32
      %add3A_79 = arith.addi %mul3A_2, %add3A_53 : i32
      %mul3A_80 = arith.constant 128 : i32
      %mul3A_81 = arith.muli %add3A_79, %mul3A_80 : i32
      "tpu.region"() ({
        %run_scoped3A = tpu.sem_alloc : memref<!tpu.dma_semaphore, #tpu.memory_space<semaphore_mem>>
        %dma_start3A_82 = arith.constant 0 : i32
        %dma_start3A_83 = tpu.memref_slice %arg6[%mul3A_81, %dma_start3A_82] : memref<802816x64xbf16, #tpu.memory_space<hbm>> -> memref<128x64xbf16, #tpu.memory_space<hbm>>
        %dma_start3A_84 = arith.constant 0 : i32
        %dma_start3A_85 = tpu.memref_slice %arg6[%mul3A_81, %dma_start3A_84] : memref<802816x64xbf16, #tpu.memory_space<hbm>> -> memref<128x64xbf16, #tpu.memory_space<hbm>>
        tpu.enqueue_dma source(%arg11 : memref<128x64xbf16, #tpu.memory_space<vmem>>) target(%dma_start3A_85 : memref<128x64xbf16, #tpu.memory_space<hbm>>) target_semaphore(%run_scoped3A : memref<!tpu.dma_semaphore, #tpu.memory_space<semaphore_mem>>)
        %dma_wait3A_86 = arith.constant 0 : i32
        %dma_wait3A_87 = tpu.memref_slice %arg6[%mul3A_81, %dma_wait3A_86] : memref<802816x64xbf16, #tpu.memory_space<hbm>> -> memref<128x64xbf16, #tpu.memory_space<hbm>>
        %dma_wait3A_88 = arith.constant 0 : i32
        %dma_wait3A_89 = tpu.memref_slice %arg6[%mul3A_81, %dma_wait3A_88] : memref<802816x64xbf16, #tpu.memory_space<hbm>> -> memref<128x64xbf16, #tpu.memory_space<hbm>>
        tpu.wait_dma2 semaphore(%run_scoped3A : memref<!tpu.dma_semaphore, #tpu.memory_space<semaphore_mem>>) src(%arg11 : memref<128x64xbf16, #tpu.memory_space<vmem>>) dst(%dma_wait3A_89 : memref<128x64xbf16, #tpu.memory_space<hbm>>)
        tpu.yield
      }) : () -> ()
    }
    %scan3A_20 = arith.constant 98 : i32
    return
  }
}

#map = affine_map<(d0, d1) -> (0, 0)>
module attributes {stable_mosaic.version = 14 : i64} {
  func.func @_scatter_body(%arg0: i32, %arg1: i32, %arg2: memref<802816x64xf32, #tpu.memory_space<hbm>>, %arg3: memref<6272x128xi32, #tpu.memory_space<hbm>>, %arg4: memref<50016x64xf32, #tpu.memory_space<hbm>>, %arg5: memref<128xi32, #tpu.memory_space<vmem>>, %arg6: memref<128xi32, #tpu.memory_space<vmem>>, %arg7: memref<128x64xf32, #tpu.memory_space<vmem>>, %arg8: memref<128x64xf32, #tpu.memory_space<vmem>>, %arg9: memref<128x64xf32, #tpu.memory_space<vmem>>, %arg10: memref<25008x64xf32, #tpu.memory_space<vmem_shared>>, %arg11: memref<!tpu.dma_semaphore, #tpu.memory_space<semaphore_mem>>, %arg12: memref<!tpu.dma_semaphore, #tpu.memory_space<semaphore_mem>>) attributes {dimension_semantics = [#tpu.dimension_semantics<core_parallel>, #tpu.dimension_semantics<subcore_parallel>], iteration_bounds = array<i64: 2, 16>, scalar_prefetch = 0 : i64, scratch_operands = 8 : i64, tpu.core_type = #tpu.core_type<sc_vector_subcore>, window_params = [{transform_indices = #map}, {transform_indices = #map}, {transform_indices = #map}]} {
    %mul3A = arith.constant 392 : i32
    %mul3A_0 = arith.muli %arg1, %mul3A : i32
    %mul3A_1 = arith.constant 25000 : i32
    %mul3A_2 = arith.muli %arg0, %mul3A_1 : i32
    %scan3A = arith.constant 0 : i32
    %scan3A_3 = arith.constant 0 : i32
    %scan3A_4 = arith.constant 128 : i32
    %scan3A_5 = arith.addi %scan3A_3, %scan3A_4 : i32
    %scan3A_6 = arith.constant 4 : i32
    scf.for %scan3A_52 = %scan3A_3 to %scan3A_5 step %scan3A_6  : i32 {
      %broadcast_in_dim3A = arith.constant 0.000000e+00 : f32
      %broadcast_in_dim3A_53 = vector.broadcast %broadcast_in_dim3A : f32 to vector<16xf32>
      %swap3A = arith.index_cast %scan3A_52 : i32 to index
      %swap3A_54 = arith.constant 0 : index
      %swap3A_55 = tpu.vector_load %arg9[%swap3A, %swap3A_54] {strides = array<i32>} : memref<128x64xf32, #tpu.memory_space<vmem>>, vector<1x16xf32>,
      %swap3A_56 = vector.shape_cast %swap3A_55 : vector<1x16xf32> to vector<16xf32>
      %swap3A_57 = vector.shape_cast %broadcast_in_dim3A_53 : vector<16xf32> to vector<1x16xf32>
      tpu.vector_store %arg9[%swap3A, %swap3A_54], %swap3A_57 {strides = array<i32>} : memref<128x64xf32, #tpu.memory_space<vmem>>, vector<1x16xf32>,
      %broadcast_in_dim3A_58 = arith.constant 0.000000e+00 : f32
      %broadcast_in_dim3A_59 = vector.broadcast %broadcast_in_dim3A_58 : f32 to vector<16xf32>
      %swap3A_60 = arith.index_cast %scan3A_52 : i32 to index
      %swap3A_61 = arith.constant 16 : index
      %swap3A_62 = tpu.vector_load %arg9[%swap3A_60, %swap3A_61] {strides = array<i32>} : memref<128x64xf32, #tpu.memory_space<vmem>>, vector<1x16xf32>,
      %swap3A_63 = vector.shape_cast %swap3A_62 : vector<1x16xf32> to vector<16xf32>
      %swap3A_64 = vector.shape_cast %broadcast_in_dim3A_59 : vector<16xf32> to vector<1x16xf32>
      tpu.vector_store %arg9[%swap3A_60, %swap3A_61], %swap3A_64 {strides = array<i32>} : memref<128x64xf32, #tpu.memory_space<vmem>>, vector<1x16xf32>,
      %broadcast_in_dim3A_65 = arith.constant 0.000000e+00 : f32
      %broadcast_in_dim3A_66 = vector.broadcast %broadcast_in_dim3A_65 : f32 to vector<16xf32>
      %swap3A_67 = arith.index_cast %scan3A_52 : i32 to index
      %swap3A_68 = arith.constant 32 : index
      %swap3A_69 = tpu.vector_load %arg9[%swap3A_67, %swap3A_68] {strides = array<i32>} : memref<128x64xf32, #tpu.memory_space<vmem>>, vector<1x16xf32>,
      %swap3A_70 = vector.shape_cast %swap3A_69 : vector<1x16xf32> to vector<16xf32>
      %swap3A_71 = vector.shape_cast %broadcast_in_dim3A_66 : vector<16xf32> to vector<1x16xf32>
      tpu.vector_store %arg9[%swap3A_67, %swap3A_68], %swap3A_71 {strides = array<i32>} : memref<128x64xf32, #tpu.memory_space<vmem>>, vector<1x16xf32>,
      %broadcast_in_dim3A_72 = arith.constant 0.000000e+00 : f32
      %broadcast_in_dim3A_73 = vector.broadcast %broadcast_in_dim3A_72 : f32 to vector<16xf32>
      %swap3A_74 = arith.index_cast %scan3A_52 : i32 to index
      %swap3A_75 = arith.constant 48 : index
      %swap3A_76 = tpu.vector_load %arg9[%swap3A_74, %swap3A_75] {strides = array<i32>} : memref<128x64xf32, #tpu.memory_space<vmem>>, vector<1x16xf32>,
      %swap3A_77 = vector.shape_cast %swap3A_76 : vector<1x16xf32> to vector<16xf32>
      %swap3A_78 = vector.shape_cast %broadcast_in_dim3A_73 : vector<16xf32> to vector<1x16xf32>
      tpu.vector_store %arg9[%swap3A_74, %swap3A_75], %swap3A_78 {strides = array<i32>} : memref<128x64xf32, #tpu.memory_space<vmem>>, vector<1x16xf32>,
      %scan3A_79 = arith.constant 1 : i32
      %scan3A_80 = arith.addi %scan3A_52, %scan3A_79 : i32
      %broadcast_in_dim3A_81 = arith.constant 0.000000e+00 : f32
      %broadcast_in_dim3A_82 = vector.broadcast %broadcast_in_dim3A_81 : f32 to vector<16xf32>
      %swap3A_83 = arith.index_cast %scan3A_80 : i32 to index
      %swap3A_84 = arith.constant 0 : index
      %swap3A_85 = tpu.vector_load %arg9[%swap3A_83, %swap3A_84] {strides = array<i32>} : memref<128x64xf32, #tpu.memory_space<vmem>>, vector<1x16xf32>,
      %swap3A_86 = vector.shape_cast %swap3A_85 : vector<1x16xf32> to vector<16xf32>
      %swap3A_87 = vector.shape_cast %broadcast_in_dim3A_82 : vector<16xf32> to vector<1x16xf32>
      tpu.vector_store %arg9[%swap3A_83, %swap3A_84], %swap3A_87 {strides = array<i32>} : memref<128x64xf32, #tpu.memory_space<vmem>>, vector<1x16xf32>,
      %broadcast_in_dim3A_88 = arith.constant 0.000000e+00 : f32
      %broadcast_in_dim3A_89 = vector.broadcast %broadcast_in_dim3A_88 : f32 to vector<16xf32>
      %swap3A_90 = arith.index_cast %scan3A_80 : i32 to index
      %swap3A_91 = arith.constant 16 : index
      %swap3A_92 = tpu.vector_load %arg9[%swap3A_90, %swap3A_91] {strides = array<i32>} : memref<128x64xf32, #tpu.memory_space<vmem>>, vector<1x16xf32>,
      %swap3A_93 = vector.shape_cast %swap3A_92 : vector<1x16xf32> to vector<16xf32>
      %swap3A_94 = vector.shape_cast %broadcast_in_dim3A_89 : vector<16xf32> to vector<1x16xf32>
      tpu.vector_store %arg9[%swap3A_90, %swap3A_91], %swap3A_94 {strides = array<i32>} : memref<128x64xf32, #tpu.memory_space<vmem>>, vector<1x16xf32>,
      %broadcast_in_dim3A_95 = arith.constant 0.000000e+00 : f32
      %broadcast_in_dim3A_96 = vector.broadcast %broadcast_in_dim3A_95 : f32 to vector<16xf32>
      %swap3A_97 = arith.index_cast %scan3A_80 : i32 to index
      %swap3A_98 = arith.constant 32 : index
      %swap3A_99 = tpu.vector_load %arg9[%swap3A_97, %swap3A_98] {strides = array<i32>} : memref<128x64xf32, #tpu.memory_space<vmem>>, vector<1x16xf32>,
      %swap3A_100 = vector.shape_cast %swap3A_99 : vector<1x16xf32> to vector<16xf32>
      %swap3A_101 = vector.shape_cast %broadcast_in_dim3A_96 : vector<16xf32> to vector<1x16xf32>
      tpu.vector_store %arg9[%swap3A_97, %swap3A_98], %swap3A_101 {strides = array<i32>} : memref<128x64xf32, #tpu.memory_space<vmem>>, vector<1x16xf32>,
      %broadcast_in_dim3A_102 = arith.constant 0.000000e+00 : f32
      %broadcast_in_dim3A_103 = vector.broadcast %broadcast_in_dim3A_102 : f32 to vector<16xf32>
      %swap3A_104 = arith.index_cast %scan3A_80 : i32 to index
      %swap3A_105 = arith.constant 48 : index
      %swap3A_106 = tpu.vector_load %arg9[%swap3A_104, %swap3A_105] {strides = array<i32>} : memref<128x64xf32, #tpu.memory_space<vmem>>, vector<1x16xf32>,
      %swap3A_107 = vector.shape_cast %swap3A_106 : vector<1x16xf32> to vector<16xf32>
      %swap3A_108 = vector.shape_cast %broadcast_in_dim3A_103 : vector<16xf32> to vector<1x16xf32>
      tpu.vector_store %arg9[%swap3A_104, %swap3A_105], %swap3A_108 {strides = array<i32>} : memref<128x64xf32, #tpu.memory_space<vmem>>, vector<1x16xf32>,
      %scan3A_109 = arith.constant 2 : i32
      %scan3A_110 = arith.addi %scan3A_52, %scan3A_109 : i32
      %broadcast_in_dim3A_111 = arith.constant 0.000000e+00 : f32
      %broadcast_in_dim3A_112 = vector.broadcast %broadcast_in_dim3A_111 : f32 to vector<16xf32>
      %swap3A_113 = arith.index_cast %scan3A_110 : i32 to index
      %swap3A_114 = arith.constant 0 : index
      %swap3A_115 = tpu.vector_load %arg9[%swap3A_113, %swap3A_114] {strides = array<i32>} : memref<128x64xf32, #tpu.memory_space<vmem>>, vector<1x16xf32>,
      %swap3A_116 = vector.shape_cast %swap3A_115 : vector<1x16xf32> to vector<16xf32>
      %swap3A_117 = vector.shape_cast %broadcast_in_dim3A_112 : vector<16xf32> to vector<1x16xf32>
      tpu.vector_store %arg9[%swap3A_113, %swap3A_114], %swap3A_117 {strides = array<i32>} : memref<128x64xf32, #tpu.memory_space<vmem>>, vector<1x16xf32>,
      %broadcast_in_dim3A_118 = arith.constant 0.000000e+00 : f32
      %broadcast_in_dim3A_119 = vector.broadcast %broadcast_in_dim3A_118 : f32 to vector<16xf32>
      %swap3A_120 = arith.index_cast %scan3A_110 : i32 to index
      %swap3A_121 = arith.constant 16 : index
      %swap3A_122 = tpu.vector_load %arg9[%swap3A_120, %swap3A_121] {strides = array<i32>} : memref<128x64xf32, #tpu.memory_space<vmem>>, vector<1x16xf32>,
      %swap3A_123 = vector.shape_cast %swap3A_122 : vector<1x16xf32> to vector<16xf32>
      %swap3A_124 = vector.shape_cast %broadcast_in_dim3A_119 : vector<16xf32> to vector<1x16xf32>
      tpu.vector_store %arg9[%swap3A_120, %swap3A_121], %swap3A_124 {strides = array<i32>} : memref<128x64xf32, #tpu.memory_space<vmem>>, vector<1x16xf32>,
      %broadcast_in_dim3A_125 = arith.constant 0.000000e+00 : f32
      %broadcast_in_dim3A_126 = vector.broadcast %broadcast_in_dim3A_125 : f32 to vector<16xf32>
      %swap3A_127 = arith.index_cast %scan3A_110 : i32 to index
      %swap3A_128 = arith.constant 32 : index
      %swap3A_129 = tpu.vector_load %arg9[%swap3A_127, %swap3A_128] {strides = array<i32>} : memref<128x64xf32, #tpu.memory_space<vmem>>, vector<1x16xf32>,
      %swap3A_130 = vector.shape_cast %swap3A_129 : vector<1x16xf32> to vector<16xf32>
      %swap3A_131 = vector.shape_cast %broadcast_in_dim3A_126 : vector<16xf32> to vector<1x16xf32>
      tpu.vector_store %arg9[%swap3A_127, %swap3A_128], %swap3A_131 {strides = array<i32>} : memref<128x64xf32, #tpu.memory_space<vmem>>, vector<1x16xf32>,
      %broadcast_in_dim3A_132 = arith.constant 0.000000e+00 : f32
      %broadcast_in_dim3A_133 = vector.broadcast %broadcast_in_dim3A_132 : f32 to vector<16xf32>
      %swap3A_134 = arith.index_cast %scan3A_110 : i32 to index
      %swap3A_135 = arith.constant 48 : index
      %swap3A_136 = tpu.vector_load %arg9[%swap3A_134, %swap3A_135] {strides = array<i32>} : memref<128x64xf32, #tpu.memory_space<vmem>>, vector<1x16xf32>,
      %swap3A_137 = vector.shape_cast %swap3A_136 : vector<1x16xf32> to vector<16xf32>
      %swap3A_138 = vector.shape_cast %broadcast_in_dim3A_133 : vector<16xf32> to vector<1x16xf32>
      tpu.vector_store %arg9[%swap3A_134, %swap3A_135], %swap3A_138 {strides = array<i32>} : memref<128x64xf32, #tpu.memory_space<vmem>>, vector<1x16xf32>,
      %scan3A_139 = arith.constant 3 : i32
      %scan3A_140 = arith.addi %scan3A_52, %scan3A_139 : i32
      %broadcast_in_dim3A_141 = arith.constant 0.000000e+00 : f32
      %broadcast_in_dim3A_142 = vector.broadcast %broadcast_in_dim3A_141 : f32 to vector<16xf32>
      %swap3A_143 = arith.index_cast %scan3A_140 : i32 to index
      %swap3A_144 = arith.constant 0 : index
      %swap3A_145 = tpu.vector_load %arg9[%swap3A_143, %swap3A_144] {strides = array<i32>} : memref<128x64xf32, #tpu.memory_space<vmem>>, vector<1x16xf32>,
      %swap3A_146 = vector.shape_cast %swap3A_145 : vector<1x16xf32> to vector<16xf32>
      %swap3A_147 = vector.shape_cast %broadcast_in_dim3A_142 : vector<16xf32> to vector<1x16xf32>
      tpu.vector_store %arg9[%swap3A_143, %swap3A_144], %swap3A_147 {strides = array<i32>} : memref<128x64xf32, #tpu.memory_space<vmem>>, vector<1x16xf32>,
      %broadcast_in_dim3A_148 = arith.constant 0.000000e+00 : f32
      %broadcast_in_dim3A_149 = vector.broadcast %broadcast_in_dim3A_148 : f32 to vector<16xf32>
      %swap3A_150 = arith.index_cast %scan3A_140 : i32 to index
      %swap3A_151 = arith.constant 16 : index
      %swap3A_152 = tpu.vector_load %arg9[%swap3A_150, %swap3A_151] {strides = array<i32>} : memref<128x64xf32, #tpu.memory_space<vmem>>, vector<1x16xf32>,
      %swap3A_153 = vector.shape_cast %swap3A_152 : vector<1x16xf32> to vector<16xf32>
      %swap3A_154 = vector.shape_cast %broadcast_in_dim3A_149 : vector<16xf32> to vector<1x16xf32>
      tpu.vector_store %arg9[%swap3A_150, %swap3A_151], %swap3A_154 {strides = array<i32>} : memref<128x64xf32, #tpu.memory_space<vmem>>, vector<1x16xf32>,
      %broadcast_in_dim3A_155 = arith.constant 0.000000e+00 : f32
      %broadcast_in_dim3A_156 = vector.broadcast %broadcast_in_dim3A_155 : f32 to vector<16xf32>
      %swap3A_157 = arith.index_cast %scan3A_140 : i32 to index
      %swap3A_158 = arith.constant 32 : index
      %swap3A_159 = tpu.vector_load %arg9[%swap3A_157, %swap3A_158] {strides = array<i32>} : memref<128x64xf32, #tpu.memory_space<vmem>>, vector<1x16xf32>,
      %swap3A_160 = vector.shape_cast %swap3A_159 : vector<1x16xf32> to vector<16xf32>
      %swap3A_161 = vector.shape_cast %broadcast_in_dim3A_156 : vector<16xf32> to vector<1x16xf32>
      tpu.vector_store %arg9[%swap3A_157, %swap3A_158], %swap3A_161 {strides = array<i32>} : memref<128x64xf32, #tpu.memory_space<vmem>>, vector<1x16xf32>,
      %broadcast_in_dim3A_162 = arith.constant 0.000000e+00 : f32
      %broadcast_in_dim3A_163 = vector.broadcast %broadcast_in_dim3A_162 : f32 to vector<16xf32>
      %swap3A_164 = arith.index_cast %scan3A_140 : i32 to index
      %swap3A_165 = arith.constant 48 : index
      %swap3A_166 = tpu.vector_load %arg9[%swap3A_164, %swap3A_165] {strides = array<i32>} : memref<128x64xf32, #tpu.memory_space<vmem>>, vector<1x16xf32>,
      %swap3A_167 = vector.shape_cast %swap3A_166 : vector<1x16xf32> to vector<16xf32>
      %swap3A_168 = vector.shape_cast %broadcast_in_dim3A_163 : vector<16xf32> to vector<1x16xf32>
      tpu.vector_store %arg9[%swap3A_164, %swap3A_165], %swap3A_168 {strides = array<i32>} : memref<128x64xf32, #tpu.memory_space<vmem>>, vector<1x16xf32>,
    }
    %scan3A_7 = arith.constant 128 : i32
    %mul3A_8 = arith.constant 1563 : i32
    %mul3A_9 = arith.muli %arg1, %mul3A_8 : i32
    %scan3A_10 = arith.constant 0 : i32
    %scan3A_11 = arith.constant 0 : i32
    %scan3A_12 = arith.constant 12 : i32
    %scan3A_13 = arith.addi %scan3A_11, %scan3A_12 : i32
    %scan3A_14 = arith.constant 1 : i32
    scf.for %scan3A_52 = %scan3A_11 to %scan3A_13 step %scan3A_14  : i32 {
      %mul3A_53 = arith.constant 128 : i32
      %mul3A_54 = arith.muli %scan3A_52, %mul3A_53 : i32
      %add3A_55 = arith.addi %mul3A_9, %mul3A_54 : i32
      "tpu.region"() ({
        %run_scoped3A = tpu.sem_alloc : memref<!tpu.dma_semaphore, #tpu.memory_space<semaphore_mem>>
        %dma_start3A_56 = arith.constant 0 : i32
        %dma_start3A_57 = tpu.memref_slice %arg10[%add3A_55, %dma_start3A_56] : memref<25008x64xf32, #tpu.memory_space<vmem_shared>> -> memref<128x64xf32, #tpu.memory_space<vmem_shared>>
        %dma_start3A_58 = arith.constant 0 : i32
        %dma_start3A_59 = tpu.memref_slice %arg10[%add3A_55, %dma_start3A_58] : memref<25008x64xf32, #tpu.memory_space<vmem_shared>> -> memref<128x64xf32, #tpu.memory_space<vmem_shared>>
        tpu.enqueue_dma source(%arg9 : memref<128x64xf32, #tpu.memory_space<vmem>>) target(%dma_start3A_59 : memref<128x64xf32, #tpu.memory_space<vmem_shared>>) target_semaphore(%run_scoped3A : memref<!tpu.dma_semaphore, #tpu.memory_space<semaphore_mem>>)
        %dma_wait3A = arith.constant 0 : i32
        %dma_wait3A_60 = tpu.memref_slice %arg10[%add3A_55, %dma_wait3A] : memref<25008x64xf32, #tpu.memory_space<vmem_shared>> -> memref<128x64xf32, #tpu.memory_space<vmem_shared>>
        %dma_wait3A_61 = arith.constant 0 : i32
        %dma_wait3A_62 = tpu.memref_slice %arg10[%add3A_55, %dma_wait3A_61] : memref<25008x64xf32, #tpu.memory_space<vmem_shared>> -> memref<128x64xf32, #tpu.memory_space<vmem_shared>>
        tpu.wait_dma2 semaphore(%run_scoped3A : memref<!tpu.dma_semaphore, #tpu.memory_space<semaphore_mem>>) src(%arg9 : memref<128x64xf32, #tpu.memory_space<vmem>>) dst(%dma_wait3A_62 : memref<128x64xf32, #tpu.memory_space<vmem_shared>>)
        tpu.yield
      }) : () -> ()
    }
    %scan3A_15 = arith.constant 12 : i32
    %add3A = arith.constant 1536 : i32
    %add3A_16 = arith.addi %mul3A_9, %add3A : i32
    "tpu.region"() ({
      %run_scoped3A = tpu.sem_alloc : memref<!tpu.dma_semaphore, #tpu.memory_space<semaphore_mem>>
      %dma_start3A_52 = arith.constant 0 : i32
      %dma_start3A_53 = arith.constant 0 : i32
      %dma_start3A_54 = tpu.memref_slice %arg9[%dma_start3A_52, %dma_start3A_53] : memref<128x64xf32, #tpu.memory_space<vmem>> -> memref<27x64xf32, #tpu.memory_space<vmem>>
      %dma_start3A_55 = arith.constant 0 : i32
      %dma_start3A_56 = tpu.memref_slice %arg10[%add3A_16, %dma_start3A_55] : memref<25008x64xf32, #tpu.memory_space<vmem_shared>> -> memref<27x64xf32, #tpu.memory_space<vmem_shared>>
      %dma_start3A_57 = arith.constant 0 : i32
      %dma_start3A_58 = tpu.memref_slice %arg10[%add3A_16, %dma_start3A_57] : memref<25008x64xf32, #tpu.memory_space<vmem_shared>> -> memref<27x64xf32, #tpu.memory_space<vmem_shared>>
      %dma_start3A_59 = arith.constant 0 : i32
      %dma_start3A_60 = arith.constant 0 : i32
      %dma_start3A_61 = tpu.memref_slice %arg9[%dma_start3A_59, %dma_start3A_60] : memref<128x64xf32, #tpu.memory_space<vmem>> -> memref<27x64xf32, #tpu.memory_space<vmem>>
      tpu.enqueue_dma source(%dma_start3A_61 : memref<27x64xf32, #tpu.memory_space<vmem>>) target(%dma_start3A_58 : memref<27x64xf32, #tpu.memory_space<vmem_shared>>) target_semaphore(%run_scoped3A : memref<!tpu.dma_semaphore, #tpu.memory_space<semaphore_mem>>)
      %dma_wait3A = arith.constant 0 : i32
      %dma_wait3A_62 = arith.constant 0 : i32
      %dma_wait3A_63 = tpu.memref_slice %arg9[%dma_wait3A, %dma_wait3A_62] : memref<128x64xf32, #tpu.memory_space<vmem>> -> memref<27x64xf32, #tpu.memory_space<vmem>>
      %dma_wait3A_64 = arith.constant 0 : i32
      %dma_wait3A_65 = tpu.memref_slice %arg10[%add3A_16, %dma_wait3A_64] : memref<25008x64xf32, #tpu.memory_space<vmem_shared>> -> memref<27x64xf32, #tpu.memory_space<vmem_shared>>
      %dma_wait3A_66 = arith.constant 0 : i32
      %dma_wait3A_67 = tpu.memref_slice %arg10[%add3A_16, %dma_wait3A_66] : memref<25008x64xf32, #tpu.memory_space<vmem_shared>> -> memref<27x64xf32, #tpu.memory_space<vmem_shared>>
      %dma_wait3A_68 = arith.constant 0 : i32
      %dma_wait3A_69 = arith.constant 0 : i32
      %dma_wait3A_70 = tpu.memref_slice %arg9[%dma_wait3A_68, %dma_wait3A_69] : memref<128x64xf32, #tpu.memory_space<vmem>> -> memref<27x64xf32, #tpu.memory_space<vmem>>
      tpu.wait_dma2 semaphore(%run_scoped3A : memref<!tpu.dma_semaphore, #tpu.memory_space<semaphore_mem>>) src(%dma_wait3A_70 : memref<27x64xf32, #tpu.memory_space<vmem>>) dst(%dma_wait3A_67 : memref<27x64xf32, #tpu.memory_space<vmem_shared>>)
      tpu.yield
    }) : () -> ()
    %barrier3A = arith.constant 0 : index
    tpu.barrier barrier_id(%barrier3A)
    %add3A_17 = arith.constant 0 : i32
    %add3A_18 = arith.addi %mul3A_0, %add3A_17 : i32
    %mul3A_19 = arith.constant 128 : i32
    %mul3A_20 = arith.muli %add3A_18, %mul3A_19 : i32
    %dma_start3A = arith.constant 0 : i32
    %dma_start3A_21 = tpu.memref_slice %arg2[%mul3A_20, %dma_start3A] : memref<802816x64xf32, #tpu.memory_space<hbm>> -> memref<128x64xf32, #tpu.memory_space<hbm>>
    %dma_start3A_22 = arith.constant 0 : i32
    %dma_start3A_23 = tpu.memref_slice %arg2[%mul3A_20, %dma_start3A_22] : memref<802816x64xf32, #tpu.memory_space<hbm>> -> memref<128x64xf32, #tpu.memory_space<hbm>>
    tpu.enqueue_dma source(%dma_start3A_23 : memref<128x64xf32, #tpu.memory_space<hbm>>) target(%arg7 : memref<128x64xf32, #tpu.memory_space<vmem>>) target_semaphore(%arg11 : memref<!tpu.dma_semaphore, #tpu.memory_space<semaphore_mem>>)
    %add3A_24 = arith.constant 0 : i32
    %add3A_25 = arith.addi %mul3A_0, %add3A_24 : i32
    %dma_start3A_26 = arith.constant 0 : i32
    %dma_start3A_27 = tpu.memref_slice %arg3[%add3A_25, %dma_start3A_26] : memref<6272x128xi32, #tpu.memory_space<hbm>> -> memref<1x128xi32, #tpu.memory_space<hbm>>
    %dma_start3A_28 = tpu.memref_squeeze %dma_start3A_27 : memref<1x128xi32, #tpu.memory_space<hbm>> -> memref<128xi32, #tpu.memory_space<hbm>>
    %dma_start3A_29 = arith.constant 0 : i32
    %dma_start3A_30 = tpu.memref_slice %arg3[%add3A_25, %dma_start3A_29] : memref<6272x128xi32, #tpu.memory_space<hbm>> -> memref<1x128xi32, #tpu.memory_space<hbm>>
    %dma_start3A_31 = tpu.memref_squeeze %dma_start3A_30 : memref<1x128xi32, #tpu.memory_space<hbm>> -> memref<128xi32, #tpu.memory_space<hbm>>
    tpu.enqueue_dma source(%dma_start3A_31 : memref<128xi32, #tpu.memory_space<hbm>>) target(%arg5 : memref<128xi32, #tpu.memory_space<vmem>>) target_semaphore(%arg11 : memref<!tpu.dma_semaphore, #tpu.memory_space<semaphore_mem>>)
    %scan3A_32 = arith.constant 0 : i32
    %scan3A_33 = arith.constant 0 : i32
    %scan3A_34 = arith.constant 196 : i32
    %scan3A_35 = arith.addi %scan3A_33, %scan3A_34 : i32
    %scan3A_36 = arith.constant 1 : i32
    scf.for %scan3A_52 = %scan3A_33 to %scan3A_35 step %scan3A_36  : i32 {
      %mul3A_53 = arith.constant 2 : i32
      %mul3A_54 = arith.muli %scan3A_52, %mul3A_53 : i32
      %add3A_55 = arith.constant 0 : i32
      %add3A_56 = arith.addi %mul3A_54, %add3A_55 : i32
      %add3A_57 = arith.constant 1 : i32
      %add3A_58 = arith.addi %add3A_56, %add3A_57 : i32
      %lt3A = arith.constant 392 : i32
      %lt3A_59 = arith.cmpi slt, %add3A_58, %lt3A : i32
      %convert_element_type3A = arith.extui %lt3A_59 : i1 to i32
      %cond3A = arith.constant 0 : i32
      %cond3A_60 = arith.cmpi ne, %convert_element_type3A, %cond3A : i32
      scf.if %cond3A_60 {
        %add3A_395 = arith.constant 1 : i32
        %add3A_396 = arith.addi %add3A_56, %add3A_395 : i32
        %add3A_397 = arith.addi %mul3A_0, %add3A_396 : i32
        %mul3A_398 = arith.constant 128 : i32
        %mul3A_399 = arith.muli %add3A_397, %mul3A_398 : i32
        %dma_start3A_400 = arith.constant 0 : i32
        %dma_start3A_401 = tpu.memref_slice %arg2[%mul3A_399, %dma_start3A_400] : memref<802816x64xf32, #tpu.memory_space<hbm>> -> memref<128x64xf32, #tpu.memory_space<hbm>>
        %dma_start3A_402 = arith.constant 0 : i32
        %dma_start3A_403 = tpu.memref_slice %arg2[%mul3A_399, %dma_start3A_402] : memref<802816x64xf32, #tpu.memory_space<hbm>> -> memref<128x64xf32, #tpu.memory_space<hbm>>
        tpu.enqueue_dma source(%dma_start3A_403 : memref<128x64xf32, #tpu.memory_space<hbm>>) target(%arg8 : memref<128x64xf32, #tpu.memory_space<vmem>>) target_semaphore(%arg12 : memref<!tpu.dma_semaphore, #tpu.memory_space<semaphore_mem>>)
        %add3A_404 = arith.addi %mul3A_0, %add3A_396 : i32
        %dma_start3A_405 = arith.constant 0 : i32
        %dma_start3A_406 = tpu.memref_slice %arg3[%add3A_404, %dma_start3A_405] : memref<6272x128xi32, #tpu.memory_space<hbm>> -> memref<1x128xi32, #tpu.memory_space<hbm>>
        %dma_start3A_407 = tpu.memref_squeeze %dma_start3A_406 : memref<1x128xi32, #tpu.memory_space<hbm>> -> memref<128xi32, #tpu.memory_space<hbm>>
        %dma_start3A_408 = arith.constant 0 : i32
        %dma_start3A_409 = tpu.memref_slice %arg3[%add3A_404, %dma_start3A_408] : memref<6272x128xi32, #tpu.memory_space<hbm>> -> memref<1x128xi32, #tpu.memory_space<hbm>>
        %dma_start3A_410 = tpu.memref_squeeze %dma_start3A_409 : memref<1x128xi32, #tpu.memory_space<hbm>> -> memref<128xi32, #tpu.memory_space<hbm>>
        tpu.enqueue_dma source(%dma_start3A_410 : memref<128xi32, #tpu.memory_space<hbm>>) target(%arg6 : memref<128xi32, #tpu.memory_space<vmem>>) target_semaphore(%arg12 : memref<!tpu.dma_semaphore, #tpu.memory_space<semaphore_mem>>)
      } else {
      }
      %add3A_61 = arith.addi %mul3A_0, %add3A_56 : i32
      %mul3A_62 = arith.constant 128 : i32
      %mul3A_63 = arith.muli %add3A_61, %mul3A_62 : i32
      %dma_wait3A = arith.constant 0 : i32
      %dma_wait3A_64 = tpu.memref_slice %arg2[%mul3A_63, %dma_wait3A] : memref<802816x64xf32, #tpu.memory_space<hbm>> -> memref<128x64xf32, #tpu.memory_space<hbm>>
      %dma_wait3A_65 = arith.constant 0 : i32
      %dma_wait3A_66 = tpu.memref_slice %arg2[%mul3A_63, %dma_wait3A_65] : memref<802816x64xf32, #tpu.memory_space<hbm>> -> memref<128x64xf32, #tpu.memory_space<hbm>>
      tpu.wait_dma2 semaphore(%arg11 : memref<!tpu.dma_semaphore, #tpu.memory_space<semaphore_mem>>) src(%dma_wait3A_66 : memref<128x64xf32, #tpu.memory_space<hbm>>) dst(%arg7 : memref<128x64xf32, #tpu.memory_space<vmem>>)
      %add3A_67 = arith.addi %mul3A_0, %add3A_56 : i32
      %dma_wait3A_68 = arith.constant 0 : i32
      %dma_wait3A_69 = tpu.memref_slice %arg3[%add3A_67, %dma_wait3A_68] : memref<6272x128xi32, #tpu.memory_space<hbm>> -> memref<1x128xi32, #tpu.memory_space<hbm>>
      %dma_wait3A_70 = tpu.memref_squeeze %dma_wait3A_69 : memref<1x128xi32, #tpu.memory_space<hbm>> -> memref<128xi32, #tpu.memory_space<hbm>>
      %dma_wait3A_71 = arith.constant 0 : i32
      %dma_wait3A_72 = tpu.memref_slice %arg3[%add3A_67, %dma_wait3A_71] : memref<6272x128xi32, #tpu.memory_space<hbm>> -> memref<1x128xi32, #tpu.memory_space<hbm>>
      %dma_wait3A_73 = tpu.memref_squeeze %dma_wait3A_72 : memref<1x128xi32, #tpu.memory_space<hbm>> -> memref<128xi32, #tpu.memory_space<hbm>>
      tpu.wait_dma2 semaphore(%arg11 : memref<!tpu.dma_semaphore, #tpu.memory_space<semaphore_mem>>) src(%dma_wait3A_73 : memref<128xi32, #tpu.memory_space<hbm>>) dst(%arg5 : memref<128xi32, #tpu.memory_space<vmem>>)
      %get3A = arith.constant 0 : index
      %get3A_74 = tpu.vector_load %arg5[%get3A] {strides = array<i32>} : memref<128xi32, #tpu.memory_space<vmem>>, vector<16xi32>,
      %get3A_75 = vector.shape_cast %get3A_74 : vector<16xi32> to vector<16xi32>
      %sub3A = vector.broadcast %mul3A_2 : i32 to vector<16xi32>
      %sub3A_76 = arith.subi %get3A_75, %sub3A : vector<16xi32>
      %ge3A = arith.constant 0 : i32
      %ge3A_77 = vector.broadcast %ge3A : i32 to vector<16xi32>
      %ge3A_78 = arith.cmpi sge, %sub3A_76, %ge3A_77 : vector<16xi32>
      %lt3A_79 = arith.constant 25000 : i32
      %lt3A_80 = vector.broadcast %lt3A_79 : i32 to vector<16xi32>
      %lt3A_81 = arith.cmpi slt, %sub3A_76, %lt3A_80 : vector<16xi32>
      %and3A = arith.andi %ge3A_78, %lt3A_81 : vector<16xi1>
      %jit3A = arith.constant 25000 : i32
      %broadcast_in_dim3A = vector.broadcast %jit3A : i32 to vector<16xi32>
      %select_n3A = arith.select %and3A, %sub3A_76, %broadcast_in_dim3A : vector<16xi1>, vector<16xi32>
      %swap3A = arith.constant 0 : index
      %swap3A_82 = tpu.vector_load %arg5[%swap3A] {strides = array<i32>} : memref<128xi32, #tpu.memory_space<vmem>>, vector<16xi32>,
      %swap3A_83 = vector.shape_cast %swap3A_82 : vector<16xi32> to vector<16xi32>
      %swap3A_84 = vector.shape_cast %select_n3A : vector<16xi32> to vector<16xi32>
      tpu.vector_store %arg5[%swap3A], %swap3A_84 {strides = array<i32>} : memref<128xi32, #tpu.memory_space<vmem>>, vector<16xi32>,
      %get3A_85 = arith.constant 16 : index
      %get3A_86 = tpu.vector_load %arg5[%get3A_85] {strides = array<i32>} : memref<128xi32, #tpu.memory_space<vmem>>, vector<16xi32>,
      %get3A_87 = vector.shape_cast %get3A_86 : vector<16xi32> to vector<16xi32>
      %sub3A_88 = vector.broadcast %mul3A_2 : i32 to vector<16xi32>
      %sub3A_89 = arith.subi %get3A_87, %sub3A_88 : vector<16xi32>
      %ge3A_90 = arith.constant 0 : i32
      %ge3A_91 = vector.broadcast %ge3A_90 : i32 to vector<16xi32>
      %ge3A_92 = arith.cmpi sge, %sub3A_89, %ge3A_91 : vector<16xi32>
      %lt3A_93 = arith.constant 25000 : i32
      %lt3A_94 = vector.broadcast %lt3A_93 : i32 to vector<16xi32>
      %lt3A_95 = arith.cmpi slt, %sub3A_89, %lt3A_94 : vector<16xi32>
      %and3A_96 = arith.andi %ge3A_92, %lt3A_95 : vector<16xi1>
      %jit3A_97 = arith.constant 25000 : i32
      %broadcast_in_dim3A_98 = vector.broadcast %jit3A_97 : i32 to vector<16xi32>
      %select_n3A_99 = arith.select %and3A_96, %sub3A_89, %broadcast_in_dim3A_98 : vector<16xi1>, vector<16xi32>
      %swap3A_100 = arith.constant 16 : index
      %swap3A_101 = tpu.vector_load %arg5[%swap3A_100] {strides = array<i32>} : memref<128xi32, #tpu.memory_space<vmem>>, vector<16xi32>,
      %swap3A_102 = vector.shape_cast %swap3A_101 : vector<16xi32> to vector<16xi32>
      %swap3A_103 = vector.shape_cast %select_n3A_99 : vector<16xi32> to vector<16xi32>
      tpu.vector_store %arg5[%swap3A_100], %swap3A_103 {strides = array<i32>} : memref<128xi32, #tpu.memory_space<vmem>>, vector<16xi32>,
      %get3A_104 = arith.constant 32 : index
      %get3A_105 = tpu.vector_load %arg5[%get3A_104] {strides = array<i32>} : memref<128xi32, #tpu.memory_space<vmem>>, vector<16xi32>,
      %get3A_106 = vector.shape_cast %get3A_105 : vector<16xi32> to vector<16xi32>
      %sub3A_107 = vector.broadcast %mul3A_2 : i32 to vector<16xi32>
      %sub3A_108 = arith.subi %get3A_106, %sub3A_107 : vector<16xi32>
      %ge3A_109 = arith.constant 0 : i32
      %ge3A_110 = vector.broadcast %ge3A_109 : i32 to vector<16xi32>
      %ge3A_111 = arith.cmpi sge, %sub3A_108, %ge3A_110 : vector<16xi32>
      %lt3A_112 = arith.constant 25000 : i32
      %lt3A_113 = vector.broadcast %lt3A_112 : i32 to vector<16xi32>
      %lt3A_114 = arith.cmpi slt, %sub3A_108, %lt3A_113 : vector<16xi32>
      %and3A_115 = arith.andi %ge3A_111, %lt3A_114 : vector<16xi1>
      %jit3A_116 = arith.constant 25000 : i32
      %broadcast_in_dim3A_117 = vector.broadcast %jit3A_116 : i32 to vector<16xi32>
      %select_n3A_118 = arith.select %and3A_115, %sub3A_108, %broadcast_in_dim3A_117 : vector<16xi1>, vector<16xi32>
      %swap3A_119 = arith.constant 32 : index
      %swap3A_120 = tpu.vector_load %arg5[%swap3A_119] {strides = array<i32>} : memref<128xi32, #tpu.memory_space<vmem>>, vector<16xi32>,
      %swap3A_121 = vector.shape_cast %swap3A_120 : vector<16xi32> to vector<16xi32>
      %swap3A_122 = vector.shape_cast %select_n3A_118 : vector<16xi32> to vector<16xi32>
      tpu.vector_store %arg5[%swap3A_119], %swap3A_122 {strides = array<i32>} : memref<128xi32, #tpu.memory_space<vmem>>, vector<16xi32>,
      %get3A_123 = arith.constant 48 : index
      %get3A_124 = tpu.vector_load %arg5[%get3A_123] {strides = array<i32>} : memref<128xi32, #tpu.memory_space<vmem>>, vector<16xi32>,
      %get3A_125 = vector.shape_cast %get3A_124 : vector<16xi32> to vector<16xi32>
      %sub3A_126 = vector.broadcast %mul3A_2 : i32 to vector<16xi32>
      %sub3A_127 = arith.subi %get3A_125, %sub3A_126 : vector<16xi32>
      %ge3A_128 = arith.constant 0 : i32
      %ge3A_129 = vector.broadcast %ge3A_128 : i32 to vector<16xi32>
      %ge3A_130 = arith.cmpi sge, %sub3A_127, %ge3A_129 : vector<16xi32>
      %lt3A_131 = arith.constant 25000 : i32
      %lt3A_132 = vector.broadcast %lt3A_131 : i32 to vector<16xi32>
      %lt3A_133 = arith.cmpi slt, %sub3A_127, %lt3A_132 : vector<16xi32>
      %and3A_134 = arith.andi %ge3A_130, %lt3A_133 : vector<16xi1>
      %jit3A_135 = arith.constant 25000 : i32
      %broadcast_in_dim3A_136 = vector.broadcast %jit3A_135 : i32 to vector<16xi32>
      %select_n3A_137 = arith.select %and3A_134, %sub3A_127, %broadcast_in_dim3A_136 : vector<16xi1>, vector<16xi32>
      %swap3A_138 = arith.constant 48 : index
      %swap3A_139 = tpu.vector_load %arg5[%swap3A_138] {strides = array<i32>} : memref<128xi32, #tpu.memory_space<vmem>>, vector<16xi32>,
      %swap3A_140 = vector.shape_cast %swap3A_139 : vector<16xi32> to vector<16xi32>
      %swap3A_141 = vector.shape_cast %select_n3A_137 : vector<16xi32> to vector<16xi32>
      tpu.vector_store %arg5[%swap3A_138], %swap3A_141 {strides = array<i32>} : memref<128xi32, #tpu.memory_space<vmem>>, vector<16xi32>,
      %get3A_142 = arith.constant 64 : index
      %get3A_143 = tpu.vector_load %arg5[%get3A_142] {strides = array<i32>} : memref<128xi32, #tpu.memory_space<vmem>>, vector<16xi32>,
      %get3A_144 = vector.shape_cast %get3A_143 : vector<16xi32> to vector<16xi32>
      %sub3A_145 = vector.broadcast %mul3A_2 : i32 to vector<16xi32>
      %sub3A_146 = arith.subi %get3A_144, %sub3A_145 : vector<16xi32>
      %ge3A_147 = arith.constant 0 : i32
      %ge3A_148 = vector.broadcast %ge3A_147 : i32 to vector<16xi32>
      %ge3A_149 = arith.cmpi sge, %sub3A_146, %ge3A_148 : vector<16xi32>
      %lt3A_150 = arith.constant 25000 : i32
      %lt3A_151 = vector.broadcast %lt3A_150 : i32 to vector<16xi32>
      %lt3A_152 = arith.cmpi slt, %sub3A_146, %lt3A_151 : vector<16xi32>
      %and3A_153 = arith.andi %ge3A_149, %lt3A_152 : vector<16xi1>
      %jit3A_154 = arith.constant 25000 : i32
      %broadcast_in_dim3A_155 = vector.broadcast %jit3A_154 : i32 to vector<16xi32>
      %select_n3A_156 = arith.select %and3A_153, %sub3A_146, %broadcast_in_dim3A_155 : vector<16xi1>, vector<16xi32>
      %swap3A_157 = arith.constant 64 : index
      %swap3A_158 = tpu.vector_load %arg5[%swap3A_157] {strides = array<i32>} : memref<128xi32, #tpu.memory_space<vmem>>, vector<16xi32>,
      %swap3A_159 = vector.shape_cast %swap3A_158 : vector<16xi32> to vector<16xi32>
      %swap3A_160 = vector.shape_cast %select_n3A_156 : vector<16xi32> to vector<16xi32>
      tpu.vector_store %arg5[%swap3A_157], %swap3A_160 {strides = array<i32>} : memref<128xi32, #tpu.memory_space<vmem>>, vector<16xi32>,
      %get3A_161 = arith.constant 80 : index
      %get3A_162 = tpu.vector_load %arg5[%get3A_161] {strides = array<i32>} : memref<128xi32, #tpu.memory_space<vmem>>, vector<16xi32>,
      %get3A_163 = vector.shape_cast %get3A_162 : vector<16xi32> to vector<16xi32>
      %sub3A_164 = vector.broadcast %mul3A_2 : i32 to vector<16xi32>
      %sub3A_165 = arith.subi %get3A_163, %sub3A_164 : vector<16xi32>
      %ge3A_166 = arith.constant 0 : i32
      %ge3A_167 = vector.broadcast %ge3A_166 : i32 to vector<16xi32>
      %ge3A_168 = arith.cmpi sge, %sub3A_165, %ge3A_167 : vector<16xi32>
      %lt3A_169 = arith.constant 25000 : i32
      %lt3A_170 = vector.broadcast %lt3A_169 : i32 to vector<16xi32>
      %lt3A_171 = arith.cmpi slt, %sub3A_165, %lt3A_170 : vector<16xi32>
      %and3A_172 = arith.andi %ge3A_168, %lt3A_171 : vector<16xi1>
      %jit3A_173 = arith.constant 25000 : i32
      %broadcast_in_dim3A_174 = vector.broadcast %jit3A_173 : i32 to vector<16xi32>
      %select_n3A_175 = arith.select %and3A_172, %sub3A_165, %broadcast_in_dim3A_174 : vector<16xi1>, vector<16xi32>
      %swap3A_176 = arith.constant 80 : index
      %swap3A_177 = tpu.vector_load %arg5[%swap3A_176] {strides = array<i32>} : memref<128xi32, #tpu.memory_space<vmem>>, vector<16xi32>,
      %swap3A_178 = vector.shape_cast %swap3A_177 : vector<16xi32> to vector<16xi32>
      %swap3A_179 = vector.shape_cast %select_n3A_175 : vector<16xi32> to vector<16xi32>
      tpu.vector_store %arg5[%swap3A_176], %swap3A_179 {strides = array<i32>} : memref<128xi32, #tpu.memory_space<vmem>>, vector<16xi32>,
      %get3A_180 = arith.constant 96 : index
      %get3A_181 = tpu.vector_load %arg5[%get3A_180] {strides = array<i32>} : memref<128xi32, #tpu.memory_space<vmem>>, vector<16xi32>,
      %get3A_182 = vector.shape_cast %get3A_181 : vector<16xi32> to vector<16xi32>
      %sub3A_183 = vector.broadcast %mul3A_2 : i32 to vector<16xi32>
      %sub3A_184 = arith.subi %get3A_182, %sub3A_183 : vector<16xi32>
      %ge3A_185 = arith.constant 0 : i32
      %ge3A_186 = vector.broadcast %ge3A_185 : i32 to vector<16xi32>
      %ge3A_187 = arith.cmpi sge, %sub3A_184, %ge3A_186 : vector<16xi32>
      %lt3A_188 = arith.constant 25000 : i32
      %lt3A_189 = vector.broadcast %lt3A_188 : i32 to vector<16xi32>
      %lt3A_190 = arith.cmpi slt, %sub3A_184, %lt3A_189 : vector<16xi32>
      %and3A_191 = arith.andi %ge3A_187, %lt3A_190 : vector<16xi1>
      %jit3A_192 = arith.constant 25000 : i32
      %broadcast_in_dim3A_193 = vector.broadcast %jit3A_192 : i32 to vector<16xi32>
      %select_n3A_194 = arith.select %and3A_191, %sub3A_184, %broadcast_in_dim3A_193 : vector<16xi1>, vector<16xi32>
      %swap3A_195 = arith.constant 96 : index
      %swap3A_196 = tpu.vector_load %arg5[%swap3A_195] {strides = array<i32>} : memref<128xi32, #tpu.memory_space<vmem>>, vector<16xi32>,
      %swap3A_197 = vector.shape_cast %swap3A_196 : vector<16xi32> to vector<16xi32>
      %swap3A_198 = vector.shape_cast %select_n3A_194 : vector<16xi32> to vector<16xi32>
      tpu.vector_store %arg5[%swap3A_195], %swap3A_198 {strides = array<i32>} : memref<128xi32, #tpu.memory_space<vmem>>, vector<16xi32>,
      %get3A_199 = arith.constant 112 : index
      %get3A_200 = tpu.vector_load %arg5[%get3A_199] {strides = array<i32>} : memref<128xi32, #tpu.memory_space<vmem>>, vector<16xi32>,
      %get3A_201 = vector.shape_cast %get3A_200 : vector<16xi32> to vector<16xi32>
      %sub3A_202 = vector.broadcast %mul3A_2 : i32 to vector<16xi32>
      %sub3A_203 = arith.subi %get3A_201, %sub3A_202 : vector<16xi32>
      %ge3A_204 = arith.constant 0 : i32
      %ge3A_205 = vector.broadcast %ge3A_204 : i32 to vector<16xi32>
      %ge3A_206 = arith.cmpi sge, %sub3A_203, %ge3A_205 : vector<16xi32>
      %lt3A_207 = arith.constant 25000 : i32
      %lt3A_208 = vector.broadcast %lt3A_207 : i32 to vector<16xi32>
      %lt3A_209 = arith.cmpi slt, %sub3A_203, %lt3A_208 : vector<16xi32>
      %and3A_210 = arith.andi %ge3A_206, %lt3A_209 : vector<16xi1>
      %jit3A_211 = arith.constant 25000 : i32
      %broadcast_in_dim3A_212 = vector.broadcast %jit3A_211 : i32 to vector<16xi32>
      %select_n3A_213 = arith.select %and3A_210, %sub3A_203, %broadcast_in_dim3A_212 : vector<16xi1>, vector<16xi32>
      %swap3A_214 = arith.constant 112 : index
      %swap3A_215 = tpu.vector_load %arg5[%swap3A_214] {strides = array<i32>} : memref<128xi32, #tpu.memory_space<vmem>>, vector<16xi32>,
      %swap3A_216 = vector.shape_cast %swap3A_215 : vector<16xi32> to vector<16xi32>
      %swap3A_217 = vector.shape_cast %select_n3A_213 : vector<16xi32> to vector<16xi32>
      tpu.vector_store %arg5[%swap3A_214], %swap3A_217 {strides = array<i32>} : memref<128xi32, #tpu.memory_space<vmem>>, vector<16xi32>,
      "tpu.region"() ({
        %run_scoped3A = tpu.sem_alloc : memref<!tpu.dma_semaphore, #tpu.memory_space<semaphore_mem>>
        %dma_start3A_395 = arith.constant 0 : i32
        %dma_start3A_396 = arith.constant 0 : i32
        %dma_start3A_397 = tpu.memref_slice %arg10[%dma_start3A_395, %dma_start3A_396] : memref<25008x64xf32, #tpu.memory_space<vmem_shared>> -> memref<25008x64xf32, #tpu.memory_space<vmem_shared>>
        tpu.enqueue_indirect_dma source(%arg7 : memref<128x64xf32, #tpu.memory_space<vmem>>) target(%dma_start3A_397 : memref<25008x64xf32, #tpu.memory_space<vmem_shared>>) offsets(%arg5 : memref<128xi32, #tpu.memory_space<vmem>>) semaphore(%run_scoped3A : memref<!tpu.dma_semaphore, #tpu.memory_space<semaphore_mem>>) {add = true}
        %dma_wait3A_398 = arith.constant 0 : i32
        %dma_wait3A_399 = arith.constant 0 : i32
        %dma_wait3A_400 = tpu.memref_slice %arg10[%dma_wait3A_398, %dma_wait3A_399] : memref<25008x64xf32, #tpu.memory_space<vmem_shared>> -> memref<25008x64xf32, #tpu.memory_space<vmem_shared>>
        tpu.wait_indirect_dma semaphore(%run_scoped3A : memref<!tpu.dma_semaphore, #tpu.memory_space<semaphore_mem>>) src(%arg7 : memref<128x64xf32, #tpu.memory_space<vmem>>) dst(%dma_wait3A_400 : memref<25008x64xf32, #tpu.memory_space<vmem_shared>>)
        tpu.yield
      }) : () -> ()
      %mul3A_218 = arith.constant 2 : i32
      %mul3A_219 = arith.muli %scan3A_52, %mul3A_218 : i32
      %add3A_220 = arith.constant 1 : i32
      %add3A_221 = arith.addi %mul3A_219, %add3A_220 : i32
      %add3A_222 = arith.constant 1 : i32
      %add3A_223 = arith.addi %add3A_221, %add3A_222 : i32
      %lt3A_224 = arith.constant 392 : i32
      %lt3A_225 = arith.cmpi slt, %add3A_223, %lt3A_224 : i32
      %convert_element_type3A_226 = arith.extui %lt3A_225 : i1 to i32
      %cond3A_227 = arith.constant 0 : i32
      %cond3A_228 = arith.cmpi ne, %convert_element_type3A_226, %cond3A_227 : i32
      scf.if %cond3A_228 {
        %add3A_395 = arith.constant 1 : i32
        %add3A_396 = arith.addi %add3A_221, %add3A_395 : i32
        %add3A_397 = arith.addi %mul3A_0, %add3A_396 : i32
        %mul3A_398 = arith.constant 128 : i32
        %mul3A_399 = arith.muli %add3A_397, %mul3A_398 : i32
        %dma_start3A_400 = arith.constant 0 : i32
        %dma_start3A_401 = tpu.memref_slice %arg2[%mul3A_399, %dma_start3A_400] : memref<802816x64xf32, #tpu.memory_space<hbm>> -> memref<128x64xf32, #tpu.memory_space<hbm>>
        %dma_start3A_402 = arith.constant 0 : i32
        %dma_start3A_403 = tpu.memref_slice %arg2[%mul3A_399, %dma_start3A_402] : memref<802816x64xf32, #tpu.memory_space<hbm>> -> memref<128x64xf32, #tpu.memory_space<hbm>>
        tpu.enqueue_dma source(%dma_start3A_403 : memref<128x64xf32, #tpu.memory_space<hbm>>) target(%arg7 : memref<128x64xf32, #tpu.memory_space<vmem>>) target_semaphore(%arg11 : memref<!tpu.dma_semaphore, #tpu.memory_space<semaphore_mem>>)
        %add3A_404 = arith.addi %mul3A_0, %add3A_396 : i32
        %dma_start3A_405 = arith.constant 0 : i32
        %dma_start3A_406 = tpu.memref_slice %arg3[%add3A_404, %dma_start3A_405] : memref<6272x128xi32, #tpu.memory_space<hbm>> -> memref<1x128xi32, #tpu.memory_space<hbm>>
        %dma_start3A_407 = tpu.memref_squeeze %dma_start3A_406 : memref<1x128xi32, #tpu.memory_space<hbm>> -> memref<128xi32, #tpu.memory_space<hbm>>
        %dma_start3A_408 = arith.constant 0 : i32
        %dma_start3A_409 = tpu.memref_slice %arg3[%add3A_404, %dma_start3A_408] : memref<6272x128xi32, #tpu.memory_space<hbm>> -> memref<1x128xi32, #tpu.memory_space<hbm>>
        %dma_start3A_410 = tpu.memref_squeeze %dma_start3A_409 : memref<1x128xi32, #tpu.memory_space<hbm>> -> memref<128xi32, #tpu.memory_space<hbm>>
        tpu.enqueue_dma source(%dma_start3A_410 : memref<128xi32, #tpu.memory_space<hbm>>) target(%arg5 : memref<128xi32, #tpu.memory_space<vmem>>) target_semaphore(%arg11 : memref<!tpu.dma_semaphore, #tpu.memory_space<semaphore_mem>>)
      } else {
      }
      %add3A_229 = arith.addi %mul3A_0, %add3A_221 : i32
      %mul3A_230 = arith.constant 128 : i32
      %mul3A_231 = arith.muli %add3A_229, %mul3A_230 : i32
      %dma_wait3A_232 = arith.constant 0 : i32
      %dma_wait3A_233 = tpu.memref_slice %arg2[%mul3A_231, %dma_wait3A_232] : memref<802816x64xf32, #tpu.memory_space<hbm>> -> memref<128x64xf32, #tpu.memory_space<hbm>>
      %dma_wait3A_234 = arith.constant 0 : i32
      %dma_wait3A_235 = tpu.memref_slice %arg2[%mul3A_231, %dma_wait3A_234] : memref<802816x64xf32, #tpu.memory_space<hbm>> -> memref<128x64xf32, #tpu.memory_space<hbm>>
      tpu.wait_dma2 semaphore(%arg12 : memref<!tpu.dma_semaphore, #tpu.memory_space<semaphore_mem>>) src(%dma_wait3A_235 : memref<128x64xf32, #tpu.memory_space<hbm>>) dst(%arg8 : memref<128x64xf32, #tpu.memory_space<vmem>>)
      %add3A_236 = arith.addi %mul3A_0, %add3A_221 : i32
      %dma_wait3A_237 = arith.constant 0 : i32
      %dma_wait3A_238 = tpu.memref_slice %arg3[%add3A_236, %dma_wait3A_237] : memref<6272x128xi32, #tpu.memory_space<hbm>> -> memref<1x128xi32, #tpu.memory_space<hbm>>
      %dma_wait3A_239 = tpu.memref_squeeze %dma_wait3A_238 : memref<1x128xi32, #tpu.memory_space<hbm>> -> memref<128xi32, #tpu.memory_space<hbm>>
      %dma_wait3A_240 = arith.constant 0 : i32
      %dma_wait3A_241 = tpu.memref_slice %arg3[%add3A_236, %dma_wait3A_240] : memref<6272x128xi32, #tpu.memory_space<hbm>> -> memref<1x128xi32, #tpu.memory_space<hbm>>
      %dma_wait3A_242 = tpu.memref_squeeze %dma_wait3A_241 : memref<1x128xi32, #tpu.memory_space<hbm>> -> memref<128xi32, #tpu.memory_space<hbm>>
      tpu.wait_dma2 semaphore(%arg12 : memref<!tpu.dma_semaphore, #tpu.memory_space<semaphore_mem>>) src(%dma_wait3A_242 : memref<128xi32, #tpu.memory_space<hbm>>) dst(%arg6 : memref<128xi32, #tpu.memory_space<vmem>>)
      %get3A_243 = arith.constant 0 : index
      %get3A_244 = tpu.vector_load %arg6[%get3A_243] {strides = array<i32>} : memref<128xi32, #tpu.memory_space<vmem>>, vector<16xi32>,
      %get3A_245 = vector.shape_cast %get3A_244 : vector<16xi32> to vector<16xi32>
      %sub3A_246 = vector.broadcast %mul3A_2 : i32 to vector<16xi32>
      %sub3A_247 = arith.subi %get3A_245, %sub3A_246 : vector<16xi32>
      %ge3A_248 = arith.constant 0 : i32
      %ge3A_249 = vector.broadcast %ge3A_248 : i32 to vector<16xi32>
      %ge3A_250 = arith.cmpi sge, %sub3A_247, %ge3A_249 : vector<16xi32>
      %lt3A_251 = arith.constant 25000 : i32
      %lt3A_252 = vector.broadcast %lt3A_251 : i32 to vector<16xi32>
      %lt3A_253 = arith.cmpi slt, %sub3A_247, %lt3A_252 : vector<16xi32>
      %and3A_254 = arith.andi %ge3A_250, %lt3A_253 : vector<16xi1>
      %jit3A_255 = arith.constant 25000 : i32
      %broadcast_in_dim3A_256 = vector.broadcast %jit3A_255 : i32 to vector<16xi32>
      %select_n3A_257 = arith.select %and3A_254, %sub3A_247, %broadcast_in_dim3A_256 : vector<16xi1>, vector<16xi32>
      %swap3A_258 = arith.constant 0 : index
      %swap3A_259 = tpu.vector_load %arg6[%swap3A_258] {strides = array<i32>} : memref<128xi32, #tpu.memory_space<vmem>>, vector<16xi32>,
      %swap3A_260 = vector.shape_cast %swap3A_259 : vector<16xi32> to vector<16xi32>
      %swap3A_261 = vector.shape_cast %select_n3A_257 : vector<16xi32> to vector<16xi32>
      tpu.vector_store %arg6[%swap3A_258], %swap3A_261 {strides = array<i32>} : memref<128xi32, #tpu.memory_space<vmem>>, vector<16xi32>,
      %get3A_262 = arith.constant 16 : index
      %get3A_263 = tpu.vector_load %arg6[%get3A_262] {strides = array<i32>} : memref<128xi32, #tpu.memory_space<vmem>>, vector<16xi32>,
      %get3A_264 = vector.shape_cast %get3A_263 : vector<16xi32> to vector<16xi32>
      %sub3A_265 = vector.broadcast %mul3A_2 : i32 to vector<16xi32>
      %sub3A_266 = arith.subi %get3A_264, %sub3A_265 : vector<16xi32>
      %ge3A_267 = arith.constant 0 : i32
      %ge3A_268 = vector.broadcast %ge3A_267 : i32 to vector<16xi32>
      %ge3A_269 = arith.cmpi sge, %sub3A_266, %ge3A_268 : vector<16xi32>
      %lt3A_270 = arith.constant 25000 : i32
      %lt3A_271 = vector.broadcast %lt3A_270 : i32 to vector<16xi32>
      %lt3A_272 = arith.cmpi slt, %sub3A_266, %lt3A_271 : vector<16xi32>
      %and3A_273 = arith.andi %ge3A_269, %lt3A_272 : vector<16xi1>
      %jit3A_274 = arith.constant 25000 : i32
      %broadcast_in_dim3A_275 = vector.broadcast %jit3A_274 : i32 to vector<16xi32>
      %select_n3A_276 = arith.select %and3A_273, %sub3A_266, %broadcast_in_dim3A_275 : vector<16xi1>, vector<16xi32>
      %swap3A_277 = arith.constant 16 : index
      %swap3A_278 = tpu.vector_load %arg6[%swap3A_277] {strides = array<i32>} : memref<128xi32, #tpu.memory_space<vmem>>, vector<16xi32>,
      %swap3A_279 = vector.shape_cast %swap3A_278 : vector<16xi32> to vector<16xi32>
      %swap3A_280 = vector.shape_cast %select_n3A_276 : vector<16xi32> to vector<16xi32>
      tpu.vector_store %arg6[%swap3A_277], %swap3A_280 {strides = array<i32>} : memref<128xi32, #tpu.memory_space<vmem>>, vector<16xi32>,
      %get3A_281 = arith.constant 32 : index
      %get3A_282 = tpu.vector_load %arg6[%get3A_281] {strides = array<i32>} : memref<128xi32, #tpu.memory_space<vmem>>, vector<16xi32>,
      %get3A_283 = vector.shape_cast %get3A_282 : vector<16xi32> to vector<16xi32>
      %sub3A_284 = vector.broadcast %mul3A_2 : i32 to vector<16xi32>
      %sub3A_285 = arith.subi %get3A_283, %sub3A_284 : vector<16xi32>
      %ge3A_286 = arith.constant 0 : i32
      %ge3A_287 = vector.broadcast %ge3A_286 : i32 to vector<16xi32>
      %ge3A_288 = arith.cmpi sge, %sub3A_285, %ge3A_287 : vector<16xi32>
      %lt3A_289 = arith.constant 25000 : i32
      %lt3A_290 = vector.broadcast %lt3A_289 : i32 to vector<16xi32>
      %lt3A_291 = arith.cmpi slt, %sub3A_285, %lt3A_290 : vector<16xi32>
      %and3A_292 = arith.andi %ge3A_288, %lt3A_291 : vector<16xi1>
      %jit3A_293 = arith.constant 25000 : i32
      %broadcast_in_dim3A_294 = vector.broadcast %jit3A_293 : i32 to vector<16xi32>
      %select_n3A_295 = arith.select %and3A_292, %sub3A_285, %broadcast_in_dim3A_294 : vector<16xi1>, vector<16xi32>
      %swap3A_296 = arith.constant 32 : index
      %swap3A_297 = tpu.vector_load %arg6[%swap3A_296] {strides = array<i32>} : memref<128xi32, #tpu.memory_space<vmem>>, vector<16xi32>,
      %swap3A_298 = vector.shape_cast %swap3A_297 : vector<16xi32> to vector<16xi32>
      %swap3A_299 = vector.shape_cast %select_n3A_295 : vector<16xi32> to vector<16xi32>
      tpu.vector_store %arg6[%swap3A_296], %swap3A_299 {strides = array<i32>} : memref<128xi32, #tpu.memory_space<vmem>>, vector<16xi32>,
      %get3A_300 = arith.constant 48 : index
      %get3A_301 = tpu.vector_load %arg6[%get3A_300] {strides = array<i32>} : memref<128xi32, #tpu.memory_space<vmem>>, vector<16xi32>,
      %get3A_302 = vector.shape_cast %get3A_301 : vector<16xi32> to vector<16xi32>
      %sub3A_303 = vector.broadcast %mul3A_2 : i32 to vector<16xi32>
      %sub3A_304 = arith.subi %get3A_302, %sub3A_303 : vector<16xi32>
      %ge3A_305 = arith.constant 0 : i32
      %ge3A_306 = vector.broadcast %ge3A_305 : i32 to vector<16xi32>
      %ge3A_307 = arith.cmpi sge, %sub3A_304, %ge3A_306 : vector<16xi32>
      %lt3A_308 = arith.constant 25000 : i32
      %lt3A_309 = vector.broadcast %lt3A_308 : i32 to vector<16xi32>
      %lt3A_310 = arith.cmpi slt, %sub3A_304, %lt3A_309 : vector<16xi32>
      %and3A_311 = arith.andi %ge3A_307, %lt3A_310 : vector<16xi1>
      %jit3A_312 = arith.constant 25000 : i32
      %broadcast_in_dim3A_313 = vector.broadcast %jit3A_312 : i32 to vector<16xi32>
      %select_n3A_314 = arith.select %and3A_311, %sub3A_304, %broadcast_in_dim3A_313 : vector<16xi1>, vector<16xi32>
      %swap3A_315 = arith.constant 48 : index
      %swap3A_316 = tpu.vector_load %arg6[%swap3A_315] {strides = array<i32>} : memref<128xi32, #tpu.memory_space<vmem>>, vector<16xi32>,
      %swap3A_317 = vector.shape_cast %swap3A_316 : vector<16xi32> to vector<16xi32>
      %swap3A_318 = vector.shape_cast %select_n3A_314 : vector<16xi32> to vector<16xi32>
      tpu.vector_store %arg6[%swap3A_315], %swap3A_318 {strides = array<i32>} : memref<128xi32, #tpu.memory_space<vmem>>, vector<16xi32>,
      %get3A_319 = arith.constant 64 : index
      %get3A_320 = tpu.vector_load %arg6[%get3A_319] {strides = array<i32>} : memref<128xi32, #tpu.memory_space<vmem>>, vector<16xi32>,
      %get3A_321 = vector.shape_cast %get3A_320 : vector<16xi32> to vector<16xi32>
      %sub3A_322 = vector.broadcast %mul3A_2 : i32 to vector<16xi32>
      %sub3A_323 = arith.subi %get3A_321, %sub3A_322 : vector<16xi32>
      %ge3A_324 = arith.constant 0 : i32
      %ge3A_325 = vector.broadcast %ge3A_324 : i32 to vector<16xi32>
      %ge3A_326 = arith.cmpi sge, %sub3A_323, %ge3A_325 : vector<16xi32>
      %lt3A_327 = arith.constant 25000 : i32
      %lt3A_328 = vector.broadcast %lt3A_327 : i32 to vector<16xi32>
      %lt3A_329 = arith.cmpi slt, %sub3A_323, %lt3A_328 : vector<16xi32>
      %and3A_330 = arith.andi %ge3A_326, %lt3A_329 : vector<16xi1>
      %jit3A_331 = arith.constant 25000 : i32
      %broadcast_in_dim3A_332 = vector.broadcast %jit3A_331 : i32 to vector<16xi32>
      %select_n3A_333 = arith.select %and3A_330, %sub3A_323, %broadcast_in_dim3A_332 : vector<16xi1>, vector<16xi32>
      %swap3A_334 = arith.constant 64 : index
      %swap3A_335 = tpu.vector_load %arg6[%swap3A_334] {strides = array<i32>} : memref<128xi32, #tpu.memory_space<vmem>>, vector<16xi32>,
      %swap3A_336 = vector.shape_cast %swap3A_335 : vector<16xi32> to vector<16xi32>
      %swap3A_337 = vector.shape_cast %select_n3A_333 : vector<16xi32> to vector<16xi32>
      tpu.vector_store %arg6[%swap3A_334], %swap3A_337 {strides = array<i32>} : memref<128xi32, #tpu.memory_space<vmem>>, vector<16xi32>,
      %get3A_338 = arith.constant 80 : index
      %get3A_339 = tpu.vector_load %arg6[%get3A_338] {strides = array<i32>} : memref<128xi32, #tpu.memory_space<vmem>>, vector<16xi32>,
      %get3A_340 = vector.shape_cast %get3A_339 : vector<16xi32> to vector<16xi32>
      %sub3A_341 = vector.broadcast %mul3A_2 : i32 to vector<16xi32>
      %sub3A_342 = arith.subi %get3A_340, %sub3A_341 : vector<16xi32>
      %ge3A_343 = arith.constant 0 : i32
      %ge3A_344 = vector.broadcast %ge3A_343 : i32 to vector<16xi32>
      %ge3A_345 = arith.cmpi sge, %sub3A_342, %ge3A_344 : vector<16xi32>
      %lt3A_346 = arith.constant 25000 : i32
      %lt3A_347 = vector.broadcast %lt3A_346 : i32 to vector<16xi32>
      %lt3A_348 = arith.cmpi slt, %sub3A_342, %lt3A_347 : vector<16xi32>
      %and3A_349 = arith.andi %ge3A_345, %lt3A_348 : vector<16xi1>
      %jit3A_350 = arith.constant 25000 : i32
      %broadcast_in_dim3A_351 = vector.broadcast %jit3A_350 : i32 to vector<16xi32>
      %select_n3A_352 = arith.select %and3A_349, %sub3A_342, %broadcast_in_dim3A_351 : vector<16xi1>, vector<16xi32>
      %swap3A_353 = arith.constant 80 : index
      %swap3A_354 = tpu.vector_load %arg6[%swap3A_353] {strides = array<i32>} : memref<128xi32, #tpu.memory_space<vmem>>, vector<16xi32>,
      %swap3A_355 = vector.shape_cast %swap3A_354 : vector<16xi32> to vector<16xi32>
      %swap3A_356 = vector.shape_cast %select_n3A_352 : vector<16xi32> to vector<16xi32>
      tpu.vector_store %arg6[%swap3A_353], %swap3A_356 {strides = array<i32>} : memref<128xi32, #tpu.memory_space<vmem>>, vector<16xi32>,
      %get3A_357 = arith.constant 96 : index
      %get3A_358 = tpu.vector_load %arg6[%get3A_357] {strides = array<i32>} : memref<128xi32, #tpu.memory_space<vmem>>, vector<16xi32>,
      %get3A_359 = vector.shape_cast %get3A_358 : vector<16xi32> to vector<16xi32>
      %sub3A_360 = vector.broadcast %mul3A_2 : i32 to vector<16xi32>
      %sub3A_361 = arith.subi %get3A_359, %sub3A_360 : vector<16xi32>
      %ge3A_362 = arith.constant 0 : i32
      %ge3A_363 = vector.broadcast %ge3A_362 : i32 to vector<16xi32>
      %ge3A_364 = arith.cmpi sge, %sub3A_361, %ge3A_363 : vector<16xi32>
      %lt3A_365 = arith.constant 25000 : i32
      %lt3A_366 = vector.broadcast %lt3A_365 : i32 to vector<16xi32>
      %lt3A_367 = arith.cmpi slt, %sub3A_361, %lt3A_366 : vector<16xi32>
      %and3A_368 = arith.andi %ge3A_364, %lt3A_367 : vector<16xi1>
      %jit3A_369 = arith.constant 25000 : i32
      %broadcast_in_dim3A_370 = vector.broadcast %jit3A_369 : i32 to vector<16xi32>
      %select_n3A_371 = arith.select %and3A_368, %sub3A_361, %broadcast_in_dim3A_370 : vector<16xi1>, vector<16xi32>
      %swap3A_372 = arith.constant 96 : index
      %swap3A_373 = tpu.vector_load %arg6[%swap3A_372] {strides = array<i32>} : memref<128xi32, #tpu.memory_space<vmem>>, vector<16xi32>,
      %swap3A_374 = vector.shape_cast %swap3A_373 : vector<16xi32> to vector<16xi32>
      %swap3A_375 = vector.shape_cast %select_n3A_371 : vector<16xi32> to vector<16xi32>
      tpu.vector_store %arg6[%swap3A_372], %swap3A_375 {strides = array<i32>} : memref<128xi32, #tpu.memory_space<vmem>>, vector<16xi32>,
      %get3A_376 = arith.constant 112 : index
      %get3A_377 = tpu.vector_load %arg6[%get3A_376] {strides = array<i32>} : memref<128xi32, #tpu.memory_space<vmem>>, vector<16xi32>,
      %get3A_378 = vector.shape_cast %get3A_377 : vector<16xi32> to vector<16xi32>
      %sub3A_379 = vector.broadcast %mul3A_2 : i32 to vector<16xi32>
      %sub3A_380 = arith.subi %get3A_378, %sub3A_379 : vector<16xi32>
      %ge3A_381 = arith.constant 0 : i32
      %ge3A_382 = vector.broadcast %ge3A_381 : i32 to vector<16xi32>
      %ge3A_383 = arith.cmpi sge, %sub3A_380, %ge3A_382 : vector<16xi32>
      %lt3A_384 = arith.constant 25000 : i32
      %lt3A_385 = vector.broadcast %lt3A_384 : i32 to vector<16xi32>
      %lt3A_386 = arith.cmpi slt, %sub3A_380, %lt3A_385 : vector<16xi32>
      %and3A_387 = arith.andi %ge3A_383, %lt3A_386 : vector<16xi1>
      %jit3A_388 = arith.constant 25000 : i32
      %broadcast_in_dim3A_389 = vector.broadcast %jit3A_388 : i32 to vector<16xi32>
      %select_n3A_390 = arith.select %and3A_387, %sub3A_380, %broadcast_in_dim3A_389 : vector<16xi1>, vector<16xi32>
      %swap3A_391 = arith.constant 112 : index
      %swap3A_392 = tpu.vector_load %arg6[%swap3A_391] {strides = array<i32>} : memref<128xi32, #tpu.memory_space<vmem>>, vector<16xi32>,
      %swap3A_393 = vector.shape_cast %swap3A_392 : vector<16xi32> to vector<16xi32>
      %swap3A_394 = vector.shape_cast %select_n3A_390 : vector<16xi32> to vector<16xi32>
      tpu.vector_store %arg6[%swap3A_391], %swap3A_394 {strides = array<i32>} : memref<128xi32, #tpu.memory_space<vmem>>, vector<16xi32>,
      "tpu.region"() ({
        %run_scoped3A = tpu.sem_alloc : memref<!tpu.dma_semaphore, #tpu.memory_space<semaphore_mem>>
        %dma_start3A_395 = arith.constant 0 : i32
        %dma_start3A_396 = arith.constant 0 : i32
        %dma_start3A_397 = tpu.memref_slice %arg10[%dma_start3A_395, %dma_start3A_396] : memref<25008x64xf32, #tpu.memory_space<vmem_shared>> -> memref<25008x64xf32, #tpu.memory_space<vmem_shared>>
        tpu.enqueue_indirect_dma source(%arg8 : memref<128x64xf32, #tpu.memory_space<vmem>>) target(%dma_start3A_397 : memref<25008x64xf32, #tpu.memory_space<vmem_shared>>) offsets(%arg6 : memref<128xi32, #tpu.memory_space<vmem>>) semaphore(%run_scoped3A : memref<!tpu.dma_semaphore, #tpu.memory_space<semaphore_mem>>) {add = true}
        %dma_wait3A_398 = arith.constant 0 : i32
        %dma_wait3A_399 = arith.constant 0 : i32
        %dma_wait3A_400 = tpu.memref_slice %arg10[%dma_wait3A_398, %dma_wait3A_399] : memref<25008x64xf32, #tpu.memory_space<vmem_shared>> -> memref<25008x64xf32, #tpu.memory_space<vmem_shared>>
        tpu.wait_indirect_dma semaphore(%run_scoped3A : memref<!tpu.dma_semaphore, #tpu.memory_space<semaphore_mem>>) src(%arg8 : memref<128x64xf32, #tpu.memory_space<vmem>>) dst(%dma_wait3A_400 : memref<25008x64xf32, #tpu.memory_space<vmem_shared>>)
        tpu.yield
      }) : () -> ()
    }
    %scan3A_37 = arith.constant 196 : i32
    %barrier3A_38 = arith.constant 0 : index
    tpu.barrier barrier_id(%barrier3A_38)
    %mul3A_39 = arith.constant 25008 : i32
    %mul3A_40 = arith.muli %arg0, %mul3A_39 : i32
    %add3A_41 = arith.addi %mul3A_40, %mul3A_9 : i32
    %scan3A_42 = arith.constant 0 : i32
    %scan3A_43 = arith.constant 0 : i32
    %scan3A_44 = arith.constant 12 : i32
    %scan3A_45 = arith.addi %scan3A_43, %scan3A_44 : i32
    %scan3A_46 = arith.constant 1 : i32
    scf.for %scan3A_52 = %scan3A_43 to %scan3A_45 step %scan3A_46  : i32 {
      %mul3A_53 = arith.constant 128 : i32
      %mul3A_54 = arith.muli %scan3A_52, %mul3A_53 : i32
      %add3A_55 = arith.addi %mul3A_9, %mul3A_54 : i32
      "tpu.region"() ({
        %run_scoped3A = tpu.sem_alloc : memref<!tpu.dma_semaphore, #tpu.memory_space<semaphore_mem>>
        %dma_start3A_59 = arith.constant 0 : i32
        %dma_start3A_60 = tpu.memref_slice %arg10[%add3A_55, %dma_start3A_59] : memref<25008x64xf32, #tpu.memory_space<vmem_shared>> -> memref<128x64xf32, #tpu.memory_space<vmem_shared>>
        %dma_start3A_61 = arith.constant 0 : i32
        %dma_start3A_62 = tpu.memref_slice %arg10[%add3A_55, %dma_start3A_61] : memref<25008x64xf32, #tpu.memory_space<vmem_shared>> -> memref<128x64xf32, #tpu.memory_space<vmem_shared>>
        tpu.enqueue_dma source(%dma_start3A_62 : memref<128x64xf32, #tpu.memory_space<vmem_shared>>) target(%arg9 : memref<128x64xf32, #tpu.memory_space<vmem>>) target_semaphore(%run_scoped3A : memref<!tpu.dma_semaphore, #tpu.memory_space<semaphore_mem>>)
        %dma_wait3A = arith.constant 0 : i32
        %dma_wait3A_63 = tpu.memref_slice %arg10[%add3A_55, %dma_wait3A] : memref<25008x64xf32, #tpu.memory_space<vmem_shared>> -> memref<128x64xf32, #tpu.memory_space<vmem_shared>>
        %dma_wait3A_64 = arith.constant 0 : i32
        %dma_wait3A_65 = tpu.memref_slice %arg10[%add3A_55, %dma_wait3A_64] : memref<25008x64xf32, #tpu.memory_space<vmem_shared>> -> memref<128x64xf32, #tpu.memory_space<vmem_shared>>
        tpu.wait_dma2 semaphore(%run_scoped3A : memref<!tpu.dma_semaphore, #tpu.memory_space<semaphore_mem>>) src(%dma_wait3A_65 : memref<128x64xf32, #tpu.memory_space<vmem_shared>>) dst(%arg9 : memref<128x64xf32, #tpu.memory_space<vmem>>)
        tpu.yield
      }) : () -> ()
      %mul3A_56 = arith.constant 128 : i32
      %mul3A_57 = arith.muli %scan3A_52, %mul3A_56 : i32
      %add3A_58 = arith.addi %add3A_41, %mul3A_57 : i32
      "tpu.region"() ({
        %run_scoped3A = tpu.sem_alloc : memref<!tpu.dma_semaphore, #tpu.memory_space<semaphore_mem>>
        %dma_start3A_59 = arith.constant 0 : i32
        %dma_start3A_60 = tpu.memref_slice %arg4[%add3A_58, %dma_start3A_59] : memref<50016x64xf32, #tpu.memory_space<hbm>> -> memref<128x64xf32, #tpu.memory_space<hbm>>
        %dma_start3A_61 = arith.constant 0 : i32
        %dma_start3A_62 = tpu.memref_slice %arg4[%add3A_58, %dma_start3A_61] : memref<50016x64xf32, #tpu.memory_space<hbm>> -> memref<128x64xf32, #tpu.memory_space<hbm>>
        tpu.enqueue_dma source(%arg9 : memref<128x64xf32, #tpu.memory_space<vmem>>) target(%dma_start3A_62 : memref<128x64xf32, #tpu.memory_space<hbm>>) target_semaphore(%run_scoped3A : memref<!tpu.dma_semaphore, #tpu.memory_space<semaphore_mem>>)
        %dma_wait3A = arith.constant 0 : i32
        %dma_wait3A_63 = tpu.memref_slice %arg4[%add3A_58, %dma_wait3A] : memref<50016x64xf32, #tpu.memory_space<hbm>> -> memref<128x64xf32, #tpu.memory_space<hbm>>
        %dma_wait3A_64 = arith.constant 0 : i32
        %dma_wait3A_65 = tpu.memref_slice %arg4[%add3A_58, %dma_wait3A_64] : memref<50016x64xf32, #tpu.memory_space<hbm>> -> memref<128x64xf32, #tpu.memory_space<hbm>>
        tpu.wait_dma2 semaphore(%run_scoped3A : memref<!tpu.dma_semaphore, #tpu.memory_space<semaphore_mem>>) src(%arg9 : memref<128x64xf32, #tpu.memory_space<vmem>>) dst(%dma_wait3A_65 : memref<128x64xf32, #tpu.memory_space<hbm>>)
        tpu.yield
      }) : () -> ()
    }
    %scan3A_47 = arith.constant 12 : i32
    %add3A_48 = arith.constant 1536 : i32
    %add3A_49 = arith.addi %mul3A_9, %add3A_48 : i32
    "tpu.region"() ({
      %run_scoped3A = tpu.sem_alloc : memref<!tpu.dma_semaphore, #tpu.memory_space<semaphore_mem>>
      %dma_start3A_52 = arith.constant 0 : i32
      %dma_start3A_53 = arith.constant 0 : i32
      %dma_start3A_54 = tpu.memref_slice %arg9[%dma_start3A_52, %dma_start3A_53] : memref<128x64xf32, #tpu.memory_space<vmem>> -> memref<27x64xf32, #tpu.memory_space<vmem>>
      %dma_start3A_55 = arith.constant 0 : i32
      %dma_start3A_56 = tpu.memref_slice %arg10[%add3A_49, %dma_start3A_55] : memref<25008x64xf32, #tpu.memory_space<vmem_shared>> -> memref<27x64xf32, #tpu.memory_space<vmem_shared>>
      %dma_start3A_57 = arith.constant 0 : i32
      %dma_start3A_58 = arith.constant 0 : i32
      %dma_start3A_59 = tpu.memref_slice %arg9[%dma_start3A_57, %dma_start3A_58] : memref<128x64xf32, #tpu.memory_space<vmem>> -> memref<27x64xf32, #tpu.memory_space<vmem>>
      %dma_start3A_60 = arith.constant 0 : i32
      %dma_start3A_61 = tpu.memref_slice %arg10[%add3A_49, %dma_start3A_60] : memref<25008x64xf32, #tpu.memory_space<vmem_shared>> -> memref<27x64xf32, #tpu.memory_space<vmem_shared>>
      tpu.enqueue_dma source(%dma_start3A_61 : memref<27x64xf32, #tpu.memory_space<vmem_shared>>) target(%dma_start3A_59 : memref<27x64xf32, #tpu.memory_space<vmem>>) target_semaphore(%run_scoped3A : memref<!tpu.dma_semaphore, #tpu.memory_space<semaphore_mem>>)
      %dma_wait3A = arith.constant 0 : i32
      %dma_wait3A_62 = arith.constant 0 : i32
      %dma_wait3A_63 = tpu.memref_slice %arg9[%dma_wait3A, %dma_wait3A_62] : memref<128x64xf32, #tpu.memory_space<vmem>> -> memref<27x64xf32, #tpu.memory_space<vmem>>
      %dma_wait3A_64 = arith.constant 0 : i32
      %dma_wait3A_65 = tpu.memref_slice %arg10[%add3A_49, %dma_wait3A_64] : memref<25008x64xf32, #tpu.memory_space<vmem_shared>> -> memref<27x64xf32, #tpu.memory_space<vmem_shared>>
      %dma_wait3A_66 = arith.constant 0 : i32
      %dma_wait3A_67 = arith.constant 0 : i32
      %dma_wait3A_68 = tpu.memref_slice %arg9[%dma_wait3A_66, %dma_wait3A_67] : memref<128x64xf32, #tpu.memory_space<vmem>> -> memref<27x64xf32, #tpu.memory_space<vmem>>
      %dma_wait3A_69 = arith.constant 0 : i32
      %dma_wait3A_70 = tpu.memref_slice %arg10[%add3A_49, %dma_wait3A_69] : memref<25008x64xf32, #tpu.memory_space<vmem_shared>> -> memref<27x64xf32, #tpu.memory_space<vmem_shared>>
      tpu.wait_dma2 semaphore(%run_scoped3A : memref<!tpu.dma_semaphore, #tpu.memory_space<semaphore_mem>>) src(%dma_wait3A_70 : memref<27x64xf32, #tpu.memory_space<vmem_shared>>) dst(%dma_wait3A_68 : memref<27x64xf32, #tpu.memory_space<vmem>>)
      tpu.yield
    }) : () -> ()
    %add3A_50 = arith.constant 1536 : i32
    %add3A_51 = arith.addi %add3A_41, %add3A_50 : i32
    "tpu.region"() ({
      %run_scoped3A = tpu.sem_alloc : memref<!tpu.dma_semaphore, #tpu.memory_space<semaphore_mem>>
      %dma_start3A_52 = arith.constant 0 : i32
      %dma_start3A_53 = arith.constant 0 : i32
      %dma_start3A_54 = tpu.memref_slice %arg9[%dma_start3A_52, %dma_start3A_53] : memref<128x64xf32, #tpu.memory_space<vmem>> -> memref<27x64xf32, #tpu.memory_space<vmem>>
      %dma_start3A_55 = arith.constant 0 : i32
      %dma_start3A_56 = tpu.memref_slice %arg4[%add3A_51, %dma_start3A_55] : memref<50016x64xf32, #tpu.memory_space<hbm>> -> memref<27x64xf32, #tpu.memory_space<hbm>>
      %dma_start3A_57 = arith.constant 0 : i32
      %dma_start3A_58 = tpu.memref_slice %arg4[%add3A_51, %dma_start3A_57] : memref<50016x64xf32, #tpu.memory_space<hbm>> -> memref<27x64xf32, #tpu.memory_space<hbm>>
      %dma_start3A_59 = arith.constant 0 : i32
      %dma_start3A_60 = arith.constant 0 : i32
      %dma_start3A_61 = tpu.memref_slice %arg9[%dma_start3A_59, %dma_start3A_60] : memref<128x64xf32, #tpu.memory_space<vmem>> -> memref<27x64xf32, #tpu.memory_space<vmem>>
      tpu.enqueue_dma source(%dma_start3A_61 : memref<27x64xf32, #tpu.memory_space<vmem>>) target(%dma_start3A_58 : memref<27x64xf32, #tpu.memory_space<hbm>>) target_semaphore(%run_scoped3A : memref<!tpu.dma_semaphore, #tpu.memory_space<semaphore_mem>>)
      %dma_wait3A = arith.constant 0 : i32
      %dma_wait3A_62 = arith.constant 0 : i32
      %dma_wait3A_63 = tpu.memref_slice %arg9[%dma_wait3A, %dma_wait3A_62] : memref<128x64xf32, #tpu.memory_space<vmem>> -> memref<27x64xf32, #tpu.memory_space<vmem>>
      %dma_wait3A_64 = arith.constant 0 : i32
      %dma_wait3A_65 = tpu.memref_slice %arg4[%add3A_51, %dma_wait3A_64] : memref<50016x64xf32, #tpu.memory_space<hbm>> -> memref<27x64xf32, #tpu.memory_space<hbm>>
      %dma_wait3A_66 = arith.constant 0 : i32
      %dma_wait3A_67 = tpu.memref_slice %arg4[%add3A_51, %dma_wait3A_66] : memref<50016x64xf32, #tpu.memory_space<hbm>> -> memref<27x64xf32, #tpu.memory_space<hbm>>
      %dma_wait3A_68 = arith.constant 0 : i32
      %dma_wait3A_69 = arith.constant 0 : i32
      %dma_wait3A_70 = tpu.memref_slice %arg9[%dma_wait3A_68, %dma_wait3A_69] : memref<128x64xf32, #tpu.memory_space<vmem>> -> memref<27x64xf32, #tpu.memory_space<vmem>>
      tpu.wait_dma2 semaphore(%run_scoped3A : memref<!tpu.dma_semaphore, #tpu.memory_space<semaphore_mem>>) src(%dma_wait3A_70 : memref<27x64xf32, #tpu.memory_space<vmem>>) dst(%dma_wait3A_67 : memref<27x64xf32, #tpu.memory_space<hbm>>)
      tpu.yield
    }) : () -> ()
    return
  }
}

module attributes {stable_mosaic.version = 14 : i64} {
  func.func @_edge_mlp_body(%arg0: i32, %arg1: memref<4096x64xbf16, #tpu.memory_space<vmem>>, %arg2: memref<2x4096xf32, #tpu.memory_space<vmem>>, %arg3: memref<2x64xf32, #tpu.memory_space<vmem>>, %arg4: memref<1x64xf32, #tpu.memory_space<vmem>>, %arg5: memref<1x64xf32, #tpu.memory_space<vmem>>, %arg6: memref<64x64xf32, #tpu.memory_space<vmem>>, %arg7: memref<1x64xf32, #tpu.memory_space<vmem>>, %arg8: memref<4096x64xf32, #tpu.memory_space<vmem>>) attributes {dimension_semantics = [#tpu.dimension_semantics<arbitrary>], iteration_bounds = array<i64: 196>, scalar_prefetch = 0 : i64, scratch_operands = 0 : i64, tpu.core_type = #tpu.core_type<tc>, window_params = [{transform_indices = @transform_0, window_bounds = array<i64: 4096, 64>}, {transform_indices = @transform_1, window_bounds = array<i64: 2, 4096>}, {pipeline_mode = #tpu.pipeline_mode<synchronous>, transform_indices = @transform_2, window_bounds = array<i64: 2, 64>}, {pipeline_mode = #tpu.pipeline_mode<synchronous>, transform_indices = @transform_3, window_bounds = array<i64: 1, 64>}, {pipeline_mode = #tpu.pipeline_mode<synchronous>, transform_indices = @transform_4, window_bounds = array<i64: 1, 64>}, {pipeline_mode = #tpu.pipeline_mode<synchronous>, transform_indices = @transform_5, window_bounds = array<i64: 64, 64>}, {pipeline_mode = #tpu.pipeline_mode<synchronous>, transform_indices = @transform_6, window_bounds = array<i64: 1, 64>}, {transform_indices = @transform_7, window_bounds = array<i64: 4096, 64>}]} {
    %get3A = arith.constant 0 : index
    %get3A_0 = arith.constant 0 : index
    %get3A_1 = vector.load %arg1[%get3A, %get3A_0] : memref<4096x64xbf16, #tpu.memory_space<vmem>>, vector<4096x64xbf16>
    %convert_element_type3A = arith.extf %get3A_1 : vector<4096x64xbf16> to vector<4096x64xf32>
    %get3A_2 = arith.constant 0 : index
    %get3A_3 = arith.constant 0 : index
    %get3A_4 = vector.load %arg2[%get3A_2, %get3A_3] : memref<2x4096xf32, #tpu.memory_space<vmem>>, vector<2x4096xf32>
    %slice3A = vector.extract_strided_slice %get3A_4 {offsets = [0, 0], sizes = [1, 4096], strides = [1, 1]} : vector<2x4096xf32> to vector<1x4096xf32>
    %squeeze3A = vector.shape_cast %slice3A : vector<1x4096xf32> to vector<4096xf32>
    %broadcast_in_dim3A = vector.shape_cast %squeeze3A : vector<4096xf32> to vector<4096x1xf32>
    %get3A_5 = arith.constant 0 : index
    %get3A_6 = arith.constant 0 : index
    %get3A_7 = vector.load %arg3[%get3A_5, %get3A_6] : memref<2x64xf32, #tpu.memory_space<vmem>>, vector<1x64xf32>
    %get3A_8 = vector.shape_cast %get3A_7 : vector<1x64xf32> to vector<64xf32>
    %broadcast_in_dim3A_9 = vector.shape_cast %get3A_8 : vector<64xf32> to vector<1x64xf32>
    %mul3A = vector.broadcast %broadcast_in_dim3A : vector<4096x1xf32> to vector<4096x64xf32>
    %mul3A_10 = vector.broadcast %broadcast_in_dim3A_9 : vector<1x64xf32> to vector<4096x64xf32>
    %mul3A_11 = arith.mulf %mul3A, %mul3A_10 : vector<4096x64xf32>
    %slice3A_12 = vector.extract_strided_slice %get3A_4 {offsets = [1, 0], sizes = [1, 4096], strides = [1, 1]} : vector<2x4096xf32> to vector<1x4096xf32>
    %squeeze3A_13 = vector.shape_cast %slice3A_12 : vector<1x4096xf32> to vector<4096xf32>
    %broadcast_in_dim3A_14 = vector.shape_cast %squeeze3A_13 : vector<4096xf32> to vector<4096x1xf32>
    %get3A_15 = arith.constant 1 : index
    %get3A_16 = arith.constant 0 : index
    %get3A_17 = vector.load %arg3[%get3A_15, %get3A_16] : memref<2x64xf32, #tpu.memory_space<vmem>>, vector<1x64xf32>
    %get3A_18 = vector.shape_cast %get3A_17 : vector<1x64xf32> to vector<64xf32>
    %broadcast_in_dim3A_19 = vector.shape_cast %get3A_18 : vector<64xf32> to vector<1x64xf32>
    %mul3A_20 = vector.broadcast %broadcast_in_dim3A_14 : vector<4096x1xf32> to vector<4096x64xf32>
    %mul3A_21 = vector.broadcast %broadcast_in_dim3A_19 : vector<1x64xf32> to vector<4096x64xf32>
    %mul3A_22 = arith.mulf %mul3A_20, %mul3A_21 : vector<4096x64xf32>
    %add3A = arith.addf %mul3A_11, %mul3A_22 : vector<4096x64xf32>
    %add3A_23 = arith.addf %convert_element_type3A, %add3A : vector<4096x64xf32>
    %reduce_sum3A = arith.constant dense<0.000000e+00> : vector<4096xf32>
    %reduce_sum3A_24 = vector.multi_reduction <add>, %add3A_23, %reduce_sum3A [1] : vector<4096x64xf32> to vector<4096xf32>
    %broadcast_in_dim3A_25 = vector.shape_cast %reduce_sum3A_24 : vector<4096xf32> to vector<4096x1xf32>
    %div3A = arith.constant 6.400000e+01 : f32
    %div3A_26 = vector.broadcast %div3A : f32 to vector<4096x1xf32>
    %div3A_27 = arith.divf %broadcast_in_dim3A_25, %div3A_26 : vector<4096x1xf32>
    %sub3A = vector.broadcast %div3A_27 : vector<4096x1xf32> to vector<4096x64xf32>
    %sub3A_28 = arith.subf %add3A_23, %sub3A : vector<4096x64xf32>
    %sub3A_29 = vector.broadcast %div3A_27 : vector<4096x1xf32> to vector<4096x64xf32>
    %sub3A_30 = arith.subf %add3A_23, %sub3A_29 : vector<4096x64xf32>
    %mul3A_31 = arith.mulf %sub3A_28, %sub3A_30 : vector<4096x64xf32>
    %reduce_sum3A_32 = arith.constant dense<0.000000e+00> : vector<4096xf32>
    %reduce_sum3A_33 = vector.multi_reduction <add>, %mul3A_31, %reduce_sum3A_32 [1] : vector<4096x64xf32> to vector<4096xf32>
    %broadcast_in_dim3A_34 = vector.shape_cast %reduce_sum3A_33 : vector<4096xf32> to vector<4096x1xf32>
    %div3A_35 = arith.constant 6.400000e+01 : f32
    %div3A_36 = vector.broadcast %div3A_35 : f32 to vector<4096x1xf32>
    %div3A_37 = arith.divf %broadcast_in_dim3A_34, %div3A_36 : vector<4096x1xf32>
    %sub3A_38 = vector.broadcast %div3A_27 : vector<4096x1xf32> to vector<4096x64xf32>
    %sub3A_39 = arith.subf %add3A_23, %sub3A_38 : vector<4096x64xf32>
    %add3A_40 = arith.constant 9.99999974E-6 : f32
    %add3A_41 = vector.broadcast %add3A_40 : f32 to vector<4096x1xf32>
    %add3A_42 = arith.addf %div3A_37, %add3A_41 : vector<4096x1xf32>
    %rsqrt3A = math.rsqrt %add3A_42 : vector<4096x1xf32>
    %mul3A_43 = vector.broadcast %rsqrt3A : vector<4096x1xf32> to vector<4096x64xf32>
    %mul3A_44 = arith.mulf %sub3A_39, %mul3A_43 : vector<4096x64xf32>
    %get3A_45 = arith.constant 0 : index
    %get3A_46 = arith.constant 0 : index
    %get3A_47 = vector.load %arg4[%get3A_45, %get3A_46] : memref<1x64xf32, #tpu.memory_space<vmem>>, vector<1x64xf32>
    %get3A_48 = vector.shape_cast %get3A_47 : vector<1x64xf32> to vector<64xf32>
    %broadcast_in_dim3A_49 = vector.shape_cast %get3A_48 : vector<64xf32> to vector<1x64xf32>
    %mul3A_50 = vector.broadcast %broadcast_in_dim3A_49 : vector<1x64xf32> to vector<4096x64xf32>
    %mul3A_51 = arith.mulf %mul3A_44, %mul3A_50 : vector<4096x64xf32>
    %get3A_52 = arith.constant 0 : index
    %get3A_53 = arith.constant 0 : index
    %get3A_54 = vector.load %arg5[%get3A_52, %get3A_53] : memref<1x64xf32, #tpu.memory_space<vmem>>, vector<1x64xf32>
    %get3A_55 = vector.shape_cast %get3A_54 : vector<1x64xf32> to vector<64xf32>
    %broadcast_in_dim3A_56 = vector.shape_cast %get3A_55 : vector<64xf32> to vector<1x64xf32>
    %add3A_57 = vector.broadcast %broadcast_in_dim3A_56 : vector<1x64xf32> to vector<4096x64xf32>
    %add3A_58 = arith.addf %mul3A_51, %add3A_57 : vector<4096x64xf32>
    %max3A = arith.constant 0.000000e+00 : f32
    %max3A_59 = vector.broadcast %max3A : f32 to vector<4096x64xf32>
    %max3A_60 = arith.maximumf %add3A_58, %max3A_59 : vector<4096x64xf32>
    %get3A_61 = arith.constant 0 : index
    %get3A_62 = arith.constant 0 : index
    %get3A_63 = vector.load %arg6[%get3A_61, %get3A_62] : memref<64x64xf32, #tpu.memory_space<vmem>>, vector<64x64xf32>
    %dot_general3A = arith.constant dense<0.000000e+00> : vector<4096x64xf32>
    %dot_general3A_64 = tpu.matmul %max3A_60, %get3A_63, %dot_general3A {dimension_numbers = #tpu.dot_dimension_numbers<[1], [0], [0], [1], [0, 0, 1, 1], [], []>, transpose_lhs_hint = false} : vector<4096x64xf32>, vector<64x64xf32>, vector<4096x64xf32> -> vector<4096x64xf32>
    %get3A_65 = arith.constant 0 : index
    %get3A_66 = arith.constant 0 : index
    %get3A_67 = vector.load %arg7[%get3A_65, %get3A_66] : memref<1x64xf32, #tpu.memory_space<vmem>>, vector<1x64xf32>
    %get3A_68 = vector.shape_cast %get3A_67 : vector<1x64xf32> to vector<64xf32>
    %broadcast_in_dim3A_69 = vector.shape_cast %get3A_68 : vector<64xf32> to vector<1x64xf32>
    %add3A_70 = vector.broadcast %broadcast_in_dim3A_69 : vector<1x64xf32> to vector<4096x64xf32>
    %add3A_71 = arith.addf %dot_general3A_64, %add3A_70 : vector<4096x64xf32>
    %swap3A = arith.constant 0 : index
    %swap3A_72 = arith.constant 0 : index
    %swap3A_73 = vector.load %arg8[%swap3A, %swap3A_72] : memref<4096x64xf32, #tpu.memory_space<vmem>>, vector<4096x64xf32>
    tpu.vector_store %arg8[%swap3A, %swap3A_72], %add3A_71 {strides = array<i32>} : memref<4096x64xf32, #tpu.memory_space<vmem>>, vector<4096x64xf32>,
    return
  }
  func.func @transform_0(%arg0: i32) -> (i32, i32) {
    %c0_i32 = arith.constant 0 : i32
    %c0_i32_0 = arith.constant 0 : i32
    return %arg0, %c0_i32 : i32, i32
  }
  func.func @transform_1(%arg0: i32) -> (i32, i32) {
    %c0_i32 = arith.constant 0 : i32
    %c0_i32_0 = arith.constant 0 : i32
    return %c0_i32, %arg0 : i32, i32
  }
  func.func @transform_2(%arg0: i32) -> (i32, i32) {
    %c0_i32 = arith.constant 0 : i32
    %c0_i32_0 = arith.constant 0 : i32
    %c0_i32_1 = arith.constant 0 : i32
    return %c0_i32, %c0_i32_0 : i32, i32
  }
  func.func @transform_3(%arg0: i32) -> (i32, i32) {
    %c0_i32 = arith.constant 0 : i32
    %c0_i32_0 = arith.constant 0 : i32
    %c0_i32_1 = arith.constant 0 : i32
    return %c0_i32, %c0_i32_0 : i32, i32
  }
  func.func @transform_4(%arg0: i32) -> (i32, i32) {
    %c0_i32 = arith.constant 0 : i32
    %c0_i32_0 = arith.constant 0 : i32
    %c0_i32_1 = arith.constant 0 : i32
    return %c0_i32, %c0_i32_0 : i32, i32
  }
  func.func @transform_5(%arg0: i32) -> (i32, i32) {
    %c0_i32 = arith.constant 0 : i32
    %c0_i32_0 = arith.constant 0 : i32
    %c0_i32_1 = arith.constant 0 : i32
    return %c0_i32, %c0_i32_0 : i32, i32
  }
  func.func @transform_6(%arg0: i32) -> (i32, i32) {
    %c0_i32 = arith.constant 0 : i32
    %c0_i32_0 = arith.constant 0 : i32
    %c0_i32_1 = arith.constant 0 : i32
    return %c0_i32, %c0_i32_0 : i32, i32
  }
  func.func @transform_7(%arg0: i32) -> (i32, i32) {
    %c0_i32 = arith.constant 0 : i32
    %c0_i32_0 = arith.constant 0 : i32
    return %arg0, %c0_i32 : i32, i32
  }
}

module attributes {stable_mosaic.version = 14 : i64} {
  func.func @_head_kernel(%arg0: memref<1x192xf32, #tpu.memory_space<vmem>>, %arg1: memref<192x64xf32, #tpu.memory_space<vmem>>, %arg2: memref<1x64xf32, #tpu.memory_space<vmem>>, %arg3: memref<64x1xf32, #tpu.memory_space<vmem>>, %arg4: memref<1x1xf32, #tpu.memory_space<vmem>>, %arg5: memref<1x1xf32, #tpu.memory_space<vmem>>) attributes {dimension_semantics = [], scalar_prefetch = 0 : i64, scratch_operands = 0 : i64, tpu.core_type = #tpu.core_type<tc>} {
    %get3A = arith.constant 0 : index
    %get3A_0 = arith.constant 0 : index
    %get3A_1 = vector.load %arg0[%get3A, %get3A_0] : memref<1x192xf32, #tpu.memory_space<vmem>>, vector<1x192xf32>
    %get3A_2 = arith.constant 0 : index
    %get3A_3 = arith.constant 0 : index
    %get3A_4 = vector.load %arg1[%get3A_2, %get3A_3] : memref<192x64xf32, #tpu.memory_space<vmem>>, vector<192x64xf32>
    %dot_general3A = arith.constant dense<0.000000e+00> : vector<1x64xf32>
    %dot_general3A_5 = tpu.matmul %get3A_1, %get3A_4, %dot_general3A {dimension_numbers = #tpu.dot_dimension_numbers<[1], [0], [0], [1], [0, 0, 1, 1], [], []>, transpose_lhs_hint = false} : vector<1x192xf32>, vector<192x64xf32>, vector<1x64xf32> -> vector<1x64xf32>
    %get3A_6 = arith.constant 0 : index
    %get3A_7 = arith.constant 0 : index
    %get3A_8 = vector.load %arg2[%get3A_6, %get3A_7] : memref<1x64xf32, #tpu.memory_space<vmem>>, vector<1x64xf32>
    %add3A = arith.addf %dot_general3A_5, %get3A_8 : vector<1x64xf32>
    %max3A = arith.constant 0.000000e+00 : f32
    %max3A_9 = vector.broadcast %max3A : f32 to vector<1x64xf32>
    %max3A_10 = arith.maximumf %add3A, %max3A_9 : vector<1x64xf32>
    %get3A_11 = arith.constant 0 : index
    %get3A_12 = arith.constant 0 : index
    %get3A_13 = vector.load %arg3[%get3A_11, %get3A_12] : memref<64x1xf32, #tpu.memory_space<vmem>>, vector<64x1xf32>
    %dot_general3A_14 = arith.constant dense<0.000000e+00> : vector<1x1xf32>
    %dot_general3A_15 = tpu.matmul %max3A_10, %get3A_13, %dot_general3A_14 {dimension_numbers = #tpu.dot_dimension_numbers<[1], [0], [0], [1], [0, 0, 1, 1], [], []>, transpose_lhs_hint = false} : vector<1x64xf32>, vector<64x1xf32>, vector<1x1xf32> -> vector<1x1xf32>
    %get3A_16 = arith.constant 0 : index
    %get3A_17 = arith.constant 0 : index
    %get3A_18 = vector.load %arg4[%get3A_16, %get3A_17] : memref<1x1xf32, #tpu.memory_space<vmem>>, vector<1x1xf32>
    %add3A_19 = arith.addf %dot_general3A_15, %get3A_18 : vector<1x1xf32>
    %logistic3A = arith.negf %add3A_19 : vector<1x1xf32>
    %logistic3A_20 = math.exp %logistic3A : vector<1x1xf32>
    %logistic3A_21 = arith.constant 1.000000e+00 : f32
    %logistic3A_22 = vector.broadcast %logistic3A_21 : f32 to vector<1x1xf32>
    %logistic3A_23 = arith.addf %logistic3A_22, %logistic3A_20 : vector<1x1xf32>
    %logistic3A_24 = arith.divf %logistic3A_22, %logistic3A_23 : vector<1x1xf32>
    %swap3A = arith.constant 0 : index
    %swap3A_25 = arith.constant 0 : index
    %swap3A_26 = vector.load %arg5[%swap3A, %swap3A_25] : memref<1x1xf32, #tpu.memory_space<vmem>>, vector<1x1xf32>
    tpu.vector_store %arg5[%swap3A, %swap3A_25], %logistic3A_24 {strides = array<i32>} : memref<1x1xf32, #tpu.memory_space<vmem>>, vector<1x1xf32>,
    return
  }
}

</mosaic_0001>

<sc_bundles>
// kernel: kernel.12.cloned.1.call-start
scs
__scs_entry_jumppad:
0x0: {  	(pc) =	sbr.rel $0x88, $3  }
0x1: {  	(tag) =	ssettag $0x0;
	lr =	simm.s32 $0x1  }
0x2: {  	[smem:$0x3F27] =	sst lr;
	_ =	strace $0xD0000000  }
0x3: {  	_ = 	snop  }
0x4: {  	_ = 	snop  }
0x5: {  	_ = 	snop  }
0x6: {  	_ = 	snop  }
0x7: {  	_ = 	snop  }
__scs_overlays_trampoline_lowered:
0x8: {  	[smem:$0x3F36] =	sst s0  }
0x9: {  	[smem:$0x3F37] =	sst s1  }
0xa: {  	[smem:$0x3F38] =	sst s2  }
0xb: {  	[smem:$0x3F39] =	sst s3  }
0xc: {  	[smem:$0x3F3A] =	sst s4  }
0xd: {  	[smem:$0x3F3B] =	sst s5  }
0xe: {  	[smem:$0x3F3C] =	sst s6  }
0xf: {  	[smem:$0x3F3D] =	sst s7  }
0x10: {  	[smem:$0x3F3E] =	sst s8  }
0x11: {  	[smem:$0x3F3F] =	sst s9;
	s0 =	simm.s32 @!p0 $0x0  }
0x12: {  	s1 =	sld [smem:$0x3F25];
	s0 =	simm.s32 @p0 $0x1  }
0x13: {  	[smem:$0x3F40] =	sst s0;
	s0 =	simm.s32 @!p1 $0x0  }
0x14: {  	s2 =	sld [smem:$0x3F24];
	s0 =	simm.s32 @p1 $0x1  }
0x15: {  	[smem:$0x3F41] =	sst s0;
	s0 =	simm.s32 @!p2 $0x0  }
0x16: {  	s3 =	sld [smem:$0x3FDB];
	s0 =	simm.s32 @p2 $0x1  }
0x17: {  	s4 =	simm.s32 $0x1BF5;
	[smem:$0x3F43] =	sst s0  }
0x18: {  	s0 =	sld [smem:$0x3F26];
	_ =	swait.ge [sflag:s4], $0x0  }
0x19: {  	s7 =	sld [smem:$0x3F27]  }
0x1a: {  	s8 =	sadd.s32 $0xFFFFE003, lr  }
0x1b: {  	s9 =	sadd.s32 $0xFFFFFEF7, lr;
	s5 =	simm.s32 $0xFFFFFFFF;
	p2 =	slt.u32 s8, $0xFFFFF086  }
0x1c: {  	p1 =	slt.u32 s9, $0xF7A;
	s5 =	simm.s32 @!p2 $0x0  }
0x1d: {  	s5 =	simm.s32 @p1 $0x1;
	p0 =	seq.s32 s7, s2  }
0x1e: {  	s7 =	smul.u32 @!p0 $0xF7A, s2;
	p2 =	seq.s32 @!p0 s5, $0x0  }
0x1f: {  	s9 =	smul.u32 $0xF7A, s1;
	s8 =	simm.s32 @!p0 $0x1BF5;
	p2 =	por !p2, p0  }
0x20: {  	[sflag:s8] =	ssyncset.s32 @!p0 $0xFFFFF086;
	s6 =	sadd.s32 @!p0 s3, s7;
	s7 =	simm.s32 @!p0 $0x108  }
0x21: {  	s3 =	sadd.s32 s3, s9;
	s6 =	sadd.s32 @!p0 $0x88, s6;
	s7 =	simm.s32 @p2 $0x1082  }
0x22: {  	[simem:s7], [sflag:s8] =	dma.local @!p0 [hbm:s6], $0xF7A  }
0x23: {  	s9 =	sor.u32 $0xD0000000, s2;
	s6 =	simm.s32 $0x108;
	_ =	swait.ge @!p0 [sflag:s8], $0x0  }
0x24: {  	s3 =	sadd.s32 $0x88, s3;
	s6 =	simm.s32 @!p1 $0x1082;
	[sflag:s4] =	ssyncset.s32 $0xFFFFF086  }
0x25: {  	[simem:s6], [sflag:s4] =	dma.local [hbm:s3], $0xF7A  }
0x26: {  	[smem:$0x3F27] =	sst s1;
	(tag) =	ssettag s2;
	_ =	strace s9  }
0x27: {  	s1 =	sld [smem:$0x3F37]  }
0x28: {  	s2 =	sld [smem:$0x3F38]  }
0x29: {  	s4 =	sld [smem:$0x3F3A]  }
0x2a: {  	p0 =	seq.s32 s5, $0x0;
	s5 =	sld [smem:$0x3F3B]  }
0x2b: {  	s6 =	sld [smem:$0x3F3C]  }
0x2c: {  	s7 =	sld [smem:$0x3F3D]  }
0x2d: {  	s3 =	simm.s32 $0x108;
	s8 =	sld [smem:$0x3F3E]  }
0x2e: {  	s3 =	simm.s32 @!p0 $0x1082;
	s9 =	sld [smem:$0x3F3F]  }
0x2f: {  	lr =	sadd.s32 s0, s3;
	s0 =	sld [smem:$0x3F36]  }
0x30: {  	s3 =	sld [smem:$0x3F39]  }
0x31: {  	[smem:$0x3F42] =	sst s10  }
0x32: {  	s10 =	sld [smem:$0x3F40];
	_ =	sdelay $0x3  }
0x33: {  	p0 =	seq.s32 s10, $0x1;
	s10 =	sld [smem:$0x3F42];
	_ =	sdelay $0x3  }
0x34: {  	[smem:$0x3F42] =	sst s10  }
0x35: {  	s10 =	sld [smem:$0x3F41];
	_ =	sdelay $0x3  }
0x36: {  	p1 =	seq.s32 s10, $0x1;
	s10 =	sld [smem:$0x3F42];
	_ =	sdelay $0x3  }
0x37: {  	[smem:$0x3F42] =	sst s10  }
0x38: {  	s10 =	sld [smem:$0x3F43]  }
0x39: {  	_ = 	snop;
	(pc) =	sbr.ind lr, $3  }
0x3a: {  	_ = 	snop  }
0x3b: {  	_ = 	snop  }
0x3c: {  	p2 =	seq.s32 s10, $0x1;
	s10 =	sld [smem:$0x3F42]  }
0x3d: {  	_ =	shalt  }
0x3e: {  	_ =	shalt  }
0x3f: {  	_ =	shalt  }
0x40: {  	_ =	shalt  }
0x41: {  	_ =	shalt  }
0x42: {  	_ =	shalt  }
0x43: {  	_ =	shalt  }
0x44: {  	_ =	shalt  }
0x45: {  	_ =	shalt  }
0x46: {  	_ =	shalt  }
0x47: {  	_ =	shalt  }
0x48: {  	_ =	shalt  }
0x49: {  	_ =	shalt  }
0x4a: {  	_ =	shalt  }
0x4b: {  	_ =	shalt  }
0x4c: {  	_ =	shalt  }
0x4d: {  	_ =	shalt  }
0x4e: {  	_ =	shalt  }
0x4f: {  	_ =	shalt  }
0x50: {  	_ =	shalt  }
0x51: {  	_ =	shalt  }
0x52: {  	_ =	shalt  }
0x53: {  	_ =	shalt  }
0x54: {  	_ =	shalt  }
0x55: {  	_ =	shalt  }
0x56: {  	_ =	shalt  }
0x57: {  	_ =	shalt  }
0x58: {  	_ =	shalt  }
0x59: {  	_ =	shalt  }
0x5a: {  	_ =	shalt  }
0x5b: {  	_ =	shalt  }
0x5c: {  	_ =	shalt  }
0x5d: {  	_ =	shalt  }
0x5e: {  	_ =	shalt  }
0x5f: {  	_ =	shalt  }
0x60: {  	_ =	shalt  }
0x61: {  	_ =	shalt  }
0x62: {  	_ =	shalt  }
0x63: {  	_ =	shalt  }
0x64: {  	_ =	shalt  }
0x65: {  	_ =	shalt  }
0x66: {  	_ =	shalt  }
0x67: {  	_ =	shalt  }
0x68: {  	_ =	shalt  }
0x69: {  	_ =	shalt  }
0x6a: {  	_ =	shalt  }
0x6b: {  	_ =	shalt  }
0x6c: {  	_ =	shalt  }
0x6d: {  	_ =	shalt  }
0x6e: {  	_ =	shalt  }
0x6f: {  	_ =	shalt  }
0x70: {  	_ =	shalt  }
0x71: {  	_ =	shalt  }
0x72: {  	_ =	shalt  }
0x73: {  	_ =	shalt  }
0x74: {  	_ =	shalt  }
0x75: {  	_ =	shalt  }
0x76: {  	_ =	shalt  }
0x77: {  	_ =	shalt  }
0x78: {  	_ =	shalt  }
0x79: {  	_ =	shalt  }
0x7a: {  	_ =	shalt  }
0x7b: {  	_ =	shalt  }
0x7c: {  	_ =	shalt  }
0x7d: {  	_ =	shalt  }
0x7e: {  	_ =	shalt  }
0x7f: {  	_ =	shalt  }
0x80: {  	_ =	shalt  }
0x81: {  	_ =	shalt  }
0x82: {  	_ =	shalt  }
0x83: {  	_ =	shalt  }
0x84: {  	_ =	shalt  }
0x85: {  	_ =	shalt  }
0x86: {  	_ =	shalt  }
0x87: {  	_ =	shalt  }
.Lfunc_end0:
.L_simem_size_0:
called_computation.1_lowered:
.L_overlay_start_0:
0x88: {  	s2 =	sld [smem:$0x3FD9]  }
0x89: {  	s3 =	sld [smem:$0x3FFE];
	_ =	sdelay $0x1  }
0x8a: {  	s1 =	srdreg.scid  }
0x8b: {  	s0 =	sand.u32 $0x1, s1  }
0x8c: {  	s16 =	sshll.u32 s0, $0xA;
	s2 =	sadd.s32 s3, s2  }
0x8d: {  	s2 =	sadd.s32 s2, s16  }
0x8e: {  	[smem:$0x3F4E] =	sst s2  }
0x8f: {  	_ = 	snop  }
0x90: {  	(tm) =	ssettm $0x1  }
0x91: {  	s17 =	sld [smem:$0x3FFB];
	_ =	sdelay $0x3  }
0x92: {  	_ =	strace s17  }
0x93: {  	s2 =	sld [smem:$0x3FFC];
	_ =	sdelay $0x3  }
0x94: {  	_ =	strace s2  }
0x95: {  	s2 =	sld [smem:$0x3FFD];
	_ =	sdelay $0x3  }
0x96: {  	_ =	strace s2  }
0x97: {  	_ =	strace $0x8FFFFFFF  }
0x98: {  	s18 =	sld [smem:$0x3FDB];
	_ =	sdelay $0x1  }
0x99: {  	s19 =	simm.s32 $_scs_section_size  }
0x9a: {  	s4 =	simm.s32 $_size__tile_overlayer_lowered;
	s5 =	simm.s32 $_tile_overlayer_lowered  }
0x9b: {  	s22 =	simm.s32 $0x1BFF;
	s21 =	sshll.u32 s5, $0x1;
	s2 =	sadd.s32 s19, s18  }
0x9c: {  	s6 =	simm.s32 $0x0;
	s20 =	sshll.u32 s4, $0x1;
	s4 =	sadd.s32 s21, s2  }
0x9d: {  	[timem:s6], [sflag:s22] =	dma.local [hbm:s4], s20  }
0x9e: {  	_ =	swait.ge [sflag:s22], s20  }
0x9f: {  	s3 =	ssub.s32 $0x0, s20;
	[sflag:s22] =	ssyncset.done $0x0  }
0xa0: {  	[sflag:s22] =	ssyncadd.s32 s3;
	_ =	sdelay $0x1  }
0xa1: {  	s23 =	simm.s32 $0x1B8B  }
0xa2: {  	_ =	swait.ge [sflag:s23], $0x1  }
0xa3: {  	[sflag:s23] =	ssyncset.done $0x0  }
0xa4: {  	s25 =	simm.s32 $0x1B8E;
	s24 =	sld [smem:$0x3FFE];
	[sflag:s23] =	ssyncadd.s32 $0xFFFFFFFF  }
0xa5: {  	s26 =	simm.s32 $execute0_lowered;
	[smem:$0x3FD2] =	sst s25  }
0xa6: {  	s4 =	sshll.u32 s26, $0x1;
	_ =	strace $0x80000049;
	[dreg:$0x1] =	wrdreg $0xFFFFFFFF  }
0xa7: {  	s28 =	simm.s32 $_size_execute0_lowered;
	s2 =	sadd.s32 s2, s4;
	[dreg:$0x0] =	wrdreg $0x0  }
0xa8: {  	s4 =	sshll.u32 s28, $0x1;
	[dreg:$0x2] =	wrdreg s2  }
0xa9: {  	[dreg:$0x3] =	wrdreg s4  }
0xaa: {  	[dreg:$0x4] =	wrdreg $0xC0  }
0xab: {  	_ =	task [dreg:s6], $0x5FFFF  }
0xac: {  	[dreg:$0x1] =	wrdreg $0xFFFFFFFF  }
0xad: {  	[dreg:$0x0] =	wrdreg $0x60  }
0xae: {  	[dreg:$0x2] =	wrdreg s24  }
0xaf: {  	[dreg:$0x3] =	wrdreg $0x61000  }
0xb0: {  	[dreg:$0x4] =	wrdreg $0x9  }
0xb1: {  	_ =	task.clear_ibuf [dreg:s6], $0x5FFFF;
	_ =	strace $0x90000049  }
0xb2: {  	s29 =	simm.s32 $0x9;
	_ =	strace $0x8000004B  }
0xb3: {  	_ =	swait.ge [sflag:s29], $0x1  }
0xb4: {  	[sflag:s29] =	ssyncadd.s32 $0xFFFFFFFF  }
0xb5: {  	_ =	strace $0x9000004B  }
0xb6: {  	_ =	sfence  }
0xb7: {  	s30 =	sld [smem:$0x0];
	_ =	sdelay $0x2  }
0xb8: {  	s31 =	sshll.u32 s1, $0xD;
	s1 =	sshrl.u32 s1, $0x2  }
0xb9: {  	s3 =	sand.u32 $0x4000, s31;
	s1 =	sadd.s32 s1, s30  }
0xba: {  	s0 =	sor.u32 s3, s0;
	s1 =	sshll.u32 s1, $0x11  }
0xbb: {  	s0 =	sor.u32 s1, s0  }
0xbc: {  	s0 =	sadd.s32 $0x8F2B, s0  }
0xbd: {  	[sflag:s0] =	ssyncadd.remote.s32 $0x1  }
0xbe: {  	_ =	sfence.sel $0xFFFF  }
0xbf: {  	[dreg:$0x0] =	wrdreg $0xFFFFFFFF;
	(pc) =	sbr.abs _section_cstart, $3  }
0xc0: {  	[dreg:$0x1] =	wrdreg $0xFFFFFFFF  }
0xc1: {  	_ =	task.clear_ibuf [dreg:s6], $0x2FFFF;
	_ =	strace $0x9FFFFFFF  }
0xc2: {  	(tm) =	ssettm $0x7FFFFFFF  }
0xc3: {  	_ =	shalt  }
tec
execute0_lowered:
.L_overlay_start_1:
0x0: {  	(tag) =	ssettag $0x1  }
0x1: {  	s0 =	rddreg [dreg:$0x0];
	s20 =	stileid.u32  }
0x2: {  	s2 =	rddreg [dreg:$0x1];
	s3 =	simm.s32 $0x0;
	s1 =	smul.u32 $0x62000, s20  }
0x3: {  	s5 =	srdreg.scid;
	s28 =	simm.s32 $0x80;
	s4 =	smul.u32 $0x1880, s20  }
0x4: {  	s29 =	simm.s32 $0x1;
	s30 =	simm.s32 $0x2;
	s6 =	smul.u32 $0x61B, s20  }
0x5: {  	[smem:$0x7FF] =	sst s3;
	s8 =	sand.u32 $0x1, s5;
	s15 =	smul.u32 $0x61B00, s20  }
0x6: {  	s31 =	simm.s32 $0x0;
	_ =	strace $0x8000004A;
	s9 =	smul.u32 $0x61B0, s8  }
0x7: {  	s7 =	ssub.s32 $0x2, s8;
	s26 =	smul.u32 $0x30D80, s8;
	s1 =	sadd.s32 s1, s0  }
0x8: {  	s10 =	sadd.s32 s4, s0;
	s0 =	sadd.s32 $0x18E000, s0;
	s16 =	sshrl.u32 s7, $0x1  }
0x9: {  	s17 =	sshrl.u32 s15, $0x2;
	s11 =	ssub.s32 s7, s16;
	s18 =	sadd.s32 s6, s9  }
0xa: {  	s6 =	smul.u32 $0x61A8, s8;
	s4 =	sadd.s32 s17, s2;
	s21 =	sadd.s32 $0x4CF400, s1  }
0xb: {  	s7 =	sadd.s32 $0x12C000, s10;
	s8 =	sadd.s32 $0x4CFC00, s1;
	s19 =	sshll.u32 s18, $0x3  }
0xc: {  	s5 =	sadd.s32 $0x18000, s4;
	[dreg:$0x3] =	wrdreg s21;
	s23 =	smax.u32 s11, $0x1  }
0xd: {  	s24 =	sadd.s32 $0x2000, s4;
	s25 =	sadd.s32 $0x4000, s4;
	s12 =	sadd.s32 $0x6000, s4  }
0xe: {  	s13 =	sadd.s32 $0x8000, s4;
	s14 =	sadd.s32 $0xA000, s4;
	s15 =	sadd.s32 $0xC000, s4  }
0xf: {  	s16 =	sadd.s32 $0xE000, s4;
	s17 =	sadd.s32 $0x10000, s4;
	[dreg:$0x5] =	wrdreg s23  }
0x10: {  	s18 =	sadd.s32 $0x12000, s4;
	s21 =	smul.u32 $0x30D8, s20;
	[dreg:$0x6] =	wrdreg s24  }
0x11: {  	s20 =	sadd.s32 $0x16000, s4;
	s22 =	sadd.s32 s19, s0;
	[dreg:$0x7] =	wrdreg s25  }
0x12: {  	s19 =	sadd.s32 $0x14000, s4;
	s0 =	sadd.s32 s26, s0;
	s23 =	simm.s32 $0x4100  }
0x13: {  	s24 =	simm.s32 $0x3;
	s25 =	simm.s32 $0x100;
	s9 =	sadd.s32 $0x3000, s22  }
0x14: {  	v1 =	vimm.f32 $0.0e+00;
	s26 =	simm.s32 $0x2100;
	v0 =	vmov s6;
	s22 =	sadd.s32 s21, s0;
	[dreg:$0x4] =	wrdreg s9  }
.LBB2_1:
0x15: {  	s0 =	simm.s32 $0x4180  }
0x16: {  	[tilespmem:s0+$0xFFFFFF80] =	vst v1  }
0x17: {  	[tilespmem:s0+$0x70] =	vst v1  }
0x18: {  	[tilespmem:s0+$0x60] =	vst v1  }
0x19: {  	[tilespmem:s0+$0x50] =	vst v1  }
0x1a: {  	[tilespmem:s0+$0x40] =	vst v1  }
0x1b: {  	[tilespmem:s0+$0x30] =	vst v1  }
0x1c: {  	[tilespmem:s0+$0x20] =	vst v1  }
0x1d: {  	[tilespmem:s0+$0x10] =	vst v1  }
0x1e: {  	[tilespmem:s0+$0x0] =	vst v1  }
0x1f: {  	[tilespmem:s0+$0xFFFFFFF0] =	vst v1  }
0x20: {  	[tilespmem:s0+$0xFFFFFFE0] =	vst v1  }
0x21: {  	[tilespmem:s0+$0xFFFFFFD0] =	vst v1  }
0x22: {  	[tilespmem:s0+$0xFFFFFFC0] =	vst v1  }
0x23: {  	[tilespmem:s0+$0xFFFFFFB0] =	vst v1  }
0x24: {  	s1 =	simm.s32 $0x0;
	[tilespmem:s0+$0xFFFFFFA0] =	vst v1  }
.LBB2_2:
0x25: {  	s1 =	sadd.s32 $0x4, s1;
	[tilespmem:s0+$0xFFFFFF90] =	vst v1;
	s0 =	sadd.s32 $0x100, s0  }
0x26: {  	[tilespmem:s0+$0xFFFFFF80] =	vst v1;
	p0 =	slt.u32 s1, $0x7C  }
0x27: {  	[tilespmem:s0+$0x70] =	vst v1  }
0x28: {  	[tilespmem:s0+$0x60] =	vst v1  }
0x29: {  	[tilespmem:s0+$0x50] =	vst v1  }
0x2a: {  	[tilespmem:s0+$0x40] =	vst v1  }
0x2b: {  	[tilespmem:s0+$0x30] =	vst v1  }
0x2c: {  	[tilespmem:s0+$0x20] =	vst v1  }
0x2d: {  	[tilespmem:s0+$0x10] =	vst v1  }
0x2e: {  	[tilespmem:s0+$0x0] =	vst v1  }
0x2f: {  	[tilespmem:s0+$0xFFFFFFF0] =	vst v1  }
.Ltmp0:
0x30: {  	[tilespmem:s0+$0xFFFFFFE0] =	vst v1;
	(pc) =	sbr.rel @p0 .LBB2_2-.Ltmp0, $4  }
0x31: {  	[tilespmem:s0+$0xFFFFFFD0] =	vst v1  }
0x32: {  	[tilespmem:s0+$0xFFFFFFC0] =	vst v1  }
0x33: {  	[tilespmem:s0+$0xFFFFFFB0] =	vst v1  }
0x34: {  	[tilespmem:s0+$0xFFFFFFA0] =	vst v1  }
0x35: {  	[tilespmem:s0+$0xFFFFFF90] =	vst v1  }
0x36: {  	[spmem:s4] =	stream.linear.scatter [tilespmem:s23], [sflag:$0x3], $0x2000, $0x38;
	[tilespmem:$0x1E7C0] =	vst v63  }
0x37: {  	_ =	swait.ge [sflag:s24], $0x2000  }
0x38: {  	[sflag:s24] =	ssyncset.done $0x0  }
0x39: {  	s9 =	rddreg [dreg:$0x6];
	[sflag:s24] =	ssyncadd.s32 $0xFFFFE000  }
0x3a: {  	[spmem:s9] =	stream.linear.scatter [tilespmem:s23], [sflag:$0x3], $0x2000, $0x38;
	[tilespmem:$0x1E7C0] =	vst v63  }
0x3b: {  	_ =	swait.ge [sflag:s24], $0x2000  }
0x3c: {  	[sflag:s24] =	ssyncset.done $0x0  }
0x3d: {  	s10 =	rddreg [dreg:$0x7];
	[sflag:s24] =	ssyncadd.s32 $0xFFFFE000  }
0x3e: {  	[spmem:s10] =	stream.linear.scatter [tilespmem:s23], [sflag:$0x3], $0x2000, $0x38;
	[tilespmem:$0x1E7C0] =	vst v63  }
0x3f: {  	_ =	swait.ge [sflag:s24], $0x2000  }
0x40: {  	[sflag:s24] =	ssyncset.done $0x0  }
0x41: {  	[sflag:s24] =	ssyncadd.s32 $0xFFFFE000  }
0x42: {  	[spmem:s12] =	stream.linear.scatter [tilespmem:s23], [sflag:$0x3], $0x2000, $0x38;
	[tilespmem:$0x1E7C0] =	vst v63  }
0x43: {  	_ =	swait.ge [sflag:s24], $0x2000  }
0x44: {  	[sflag:s24] =	ssyncset.done $0x0  }
0x45: {  	[sflag:s24] =	ssyncadd.s32 $0xFFFFE000  }
0x46: {  	[spmem:s13] =	stream.linear.scatter [tilespmem:s23], [sflag:$0x3], $0x2000, $0x38;
	[tilespmem:$0x1E7C0] =	vst v63  }
0x47: {  	_ =	swait.ge [sflag:s24], $0x2000  }
0x48: {  	[sflag:s24] =	ssyncset.done $0x0  }
0x49: {  	[sflag:s24] =	ssyncadd.s32 $0xFFFFE000  }
0x4a: {  	[spmem:s14] =	stream.linear.scatter [tilespmem:s23], [sflag:$0x3], $0x2000, $0x38;
	[tilespmem:$0x1E7C0] =	vst v63  }
0x4b: {  	_ =	swait.ge [sflag:s24], $0x2000  }
0x4c: {  	[sflag:s24] =	ssyncset.done $0x0  }
0x4d: {  	[sflag:s24] =	ssyncadd.s32 $0xFFFFE000  }
0x4e: {  	[spmem:s15] =	stream.linear.scatter [tilespmem:s23], [sflag:$0x3], $0x2000, $0x38;
	[tilespmem:$0x1E7C0] =	vst v63  }
0x4f: {  	_ =	swait.ge [sflag:s24], $0x2000  }
0x50: {  	[sflag:s24] =	ssyncset.done $0x0  }
0x51: {  	[sflag:s24] =	ssyncadd.s32 $0xFFFFE000  }
0x52: {  	[spmem:s16] =	stream.linear.scatter [tilespmem:s23], [sflag:$0x3], $0x2000, $0x38;
	[tilespmem:$0x1E7C0] =	vst v63  }
0x53: {  	_ =	swait.ge [sflag:s24], $0x2000  }
0x54: {  	[sflag:s24] =	ssyncset.done $0x0  }
0x55: {  	[sflag:s24] =	ssyncadd.s32 $0xFFFFE000  }
0x56: {  	[spmem:s17] =	stream.linear.scatter [tilespmem:s23], [sflag:$0x3], $0x2000, $0x38;
	[tilespmem:$0x1E7C0] =	vst v63  }
0x57: {  	_ =	swait.ge [sflag:s24], $0x2000  }
0x58: {  	[sflag:s24] =	ssyncset.done $0x0  }
0x59: {  	[sflag:s24] =	ssyncadd.s32 $0xFFFFE000  }
0x5a: {  	[spmem:s18] =	stream.linear.scatter [tilespmem:s23], [sflag:$0x3], $0x2000, $0x38;
	[tilespmem:$0x1E7C0] =	vst v63  }
0x5b: {  	_ =	swait.ge [sflag:s24], $0x2000  }
0x5c: {  	[sflag:s24] =	ssyncset.done $0x0  }
0x5d: {  	[sflag:s24] =	ssyncadd.s32 $0xFFFFE000  }
0x5e: {  	[spmem:s19] =	stream.linear.scatter [tilespmem:s23], [sflag:$0x3], $0x2000, $0x38;
	[tilespmem:$0x1E7C0] =	vst v63  }
0x5f: {  	_ =	swait.ge [sflag:s24], $0x2000  }
0x60: {  	[sflag:s24] =	ssyncset.done $0x0  }
0x61: {  	[sflag:s24] =	ssyncadd.s32 $0xFFFFE000  }
0x62: {  	[spmem:s20] =	stream.linear.scatter [tilespmem:s23], [sflag:$0x3], $0x2000, $0x38;
	[tilespmem:$0x1E7C0] =	vst v63  }
0x63: {  	_ =	swait.ge [sflag:s24], $0x2000  }
0x64: {  	[sflag:s24] =	ssyncset.done $0x0  }
0x65: {  	[sflag:s24] =	ssyncadd.s32 $0xFFFFE000  }
0x66: {  	[spmem:s5] =	stream.linear.scatter [tilespmem:s23], [sflag:$0x3], $0x6C0, $0x38;
	[tilespmem:$0x1E7C0] =	vst v63  }
0x67: {  	_ =	swait.ge [sflag:s24], $0x6C0  }
0x68: {  	[sflag:s24] =	ssyncset.done $0x0  }
0x69: {  	[sflag:s24] =	ssyncadd.s32 $0xFFFFF940  }
0x6a: {  	[bflag:$0x0] =	sbarrier.arrive $0xFFFF  }
0x6b: {  	s0 =	simm.s32 $0x0;
	s1 =	rddreg [dreg:$0x3]  }
0x6c: {  	[tilespmem:s25], [sflag:$0x1] =	stream.linear.gather [hbm4b:s1+s0], $0x2000, $0x38;
	[tilespmem:$0x1E7C0] =	vst v63  }
0x6d: {  	_ = 	snop  }
0x6e: {  	[tilespmem:s0], [sflag:$0x1] =	stream.linear.gather [hbm4b:s7+s0], $0x80, $0x38;
	[tilespmem:$0x1E7C0] =	vst v63  }
0x6f: {  	s11 =	sadd.s32 $0xFFFFFC00, s8;
	s6 =	sadd.s32 $0x0, s7  }
0x70: {  	[tilespmem:s26], [sflag:$0x2] =	stream.linear.gather [hbm4b:s11+s3], $0x2000, $0x38;
	[tilespmem:$0x1E7C0] =	vst v63  }
0x71: {  	s21 =	sadd.s32 $0x10, s6  }
0x72: {  	[tilespmem:s28], [sflag:$0x2] =	stream.linear.gather [hbm4b:s21+s3], $0x80, $0x38;
	[tilespmem:$0x1E7C0] =	vst v63  }
0x73: {  	s6 =	simm.s32 $0x20;
	s1 =	smov.u32 s8;
	s21 =	smov.u32 s8  }
.LBB2_4:
0x74: {  	_ =	swait.ge [sflag:s29], $0x2000  }
0x75: {  	s1 =	sadd.s32 $0x800, s1;
	s9 =	smov.u32 s6;
	s6 =	sadd.s32 $0x20, s6  }
0x76: {  	p0 =	sne.s32 s6, $0x1880;
	[sflag:s29] =	ssyncset.done $0x0  }
0x77: {  	[sflag:s29] =	ssyncadd.s32 $0xFFFFE000  }
0x78: {  	_ =	swait.ge [sflag:s29], $0x80  }
0x79: {  	[sflag:s29] =	ssyncset.done $0x0  }
0x7a: {  	[sflag:s29] =	ssyncadd.s32 $0xFFFFFF80  }
0x7b: {  	v2 =	vld [tilespmem:$0x70]  }
0x7c: {  	v3 =	vld [tilespmem:$0x30]  }
0x7d: {  	v4 =	vld [tilespmem:$0x60]  }
0x7e: {  	v5 =	vld [tilespmem:$0x40]  }
0x7f: {  	v6 =	vld [tilespmem:$0x50]  }
0x80: {  	v7 =	vld [tilespmem:$0x20];
	v2 =	vsub.s32 v2, v0  }
0x81: {  	v8 =	vld [tilespmem:$0x0];
	v3 =	vsub.s32 v3, v0;
	v2 =	vmin.u32 v2, $0x61A8  }
0x82: {  	v9 =	vld [tilespmem:$0x10];
	v3 =	vmin.u32 v3, $0x61A8;
	v4 =	vsub.s32 v4, v0;
	[tilespmem:$0x70] =	vst v2  }
0x83: {  	[tilespmem:$0x30] =	vst v3;
	v2 =	vsub.s32 v5, v0;
	v3 =	vmin.u32 v4, $0x61A8  }
0x84: {  	v2 =	vmin.u32 v2, $0x61A8;
	v4 =	vsub.s32 v6, v0;
	[tilespmem:$0x60] =	vst v3  }
0x85: {  	v3 =	vsub.s32 v7, v0;
	[tilespmem:$0x40] =	vst v2;
	v2 =	vmin.u32 v4, $0x61A8  }
0x86: {  	v4 =	vsub.s32 v8, v0;
	v3 =	vmin.u32 v3, $0x61A8;
	[tilespmem:$0x50] =	vst v2  }
0x87: {  	v2 =	vmin.u32 v4, $0x61A8;
	v4 =	vsub.s32 v9, v0;
	[tilespmem:$0x20] =	vst v3  }
0x88: {  	[tilespmem:$0x0] =	vst v2;
	v2 =	vmin.u32 v4, $0x61A8  }
0x89: {  	[tilespmem:$0x10] =	vst v2  }
0x8a: {  	[spmem:s2] =	stream.indirect.scatter.add.f32 [tilespmem:s25], [sflag:$0x3], $0x40, s3, s28, $0xb8;
	[tilespmem:$0x1E7C0] =	vst v63  }
0x8b: {  	_ =	swait.ge [sflag:s24], $0x2000  }
0x8c: {  	p1 =	seq.s32 s0, $0x1860;
	[sflag:s24] =	ssyncset.done $0x0  }
0x8d: {  	s10 =	simm.s32 @!p1 $0x0;
	s11 =	simm.s32 @!p1 $0x100;
	[sflag:s24] =	ssyncadd.s32 $0xFFFFE000  }
0x8e: {  	[tilespmem:s11], [sflag:$0x1] =	stream.linear.gather @!p1 [hbm4b:s21+s10], $0x2000, $0x38;
	[tilespmem:$0x1E7C0] =	vst v63  }
0x8f: {  	s11 =	sadd.s32 @!p1 s0, s7;
	s0 =	smov.u32 s9;
	s21 =	smov.u32 s1  }
0x90: {  	s9 =	sadd.s32 @!p1 $0x20, s11  }
0x91: {  	[tilespmem:s10], [sflag:$0x1] =	stream.linear.gather @!p1 [hbm4b:s9+s10], $0x80, $0x38;
	[tilespmem:$0x1E7C0] =	vst v63  }
0x92: {  	_ =	swait.ge [sflag:s30], $0x2000  }
0x93: {  	[sflag:s30] =	ssyncset.done $0x0  }
0x94: {  	[sflag:s30] =	ssyncadd.s32 $0xFFFFE000  }
0x95: {  	_ =	swait.ge [sflag:s30], $0x80  }
0x96: {  	[sflag:s30] =	ssyncset.done $0x0  }
0x97: {  	[sflag:s30] =	ssyncadd.s32 $0xFFFFFF80  }
0x98: {  	v2 =	vld [tilespmem:$0x80]  }
0x99: {  	v3 =	vld [tilespmem:$0xE0]  }
0x9a: {  	v4 =	vld [tilespmem:$0xB0]  }
0x9b: {  	v5 =	vld [tilespmem:$0xD0]  }
0x9c: {  	v6 =	vld [tilespmem:$0x90]  }
0x9d: {  	v2 =	vsub.s32 v2, v0;
	v7 =	vld [tilespmem:$0xC0]  }
0x9e: {  	v2 =	vmin.u32 v2, $0x61A8;
	v8 =	vld [tilespmem:$0xA0];
	v3 =	vsub.s32 v3, v0  }
0x9f: {  	[tilespmem:$0x80] =	vst v2;
	v2 =	vsub.s32 v4, v0;
	v3 =	vmin.u32 v3, $0x61A8;
	v4 =	vld [tilespmem:$0xF0]  }
0xa0: {  	v2 =	vmin.u32 v2, $0x61A8;
	[tilespmem:$0xE0] =	vst v3  }
0xa1: {  	v3 =	vsub.s32 v6, v0;
	[tilespmem:$0xB0] =	vst v2;
	v2 =	vsub.s32 v5, v0  }
0xa2: {  	v5 =	vsub.s32 v7, v0;
	v2 =	vmin.u32 v2, $0x61A8  }
0xa3: {  	v6 =	vsub.s32 v8, v0;
	v5 =	vmin.u32 v5, $0x61A8;
	[tilespmem:$0xD0] =	vst v2  }
0xa4: {  	v2 =	vmin.u32 v6, $0x61A8;
	[tilespmem:$0xC0] =	vst v5;
	v4 =	vsub.s32 v4, v0  }
0xa5: {  	v3 =	vmin.u32 v3, $0x61A8;
	[tilespmem:$0xA0] =	vst v2;
	v2 =	vmin.u32 v4, $0x61A8  }
0xa6: {  	[tilespmem:$0xF0] =	vst v2  }
0xa7: {  	[tilespmem:$0x90] =	vst v3  }
0xa8: {  	[spmem:s2] =	stream.indirect.scatter.add.f32 [tilespmem:s26], [sflag:$0x3], $0x40, s28, s28, $0xb8;
	[tilespmem:$0x1E7C0] =	vst v63  }
0xa9: {  	s9 =	sadd.s32 $0xFFFFFC00, s1;
	_ =	swait.ge [sflag:s24], $0x2000  }
.Ltmp1:
0xaa: {  	s10 =	sadd.s32 s0, s7;
	[sflag:s24] =	ssyncset.done $0x0;
	(pc) =	sbr.rel @p0 .LBB2_4-.Ltmp1, $4  }
0xab: {  	[sflag:s24] =	ssyncadd.s32 $0xFFFFE000  }
0xac: {  	[tilespmem:s26], [sflag:$0x2] =	stream.linear.gather [hbm4b:s9+s3], $0x2000, $0x38;
	[tilespmem:$0x1E7C0] =	vst v63  }
0xad: {  	s9 =	sadd.s32 $0x10, s10  }
0xae: {  	[tilespmem:s28], [sflag:$0x2] =	stream.linear.gather [hbm4b:s9+s3], $0x80, $0x38;
	[tilespmem:$0x1E7C0] =	vst v63  }
0xaf: {  	_ =	swait.ge [sflag:s29], $0x2000  }
0xb0: {  	[sflag:s29] =	ssyncset.done $0x0  }
0xb1: {  	[sflag:s29] =	ssyncadd.s32 $0xFFFFE000  }
0xb2: {  	_ =	swait.ge [sflag:s29], $0x80  }
0xb3: {  	[sflag:s29] =	ssyncset.done $0x0  }
0xb4: {  	[sflag:s29] =	ssyncadd.s32 $0xFFFFFF80  }
0xb5: {  	v2 =	vld [tilespmem:$0x70]  }
0xb6: {  	v3 =	vld [tilespmem:$0x30]  }
0xb7: {  	v4 =	vld [tilespmem:$0x60]  }
0xb8: {  	v5 =	vld [tilespmem:$0x40]  }
0xb9: {  	v6 =	vld [tilespmem:$0x50]  }
0xba: {  	v7 =	vld [tilespmem:$0x20];
	v2 =	vsub.s32 v2, v0  }
0xbb: {  	v8 =	vld [tilespmem:$0x0];
	v3 =	vsub.s32 v3, v0;
	v2 =	vmin.u32 v2, $0x61A8  }
0xbc: {  	v9 =	vld [tilespmem:$0x10];
	v4 =	vsub.s32 v4, v0;
	v3 =	vmin.u32 v3, $0x61A8;
	[tilespmem:$0x70] =	vst v2  }
0xbd: {  	[tilespmem:$0x30] =	vst v3;
	v2 =	vsub.s32 v5, v0;
	v3 =	vmin.u32 v4, $0x61A8  }
0xbe: {  	v53 =	vsub.s32 v6, v0;
	v2 =	vmin.u32 v2, $0x61A8;
	[tilespmem:$0x60] =	vst v3  }
0xbf: {  	v3 =	vsub.s32 v7, v0;
	[tilespmem:$0x40] =	vst v2;
	v2 =	vmin.u32 v53, $0x61A8  }
0xc0: {  	v54 =	vsub.s32 v8, v0;
	v3 =	vmin.u32 v3, $0x61A8;
	[tilespmem:$0x50] =	vst v2  }
0xc1: {  	v55 =	vsub.s32 v9, v0;
	v2 =	vmin.u32 v54, $0x61A8;
	[tilespmem:$0x20] =	vst v3  }
0xc2: {  	[tilespmem:$0x0] =	vst v2;
	v2 =	vmin.u32 v55, $0x61A8  }
0xc3: {  	[tilespmem:$0x10] =	vst v2  }
0xc4: {  	[spmem:s2] =	stream.indirect.scatter.add.f32 [tilespmem:s25], [sflag:$0x3], $0x40, s3, s28, $0xb8;
	[tilespmem:$0x1E7C0] =	vst v63  }
0xc5: {  	p0 =	seq.s32 s0, $0x1860;
	_ =	swait.ge [sflag:s24], $0x2000  }
0xc6: {  	s1 =	simm.s32 @!p0 $0x0;
	[sflag:s24] =	ssyncset.done $0x0  }
0xc7: {  	s6 =	simm.s32 @!p0 $0x100;
	s0 =	sadd.s32 @!p0 s0, s7;
	[sflag:s24] =	ssyncadd.s32 $0xFFFFE000  }
0xc8: {  	[tilespmem:s6], [sflag:$0x1] =	stream.linear.gather @!p0 [hbm4b:s21+s1], $0x2000, $0x38;
	[tilespmem:$0x1E7C0] =	vst v63  }
0xc9: {  	s0 =	sadd.s32 @!p0 $0x20, s0  }
0xca: {  	[tilespmem:s1], [sflag:$0x1] =	stream.linear.gather @!p0 [hbm4b:s0+s1], $0x80, $0x38;
	[tilespmem:$0x1E7C0] =	vst v63  }
0xcb: {  	_ =	swait.ge [sflag:s30], $0x2000  }
0xcc: {  	[sflag:s30] =	ssyncset.done $0x0  }
0xcd: {  	[sflag:s30] =	ssyncadd.s32 $0xFFFFE000  }
0xce: {  	_ =	swait.ge [sflag:s30], $0x80  }
0xcf: {  	[sflag:s30] =	ssyncset.done $0x0  }
0xd0: {  	[sflag:s30] =	ssyncadd.s32 $0xFFFFFF80  }
0xd1: {  	v2 =	vld [tilespmem:$0x80]  }
0xd2: {  	v3 =	vld [tilespmem:$0xE0]  }
0xd3: {  	v56 =	vld [tilespmem:$0xB0]  }
0xd4: {  	v57 =	vld [tilespmem:$0xD0]  }
0xd5: {  	v59 =	vld [tilespmem:$0xA0]  }
0xd6: {  	v58 =	vld [tilespmem:$0xC0];
	v2 =	vsub.s32 v2, v0  }
0xd7: {  	v61 =	vld [tilespmem:$0x90];
	v3 =	vsub.s32 v3, v0;
	v2 =	vmin.u32 v2, $0x61A8  }
0xd8: {  	v60 =	vld [tilespmem:$0xF0];
	v3 =	vmin.u32 v3, $0x61A8;
	[tilespmem:$0x80] =	vst v2;
	v2 =	vsub.s32 v56, v0  }
0xd9: {  	[tilespmem:$0xE0] =	vst v3;
	v3 =	vsub.s32 v57, v0;
	v2 =	vmin.u32 v2, $0x61A8  }
0xda: {  	v62 =	vsub.s32 v59, v0;
	v3 =	vmin.u32 v3, $0x61A8;
	[tilespmem:$0xB0] =	vst v2  }
0xdb: {  	v2 =	vsub.s32 v58, v0;
	[tilespmem:$0xD0] =	vst v3;
	v3 =	vmin.u32 v62, $0x61A8  }
0xdc: {  	v63 =	vsub.s32 v61, v0;
	v2 =	vmin.u32 v2, $0x61A8;
	[tilespmem:$0xA0] =	vst v3  }
0xdd: {  	v3 =	vmin.u32 v63, $0x61A8;
	[tilespmem:$0xC0] =	vst v2;
	v2 =	vsub.s32 v60, v0  }
0xde: {  	[tilespmem:$0x90] =	vst v3;
	v2 =	vmin.u32 v2, $0x61A8  }
0xdf: {  	[tilespmem:$0xF0] =	vst v2  }
0xe0: {  	[spmem:s2] =	stream.indirect.scatter.add.f32 [tilespmem:s26], [sflag:$0x3], $0x40, s28, s28, $0xb8;
	[tilespmem:$0x1E7C0] =	vst v63  }
0xe1: {  	_ =	swait.ge [sflag:s24], $0x2000  }
0xe2: {  	[sflag:s24] =	ssyncset.done $0x0  }
0xe3: {  	[sflag:s24] =	ssyncadd.s32 $0xFFFFE000  }
0xe4: {  	[bflag:$0x0] =	sbarrier.arrive $0xFFFF  }
0xe5: {  	[tilespmem:s23], [sflag:$0x3] =	stream.linear.gather [spmem:s4], $0x2000, $0x38;
	[tilespmem:$0x1E7C0] =	vst v63  }
0xe6: {  	_ =	swait.ge [sflag:s24], $0x2000  }
0xe7: {  	[sflag:s24] =	ssyncset.done $0x0  }
0xe8: {  	s21 =	sadd.s32 $0x0, s22;
	[sflag:s24] =	ssyncadd.s32 $0xFFFFE000  }
0xe9: {  	[hbm4b:s21+s3] =	stream.linear.scatter [tilespmem:s23], [sflag:$0x3], $0x2000, $0x38;
	[tilespmem:$0x1E7C0] =	vst v63  }
0xea: {  	_ =	swait.ge [sflag:s24], $0x2000  }
0xeb: {  	s0 =	simm.s32 $0x400;
	s1 =	smov.u32 s4;
	[sflag:s24] =	ssyncset.done $0x0  }
.LBB2_6:
0xec: {  	p0 =	sne.s32 s0, $0x2C00;
	[sflag:s24] =	ssyncadd.s32 $0xFFFFE000;
	s1 =	sadd.s32 $0x2000, s1  }
0xed: {  	[tilespmem:s23], [sflag:$0x3] =	stream.linear.gather [spmem:s1], $0x2000, $0x38;
	[tilespmem:$0x1E7C0] =	vst v63  }
0xee: {  	s6 =	smov.u32 s0;
	s0 =	sadd.s32 $0x400, s0;
	_ =	swait.ge [sflag:s24], $0x2000  }
.Ltmp2:
0xef: {  	[sflag:s24] =	ssyncset.done $0x0;
	(pc) =	sbr.rel @p0 .LBB2_6-.Ltmp2, $4  }
0xf0: {  	s6 =	sadd.s32 s6, s22;
	[sflag:s24] =	ssyncadd.s32 $0xFFFFE000  }
0xf1: {  	[hbm4b:s6+s3] =	stream.linear.scatter [tilespmem:s23], [sflag:$0x3], $0x2000, $0x38;
	[tilespmem:$0x1E7C0] =	vst v63  }
0xf2: {  	_ =	swait.ge [sflag:s24], $0x2000  }
0xf3: {  	[sflag:s24] =	ssyncset.done $0x0  }
0xf4: {  	[sflag:s24] =	ssyncadd.s32 $0xFFFFE000  }
0xf5: {  	[tilespmem:s23], [sflag:$0x3] =	stream.linear.gather [spmem:s5], $0x6C0, $0x38;
	[tilespmem:$0x1E7C0] =	vst v63  }
0xf6: {  	_ =	swait.ge [sflag:s24], $0x6C0  }
0xf7: {  	[sflag:s24] =	ssyncset.done $0x0  }
0xf8: {  	s0 =	rddreg [dreg:$0x4];
	[sflag:s24] =	ssyncadd.s32 $0xFFFFF940  }
0xf9: {  	[hbm4b:s0+s3] =	stream.linear.scatter [tilespmem:s23], [sflag:$0x3], $0x6C0, $0x38;
	[tilespmem:$0x1E7C0] =	vst v63  }
0xfa: {  	_ =	swait.ge [sflag:s24], $0x6C0  }
0xfb: {  	s31 =	sadd.s32 $0x1, s31;
	s21 =	rddreg [dreg:$0x5]  }
0xfc: {  	p0 =	sne.s32 s31, s21  }
.Ltmp3:
0xfd: {  	_ = 	snop;
	(pc) =	sbr.rel @p0 .LBB2_1-.Ltmp3, $3  }
0xfe: {  	_ =	sdelay $0x1  }
0xff: {  	[sflag:s24] =	ssyncset.done $0x0  }
0x100: {  	[sflag:s24] =	ssyncadd.s32 $0xFFFFF940  }
0x101: {  	_ =	sfence.sel $0x180000  }
0x102: {  	[bflag:$0x0] =	sbarrier.arrive $0xFFFF  }
0x103: {  	_ =	strace $0x9000004A  }
0x104: {  	s0 =	stileid.u32;
	[bflag:$0x2] =	sbarrier.arrive $0xFFFF  }
0x105: {  	p0 =	sne.s32 s0, $0x0;
	s0 =	rddreg [dreg:$0x2]  }
0x106: {  	s0 =	sadd.s32 @!p0 $0x100000, s0  }
0x107: {  	[sflag:s0] =	ssyncadd.tile.s32 @!p0 $0x1;
	_ =	shalt  }
.Lfunc_end2:
_tile_overlayer_lowered:
.L_overlay_start_2:
0x108: {  	(tag) =	ssettag $0x2  }
0x109: {  	s0 =	rddreg [dreg:$0x0];
	s2 =	stileid.u32  }
0x10a: {  	s1 =	rddreg [dreg:$0x1];
	p0 =	sne.s32 s2, $0x0  }
0x10b: {  	s3 =	rddreg [dreg:$0x2];
	[bflag:$0x3] =	sbarrier.arrive $0xFFFF;
	s2 =	simm.s32 @!p0 $0x1C03  }
0x10c: {  	[timem:s3], [sflag:s2] =	dma.local @!p0 [hbm:s0], s1  }
0x10d: {  	s0 =	simm.s32 @!p0 $0x3  }
0x10e: {  	_ =	swait.ge @!p0 [sflag:s0], s1  }
0x10f: {  	s1 =	ssub.s32 @!p0 $0x0, s1;
	[sflag:s0] =	ssyncset.done @!p0 $0x0  }
0x110: {  	[sflag:s0] =	ssyncadd.s32 @!p0 s1  }
0x111: {  	[bflag:$0x3] =	sbarrier.arrive $0xFFFF  }
0x112: {  	_ =	shalt  }

// kernel: kernel.15.cloned.1.call-start
scs
__scs_entry_jumppad:
0x0: {  	(pc) =	sbr.rel $0x88, $3  }
0x1: {  	(tag) =	ssettag $0x0;
	lr =	simm.s32 $0x1  }
0x2: {  	[smem:$0x3F27] =	sst lr;
	_ =	strace $0xD0000000  }
0x3: {  	_ = 	snop  }
0x4: {  	_ = 	snop  }
0x5: {  	_ = 	snop  }
0x6: {  	_ = 	snop  }
0x7: {  	_ = 	snop  }
__scs_overlays_trampoline_lowered:
0x8: {  	[smem:$0x3F36] =	sst s0  }
0x9: {  	[smem:$0x3F37] =	sst s1  }
0xa: {  	[smem:$0x3F38] =	sst s2  }
0xb: {  	[smem:$0x3F39] =	sst s3  }
0xc: {  	[smem:$0x3F3A] =	sst s4  }
0xd: {  	[smem:$0x3F3B] =	sst s5  }
0xe: {  	[smem:$0x3F3C] =	sst s6  }
0xf: {  	[smem:$0x3F3D] =	sst s7  }
0x10: {  	[smem:$0x3F3E] =	sst s8  }
0x11: {  	[smem:$0x3F3F] =	sst s9;
	s0 =	simm.s32 @!p0 $0x0  }
0x12: {  	s1 =	sld [smem:$0x3F25];
	s0 =	simm.s32 @p0 $0x1  }
0x13: {  	[smem:$0x3F40] =	sst s0;
	s0 =	simm.s32 @!p1 $0x0  }
0x14: {  	s2 =	sld [smem:$0x3F24];
	s0 =	simm.s32 @p1 $0x1  }
0x15: {  	[smem:$0x3F41] =	sst s0;
	s0 =	simm.s32 @!p2 $0x0  }
0x16: {  	s3 =	sld [smem:$0x3FDB];
	s0 =	simm.s32 @p2 $0x1  }
0x17: {  	s4 =	simm.s32 $0x1BF5;
	[smem:$0x3F43] =	sst s0  }
0x18: {  	s0 =	sld [smem:$0x3F26];
	_ =	swait.ge [sflag:s4], $0x0  }
0x19: {  	s7 =	sld [smem:$0x3F27]  }
0x1a: {  	s8 =	sadd.s32 $0xFFFFE003, lr  }
0x1b: {  	s9 =	sadd.s32 $0xFFFFFEF7, lr;
	s5 =	simm.s32 $0xFFFFFFFF;
	p2 =	slt.u32 s8, $0xFFFFF086  }
0x1c: {  	p1 =	slt.u32 s9, $0xF7A;
	s5 =	simm.s32 @!p2 $0x0  }
0x1d: {  	s5 =	simm.s32 @p1 $0x1;
	p0 =	seq.s32 s7, s2  }
0x1e: {  	s7 =	smul.u32 @!p0 $0xF7A, s2;
	p2 =	seq.s32 @!p0 s5, $0x0  }
0x1f: {  	s9 =	smul.u32 $0xF7A, s1;
	s8 =	simm.s32 @!p0 $0x1BF5;
	p2 =	por !p2, p0  }
0x20: {  	[sflag:s8] =	ssyncset.s32 @!p0 $0xFFFFF086;
	s6 =	sadd.s32 @!p0 s3, s7;
	s7 =	simm.s32 @!p0 $0x108  }
0x21: {  	s3 =	sadd.s32 s3, s9;
	s6 =	sadd.s32 @!p0 $0x88, s6;
	s7 =	simm.s32 @p2 $0x1082  }
0x22: {  	[simem:s7], [sflag:s8] =	dma.local @!p0 [hbm:s6], $0xF7A  }
0x23: {  	s9 =	sor.u32 $0xD0000000, s2;
	s6 =	simm.s32 $0x108;
	_ =	swait.ge @!p0 [sflag:s8], $0x0  }
0x24: {  	s3 =	sadd.s32 $0x88, s3;
	s6 =	simm.s32 @!p1 $0x1082;
	[sflag:s4] =	ssyncset.s32 $0xFFFFF086  }
0x25: {  	[simem:s6], [sflag:s4] =	dma.local [hbm:s3], $0xF7A  }
0x26: {  	[smem:$0x3F27] =	sst s1;
	(tag) =	ssettag s2;
	_ =	strace s9  }
0x27: {  	s1 =	sld [smem:$0x3F37]  }
0x28: {  	s2 =	sld [smem:$0x3F38]  }
0x29: {  	s4 =	sld [smem:$0x3F3A]  }
0x2a: {  	p0 =	seq.s32 s5, $0x0;
	s5 =	sld [smem:$0x3F3B]  }
0x2b: {  	s6 =	sld [smem:$0x3F3C]  }
0x2c: {  	s7 =	sld [smem:$0x3F3D]  }
0x2d: {  	s3 =	simm.s32 $0x108;
	s8 =	sld [smem:$0x3F3E]  }
0x2e: {  	s3 =	simm.s32 @!p0 $0x1082;
	s9 =	sld [smem:$0x3F3F]  }
0x2f: {  	lr =	sadd.s32 s0, s3;
	s0 =	sld [smem:$0x3F36]  }
0x30: {  	s3 =	sld [smem:$0x3F39]  }
0x31: {  	[smem:$0x3F42] =	sst s10  }
0x32: {  	s10 =	sld [smem:$0x3F40];
	_ =	sdelay $0x3  }
0x33: {  	p0 =	seq.s32 s10, $0x1;
	s10 =	sld [smem:$0x3F42];
	_ =	sdelay $0x3  }
0x34: {  	[smem:$0x3F42] =	sst s10  }
0x35: {  	s10 =	sld [smem:$0x3F41];
	_ =	sdelay $0x3  }
0x36: {  	p1 =	seq.s32 s10, $0x1;
	s10 =	sld [smem:$0x3F42];
	_ =	sdelay $0x3  }
0x37: {  	[smem:$0x3F42] =	sst s10  }
0x38: {  	s10 =	sld [smem:$0x3F43]  }
0x39: {  	_ = 	snop;
	(pc) =	sbr.ind lr, $3  }
0x3a: {  	_ = 	snop  }
0x3b: {  	_ = 	snop  }
0x3c: {  	p2 =	seq.s32 s10, $0x1;
	s10 =	sld [smem:$0x3F42]  }
0x3d: {  	_ =	shalt  }
0x3e: {  	_ =	shalt  }
0x3f: {  	_ =	shalt  }
0x40: {  	_ =	shalt  }
0x41: {  	_ =	shalt  }
0x42: {  	_ =	shalt  }
0x43: {  	_ =	shalt  }
0x44: {  	_ =	shalt  }
0x45: {  	_ =	shalt  }
0x46: {  	_ =	shalt  }
0x47: {  	_ =	shalt  }
0x48: {  	_ =	shalt  }
0x49: {  	_ =	shalt  }
0x4a: {  	_ =	shalt  }
0x4b: {  	_ =	shalt  }
0x4c: {  	_ =	shalt  }
0x4d: {  	_ =	shalt  }
0x4e: {  	_ =	shalt  }
0x4f: {  	_ =	shalt  }
0x50: {  	_ =	shalt  }
0x51: {  	_ =	shalt  }
0x52: {  	_ =	shalt  }
0x53: {  	_ =	shalt  }
0x54: {  	_ =	shalt  }
0x55: {  	_ =	shalt  }
0x56: {  	_ =	shalt  }
0x57: {  	_ =	shalt  }
0x58: {  	_ =	shalt  }
0x59: {  	_ =	shalt  }
0x5a: {  	_ =	shalt  }
0x5b: {  	_ =	shalt  }
0x5c: {  	_ =	shalt  }
0x5d: {  	_ =	shalt  }
0x5e: {  	_ =	shalt  }
0x5f: {  	_ =	shalt  }
0x60: {  	_ =	shalt  }
0x61: {  	_ =	shalt  }
0x62: {  	_ =	shalt  }
0x63: {  	_ =	shalt  }
0x64: {  	_ =	shalt  }
0x65: {  	_ =	shalt  }
0x66: {  	_ =	shalt  }
0x67: {  	_ =	shalt  }
0x68: {  	_ =	shalt  }
0x69: {  	_ =	shalt  }
0x6a: {  	_ =	shalt  }
0x6b: {  	_ =	shalt  }
0x6c: {  	_ =	shalt  }
0x6d: {  	_ =	shalt  }
0x6e: {  	_ =	shalt  }
0x6f: {  	_ =	shalt  }
0x70: {  	_ =	shalt  }
0x71: {  	_ =	shalt  }
0x72: {  	_ =	shalt  }
0x73: {  	_ =	shalt  }
0x74: {  	_ =	shalt  }
0x75: {  	_ =	shalt  }
0x76: {  	_ =	shalt  }
0x77: {  	_ =	shalt  }
0x78: {  	_ =	shalt  }
0x79: {  	_ =	shalt  }
0x7a: {  	_ =	shalt  }
0x7b: {  	_ =	shalt  }
0x7c: {  	_ =	shalt  }
0x7d: {  	_ =	shalt  }
0x7e: {  	_ =	shalt  }
0x7f: {  	_ =	shalt  }
0x80: {  	_ =	shalt  }
0x81: {  	_ =	shalt  }
0x82: {  	_ =	shalt  }
0x83: {  	_ =	shalt  }
0x84: {  	_ =	shalt  }
0x85: {  	_ =	shalt  }
0x86: {  	_ =	shalt  }
0x87: {  	_ =	shalt  }
.Lfunc_end0:
.L_simem_size_0:
called_computation.2_lowered:
.L_overlay_start_0:
0x88: {  	s2 =	sld [smem:$0x3FD9]  }
0x89: {  	s3 =	sld [smem:$0x3FFE];
	_ =	sdelay $0x1  }
0x8a: {  	s1 =	srdreg.scid  }
0x8b: {  	s0 =	sand.u32 $0x1, s1  }
0x8c: {  	s16 =	sshll.u32 s0, $0xA;
	s2 =	sadd.s32 s3, s2  }
0x8d: {  	s2 =	sadd.s32 s2, s16  }
0x8e: {  	[smem:$0x3F4E] =	sst s2  }
0x8f: {  	_ = 	snop  }
0x90: {  	(tm) =	ssettm $0x1  }
0x91: {  	s17 =	sld [smem:$0x3FFB];
	_ =	sdelay $0x3  }
0x92: {  	_ =	strace s17  }
0x93: {  	s2 =	sld [smem:$0x3FFC];
	_ =	sdelay $0x3  }
0x94: {  	_ =	strace s2  }
0x95: {  	s2 =	sld [smem:$0x3FFD];
	_ =	sdelay $0x3  }
0x96: {  	_ =	strace s2  }
0x97: {  	_ =	strace $0x8FFFFFFF  }
0x98: {  	s18 =	sld [smem:$0x3FDB];
	_ =	sdelay $0x1  }
0x99: {  	s19 =	simm.s32 $_scs_section_size  }
0x9a: {  	s4 =	simm.s32 $_size__tile_overlayer_lowered;
	s5 =	simm.s32 $_tile_overlayer_lowered  }
0x9b: {  	s22 =	simm.s32 $0x1BFF;
	s21 =	sshll.u32 s5, $0x1;
	s2 =	sadd.s32 s19, s18  }
0x9c: {  	s6 =	simm.s32 $0x0;
	s20 =	sshll.u32 s4, $0x1;
	s4 =	sadd.s32 s21, s2  }
0x9d: {  	[timem:s6], [sflag:s22] =	dma.local [hbm:s4], s20  }
0x9e: {  	_ =	swait.ge [sflag:s22], s20  }
0x9f: {  	s3 =	ssub.s32 $0x0, s20;
	[sflag:s22] =	ssyncset.done $0x0  }
0xa0: {  	[sflag:s22] =	ssyncadd.s32 s3;
	_ =	sdelay $0x1  }
0xa1: {  	s23 =	simm.s32 $0x1B8B  }
0xa2: {  	_ =	swait.ge [sflag:s23], $0x1  }
0xa3: {  	[sflag:s23] =	ssyncset.done $0x0  }
0xa4: {  	s25 =	simm.s32 $0x1B8E;
	s24 =	sld [smem:$0x3FFE];
	[sflag:s23] =	ssyncadd.s32 $0xFFFFFFFF  }
0xa5: {  	s26 =	simm.s32 $execute0_lowered;
	[smem:$0x3FD2] =	sst s25  }
0xa6: {  	s4 =	sshll.u32 s26, $0x1;
	_ =	strace $0x8000004C;
	[dreg:$0x1] =	wrdreg $0xFFFFFFFF  }
0xa7: {  	s28 =	simm.s32 $_size_execute0_lowered;
	s2 =	sadd.s32 s2, s4;
	[dreg:$0x0] =	wrdreg $0x0  }
0xa8: {  	s4 =	sshll.u32 s28, $0x1;
	[dreg:$0x2] =	wrdreg s2  }
0xa9: {  	[dreg:$0x3] =	wrdreg s4  }
0xaa: {  	[dreg:$0x4] =	wrdreg $0xC0  }
0xab: {  	_ =	task [dreg:s6], $0x5FFFF  }
0xac: {  	[dreg:$0x1] =	wrdreg $0xFFFFFFFF  }
0xad: {  	[dreg:$0x0] =	wrdreg $0x60  }
0xae: {  	[dreg:$0x2] =	wrdreg s24  }
0xaf: {  	[dreg:$0x3] =	wrdreg $0x9  }
0xb0: {  	_ =	task.clear_ibuf [dreg:s6], $0x4FFFF;
	_ =	strace $0x9000004C  }
0xb1: {  	s29 =	simm.s32 $0x9;
	_ =	strace $0x8000004E  }
0xb2: {  	_ =	swait.ge [sflag:s29], $0x1  }
0xb3: {  	[sflag:s29] =	ssyncadd.s32 $0xFFFFFFFF  }
0xb4: {  	_ =	strace $0x9000004E  }
0xb5: {  	_ =	sfence  }
0xb6: {  	s30 =	sld [smem:$0x0];
	_ =	sdelay $0x2  }
0xb7: {  	s31 =	sshll.u32 s1, $0xD;
	s1 =	sshrl.u32 s1, $0x2  }
0xb8: {  	s3 =	sand.u32 $0x4000, s31;
	s1 =	sadd.s32 s1, s30  }
0xb9: {  	s0 =	sor.u32 s3, s0;
	s1 =	sshll.u32 s1, $0x11  }
0xba: {  	s0 =	sor.u32 s1, s0  }
0xbb: {  	s0 =	sadd.s32 $0x8F2B, s0  }
0xbc: {  	[sflag:s0] =	ssyncadd.remote.s32 $0x1  }
0xbd: {  	_ =	sfence.sel $0xFFFF  }
0xbe: {  	[dreg:$0x0] =	wrdreg $0xFFFFFFFF;
	(pc) =	sbr.abs _section_cstart, $3  }
0xbf: {  	[dreg:$0x1] =	wrdreg $0xFFFFFFFF  }
0xc0: {  	_ =	task.clear_ibuf [dreg:s6], $0x2FFFF;
	_ =	strace $0x9FFFFFFF  }
0xc1: {  	(tm) =	ssettm $0x7FFFFFFF  }
tec
execute0_lowered:
.L_overlay_start_1:
0x0: {  	(tag) =	ssettag $0x1  }
0x1: {  	s5 =	rddreg [dreg:$0x0];
	s1 =	srdreg.scid  }
0x2: {  	s0 =	rddreg [dreg:$0x1];
	s2 =	simm.s32 $0x0;
	s10 =	simm.s32 $0x3  }
0x3: {  	s11 =	simm.s32 $0x6200;
	s12 =	simm.s32 $0x80;
	s13 =	simm.s32 $0xC400  }
0x4: {  	s14 =	simm.s32 $0xD400;
	s15 =	simm.s32 $0xE400;
	s16 =	simm.s32 $0xF400  }
0x5: {  	s17 =	simm.s32 $0x1;
	s18 =	simm.s32 $0x2;
	s6 =	sand.u32 $0x1, s1  }
0x6: {  	s19 =	simm.s32 $0x0;
	s1 =	stileid.u32;
	s3 =	sshll.u32 s6, $0x4  }
0x7: {  	[smem:$0x7FF] =	sst s2;
	s6 =	ssub.s32 $0x2, s6;
	s7 =	sor.u32 s1, s3  }
0x8: {  	s4 =	sadd.s32 $0x6A00, s5;
	s9 =	sshrl.u32 s6, $0x1;
	s8 =	smul.u32 $0xC40, s7  }
0x9: {  	_ =	strace $0x8000004D;
	s3 =	sadd.s32 $0x68800, s5;
	s9 =	ssub.s32 s6, s9  }
0xa: {  	s6 =	smul.u32 $0xC4, s7;
	s9 =	smax.u32 s9, $0x1;
	s8 =	sadd.s32 s8, s5  }
0xb: {  	s5 =	sadd.s32 $0x18E000, s5;
	s7 =	sadd.s32 $0x144800, s8;
	s8 =	sadd.s32 $0x15D000, s8  }
.LBB2_1:
0xc: {  	[tilespmem:s2], [sflag:$0x3] =	stream.linear.gather [hbm4b:s7+s2], $0x6200, $0x38;
	[tilespmem:$0x10400] =	vst v63  }
0xd: {  	_ =	swait.ge [sflag:s10], $0x6200  }
0xe: {  	[sflag:s10] =	ssyncset.done $0x0  }
0xf: {  	[sflag:s10] =	ssyncadd.s32 $0xFFFF9E00  }
0x10: {  	[tilespmem:s11], [sflag:$0x3] =	stream.linear.gather [hbm4b:s8+s2], $0x6200, $0x38;
	[tilespmem:$0x10400] =	vst v63  }
0x11: {  	_ =	swait.ge [sflag:s10], $0x6200  }
0x12: {  	[sflag:s10] =	ssyncset.done $0x0  }
0x13: {  	[sflag:s10] =	ssyncadd.s32 $0xFFFF9E00  }
0x14: {  	[tilespmem:s13], [sflag:$0x1] =	stream.indirect.gather [hbm4b:s3+s12], $0x20, s2, s12, $0xb8;
	[tilespmem:$0x10400] =	vst v63  }
0x15: {  	s20 =	simm.s32 $0x0  }
0x16: {  	[tilespmem:s14], [sflag:$0x1] =	stream.indirect.gather [hbm4b:s4+s12], $0x20, s11, s12, $0xb8;
	[tilespmem:$0x10400] =	vst v63  }
.LBB2_2:
0x17: {  	s21 =	sshllo.u32 s20, $0x1  }
0x18: {  	s22 =	sshll.u32 s21, $0x7  }
0x19: {  	[tilespmem:s15], [sflag:$0x2] =	stream.indirect.gather [hbm4b:s3+s12], $0x20, s22, s12, $0xb8;
	[tilespmem:$0x10400] =	vst v63  }
0x1a: {  	s22 =	sadd.s32 $0x6200, s22  }
0x1b: {  	[tilespmem:s16], [sflag:$0x2] =	stream.indirect.gather [hbm4b:s4+s12], $0x20, s22, s12, $0xb8;
	[tilespmem:$0x10400] =	vst v63  }
0x1c: {  	_ =	swait.ge [sflag:s17], $0x1000  }
0x1d: {  	[sflag:s17] =	ssyncset.done $0x0  }
0x1e: {  	[sflag:s17] =	ssyncadd.s32 $0xFFFFF000  }
0x1f: {  	_ =	swait.ge [sflag:s17], $0x1000  }
0x20: {  	[sflag:s17] =	ssyncset.done $0x0  }
0x21: {  	s22 =	simm.s32 $0xC480;
	[sflag:s17] =	ssyncadd.s32 $0xFFFFF000  }
0x22: {  	s23 =	simm.s32 $0xD480;
	v0 =	vld [tilespmem:s22+$0xFFFFFF80]  }
0x23: {  	v1 =	vld [tilespmem:s23+$0xFFFFFF80];
	_ =	sdelay $0x4  }
0x24: {  	v0 =	vadd.bf16 v1, v0;
	_ =	sdelay $0x1  }
0x25: {  	[tilespmem:s22+$0xFFFFFF80] =	vst v0;
	v0 =	vld [tilespmem:s22+$0xFFFFFF90]  }
0x26: {  	v1 =	vld [tilespmem:s23+$0xFFFFFF90];
	_ =	sdelay $0x4  }
0x27: {  	v0 =	vadd.bf16 v1, v0;
	_ =	sdelay $0x1  }
0x28: {  	[tilespmem:s22+$0xFFFFFF90] =	vst v0;
	v0 =	vld [tilespmem:s22+$0xFFFFFFA0]  }
0x29: {  	v1 =	vld [tilespmem:s23+$0xFFFFFFA0];
	_ =	sdelay $0x4  }
0x2a: {  	v0 =	vadd.bf16 v1, v0;
	_ =	sdelay $0x1  }
0x2b: {  	[tilespmem:s22+$0xFFFFFFA0] =	vst v0;
	v0 =	vld [tilespmem:s22+$0xFFFFFFB0]  }
0x2c: {  	v1 =	vld [tilespmem:s23+$0xFFFFFFB0];
	_ =	sdelay $0x4  }
0x2d: {  	v0 =	vadd.bf16 v1, v0;
	_ =	sdelay $0x1  }
0x2e: {  	[tilespmem:s22+$0xFFFFFFB0] =	vst v0;
	v0 =	vld [tilespmem:s22+$0xFFFFFFC0]  }
0x2f: {  	v1 =	vld [tilespmem:s23+$0xFFFFFFC0];
	_ =	sdelay $0x4  }
0x30: {  	v0 =	vadd.bf16 v1, v0;
	_ =	sdelay $0x1  }
0x31: {  	[tilespmem:s22+$0xFFFFFFC0] =	vst v0;
	v0 =	vld [tilespmem:s22+$0xFFFFFFD0]  }
0x32: {  	v1 =	vld [tilespmem:s23+$0xFFFFFFD0];
	_ =	sdelay $0x4  }
0x33: {  	v0 =	vadd.bf16 v1, v0;
	_ =	sdelay $0x1  }
0x34: {  	[tilespmem:s22+$0xFFFFFFD0] =	vst v0;
	v0 =	vld [tilespmem:s22+$0xFFFFFFE0]  }
0x35: {  	v1 =	vld [tilespmem:s23+$0xFFFFFFE0];
	_ =	sdelay $0x4  }
0x36: {  	v0 =	vadd.bf16 v1, v0;
	_ =	sdelay $0x1  }
0x37: {  	[tilespmem:s22+$0xFFFFFFE0] =	vst v0;
	v0 =	vld [tilespmem:s22+$0xFFFFFFF0]  }
0x38: {  	v1 =	vld [tilespmem:s23+$0xFFFFFFF0];
	_ =	sdelay $0x4  }
0x39: {  	v0 =	vadd.bf16 v1, v0;
	_ =	sdelay $0x1  }
0x3a: {  	[tilespmem:s22+$0xFFFFFFF0] =	vst v0;
	v0 =	vld [tilespmem:s22+$0x0]  }
0x3b: {  	v1 =	vld [tilespmem:s23+$0x0];
	_ =	sdelay $0x4  }
0x3c: {  	v0 =	vadd.bf16 v1, v0;
	_ =	sdelay $0x1  }
0x3d: {  	[tilespmem:s22+$0x0] =	vst v0;
	v0 =	vld [tilespmem:s22+$0x10]  }
0x3e: {  	v1 =	vld [tilespmem:s23+$0x10];
	_ =	sdelay $0x4  }
0x3f: {  	v0 =	vadd.bf16 v1, v0;
	_ =	sdelay $0x1  }
0x40: {  	[tilespmem:s22+$0x10] =	vst v0;
	v0 =	vld [tilespmem:s22+$0x20]  }
0x41: {  	v1 =	vld [tilespmem:s23+$0x20];
	_ =	sdelay $0x4  }
0x42: {  	v0 =	vadd.bf16 v1, v0;
	_ =	sdelay $0x1  }
0x43: {  	[tilespmem:s22+$0x20] =	vst v0;
	v0 =	vld [tilespmem:s22+$0x30]  }
0x44: {  	v1 =	vld [tilespmem:s23+$0x30];
	_ =	sdelay $0x4  }
0x45: {  	v0 =	vadd.bf16 v1, v0;
	_ =	sdelay $0x1  }
0x46: {  	[tilespmem:s22+$0x30] =	vst v0;
	v0 =	vld [tilespmem:s22+$0x40]  }
0x47: {  	v1 =	vld [tilespmem:s23+$0x40];
	_ =	sdelay $0x4  }
0x48: {  	v0 =	vadd.bf16 v1, v0;
	_ =	sdelay $0x1  }
0x49: {  	[tilespmem:s22+$0x40] =	vst v0;
	v0 =	vld [tilespmem:s22+$0x50]  }
0x4a: {  	v1 =	vld [tilespmem:s23+$0x50];
	_ =	sdelay $0x4  }
0x4b: {  	v0 =	vadd.bf16 v1, v0;
	_ =	sdelay $0x1  }
0x4c: {  	[tilespmem:s22+$0x50] =	vst v0;
	v0 =	vld [tilespmem:s22+$0x60]  }
0x4d: {  	v1 =	vld [tilespmem:s23+$0x60];
	_ =	sdelay $0x4  }
0x4e: {  	v0 =	vadd.bf16 v1, v0;
	_ =	sdelay $0x1  }
0x4f: {  	[tilespmem:s22+$0x60] =	vst v0;
	v0 =	vld [tilespmem:s22+$0x70]  }
0x50: {  	v1 =	vld [tilespmem:s23+$0x70];
	_ =	sdelay $0x4  }
0x51: {  	v0 =	vadd.bf16 v1, v0  }
0x52: {  	s24 =	sshll.u32 s20, $0x1;
	s25 =	simm.s32 $0x0;
	s26 =	simm.s32 $0xC580  }
.LBB2_3:
0x53: {  	v1 =	vld [tilespmem:s26+$0xFFFFFF80];
	[tilespmem:s22+$0x70] =	vst v0;
	s23 =	sadd.s32 $0x100, s23;
	s22 =	smov.u32 s26  }
0x54: {  	s25 =	sadd.s32 $0x8, s25;
	v0 =	vld [tilespmem:s23+$0xFFFFFF80]  }
0x55: {  	p0 =	slt.u32 s25, $0x78;
	_ =	sdelay $0x3  }
0x56: {  	v0 =	vadd.bf16 v0, v1;
	_ =	sdelay $0x1  }
0x57: {  	[tilespmem:s26+$0xFFFFFF80] =	vst v0;
	v0 =	vld [tilespmem:s26+$0xFFFFFF90]  }
0x58: {  	v1 =	vld [tilespmem:s23+$0xFFFFFF90];
	_ =	sdelay $0x4  }
0x59: {  	v0 =	vadd.bf16 v1, v0;
	_ =	sdelay $0x1  }
0x5a: {  	[tilespmem:s26+$0xFFFFFF90] =	vst v0;
	v0 =	vld [tilespmem:s26+$0xFFFFFFA0]  }
0x5b: {  	v1 =	vld [tilespmem:s23+$0xFFFFFFA0];
	_ =	sdelay $0x4  }
0x5c: {  	v0 =	vadd.bf16 v1, v0;
	_ =	sdelay $0x1  }
0x5d: {  	[tilespmem:s26+$0xFFFFFFA0] =	vst v0;
	v0 =	vld [tilespmem:s26+$0xFFFFFFB0]  }
0x5e: {  	v1 =	vld [tilespmem:s23+$0xFFFFFFB0];
	_ =	sdelay $0x4  }
0x5f: {  	v0 =	vadd.bf16 v1, v0;
	_ =	sdelay $0x1  }
0x60: {  	[tilespmem:s26+$0xFFFFFFB0] =	vst v0;
	v0 =	vld [tilespmem:s26+$0xFFFFFFC0]  }
0x61: {  	v1 =	vld [tilespmem:s23+$0xFFFFFFC0];
	_ =	sdelay $0x4  }
0x62: {  	v0 =	vadd.bf16 v1, v0;
	_ =	sdelay $0x1  }
0x63: {  	[tilespmem:s26+$0xFFFFFFC0] =	vst v0;
	v0 =	vld [tilespmem:s26+$0xFFFFFFD0]  }
0x64: {  	v1 =	vld [tilespmem:s23+$0xFFFFFFD0];
	_ =	sdelay $0x4  }
0x65: {  	v0 =	vadd.bf16 v1, v0;
	_ =	sdelay $0x1  }
0x66: {  	[tilespmem:s26+$0xFFFFFFD0] =	vst v0;
	v0 =	vld [tilespmem:s26+$0xFFFFFFE0]  }
0x67: {  	v1 =	vld [tilespmem:s23+$0xFFFFFFE0];
	_ =	sdelay $0x4  }
0x68: {  	v0 =	vadd.bf16 v1, v0;
	_ =	sdelay $0x1  }
0x69: {  	[tilespmem:s26+$0xFFFFFFE0] =	vst v0;
	v0 =	vld [tilespmem:s26+$0xFFFFFFF0]  }
0x6a: {  	v1 =	vld [tilespmem:s23+$0xFFFFFFF0];
	_ =	sdelay $0x4  }
0x6b: {  	v0 =	vadd.bf16 v1, v0;
	_ =	sdelay $0x1  }
0x6c: {  	[tilespmem:s26+$0xFFFFFFF0] =	vst v0;
	v0 =	vld [tilespmem:s26+$0x0]  }
0x6d: {  	v1 =	vld [tilespmem:s23+$0x0];
	_ =	sdelay $0x4  }
0x6e: {  	v0 =	vadd.bf16 v1, v0;
	_ =	sdelay $0x1  }
0x6f: {  	[tilespmem:s26+$0x0] =	vst v0;
	v0 =	vld [tilespmem:s26+$0x10]  }
0x70: {  	v1 =	vld [tilespmem:s23+$0x10];
	_ =	sdelay $0x4  }
0x71: {  	v0 =	vadd.bf16 v1, v0;
	_ =	sdelay $0x1  }
0x72: {  	[tilespmem:s26+$0x10] =	vst v0;
	v0 =	vld [tilespmem:s26+$0x20]  }
0x73: {  	v1 =	vld [tilespmem:s23+$0x20];
	_ =	sdelay $0x4  }
0x74: {  	v0 =	vadd.bf16 v1, v0;
	_ =	sdelay $0x1  }
0x75: {  	[tilespmem:s26+$0x20] =	vst v0;
	v0 =	vld [tilespmem:s26+$0x30]  }
0x76: {  	v1 =	vld [tilespmem:s23+$0x30];
	_ =	sdelay $0x4  }
0x77: {  	v0 =	vadd.bf16 v1, v0;
	_ =	sdelay $0x1  }
0x78: {  	[tilespmem:s26+$0x30] =	vst v0;
	v0 =	vld [tilespmem:s26+$0x40]  }
0x79: {  	v1 =	vld [tilespmem:s23+$0x40];
	_ =	sdelay $0x4  }
0x7a: {  	v0 =	vadd.bf16 v1, v0;
	_ =	sdelay $0x1  }
0x7b: {  	[tilespmem:s26+$0x40] =	vst v0;
	v0 =	vld [tilespmem:s26+$0x50]  }
0x7c: {  	v1 =	vld [tilespmem:s23+$0x50];
	_ =	sdelay $0x4  }
0x7d: {  	v0 =	vadd.bf16 v1, v0;
	_ =	sdelay $0x1  }
0x7e: {  	[tilespmem:s26+$0x50] =	vst v0;
	v0 =	vld [tilespmem:s26+$0x60]  }
0x7f: {  	v1 =	vld [tilespmem:s23+$0x60];
	_ =	sdelay $0x4  }
0x80: {  	v0 =	vadd.bf16 v1, v0;
	_ =	sdelay $0x1  }
0x81: {  	[tilespmem:s26+$0x60] =	vst v0;
	v0 =	vld [tilespmem:s26+$0x70]  }
0x82: {  	v1 =	vld [tilespmem:s23+$0x70];
	_ =	sdelay $0x1  }
.Ltmp0:
0x83: {  	(pc) =	sbr.rel @p0 .LBB2_3-.Ltmp0, $3  }
0x84: {  	_ =	sdelay $0x1  }
0x85: {  	v0 =	vadd.bf16 v1, v0  }
0x86: {  	s26 =	sadd.s32 $0x100, s26  }
0x87: {  	s23 =	sadd.s32 s6, s24  }
0x88: {  	s23 =	sshll.u32 s23, $0x9  }
0x89: {  	[tilespmem:s22+$0x70] =	vst v0;
	s31 =	sadd.s32 s5, s23  }
0x8a: {  	[hbm4b:s31+s2] =	stream.linear.scatter [tilespmem:s13], [sflag:$0x3], $0x1000, $0x38;
	[tilespmem:$0x10400] =	vst v63  }
0x8b: {  	p0 =	seq.s32 s20, $0x61;
	_ =	swait.ge [sflag:s10], $0x1000  }
0x8c: {  	s22 =	sshll.u32 @!p0 s20, $0x8;
	s24 =	simm.s32 @!p0 $0x80;
	[sflag:s10] =	ssyncset.done $0x0  }
0x8d: {  	s25 =	simm.s32 @!p0 $0xC400;
	s23 =	sadd.s32 @!p0 $0x100, s22;
	[sflag:s10] =	ssyncadd.s32 $0xFFFFF000  }
0x8e: {  	[tilespmem:s25], [sflag:$0x1] =	stream.indirect.gather @!p0 [hbm4b:s3+s24], $0x20, s23, s24, $0xb8;
	[tilespmem:$0x10400] =	vst v63  }
0x8f: {  	s22 =	sadd.s32 @!p0 $0x6300, s22;
	s23 =	simm.s32 @!p0 $0xD400  }
0x90: {  	[tilespmem:s23], [sflag:$0x1] =	stream.indirect.gather @!p0 [hbm4b:s4+s24], $0x20, s22, s24, $0xb8;
	[tilespmem:$0x10400] =	vst v63  }
0x91: {  	_ =	swait.ge [sflag:s18], $0x1000  }
0x92: {  	[sflag:s18] =	ssyncset.done $0x0  }
0x93: {  	[sflag:s18] =	ssyncadd.s32 $0xFFFFF000  }
0x94: {  	_ =	swait.ge [sflag:s18], $0x1000  }
0x95: {  	[sflag:s18] =	ssyncset.done $0x0  }
0x96: {  	s22 =	simm.s32 $0xE480;
	[sflag:s18] =	ssyncadd.s32 $0xFFFFF000  }
0x97: {  	s23 =	simm.s32 $0xF480;
	v0 =	vld [tilespmem:s22+$0xFFFFFF80]  }
0x98: {  	v1 =	vld [tilespmem:s23+$0xFFFFFF80];
	_ =	sdelay $0x4  }
0x99: {  	v0 =	vadd.bf16 v1, v0;
	_ =	sdelay $0x1  }
0x9a: {  	[tilespmem:s22+$0xFFFFFF80] =	vst v0;
	v0 =	vld [tilespmem:s22+$0xFFFFFF90]  }
0x9b: {  	v1 =	vld [tilespmem:s23+$0xFFFFFF90];
	_ =	sdelay $0x4  }
0x9c: {  	v0 =	vadd.bf16 v1, v0;
	_ =	sdelay $0x1  }
0x9d: {  	[tilespmem:s22+$0xFFFFFF90] =	vst v0;
	v0 =	vld [tilespmem:s22+$0xFFFFFFA0]  }
0x9e: {  	v1 =	vld [tilespmem:s23+$0xFFFFFFA0];
	_ =	sdelay $0x4  }
0x9f: {  	v0 =	vadd.bf16 v1, v0;
	_ =	sdelay $0x1  }
0xa0: {  	[tilespmem:s22+$0xFFFFFFA0] =	vst v0;
	v0 =	vld [tilespmem:s22+$0xFFFFFFB0]  }
0xa1: {  	v1 =	vld [tilespmem:s23+$0xFFFFFFB0];
	_ =	sdelay $0x4  }
0xa2: {  	v0 =	vadd.bf16 v1, v0;
	_ =	sdelay $0x1  }
0xa3: {  	[tilespmem:s22+$0xFFFFFFB0] =	vst v0;
	v0 =	vld [tilespmem:s22+$0xFFFFFFC0]  }
0xa4: {  	v1 =	vld [tilespmem:s23+$0xFFFFFFC0];
	_ =	sdelay $0x4  }
0xa5: {  	v0 =	vadd.bf16 v1, v0;
	_ =	sdelay $0x1  }
0xa6: {  	[tilespmem:s22+$0xFFFFFFC0] =	vst v0;
	v0 =	vld [tilespmem:s22+$0xFFFFFFD0]  }
0xa7: {  	v1 =	vld [tilespmem:s23+$0xFFFFFFD0];
	_ =	sdelay $0x4  }
0xa8: {  	v0 =	vadd.bf16 v1, v0;
	_ =	sdelay $0x1  }
0xa9: {  	[tilespmem:s22+$0xFFFFFFD0] =	vst v0;
	v0 =	vld [tilespmem:s22+$0xFFFFFFE0]  }
0xaa: {  	v1 =	vld [tilespmem:s23+$0xFFFFFFE0];
	_ =	sdelay $0x4  }
0xab: {  	v0 =	vadd.bf16 v1, v0;
	_ =	sdelay $0x1  }
0xac: {  	[tilespmem:s22+$0xFFFFFFE0] =	vst v0;
	v0 =	vld [tilespmem:s22+$0xFFFFFFF0]  }
0xad: {  	v1 =	vld [tilespmem:s23+$0xFFFFFFF0];
	_ =	sdelay $0x4  }
0xae: {  	v0 =	vadd.bf16 v1, v0;
	_ =	sdelay $0x1  }
0xaf: {  	[tilespmem:s22+$0xFFFFFFF0] =	vst v0;
	v0 =	vld [tilespmem:s22+$0x0]  }
0xb0: {  	v1 =	vld [tilespmem:s23+$0x0];
	_ =	sdelay $0x4  }
0xb1: {  	v0 =	vadd.bf16 v1, v0;
	_ =	sdelay $0x1  }
0xb2: {  	[tilespmem:s22+$0x0] =	vst v0;
	v0 =	vld [tilespmem:s22+$0x10]  }
0xb3: {  	v1 =	vld [tilespmem:s23+$0x10];
	_ =	sdelay $0x4  }
0xb4: {  	v0 =	vadd.bf16 v1, v0;
	_ =	sdelay $0x1  }
0xb5: {  	[tilespmem:s22+$0x10] =	vst v0;
	v0 =	vld [tilespmem:s22+$0x20]  }
0xb6: {  	v1 =	vld [tilespmem:s23+$0x20];
	_ =	sdelay $0x4  }
0xb7: {  	v0 =	vadd.bf16 v1, v0;
	_ =	sdelay $0x1  }
0xb8: {  	[tilespmem:s22+$0x20] =	vst v0;
	v0 =	vld [tilespmem:s22+$0x30]  }
0xb9: {  	v1 =	vld [tilespmem:s23+$0x30];
	_ =	sdelay $0x4  }
0xba: {  	v0 =	vadd.bf16 v1, v0;
	_ =	sdelay $0x1  }
0xbb: {  	[tilespmem:s22+$0x30] =	vst v0;
	v0 =	vld [tilespmem:s22+$0x40]  }
0xbc: {  	v1 =	vld [tilespmem:s23+$0x40];
	_ =	sdelay $0x4  }
0xbd: {  	v0 =	vadd.bf16 v1, v0;
	_ =	sdelay $0x1  }
0xbe: {  	[tilespmem:s22+$0x40] =	vst v0;
	v0 =	vld [tilespmem:s22+$0x50]  }
0xbf: {  	v1 =	vld [tilespmem:s23+$0x50];
	_ =	sdelay $0x4  }
0xc0: {  	v0 =	vadd.bf16 v1, v0;
	_ =	sdelay $0x1  }
0xc1: {  	[tilespmem:s22+$0x50] =	vst v0;
	v0 =	vld [tilespmem:s22+$0x60]  }
0xc2: {  	v1 =	vld [tilespmem:s23+$0x60];
	_ =	sdelay $0x4  }
0xc3: {  	v0 =	vadd.bf16 v1, v0;
	_ =	sdelay $0x1  }
0xc4: {  	[tilespmem:s22+$0x60] =	vst v0;
	v0 =	vld [tilespmem:s22+$0x70]  }
0xc5: {  	v1 =	vld [tilespmem:s23+$0x70];
	_ =	sdelay $0x4  }
0xc6: {  	v0 =	vadd.bf16 v1, v0  }
0xc7: {  	s25 =	simm.s32 $0xE580;
	s24 =	simm.s32 $0x0  }
.LBB2_5:
0xc8: {  	v1 =	vld [tilespmem:s25+$0xFFFFFF80];
	[tilespmem:s22+$0x70] =	vst v0;
	s23 =	sadd.s32 $0x100, s23;
	s22 =	smov.u32 s25  }
0xc9: {  	s24 =	sadd.s32 $0x8, s24;
	v0 =	vld [tilespmem:s23+$0xFFFFFF80]  }
0xca: {  	p0 =	slt.u32 s24, $0x78;
	_ =	sdelay $0x3  }
0xcb: {  	v0 =	vadd.bf16 v0, v1;
	_ =	sdelay $0x1  }
0xcc: {  	[tilespmem:s25+$0xFFFFFF80] =	vst v0;
	v0 =	vld [tilespmem:s25+$0xFFFFFF90]  }
0xcd: {  	v1 =	vld [tilespmem:s23+$0xFFFFFF90];
	_ =	sdelay $0x4  }
0xce: {  	v0 =	vadd.bf16 v1, v0;
	_ =	sdelay $0x1  }
0xcf: {  	[tilespmem:s25+$0xFFFFFF90] =	vst v0;
	v0 =	vld [tilespmem:s25+$0xFFFFFFA0]  }
0xd0: {  	v1 =	vld [tilespmem:s23+$0xFFFFFFA0];
	_ =	sdelay $0x4  }
0xd1: {  	v0 =	vadd.bf16 v1, v0;
	_ =	sdelay $0x1  }
0xd2: {  	[tilespmem:s25+$0xFFFFFFA0] =	vst v0;
	v0 =	vld [tilespmem:s25+$0xFFFFFFB0]  }
0xd3: {  	v1 =	vld [tilespmem:s23+$0xFFFFFFB0];
	_ =	sdelay $0x4  }
0xd4: {  	v0 =	vadd.bf16 v1, v0;
	_ =	sdelay $0x1  }
0xd5: {  	[tilespmem:s25+$0xFFFFFFB0] =	vst v0;
	v0 =	vld [tilespmem:s25+$0xFFFFFFC0]  }
0xd6: {  	v1 =	vld [tilespmem:s23+$0xFFFFFFC0];
	_ =	sdelay $0x4  }
0xd7: {  	v0 =	vadd.bf16 v1, v0;
	_ =	sdelay $0x1  }
0xd8: {  	[tilespmem:s25+$0xFFFFFFC0] =	vst v0;
	v0 =	vld [tilespmem:s25+$0xFFFFFFD0]  }
0xd9: {  	v1 =	vld [tilespmem:s23+$0xFFFFFFD0];
	_ =	sdelay $0x4  }
0xda: {  	v0 =	vadd.bf16 v1, v0;
	_ =	sdelay $0x1  }
0xdb: {  	[tilespmem:s25+$0xFFFFFFD0] =	vst v0;
	v0 =	vld [tilespmem:s25+$0xFFFFFFE0]  }
0xdc: {  	v1 =	vld [tilespmem:s23+$0xFFFFFFE0];
	_ =	sdelay $0x4  }
0xdd: {  	v0 =	vadd.bf16 v1, v0;
	_ =	sdelay $0x1  }
0xde: {  	[tilespmem:s25+$0xFFFFFFE0] =	vst v0;
	v0 =	vld [tilespmem:s25+$0xFFFFFFF0]  }
0xdf: {  	v1 =	vld [tilespmem:s23+$0xFFFFFFF0];
	_ =	sdelay $0x4  }
0xe0: {  	v0 =	vadd.bf16 v1, v0;
	_ =	sdelay $0x1  }
0xe1: {  	[tilespmem:s25+$0xFFFFFFF0] =	vst v0;
	v0 =	vld [tilespmem:s25+$0x0]  }
0xe2: {  	v1 =	vld [tilespmem:s23+$0x0];
	_ =	sdelay $0x4  }
0xe3: {  	v0 =	vadd.bf16 v1, v0;
	_ =	sdelay $0x1  }
0xe4: {  	[tilespmem:s25+$0x0] =	vst v0;
	v0 =	vld [tilespmem:s25+$0x10]  }
0xe5: {  	v1 =	vld [tilespmem:s23+$0x10];
	_ =	sdelay $0x4  }
0xe6: {  	v0 =	vadd.bf16 v1, v0;
	_ =	sdelay $0x1  }
0xe7: {  	[tilespmem:s25+$0x10] =	vst v0;
	v0 =	vld [tilespmem:s25+$0x20]  }
0xe8: {  	v1 =	vld [tilespmem:s23+$0x20];
	_ =	sdelay $0x4  }
0xe9: {  	v0 =	vadd.bf16 v1, v0;
	_ =	sdelay $0x1  }
0xea: {  	[tilespmem:s25+$0x20] =	vst v0;
	v0 =	vld [tilespmem:s25+$0x30]  }
0xeb: {  	v1 =	vld [tilespmem:s23+$0x30];
	_ =	sdelay $0x4  }
0xec: {  	v0 =	vadd.bf16 v1, v0;
	_ =	sdelay $0x1  }
0xed: {  	[tilespmem:s25+$0x30] =	vst v0;
	v0 =	vld [tilespmem:s25+$0x40]  }
0xee: {  	v1 =	vld [tilespmem:s23+$0x40];
	_ =	sdelay $0x4  }
0xef: {  	v0 =	vadd.bf16 v1, v0;
	_ =	sdelay $0x1  }
0xf0: {  	[tilespmem:s25+$0x40] =	vst v0;
	v0 =	vld [tilespmem:s25+$0x50]  }
0xf1: {  	v1 =	vld [tilespmem:s23+$0x50];
	_ =	sdelay $0x4  }
0xf2: {  	v0 =	vadd.bf16 v1, v0;
	_ =	sdelay $0x1  }
0xf3: {  	[tilespmem:s25+$0x50] =	vst v0;
	v0 =	vld [tilespmem:s25+$0x60]  }
0xf4: {  	v1 =	vld [tilespmem:s23+$0x60];
	_ =	sdelay $0x4  }
0xf5: {  	v0 =	vadd.bf16 v1, v0;
	_ =	sdelay $0x1  }
0xf6: {  	[tilespmem:s25+$0x60] =	vst v0;
	v0 =	vld [tilespmem:s25+$0x70]  }
0xf7: {  	v1 =	vld [tilespmem:s23+$0x70];
	_ =	sdelay $0x1  }
.Ltmp1:
0xf8: {  	(pc) =	sbr.rel @p0 .LBB2_5-.Ltmp1, $3  }
0xf9: {  	_ =	sdelay $0x1  }
0xfa: {  	v0 =	vadd.bf16 v1, v0  }
0xfb: {  	s25 =	sadd.s32 $0x100, s25  }
0xfc: {  	s21 =	sadd.s32 s6, s21  }
0xfd: {  	s20 =	sadd.s32 $0x1, s20;
	s21 =	sshll.u32 s21, $0x9  }
0xfe: {  	p0 =	sne.s32 s20, $0x62;
	s21 =	sand.u32 $0xFFFFE00, s21  }
.Ltmp2:
0xff: {  	[tilespmem:s22+$0x70] =	vst v0;
	s21 =	sadd.s32 s5, s21;
	(pc) =	sbr.rel @p0 .LBB2_2-.Ltmp2, $4  }
0x100: {  	[hbm4b:s21+s2] =	stream.linear.scatter [tilespmem:s15], [sflag:$0x3], $0x1000, $0x38;
	[tilespmem:$0x10400] =	vst v63  }
0x101: {  	_ =	swait.ge [sflag:s10], $0x1000  }
0x102: {  	[sflag:s10] =	ssyncset.done $0x0  }
0x103: {  	[sflag:s10] =	ssyncadd.s32 $0xFFFFF000  }
0x104: {  	s19 =	sadd.s32 $0x1, s19  }
0x105: {  	p0 =	sne.s32 s19, s9  }
.Ltmp3:
0x106: {  	_ = 	snop;
	(pc) =	sbr.rel @p0 .LBB2_1-.Ltmp3, $1  }
0x107: {  	_ =	sdelay $0x3  }
0x108: {  	_ =	sfence.sel $0x180000  }
0x109: {  	[bflag:$0x0] =	sbarrier.arrive $0xFFFF  }
0x10a: {  	p0 =	sne.s32 s1, $0x0;
	_ =	strace $0x9000004D  }
0x10b: {  	s0 =	sadd.s32 @!p0 $0x100000, s0;
	[bflag:$0x2] =	sbarrier.arrive $0xFFFF  }
0x10c: {  	[sflag:s0] =	ssyncadd.tile.s32 @!p0 $0x1;
	_ =	shalt  }
.Lfunc_end2:
_tile_overlayer_lowered:
.L_overlay_start_2:
0x10d: {  	(tag) =	ssettag $0x2  }
0x10e: {  	s0 =	rddreg [dreg:$0x0];
	s2 =	stileid.u32  }
0x10f: {  	s1 =	rddreg [dreg:$0x1];
	p0 =	sne.s32 s2, $0x0  }
0x110: {  	s3 =	rddreg [dreg:$0x2];
	[bflag:$0x3] =	sbarrier.arrive $0xFFFF;
	s2 =	simm.s32 @!p0 $0x1C03  }
0x111: {  	[timem:s3], [sflag:s2] =	dma.local @!p0 [hbm:s0], s1  }
0x112: {  	s0 =	simm.s32 @!p0 $0x3  }
0x113: {  	_ =	swait.ge @!p0 [sflag:s0], s1  }
0x114: {  	s1 =	ssub.s32 @!p0 $0x0, s1;
	[sflag:s0] =	ssyncset.done @!p0 $0x0  }
0x115: {  	[sflag:s0] =	ssyncadd.s32 @!p0 s1  }
0x116: {  	[bflag:$0x3] =	sbarrier.arrive $0xFFFF  }
0x117: {  	_ =	shalt  }

// kernel: kernel.18.cloned.1.call-start
scs
__scs_entry_jumppad:
0x0: {  	(pc) =	sbr.rel $0x88, $3  }
0x1: {  	(tag) =	ssettag $0x0;
	lr =	simm.s32 $0x1  }
0x2: {  	[smem:$0x3F27] =	sst lr;
	_ =	strace $0xD0000000  }
0x3: {  	_ = 	snop  }
0x4: {  	_ = 	snop  }
0x5: {  	_ = 	snop  }
0x6: {  	_ = 	snop  }
0x7: {  	_ = 	snop  }
__scs_overlays_trampoline_lowered:
0x8: {  	[smem:$0x3F36] =	sst s0  }
0x9: {  	[smem:$0x3F37] =	sst s1  }
0xa: {  	[smem:$0x3F38] =	sst s2  }
0xb: {  	[smem:$0x3F39] =	sst s3  }
0xc: {  	[smem:$0x3F3A] =	sst s4  }
0xd: {  	[smem:$0x3F3B] =	sst s5  }
0xe: {  	[smem:$0x3F3C] =	sst s6  }
0xf: {  	[smem:$0x3F3D] =	sst s7  }
0x10: {  	[smem:$0x3F3E] =	sst s8  }
0x11: {  	[smem:$0x3F3F] =	sst s9;
	s0 =	simm.s32 @!p0 $0x0  }
0x12: {  	s1 =	sld [smem:$0x3F25];
	s0 =	simm.s32 @p0 $0x1  }
0x13: {  	[smem:$0x3F40] =	sst s0;
	s0 =	simm.s32 @!p1 $0x0  }
0x14: {  	s2 =	sld [smem:$0x3F24];
	s0 =	simm.s32 @p1 $0x1  }
0x15: {  	[smem:$0x3F41] =	sst s0;
	s0 =	simm.s32 @!p2 $0x0  }
0x16: {  	s3 =	sld [smem:$0x3FDB];
	s0 =	simm.s32 @p2 $0x1  }
0x17: {  	s4 =	simm.s32 $0x1BF5;
	[smem:$0x3F43] =	sst s0  }
0x18: {  	s0 =	sld [smem:$0x3F26];
	_ =	swait.ge [sflag:s4], $0x0  }
0x19: {  	s7 =	sld [smem:$0x3F27]  }
0x1a: {  	s8 =	sadd.s32 $0xFFFFE003, lr  }
0x1b: {  	s9 =	sadd.s32 $0xFFFFFEF7, lr;
	s5 =	simm.s32 $0xFFFFFFFF;
	p2 =	slt.u32 s8, $0xFFFFF086  }
0x1c: {  	p1 =	slt.u32 s9, $0xF7A;
	s5 =	simm.s32 @!p2 $0x0  }
0x1d: {  	s5 =	simm.s32 @p1 $0x1;
	p0 =	seq.s32 s7, s2  }
0x1e: {  	s7 =	smul.u32 @!p0 $0xF7A, s2;
	p2 =	seq.s32 @!p0 s5, $0x0  }
0x1f: {  	s9 =	smul.u32 $0xF7A, s1;
	s8 =	simm.s32 @!p0 $0x1BF5;
	p2 =	por !p2, p0  }
0x20: {  	[sflag:s8] =	ssyncset.s32 @!p0 $0xFFFFF086;
	s6 =	sadd.s32 @!p0 s3, s7;
	s7 =	simm.s32 @!p0 $0x108  }
0x21: {  	s3 =	sadd.s32 s3, s9;
	s6 =	sadd.s32 @!p0 $0x88, s6;
	s7 =	simm.s32 @p2 $0x1082  }
0x22: {  	[simem:s7], [sflag:s8] =	dma.local @!p0 [hbm:s6], $0xF7A  }
0x23: {  	s9 =	sor.u32 $0xD0000000, s2;
	s6 =	simm.s32 $0x108;
	_ =	swait.ge @!p0 [sflag:s8], $0x0  }
0x24: {  	s3 =	sadd.s32 $0x88, s3;
	s6 =	simm.s32 @!p1 $0x1082;
	[sflag:s4] =	ssyncset.s32 $0xFFFFF086  }
0x25: {  	[simem:s6], [sflag:s4] =	dma.local [hbm:s3], $0xF7A  }
0x26: {  	[smem:$0x3F27] =	sst s1;
	(tag) =	ssettag s2;
	_ =	strace s9  }
0x27: {  	s1 =	sld [smem:$0x3F37]  }
0x28: {  	s2 =	sld [smem:$0x3F38]  }
0x29: {  	s4 =	sld [smem:$0x3F3A]  }
0x2a: {  	p0 =	seq.s32 s5, $0x0;
	s5 =	sld [smem:$0x3F3B]  }
0x2b: {  	s6 =	sld [smem:$0x3F3C]  }
0x2c: {  	s7 =	sld [smem:$0x3F3D]  }
0x2d: {  	s3 =	simm.s32 $0x108;
	s8 =	sld [smem:$0x3F3E]  }
0x2e: {  	s3 =	simm.s32 @!p0 $0x1082;
	s9 =	sld [smem:$0x3F3F]  }
0x2f: {  	lr =	sadd.s32 s0, s3;
	s0 =	sld [smem:$0x3F36]  }
0x30: {  	s3 =	sld [smem:$0x3F39]  }
0x31: {  	[smem:$0x3F42] =	sst s10  }
0x32: {  	s10 =	sld [smem:$0x3F40];
	_ =	sdelay $0x3  }
0x33: {  	p0 =	seq.s32 s10, $0x1;
	s10 =	sld [smem:$0x3F42];
	_ =	sdelay $0x3  }
0x34: {  	[smem:$0x3F42] =	sst s10  }
0x35: {  	s10 =	sld [smem:$0x3F41];
	_ =	sdelay $0x3  }
0x36: {  	p1 =	seq.s32 s10, $0x1;
	s10 =	sld [smem:$0x3F42];
	_ =	sdelay $0x3  }
0x37: {  	[smem:$0x3F42] =	sst s10  }
0x38: {  	s10 =	sld [smem:$0x3F43]  }
0x39: {  	_ = 	snop;
	(pc) =	sbr.ind lr, $3  }
0x3a: {  	_ = 	snop  }
0x3b: {  	_ = 	snop  }
0x3c: {  	p2 =	seq.s32 s10, $0x1;
	s10 =	sld [smem:$0x3F42]  }
0x3d: {  	_ =	shalt  }
0x3e: {  	_ =	shalt  }
0x3f: {  	_ =	shalt  }
0x40: {  	_ =	shalt  }
0x41: {  	_ =	shalt  }
0x42: {  	_ =	shalt  }
0x43: {  	_ =	shalt  }
0x44: {  	_ =	shalt  }
0x45: {  	_ =	shalt  }
0x46: {  	_ =	shalt  }
0x47: {  	_ =	shalt  }
0x48: {  	_ =	shalt  }
0x49: {  	_ =	shalt  }
0x4a: {  	_ =	shalt  }
0x4b: {  	_ =	shalt  }
0x4c: {  	_ =	shalt  }
0x4d: {  	_ =	shalt  }
0x4e: {  	_ =	shalt  }
0x4f: {  	_ =	shalt  }
0x50: {  	_ =	shalt  }
0x51: {  	_ =	shalt  }
0x52: {  	_ =	shalt  }
0x53: {  	_ =	shalt  }
0x54: {  	_ =	shalt  }
0x55: {  	_ =	shalt  }
0x56: {  	_ =	shalt  }
0x57: {  	_ =	shalt  }
0x58: {  	_ =	shalt  }
0x59: {  	_ =	shalt  }
0x5a: {  	_ =	shalt  }
0x5b: {  	_ =	shalt  }
0x5c: {  	_ =	shalt  }
0x5d: {  	_ =	shalt  }
0x5e: {  	_ =	shalt  }
0x5f: {  	_ =	shalt  }
0x60: {  	_ =	shalt  }
0x61: {  	_ =	shalt  }
0x62: {  	_ =	shalt  }
0x63: {  	_ =	shalt  }
0x64: {  	_ =	shalt  }
0x65: {  	_ =	shalt  }
0x66: {  	_ =	shalt  }
0x67: {  	_ =	shalt  }
0x68: {  	_ =	shalt  }
0x69: {  	_ =	shalt  }
0x6a: {  	_ =	shalt  }
0x6b: {  	_ =	shalt  }
0x6c: {  	_ =	shalt  }
0x6d: {  	_ =	shalt  }
0x6e: {  	_ =	shalt  }
0x6f: {  	_ =	shalt  }
0x70: {  	_ =	shalt  }
0x71: {  	_ =	shalt  }
0x72: {  	_ =	shalt  }
0x73: {  	_ =	shalt  }
0x74: {  	_ =	shalt  }
0x75: {  	_ =	shalt  }
0x76: {  	_ =	shalt  }
0x77: {  	_ =	shalt  }
0x78: {  	_ =	shalt  }
0x79: {  	_ =	shalt  }
0x7a: {  	_ =	shalt  }
0x7b: {  	_ =	shalt  }
0x7c: {  	_ =	shalt  }
0x7d: {  	_ =	shalt  }
0x7e: {  	_ =	shalt  }
0x7f: {  	_ =	shalt  }
0x80: {  	_ =	shalt  }
0x81: {  	_ =	shalt  }
0x82: {  	_ =	shalt  }
0x83: {  	_ =	shalt  }
0x84: {  	_ =	shalt  }
0x85: {  	_ =	shalt  }
0x86: {  	_ =	shalt  }
0x87: {  	_ =	shalt  }
.Lfunc_end0:
.L_simem_size_0:
called_computation.3_lowered:
.L_overlay_start_0:
0x88: {  	s2 =	sld [smem:$0x3FD9]  }
0x89: {  	s3 =	sld [smem:$0x3FFE];
	_ =	sdelay $0x1  }
0x8a: {  	s1 =	srdreg.scid  }
0x8b: {  	s0 =	sand.u32 $0x1, s1  }
0x8c: {  	s16 =	sshll.u32 s0, $0xA;
	s2 =	sadd.s32 s3, s2  }
0x8d: {  	s2 =	sadd.s32 s2, s16  }
0x8e: {  	[smem:$0x3F4E] =	sst s2  }
0x8f: {  	_ = 	snop  }
0x90: {  	(tm) =	ssettm $0x1  }
0x91: {  	s17 =	sld [smem:$0x3FFB];
	_ =	sdelay $0x3  }
0x92: {  	_ =	strace s17  }
0x93: {  	s2 =	sld [smem:$0x3FFC];
	_ =	sdelay $0x3  }
0x94: {  	_ =	strace s2  }
0x95: {  	s2 =	sld [smem:$0x3FFD];
	_ =	sdelay $0x3  }
0x96: {  	_ =	strace s2  }
0x97: {  	_ =	strace $0x8FFFFFFF  }
0x98: {  	s18 =	sld [smem:$0x3FDB];
	_ =	sdelay $0x1  }
0x99: {  	s19 =	simm.s32 $_scs_section_size  }
0x9a: {  	s4 =	simm.s32 $_size__tile_overlayer_lowered;
	s5 =	simm.s32 $_tile_overlayer_lowered  }
0x9b: {  	s22 =	simm.s32 $0x1BFF;
	s21 =	sshll.u32 s5, $0x1;
	s2 =	sadd.s32 s19, s18  }
0x9c: {  	s6 =	simm.s32 $0x0;
	s20 =	sshll.u32 s4, $0x1;
	s4 =	sadd.s32 s21, s2  }
0x9d: {  	[timem:s6], [sflag:s22] =	dma.local [hbm:s4], s20  }
0x9e: {  	_ =	swait.ge [sflag:s22], s20  }
0x9f: {  	s3 =	ssub.s32 $0x0, s20;
	[sflag:s22] =	ssyncset.done $0x0  }
0xa0: {  	[sflag:s22] =	ssyncadd.s32 s3;
	_ =	sdelay $0x1  }
0xa1: {  	s23 =	simm.s32 $0x1B8B  }
0xa2: {  	_ =	swait.ge [sflag:s23], $0x1  }
0xa3: {  	[sflag:s23] =	ssyncset.done $0x0  }
0xa4: {  	s25 =	simm.s32 $0x1B8E;
	s24 =	sld [smem:$0x3FFE];
	[sflag:s23] =	ssyncadd.s32 $0xFFFFFFFF  }
0xa5: {  	s26 =	simm.s32 $execute0_lowered;
	[smem:$0x3FD2] =	sst s25  }
0xa6: {  	s4 =	sshll.u32 s26, $0x1;
	_ =	strace $0x8000004F;
	[dreg:$0x1] =	wrdreg $0xFFFFFFFF  }
0xa7: {  	s28 =	simm.s32 $_size_execute0_lowered;
	s2 =	sadd.s32 s2, s4;
	[dreg:$0x0] =	wrdreg $0x0  }
0xa8: {  	s4 =	sshll.u32 s28, $0x1;
	[dreg:$0x2] =	wrdreg s2  }
0xa9: {  	[dreg:$0x3] =	wrdreg s4  }
0xaa: {  	[dreg:$0x4] =	wrdreg $0xC0  }
0xab: {  	_ =	task [dreg:s6], $0x5FFFF  }
0xac: {  	[dreg:$0x1] =	wrdreg $0xFFFFFFFF  }
0xad: {  	[dreg:$0x0] =	wrdreg $0x60  }
0xae: {  	[dreg:$0x2] =	wrdreg s24  }
0xaf: {  	[dreg:$0x3] =	wrdreg $0x61000  }
0xb0: {  	[dreg:$0x4] =	wrdreg $0x9  }
0xb1: {  	_ =	task.clear_ibuf [dreg:s6], $0x5FFFF;
	_ =	strace $0x9000004F  }
0xb2: {  	s29 =	simm.s32 $0x9;
	_ =	strace $0x80000051  }
0xb3: {  	_ =	swait.ge [sflag:s29], $0x1  }
0xb4: {  	[sflag:s29] =	ssyncadd.s32 $0xFFFFFFFF  }
0xb5: {  	_ =	strace $0x90000051  }
0xb6: {  	_ =	sfence  }
0xb7: {  	s30 =	sld [smem:$0x0];
	_ =	sdelay $0x2  }
0xb8: {  	s31 =	sshll.u32 s1, $0xD;
	s1 =	sshrl.u32 s1, $0x2  }
0xb9: {  	s3 =	sand.u32 $0x4000, s31;
	s1 =	sadd.s32 s1, s30  }
0xba: {  	s0 =	sor.u32 s3, s0;
	s1 =	sshll.u32 s1, $0x11  }
0xbb: {  	s0 =	sor.u32 s1, s0  }
0xbc: {  	s0 =	sadd.s32 $0x8F2B, s0  }
0xbd: {  	[sflag:s0] =	ssyncadd.remote.s32 $0x1  }
0xbe: {  	_ =	sfence.sel $0xFFFF  }
0xbf: {  	[dreg:$0x0] =	wrdreg $0xFFFFFFFF;
	(pc) =	sbr.abs _section_cstart, $3  }
0xc0: {  	[dreg:$0x1] =	wrdreg $0xFFFFFFFF  }
0xc1: {  	_ =	task.clear_ibuf [dreg:s6], $0x2FFFF;
	_ =	strace $0x9FFFFFFF  }
0xc2: {  	(tm) =	ssettm $0x7FFFFFFF  }
0xc3: {  	_ =	shalt  }
tec
execute0_lowered:
.L_overlay_start_1:
0x0: {  	(tag) =	ssettag $0x1  }
0x1: {  	s0 =	rddreg [dreg:$0x0];
	s20 =	stileid.u32  }
0x2: {  	s2 =	rddreg [dreg:$0x1];
	s3 =	simm.s32 $0x0;
	s1 =	smul.u32 $0x62000, s20  }
0x3: {  	s5 =	srdreg.scid;
	s28 =	simm.s32 $0x80;
	s4 =	smul.u32 $0x1880, s20  }
0x4: {  	s29 =	simm.s32 $0x1;
	s30 =	simm.s32 $0x2;
	s6 =	smul.u32 $0x61B, s20  }
0x5: {  	[smem:$0x7FF] =	sst s3;
	s8 =	sand.u32 $0x1, s5;
	s15 =	smul.u32 $0x61B00, s20  }
0x6: {  	s31 =	simm.s32 $0x0;
	_ =	strace $0x80000050;
	s9 =	smul.u32 $0x61B0, s8  }
0x7: {  	s7 =	ssub.s32 $0x2, s8;
	s26 =	smul.u32 $0x30D80, s8;
	s1 =	sadd.s32 s1, s0  }
0x8: {  	s10 =	sadd.s32 s4, s0;
	s0 =	sadd.s32 $0x6A00, s0;
	s16 =	sshrl.u32 s7, $0x1  }
0x9: {  	s17 =	sshrl.u32 s15, $0x2;
	s11 =	ssub.s32 s7, s16;
	s18 =	sadd.s32 s6, s9  }
0xa: {  	s6 =	smul.u32 $0x61A8, s8;
	s4 =	sadd.s32 s17, s2;
	s21 =	sadd.s32 $0x18E000, s1  }
0xb: {  	s7 =	sadd.s32 $0x175800, s10;
	s8 =	sadd.s32 $0x18E800, s1;
	s19 =	sshll.u32 s18, $0x3  }
0xc: {  	s5 =	sadd.s32 $0x18000, s4;
	[dreg:$0x3] =	wrdreg s21;
	s23 =	smax.u32 s11, $0x1  }
0xd: {  	s24 =	sadd.s32 $0x2000, s4;
	s25 =	sadd.s32 $0x4000, s4;
	s12 =	sadd.s32 $0x6000, s4  }
0xe: {  	s13 =	sadd.s32 $0x8000, s4;
	s14 =	sadd.s32 $0xA000, s4;
	s15 =	sadd.s32 $0xC000, s4  }
0xf: {  	s16 =	sadd.s32 $0xE000, s4;
	s17 =	sadd.s32 $0x10000, s4;
	[dreg:$0x5] =	wrdreg s23  }
0x10: {  	s18 =	sadd.s32 $0x12000, s4;
	s21 =	smul.u32 $0x30D8, s20;
	[dreg:$0x6] =	wrdreg s24  }
0x11: {  	s20 =	sadd.s32 $0x16000, s4;
	s22 =	sadd.s32 s19, s0;
	[dreg:$0x7] =	wrdreg s25  }
0x12: {  	s19 =	sadd.s32 $0x14000, s4;
	s0 =	sadd.s32 s26, s0;
	s23 =	simm.s32 $0x4100  }
0x13: {  	s24 =	simm.s32 $0x3;
	s25 =	simm.s32 $0x100;
	s9 =	sadd.s32 $0x3000, s22  }
0x14: {  	v1 =	vimm.f32 $0.0e+00;
	s26 =	simm.s32 $0x2100;
	v0 =	vmov s6;
	s22 =	sadd.s32 s21, s0;
	[dreg:$0x4] =	wrdreg s9  }
.LBB2_1:
0x15: {  	s0 =	simm.s32 $0x4180  }
0x16: {  	[tilespmem:s0+$0xFFFFFF80] =	vst v1  }
0x17: {  	[tilespmem:s0+$0x70] =	vst v1  }
0x18: {  	[tilespmem:s0+$0x60] =	vst v1  }
0x19: {  	[tilespmem:s0+$0x50] =	vst v1  }
0x1a: {  	[tilespmem:s0+$0x40] =	vst v1  }
0x1b: {  	[tilespmem:s0+$0x30] =	vst v1  }
0x1c: {  	[tilespmem:s0+$0x20] =	vst v1  }
0x1d: {  	[tilespmem:s0+$0x10] =	vst v1  }
0x1e: {  	[tilespmem:s0+$0x0] =	vst v1  }
0x1f: {  	[tilespmem:s0+$0xFFFFFFF0] =	vst v1  }
0x20: {  	[tilespmem:s0+$0xFFFFFFE0] =	vst v1  }
0x21: {  	[tilespmem:s0+$0xFFFFFFD0] =	vst v1  }
0x22: {  	[tilespmem:s0+$0xFFFFFFC0] =	vst v1  }
0x23: {  	[tilespmem:s0+$0xFFFFFFB0] =	vst v1  }
0x24: {  	s1 =	simm.s32 $0x0;
	[tilespmem:s0+$0xFFFFFFA0] =	vst v1  }
.LBB2_2:
0x25: {  	s1 =	sadd.s32 $0x4, s1;
	[tilespmem:s0+$0xFFFFFF90] =	vst v1;
	s0 =	sadd.s32 $0x100, s0  }
0x26: {  	[tilespmem:s0+$0xFFFFFF80] =	vst v1;
	p0 =	slt.u32 s1, $0x7C  }
0x27: {  	[tilespmem:s0+$0x70] =	vst v1  }
0x28: {  	[tilespmem:s0+$0x60] =	vst v1  }
0x29: {  	[tilespmem:s0+$0x50] =	vst v1  }
0x2a: {  	[tilespmem:s0+$0x40] =	vst v1  }
0x2b: {  	[tilespmem:s0+$0x30] =	vst v1  }
0x2c: {  	[tilespmem:s0+$0x20] =	vst v1  }
0x2d: {  	[tilespmem:s0+$0x10] =	vst v1  }
0x2e: {  	[tilespmem:s0+$0x0] =	vst v1  }
0x2f: {  	[tilespmem:s0+$0xFFFFFFF0] =	vst v1  }
.Ltmp0:
0x30: {  	[tilespmem:s0+$0xFFFFFFE0] =	vst v1;
	(pc) =	sbr.rel @p0 .LBB2_2-.Ltmp0, $4  }
0x31: {  	[tilespmem:s0+$0xFFFFFFD0] =	vst v1  }
0x32: {  	[tilespmem:s0+$0xFFFFFFC0] =	vst v1  }
0x33: {  	[tilespmem:s0+$0xFFFFFFB0] =	vst v1  }
0x34: {  	[tilespmem:s0+$0xFFFFFFA0] =	vst v1  }
0x35: {  	[tilespmem:s0+$0xFFFFFF90] =	vst v1  }
0x36: {  	[spmem:s4] =	stream.linear.scatter [tilespmem:s23], [sflag:$0x3], $0x2000, $0x38;
	[tilespmem:$0x1E7C0] =	vst v63  }
0x37: {  	_ =	swait.ge [sflag:s24], $0x2000  }
0x38: {  	[sflag:s24] =	ssyncset.done $0x0  }
0x39: {  	s9 =	rddreg [dreg:$0x6];
	[sflag:s24] =	ssyncadd.s32 $0xFFFFE000  }
0x3a: {  	[spmem:s9] =	stream.linear.scatter [tilespmem:s23], [sflag:$0x3], $0x2000, $0x38;
	[tilespmem:$0x1E7C0] =	vst v63  }
0x3b: {  	_ =	swait.ge [sflag:s24], $0x2000  }
0x3c: {  	[sflag:s24] =	ssyncset.done $0x0  }
0x3d: {  	s10 =	rddreg [dreg:$0x7];
	[sflag:s24] =	ssyncadd.s32 $0xFFFFE000  }
0x3e: {  	[spmem:s10] =	stream.linear.scatter [tilespmem:s23], [sflag:$0x3], $0x2000, $0x38;
	[tilespmem:$0x1E7C0] =	vst v63  }
0x3f: {  	_ =	swait.ge [sflag:s24], $0x2000  }
0x40: {  	[sflag:s24] =	ssyncset.done $0x0  }
0x41: {  	[sflag:s24] =	ssyncadd.s32 $0xFFFFE000  }
0x42: {  	[spmem:s12] =	stream.linear.scatter [tilespmem:s23], [sflag:$0x3], $0x2000, $0x38;
	[tilespmem:$0x1E7C0] =	vst v63  }
0x43: {  	_ =	swait.ge [sflag:s24], $0x2000  }
0x44: {  	[sflag:s24] =	ssyncset.done $0x0  }
0x45: {  	[sflag:s24] =	ssyncadd.s32 $0xFFFFE000  }
0x46: {  	[spmem:s13] =	stream.linear.scatter [tilespmem:s23], [sflag:$0x3], $0x2000, $0x38;
	[tilespmem:$0x1E7C0] =	vst v63  }
0x47: {  	_ =	swait.ge [sflag:s24], $0x2000  }
0x48: {  	[sflag:s24] =	ssyncset.done $0x0  }
0x49: {  	[sflag:s24] =	ssyncadd.s32 $0xFFFFE000  }
0x4a: {  	[spmem:s14] =	stream.linear.scatter [tilespmem:s23], [sflag:$0x3], $0x2000, $0x38;
	[tilespmem:$0x1E7C0] =	vst v63  }
0x4b: {  	_ =	swait.ge [sflag:s24], $0x2000  }
0x4c: {  	[sflag:s24] =	ssyncset.done $0x0  }
0x4d: {  	[sflag:s24] =	ssyncadd.s32 $0xFFFFE000  }
0x4e: {  	[spmem:s15] =	stream.linear.scatter [tilespmem:s23], [sflag:$0x3], $0x2000, $0x38;
	[tilespmem:$0x1E7C0] =	vst v63  }
0x4f: {  	_ =	swait.ge [sflag:s24], $0x2000  }
0x50: {  	[sflag:s24] =	ssyncset.done $0x0  }
0x51: {  	[sflag:s24] =	ssyncadd.s32 $0xFFFFE000  }
0x52: {  	[spmem:s16] =	stream.linear.scatter [tilespmem:s23], [sflag:$0x3], $0x2000, $0x38;
	[tilespmem:$0x1E7C0] =	vst v63  }
0x53: {  	_ =	swait.ge [sflag:s24], $0x2000  }
0x54: {  	[sflag:s24] =	ssyncset.done $0x0  }
0x55: {  	[sflag:s24] =	ssyncadd.s32 $0xFFFFE000  }
0x56: {  	[spmem:s17] =	stream.linear.scatter [tilespmem:s23], [sflag:$0x3], $0x2000, $0x38;
	[tilespmem:$0x1E7C0] =	vst v63  }
0x57: {  	_ =	swait.ge [sflag:s24], $0x2000  }
0x58: {  	[sflag:s24] =	ssyncset.done $0x0  }
0x59: {  	[sflag:s24] =	ssyncadd.s32 $0xFFFFE000  }
0x5a: {  	[spmem:s18] =	stream.linear.scatter [tilespmem:s23], [sflag:$0x3], $0x2000, $0x38;
	[tilespmem:$0x1E7C0] =	vst v63  }
0x5b: {  	_ =	swait.ge [sflag:s24], $0x2000  }
0x5c: {  	[sflag:s24] =	ssyncset.done $0x0  }
0x5d: {  	[sflag:s24] =	ssyncadd.s32 $0xFFFFE000  }
0x5e: {  	[spmem:s19] =	stream.linear.scatter [tilespmem:s23], [sflag:$0x3], $0x2000, $0x38;
	[tilespmem:$0x1E7C0] =	vst v63  }
0x5f: {  	_ =	swait.ge [sflag:s24], $0x2000  }
0x60: {  	[sflag:s24] =	ssyncset.done $0x0  }
0x61: {  	[sflag:s24] =	ssyncadd.s32 $0xFFFFE000  }
0x62: {  	[spmem:s20] =	stream.linear.scatter [tilespmem:s23], [sflag:$0x3], $0x2000, $0x38;
	[tilespmem:$0x1E7C0] =	vst v63  }
0x63: {  	_ =	swait.ge [sflag:s24], $0x2000  }
0x64: {  	[sflag:s24] =	ssyncset.done $0x0  }
0x65: {  	[sflag:s24] =	ssyncadd.s32 $0xFFFFE000  }
0x66: {  	[spmem:s5] =	stream.linear.scatter [tilespmem:s23], [sflag:$0x3], $0x6C0, $0x38;
	[tilespmem:$0x1E7C0] =	vst v63  }
0x67: {  	_ =	swait.ge [sflag:s24], $0x6C0  }
0x68: {  	[sflag:s24] =	ssyncset.done $0x0  }
0x69: {  	[sflag:s24] =	ssyncadd.s32 $0xFFFFF940  }
0x6a: {  	[bflag:$0x0] =	sbarrier.arrive $0xFFFF  }
0x6b: {  	s0 =	simm.s32 $0x0;
	s1 =	rddreg [dreg:$0x3]  }
0x6c: {  	[tilespmem:s25], [sflag:$0x1] =	stream.linear.gather [hbm4b:s1+s0], $0x2000, $0x38;
	[tilespmem:$0x1E7C0] =	vst v63  }
0x6d: {  	_ = 	snop  }
0x6e: {  	[tilespmem:s0], [sflag:$0x1] =	stream.linear.gather [hbm4b:s7+s0], $0x80, $0x38;
	[tilespmem:$0x1E7C0] =	vst v63  }
0x6f: {  	s11 =	sadd.s32 $0xFFFFFC00, s8;
	s6 =	sadd.s32 $0x0, s7  }
0x70: {  	[tilespmem:s26], [sflag:$0x2] =	stream.linear.gather [hbm4b:s11+s3], $0x2000, $0x38;
	[tilespmem:$0x1E7C0] =	vst v63  }
0x71: {  	s21 =	sadd.s32 $0x10, s6  }
0x72: {  	[tilespmem:s28], [sflag:$0x2] =	stream.linear.gather [hbm4b:s21+s3], $0x80, $0x38;
	[tilespmem:$0x1E7C0] =	vst v63  }
0x73: {  	s6 =	simm.s32 $0x20;
	s1 =	smov.u32 s8;
	s21 =	smov.u32 s8  }
.LBB2_4:
0x74: {  	_ =	swait.ge [sflag:s29], $0x2000  }
0x75: {  	s1 =	sadd.s32 $0x800, s1;
	s9 =	smov.u32 s6;
	s6 =	sadd.s32 $0x20, s6  }
0x76: {  	p0 =	sne.s32 s6, $0x1880;
	[sflag:s29] =	ssyncset.done $0x0  }
0x77: {  	[sflag:s29] =	ssyncadd.s32 $0xFFFFE000  }
0x78: {  	_ =	swait.ge [sflag:s29], $0x80  }
0x79: {  	[sflag:s29] =	ssyncset.done $0x0  }
0x7a: {  	[sflag:s29] =	ssyncadd.s32 $0xFFFFFF80  }
0x7b: {  	v2 =	vld [tilespmem:$0x70]  }
0x7c: {  	v3 =	vld [tilespmem:$0x30]  }
0x7d: {  	v4 =	vld [tilespmem:$0x60]  }
0x7e: {  	v5 =	vld [tilespmem:$0x40]  }
0x7f: {  	v6 =	vld [tilespmem:$0x50]  }
0x80: {  	v7 =	vld [tilespmem:$0x20];
	v2 =	vsub.s32 v2, v0  }
0x81: {  	v8 =	vld [tilespmem:$0x0];
	v3 =	vsub.s32 v3, v0;
	v2 =	vmin.u32 v2, $0x61A8  }
0x82: {  	v9 =	vld [tilespmem:$0x10];
	v3 =	vmin.u32 v3, $0x61A8;
	v4 =	vsub.s32 v4, v0;
	[tilespmem:$0x70] =	vst v2  }
0x83: {  	[tilespmem:$0x30] =	vst v3;
	v2 =	vsub.s32 v5, v0;
	v3 =	vmin.u32 v4, $0x61A8  }
0x84: {  	v2 =	vmin.u32 v2, $0x61A8;
	v4 =	vsub.s32 v6, v0;
	[tilespmem:$0x60] =	vst v3  }
0x85: {  	v3 =	vsub.s32 v7, v0;
	[tilespmem:$0x40] =	vst v2;
	v2 =	vmin.u32 v4, $0x61A8  }
0x86: {  	v4 =	vsub.s32 v8, v0;
	v3 =	vmin.u32 v3, $0x61A8;
	[tilespmem:$0x50] =	vst v2  }
0x87: {  	v2 =	vmin.u32 v4, $0x61A8;
	v4 =	vsub.s32 v9, v0;
	[tilespmem:$0x20] =	vst v3  }
0x88: {  	[tilespmem:$0x0] =	vst v2;
	v2 =	vmin.u32 v4, $0x61A8  }
0x89: {  	[tilespmem:$0x10] =	vst v2  }
0x8a: {  	[spmem:s2] =	stream.indirect.scatter.add.f32 [tilespmem:s25], [sflag:$0x3], $0x40, s3, s28, $0xb8;
	[tilespmem:$0x1E7C0] =	vst v63  }
0x8b: {  	_ =	swait.ge [sflag:s24], $0x2000  }
0x8c: {  	p1 =	seq.s32 s0, $0x1860;
	[sflag:s24] =	ssyncset.done $0x0  }
0x8d: {  	s10 =	simm.s32 @!p1 $0x0;
	s11 =	simm.s32 @!p1 $0x100;
	[sflag:s24] =	ssyncadd.s32 $0xFFFFE000  }
0x8e: {  	[tilespmem:s11], [sflag:$0x1] =	stream.linear.gather @!p1 [hbm4b:s21+s10], $0x2000, $0x38;
	[tilespmem:$0x1E7C0] =	vst v63  }
0x8f: {  	s11 =	sadd.s32 @!p1 s0, s7;
	s0 =	smov.u32 s9;
	s21 =	smov.u32 s1  }
0x90: {  	s9 =	sadd.s32 @!p1 $0x20, s11  }
0x91: {  	[tilespmem:s10], [sflag:$0x1] =	stream.linear.gather @!p1 [hbm4b:s9+s10], $0x80, $0x38;
	[tilespmem:$0x1E7C0] =	vst v63  }
0x92: {  	_ =	swait.ge [sflag:s30], $0x2000  }
0x93: {  	[sflag:s30] =	ssyncset.done $0x0  }
0x94: {  	[sflag:s30] =	ssyncadd.s32 $0xFFFFE000  }
0x95: {  	_ =	swait.ge [sflag:s30], $0x80  }
0x96: {  	[sflag:s30] =	ssyncset.done $0x0  }
0x97: {  	[sflag:s30] =	ssyncadd.s32 $0xFFFFFF80  }
0x98: {  	v2 =	vld [tilespmem:$0x80]  }
0x99: {  	v3 =	vld [tilespmem:$0xE0]  }
0x9a: {  	v4 =	vld [tilespmem:$0xB0]  }
0x9b: {  	v5 =	vld [tilespmem:$0xD0]  }
0x9c: {  	v6 =	vld [tilespmem:$0x90]  }
0x9d: {  	v2 =	vsub.s32 v2, v0;
	v7 =	vld [tilespmem:$0xC0]  }
0x9e: {  	v2 =	vmin.u32 v2, $0x61A8;
	v8 =	vld [tilespmem:$0xA0];
	v3 =	vsub.s32 v3, v0  }
0x9f: {  	[tilespmem:$0x80] =	vst v2;
	v2 =	vsub.s32 v4, v0;
	v3 =	vmin.u32 v3, $0x61A8;
	v4 =	vld [tilespmem:$0xF0]  }
0xa0: {  	v2 =	vmin.u32 v2, $0x61A8;
	[tilespmem:$0xE0] =	vst v3  }
0xa1: {  	v3 =	vsub.s32 v6, v0;
	[tilespmem:$0xB0] =	vst v2;
	v2 =	vsub.s32 v5, v0  }
0xa2: {  	v5 =	vsub.s32 v7, v0;
	v2 =	vmin.u32 v2, $0x61A8  }
0xa3: {  	v6 =	vsub.s32 v8, v0;
	v5 =	vmin.u32 v5, $0x61A8;
	[tilespmem:$0xD0] =	vst v2  }
0xa4: {  	v2 =	vmin.u32 v6, $0x61A8;
	[tilespmem:$0xC0] =	vst v5;
	v4 =	vsub.s32 v4, v0  }
0xa5: {  	v3 =	vmin.u32 v3, $0x61A8;
	[tilespmem:$0xA0] =	vst v2;
	v2 =	vmin.u32 v4, $0x61A8  }
0xa6: {  	[tilespmem:$0xF0] =	vst v2  }
0xa7: {  	[tilespmem:$0x90] =	vst v3  }
0xa8: {  	[spmem:s2] =	stream.indirect.scatter.add.f32 [tilespmem:s26], [sflag:$0x3], $0x40, s28, s28, $0xb8;
	[tilespmem:$0x1E7C0] =	vst v63  }
0xa9: {  	s9 =	sadd.s32 $0xFFFFFC00, s1;
	_ =	swait.ge [sflag:s24], $0x2000  }
.Ltmp1:
0xaa: {  	s10 =	sadd.s32 s0, s7;
	[sflag:s24] =	ssyncset.done $0x0;
	(pc) =	sbr.rel @p0 .LBB2_4-.Ltmp1, $4  }
0xab: {  	[sflag:s24] =	ssyncadd.s32 $0xFFFFE000  }
0xac: {  	[tilespmem:s26], [sflag:$0x2] =	stream.linear.gather [hbm4b:s9+s3], $0x2000, $0x38;
	[tilespmem:$0x1E7C0] =	vst v63  }
0xad: {  	s9 =	sadd.s32 $0x10, s10  }
0xae: {  	[tilespmem:s28], [sflag:$0x2] =	stream.linear.gather [hbm4b:s9+s3], $0x80, $0x38;
	[tilespmem:$0x1E7C0] =	vst v63  }
0xaf: {  	_ =	swait.ge [sflag:s29], $0x2000  }
0xb0: {  	[sflag:s29] =	ssyncset.done $0x0  }
0xb1: {  	[sflag:s29] =	ssyncadd.s32 $0xFFFFE000  }
0xb2: {  	_ =	swait.ge [sflag:s29], $0x80  }
0xb3: {  	[sflag:s29] =	ssyncset.done $0x0  }
0xb4: {  	[sflag:s29] =	ssyncadd.s32 $0xFFFFFF80  }
0xb5: {  	v2 =	vld [tilespmem:$0x70]  }
0xb6: {  	v3 =	vld [tilespmem:$0x30]  }
0xb7: {  	v4 =	vld [tilespmem:$0x60]  }
0xb8: {  	v5 =	vld [tilespmem:$0x40]  }
0xb9: {  	v6 =	vld [tilespmem:$0x50]  }
0xba: {  	v7 =	vld [tilespmem:$0x20];
	v2 =	vsub.s32 v2, v0  }
0xbb: {  	v8 =	vld [tilespmem:$0x0];
	v3 =	vsub.s32 v3, v0;
	v2 =	vmin.u32 v2, $0x61A8  }
0xbc: {  	v9 =	vld [tilespmem:$0x10];
	v4 =	vsub.s32 v4, v0;
	v3 =	vmin.u32 v3, $0x61A8;
	[tilespmem:$0x70] =	vst v2  }
0xbd: {  	[tilespmem:$0x30] =	vst v3;
	v2 =	vsub.s32 v5, v0;
	v3 =	vmin.u32 v4, $0x61A8  }
0xbe: {  	v53 =	vsub.s32 v6, v0;
	v2 =	vmin.u32 v2, $0x61A8;
	[tilespmem:$0x60] =	vst v3  }
0xbf: {  	v3 =	vsub.s32 v7, v0;
	[tilespmem:$0x40] =	vst v2;
	v2 =	vmin.u32 v53, $0x61A8  }
0xc0: {  	v54 =	vsub.s32 v8, v0;
	v3 =	vmin.u32 v3, $0x61A8;
	[tilespmem:$0x50] =	vst v2  }
0xc1: {  	v55 =	vsub.s32 v9, v0;
	v2 =	vmin.u32 v54, $0x61A8;
	[tilespmem:$0x20] =	vst v3  }
0xc2: {  	[tilespmem:$0x0] =	vst v2;
	v2 =	vmin.u32 v55, $0x61A8  }
0xc3: {  	[tilespmem:$0x10] =	vst v2  }
0xc4: {  	[spmem:s2] =	stream.indirect.scatter.add.f32 [tilespmem:s25], [sflag:$0x3], $0x40, s3, s28, $0xb8;
	[tilespmem:$0x1E7C0] =	vst v63  }
0xc5: {  	p0 =	seq.s32 s0, $0x1860;
	_ =	swait.ge [sflag:s24], $0x2000  }
0xc6: {  	s1 =	simm.s32 @!p0 $0x0;
	[sflag:s24] =	ssyncset.done $0x0  }
0xc7: {  	s6 =	simm.s32 @!p0 $0x100;
	s0 =	sadd.s32 @!p0 s0, s7;
	[sflag:s24] =	ssyncadd.s32 $0xFFFFE000  }
0xc8: {  	[tilespmem:s6], [sflag:$0x1] =	stream.linear.gather @!p0 [hbm4b:s21+s1], $0x2000, $0x38;
	[tilespmem:$0x1E7C0] =	vst v63  }
0xc9: {  	s0 =	sadd.s32 @!p0 $0x20, s0  }
0xca: {  	[tilespmem:s1], [sflag:$0x1] =	stream.linear.gather @!p0 [hbm4b:s0+s1], $0x80, $0x38;
	[tilespmem:$0x1E7C0] =	vst v63  }
0xcb: {  	_ =	swait.ge [sflag:s30], $0x2000  }
0xcc: {  	[sflag:s30] =	ssyncset.done $0x0  }
0xcd: {  	[sflag:s30] =	ssyncadd.s32 $0xFFFFE000  }
0xce: {  	_ =	swait.ge [sflag:s30], $0x80  }
0xcf: {  	[sflag:s30] =	ssyncset.done $0x0  }
0xd0: {  	[sflag:s30] =	ssyncadd.s32 $0xFFFFFF80  }
0xd1: {  	v2 =	vld [tilespmem:$0x80]  }
0xd2: {  	v3 =	vld [tilespmem:$0xE0]  }
0xd3: {  	v56 =	vld [tilespmem:$0xB0]  }
0xd4: {  	v57 =	vld [tilespmem:$0xD0]  }
0xd5: {  	v59 =	vld [tilespmem:$0xA0]  }
0xd6: {  	v58 =	vld [tilespmem:$0xC0];
	v2 =	vsub.s32 v2, v0  }
0xd7: {  	v61 =	vld [tilespmem:$0x90];
	v3 =	vsub.s32 v3, v0;
	v2 =	vmin.u32 v2, $0x61A8  }
0xd8: {  	v60 =	vld [tilespmem:$0xF0];
	v3 =	vmin.u32 v3, $0x61A8;
	[tilespmem:$0x80] =	vst v2;
	v2 =	vsub.s32 v56, v0  }
0xd9: {  	[tilespmem:$0xE0] =	vst v3;
	v3 =	vsub.s32 v57, v0;
	v2 =	vmin.u32 v2, $0x61A8  }
0xda: {  	v62 =	vsub.s32 v59, v0;
	v3 =	vmin.u32 v3, $0x61A8;
	[tilespmem:$0xB0] =	vst v2  }
0xdb: {  	v2 =	vsub.s32 v58, v0;
	[tilespmem:$0xD0] =	vst v3;
	v3 =	vmin.u32 v62, $0x61A8  }
0xdc: {  	v63 =	vsub.s32 v61, v0;
	v2 =	vmin.u32 v2, $0x61A8;
	[tilespmem:$0xA0] =	vst v3  }
0xdd: {  	v3 =	vmin.u32 v63, $0x61A8;
	[tilespmem:$0xC0] =	vst v2;
	v2 =	vsub.s32 v60, v0  }
0xde: {  	[tilespmem:$0x90] =	vst v3;
	v2 =	vmin.u32 v2, $0x61A8  }
0xdf: {  	[tilespmem:$0xF0] =	vst v2  }
0xe0: {  	[spmem:s2] =	stream.indirect.scatter.add.f32 [tilespmem:s26], [sflag:$0x3], $0x40, s28, s28, $0xb8;
	[tilespmem:$0x1E7C0] =	vst v63  }
0xe1: {  	_ =	swait.ge [sflag:s24], $0x2000  }
0xe2: {  	[sflag:s24] =	ssyncset.done $0x0  }
0xe3: {  	[sflag:s24] =	ssyncadd.s32 $0xFFFFE000  }
0xe4: {  	[bflag:$0x0] =	sbarrier.arrive $0xFFFF  }
0xe5: {  	[tilespmem:s23], [sflag:$0x3] =	stream.linear.gather [spmem:s4], $0x2000, $0x38;
	[tilespmem:$0x1E7C0] =	vst v63  }
0xe6: {  	_ =	swait.ge [sflag:s24], $0x2000  }
0xe7: {  	[sflag:s24] =	ssyncset.done $0x0  }
0xe8: {  	s21 =	sadd.s32 $0x0, s22;
	[sflag:s24] =	ssyncadd.s32 $0xFFFFE000  }
0xe9: {  	[hbm4b:s21+s3] =	stream.linear.scatter [tilespmem:s23], [sflag:$0x3], $0x2000, $0x38;
	[tilespmem:$0x1E7C0] =	vst v63  }
0xea: {  	_ =	swait.ge [sflag:s24], $0x2000  }
0xeb: {  	s0 =	simm.s32 $0x400;
	s1 =	smov.u32 s4;
	[sflag:s24] =	ssyncset.done $0x0  }
.LBB2_6:
0xec: {  	p0 =	sne.s32 s0, $0x2C00;
	[sflag:s24] =	ssyncadd.s32 $0xFFFFE000;
	s1 =	sadd.s32 $0x2000, s1  }
0xed: {  	[tilespmem:s23], [sflag:$0x3] =	stream.linear.gather [spmem:s1], $0x2000, $0x38;
	[tilespmem:$0x1E7C0] =	vst v63  }
0xee: {  	s6 =	smov.u32 s0;
	s0 =	sadd.s32 $0x400, s0;
	_ =	swait.ge [sflag:s24], $0x2000  }
.Ltmp2:
0xef: {  	[sflag:s24] =	ssyncset.done $0x0;
	(pc) =	sbr.rel @p0 .LBB2_6-.Ltmp2, $4  }
0xf0: {  	s6 =	sadd.s32 s6, s22;
	[sflag:s24] =	ssyncadd.s32 $0xFFFFE000  }
0xf1: {  	[hbm4b:s6+s3] =	stream.linear.scatter [tilespmem:s23], [sflag:$0x3], $0x2000, $0x38;
	[tilespmem:$0x1E7C0] =	vst v63  }
0xf2: {  	_ =	swait.ge [sflag:s24], $0x2000  }
0xf3: {  	[sflag:s24] =	ssyncset.done $0x0  }
0xf4: {  	[sflag:s24] =	ssyncadd.s32 $0xFFFFE000  }
0xf5: {  	[tilespmem:s23], [sflag:$0x3] =	stream.linear.gather [spmem:s5], $0x6C0, $0x38;
	[tilespmem:$0x1E7C0] =	vst v63  }
0xf6: {  	_ =	swait.ge [sflag:s24], $0x6C0  }
0xf7: {  	[sflag:s24] =	ssyncset.done $0x0  }
0xf8: {  	s0 =	rddreg [dreg:$0x4];
	[sflag:s24] =	ssyncadd.s32 $0xFFFFF940  }
0xf9: {  	[hbm4b:s0+s3] =	stream.linear.scatter [tilespmem:s23], [sflag:$0x3], $0x6C0, $0x38;
	[tilespmem:$0x1E7C0] =	vst v63  }
0xfa: {  	_ =	swait.ge [sflag:s24], $0x6C0  }
0xfb: {  	s31 =	sadd.s32 $0x1, s31;
	s21 =	rddreg [dreg:$0x5]  }
0xfc: {  	p0 =	sne.s32 s31, s21  }
.Ltmp3:
0xfd: {  	_ = 	snop;
	(pc) =	sbr.rel @p0 .LBB2_1-.Ltmp3, $3  }
0xfe: {  	_ =	sdelay $0x1  }
0xff: {  	[sflag:s24] =	ssyncset.done $0x0  }
0x100: {  	[sflag:s24] =	ssyncadd.s32 $0xFFFFF940  }
0x101: {  	_ =	sfence.sel $0x180000  }
0x102: {  	[bflag:$0x0] =	sbarrier.arrive $0xFFFF  }
0x103: {  	_ =	strace $0x90000050  }
0x104: {  	s0 =	stileid.u32;
	[bflag:$0x2] =	sbarrier.arrive $0xFFFF  }
0x105: {  	p0 =	sne.s32 s0, $0x0;
	s0 =	rddreg [dreg:$0x2]  }
0x106: {  	s0 =	sadd.s32 @!p0 $0x100000, s0  }
0x107: {  	[sflag:s0] =	ssyncadd.tile.s32 @!p0 $0x1;
	_ =	shalt  }
.Lfunc_end2:
_tile_overlayer_lowered:
.L_overlay_start_2:
0x108: {  	(tag) =	ssettag $0x2  }
0x109: {  	s0 =	rddreg [dreg:$0x0];
	s2 =	stileid.u32  }
0x10a: {  	s1 =	rddreg [dreg:$0x1];
	p0 =	sne.s32 s2, $0x0  }
0x10b: {  	s3 =	rddreg [dreg:$0x2];
	[bflag:$0x3] =	sbarrier.arrive $0xFFFF;
	s2 =	simm.s32 @!p0 $0x1C03  }
0x10c: {  	[timem:s3], [sflag:s2] =	dma.local @!p0 [hbm:s0], s1  }
0x10d: {  	s0 =	simm.s32 @!p0 $0x3  }
0x10e: {  	_ =	swait.ge @!p0 [sflag:s0], s1  }
0x10f: {  	s1 =	ssub.s32 @!p0 $0x0, s1;
	[sflag:s0] =	ssyncset.done @!p0 $0x0  }
0x110: {  	[sflag:s0] =	ssyncadd.s32 @!p0 s1  }
0x111: {  	[bflag:$0x3] =	sbarrier.arrive $0xFFFF  }
0x112: {  	_ =	shalt  }

// kernel: kernel.9.cloned.1.call-start
scs
__scs_entry_jumppad:
0x0: {  	(pc) =	sbr.rel $0x88, $3  }
0x1: {  	(tag) =	ssettag $0x0;
	lr =	simm.s32 $0x1  }
0x2: {  	[smem:$0x3F27] =	sst lr;
	_ =	strace $0xD0000000  }
0x3: {  	_ = 	snop  }
0x4: {  	_ = 	snop  }
0x5: {  	_ = 	snop  }
0x6: {  	_ = 	snop  }
0x7: {  	_ = 	snop  }
__scs_overlays_trampoline_lowered:
0x8: {  	[smem:$0x3F36] =	sst s0  }
0x9: {  	[smem:$0x3F37] =	sst s1  }
0xa: {  	[smem:$0x3F38] =	sst s2  }
0xb: {  	[smem:$0x3F39] =	sst s3  }
0xc: {  	[smem:$0x3F3A] =	sst s4  }
0xd: {  	[smem:$0x3F3B] =	sst s5  }
0xe: {  	[smem:$0x3F3C] =	sst s6  }
0xf: {  	[smem:$0x3F3D] =	sst s7  }
0x10: {  	[smem:$0x3F3E] =	sst s8  }
0x11: {  	[smem:$0x3F3F] =	sst s9;
	s0 =	simm.s32 @!p0 $0x0  }
0x12: {  	s1 =	sld [smem:$0x3F25];
	s0 =	simm.s32 @p0 $0x1  }
0x13: {  	[smem:$0x3F40] =	sst s0;
	s0 =	simm.s32 @!p1 $0x0  }
0x14: {  	s2 =	sld [smem:$0x3F24];
	s0 =	simm.s32 @p1 $0x1  }
0x15: {  	[smem:$0x3F41] =	sst s0;
	s0 =	simm.s32 @!p2 $0x0  }
0x16: {  	s3 =	sld [smem:$0x3FDB];
	s0 =	simm.s32 @p2 $0x1  }
0x17: {  	s4 =	simm.s32 $0x1BF5;
	[smem:$0x3F43] =	sst s0  }
0x18: {  	s0 =	sld [smem:$0x3F26];
	_ =	swait.ge [sflag:s4], $0x0  }
0x19: {  	s7 =	sld [smem:$0x3F27]  }
0x1a: {  	s8 =	sadd.s32 $0xFFFFE003, lr  }
0x1b: {  	s9 =	sadd.s32 $0xFFFFFEF7, lr;
	s5 =	simm.s32 $0xFFFFFFFF;
	p2 =	slt.u32 s8, $0xFFFFF086  }
0x1c: {  	p1 =	slt.u32 s9, $0xF7A;
	s5 =	simm.s32 @!p2 $0x0  }
0x1d: {  	s5 =	simm.s32 @p1 $0x1;
	p0 =	seq.s32 s7, s2  }
0x1e: {  	s7 =	smul.u32 @!p0 $0xF7A, s2;
	p2 =	seq.s32 @!p0 s5, $0x0  }
0x1f: {  	s9 =	smul.u32 $0xF7A, s1;
	s8 =	simm.s32 @!p0 $0x1BF5;
	p2 =	por !p2, p0  }
0x20: {  	[sflag:s8] =	ssyncset.s32 @!p0 $0xFFFFF086;
	s6 =	sadd.s32 @!p0 s3, s7;
	s7 =	simm.s32 @!p0 $0x108  }
0x21: {  	s3 =	sadd.s32 s3, s9;
	s6 =	sadd.s32 @!p0 $0x88, s6;
	s7 =	simm.s32 @p2 $0x1082  }
0x22: {  	[simem:s7], [sflag:s8] =	dma.local @!p0 [hbm:s6], $0xF7A  }
0x23: {  	s9 =	sor.u32 $0xD0000000, s2;
	s6 =	simm.s32 $0x108;
	_ =	swait.ge @!p0 [sflag:s8], $0x0  }
0x24: {  	s3 =	sadd.s32 $0x88, s3;
	s6 =	simm.s32 @!p1 $0x1082;
	[sflag:s4] =	ssyncset.s32 $0xFFFFF086  }
0x25: {  	[simem:s6], [sflag:s4] =	dma.local [hbm:s3], $0xF7A  }
0x26: {  	[smem:$0x3F27] =	sst s1;
	(tag) =	ssettag s2;
	_ =	strace s9  }
0x27: {  	s1 =	sld [smem:$0x3F37]  }
0x28: {  	s2 =	sld [smem:$0x3F38]  }
0x29: {  	s4 =	sld [smem:$0x3F3A]  }
0x2a: {  	p0 =	seq.s32 s5, $0x0;
	s5 =	sld [smem:$0x3F3B]  }
0x2b: {  	s6 =	sld [smem:$0x3F3C]  }
0x2c: {  	s7 =	sld [smem:$0x3F3D]  }
0x2d: {  	s3 =	simm.s32 $0x108;
	s8 =	sld [smem:$0x3F3E]  }
0x2e: {  	s3 =	simm.s32 @!p0 $0x1082;
	s9 =	sld [smem:$0x3F3F]  }
0x2f: {  	lr =	sadd.s32 s0, s3;
	s0 =	sld [smem:$0x3F36]  }
0x30: {  	s3 =	sld [smem:$0x3F39]  }
0x31: {  	[smem:$0x3F42] =	sst s10  }
0x32: {  	s10 =	sld [smem:$0x3F40];
	_ =	sdelay $0x3  }
0x33: {  	p0 =	seq.s32 s10, $0x1;
	s10 =	sld [smem:$0x3F42];
	_ =	sdelay $0x3  }
0x34: {  	[smem:$0x3F42] =	sst s10  }
0x35: {  	s10 =	sld [smem:$0x3F41];
	_ =	sdelay $0x3  }
0x36: {  	p1 =	seq.s32 s10, $0x1;
	s10 =	sld [smem:$0x3F42];
	_ =	sdelay $0x3  }
0x37: {  	[smem:$0x3F42] =	sst s10  }
0x38: {  	s10 =	sld [smem:$0x3F43]  }
0x39: {  	_ = 	snop;
	(pc) =	sbr.ind lr, $3  }
0x3a: {  	_ = 	snop  }
0x3b: {  	_ = 	snop  }
0x3c: {  	p2 =	seq.s32 s10, $0x1;
	s10 =	sld [smem:$0x3F42]  }
0x3d: {  	_ =	shalt  }
0x3e: {  	_ =	shalt  }
0x3f: {  	_ =	shalt  }
0x40: {  	_ =	shalt  }
0x41: {  	_ =	shalt  }
0x42: {  	_ =	shalt  }
0x43: {  	_ =	shalt  }
0x44: {  	_ =	shalt  }
0x45: {  	_ =	shalt  }
0x46: {  	_ =	shalt  }
0x47: {  	_ =	shalt  }
0x48: {  	_ =	shalt  }
0x49: {  	_ =	shalt  }
0x4a: {  	_ =	shalt  }
0x4b: {  	_ =	shalt  }
0x4c: {  	_ =	shalt  }
0x4d: {  	_ =	shalt  }
0x4e: {  	_ =	shalt  }
0x4f: {  	_ =	shalt  }
0x50: {  	_ =	shalt  }
0x51: {  	_ =	shalt  }
0x52: {  	_ =	shalt  }
0x53: {  	_ =	shalt  }
0x54: {  	_ =	shalt  }
0x55: {  	_ =	shalt  }
0x56: {  	_ =	shalt  }
0x57: {  	_ =	shalt  }
0x58: {  	_ =	shalt  }
0x59: {  	_ =	shalt  }
0x5a: {  	_ =	shalt  }
0x5b: {  	_ =	shalt  }
0x5c: {  	_ =	shalt  }
0x5d: {  	_ =	shalt  }
0x5e: {  	_ =	shalt  }
0x5f: {  	_ =	shalt  }
0x60: {  	_ =	shalt  }
0x61: {  	_ =	shalt  }
0x62: {  	_ =	shalt  }
0x63: {  	_ =	shalt  }
0x64: {  	_ =	shalt  }
0x65: {  	_ =	shalt  }
0x66: {  	_ =	shalt  }
0x67: {  	_ =	shalt  }
0x68: {  	_ =	shalt  }
0x69: {  	_ =	shalt  }
0x6a: {  	_ =	shalt  }
0x6b: {  	_ =	shalt  }
0x6c: {  	_ =	shalt  }
0x6d: {  	_ =	shalt  }
0x6e: {  	_ =	shalt  }
0x6f: {  	_ =	shalt  }
0x70: {  	_ =	shalt  }
0x71: {  	_ =	shalt  }
0x72: {  	_ =	shalt  }
0x73: {  	_ =	shalt  }
0x74: {  	_ =	shalt  }
0x75: {  	_ =	shalt  }
0x76: {  	_ =	shalt  }
0x77: {  	_ =	shalt  }
0x78: {  	_ =	shalt  }
0x79: {  	_ =	shalt  }
0x7a: {  	_ =	shalt  }
0x7b: {  	_ =	shalt  }
0x7c: {  	_ =	shalt  }
0x7d: {  	_ =	shalt  }
0x7e: {  	_ =	shalt  }
0x7f: {  	_ =	shalt  }
0x80: {  	_ =	shalt  }
0x81: {  	_ =	shalt  }
0x82: {  	_ =	shalt  }
0x83: {  	_ =	shalt  }
0x84: {  	_ =	shalt  }
0x85: {  	_ =	shalt  }
0x86: {  	_ =	shalt  }
0x87: {  	_ =	shalt  }
.Lfunc_end0:
.L_simem_size_0:
called_computation_lowered:
.L_overlay_start_0:
0x88: {  	s2 =	sld [smem:$0x3FD9]  }
0x89: {  	s3 =	sld [smem:$0x3FFE];
	_ =	sdelay $0x1  }
0x8a: {  	s1 =	srdreg.scid  }
0x8b: {  	s0 =	sand.u32 $0x1, s1  }
0x8c: {  	s16 =	sshll.u32 s0, $0xA;
	s2 =	sadd.s32 s3, s2  }
0x8d: {  	s2 =	sadd.s32 s2, s16  }
0x8e: {  	[smem:$0x3F4E] =	sst s2  }
0x8f: {  	_ = 	snop  }
0x90: {  	(tm) =	ssettm $0x1  }
0x91: {  	s17 =	sld [smem:$0x3FFB];
	_ =	sdelay $0x3  }
0x92: {  	_ =	strace s17  }
0x93: {  	s2 =	sld [smem:$0x3FFC];
	_ =	sdelay $0x3  }
0x94: {  	_ =	strace s2  }
0x95: {  	s2 =	sld [smem:$0x3FFD];
	_ =	sdelay $0x3  }
0x96: {  	_ =	strace s2  }
0x97: {  	_ =	strace $0x8FFFFFFF  }
0x98: {  	s18 =	sld [smem:$0x3FDB];
	_ =	sdelay $0x1  }
0x99: {  	s19 =	simm.s32 $_scs_section_size  }
0x9a: {  	s4 =	simm.s32 $_size__tile_overlayer_lowered;
	s5 =	simm.s32 $_tile_overlayer_lowered  }
0x9b: {  	s22 =	simm.s32 $0x1BFF;
	s21 =	sshll.u32 s5, $0x1;
	s2 =	sadd.s32 s19, s18  }
0x9c: {  	s6 =	simm.s32 $0x0;
	s20 =	sshll.u32 s4, $0x1;
	s4 =	sadd.s32 s21, s2  }
0x9d: {  	[timem:s6], [sflag:s22] =	dma.local [hbm:s4], s20  }
0x9e: {  	_ =	swait.ge [sflag:s22], s20  }
0x9f: {  	s3 =	ssub.s32 $0x0, s20;
	[sflag:s22] =	ssyncset.done $0x0  }
0xa0: {  	[sflag:s22] =	ssyncadd.s32 s3;
	_ =	sdelay $0x1  }
0xa1: {  	s23 =	simm.s32 $0x1B8B  }
0xa2: {  	_ =	swait.ge [sflag:s23], $0x1  }
0xa3: {  	[sflag:s23] =	ssyncset.done $0x0  }
0xa4: {  	s25 =	simm.s32 $0x1B8E;
	s24 =	sld [smem:$0x3FFE];
	[sflag:s23] =	ssyncadd.s32 $0xFFFFFFFF  }
0xa5: {  	s26 =	simm.s32 $execute0_lowered;
	[smem:$0x3FD2] =	sst s25  }
0xa6: {  	s4 =	sshll.u32 s26, $0x1;
	_ =	strace $0x80000046;
	[dreg:$0x1] =	wrdreg $0xFFFFFFFF  }
0xa7: {  	s28 =	simm.s32 $_size_execute0_lowered;
	s2 =	sadd.s32 s2, s4;
	[dreg:$0x0] =	wrdreg $0x0  }
0xa8: {  	s4 =	sshll.u32 s28, $0x1;
	[dreg:$0x2] =	wrdreg s2  }
0xa9: {  	[dreg:$0x3] =	wrdreg s4  }
0xaa: {  	[dreg:$0x4] =	wrdreg $0xC0  }
0xab: {  	_ =	task [dreg:s6], $0x5FFFF  }
0xac: {  	[dreg:$0x1] =	wrdreg $0xFFFFFFFF  }
0xad: {  	[dreg:$0x0] =	wrdreg $0x60  }
0xae: {  	[dreg:$0x2] =	wrdreg s24  }
0xaf: {  	[dreg:$0x3] =	wrdreg $0x9  }
0xb0: {  	_ =	task.clear_ibuf [dreg:s6], $0x4FFFF;
	_ =	strace $0x90000046  }
0xb1: {  	s29 =	simm.s32 $0x9;
	_ =	strace $0x80000048  }
0xb2: {  	_ =	swait.ge [sflag:s29], $0x1  }
0xb3: {  	[sflag:s29] =	ssyncadd.s32 $0xFFFFFFFF  }
0xb4: {  	_ =	strace $0x90000048  }
0xb5: {  	_ =	sfence  }
0xb6: {  	s30 =	sld [smem:$0x0];
	_ =	sdelay $0x2  }
0xb7: {  	s31 =	sshll.u32 s1, $0xD;
	s1 =	sshrl.u32 s1, $0x2  }
0xb8: {  	s3 =	sand.u32 $0x4000, s31;
	s1 =	sadd.s32 s1, s30  }
0xb9: {  	s0 =	sor.u32 s3, s0;
	s1 =	sshll.u32 s1, $0x11  }
0xba: {  	s0 =	sor.u32 s1, s0  }
0xbb: {  	s0 =	sadd.s32 $0x8F2B, s0  }
0xbc: {  	[sflag:s0] =	ssyncadd.remote.s32 $0x1  }
0xbd: {  	_ =	sfence.sel $0xFFFF  }
0xbe: {  	[dreg:$0x0] =	wrdreg $0xFFFFFFFF;
	(pc) =	sbr.abs _section_cstart, $3  }
0xbf: {  	[dreg:$0x1] =	wrdreg $0xFFFFFFFF  }
0xc0: {  	_ =	task.clear_ibuf [dreg:s6], $0x2FFFF;
	_ =	strace $0x9FFFFFFF  }
0xc1: {  	(tm) =	ssettm $0x7FFFFFFF  }
tec
execute0_lowered:
.L_overlay_start_1:
0x0: {  	(tag) =	ssettag $0x1  }
0x1: {  	s5 =	rddreg [dreg:$0x0];
	s1 =	srdreg.scid  }
0x2: {  	s0 =	rddreg [dreg:$0x1];
	s2 =	simm.s32 $0x0;
	s10 =	simm.s32 $0x3  }
0x3: {  	s11 =	simm.s32 $0x6200;
	s12 =	simm.s32 $0x80;
	s13 =	simm.s32 $0xC400  }
0x4: {  	s14 =	simm.s32 $0xD400;
	s15 =	simm.s32 $0xE400;
	s16 =	simm.s32 $0xF400  }
0x5: {  	s17 =	simm.s32 $0x1;
	s18 =	simm.s32 $0x2;
	s6 =	sand.u32 $0x1, s1  }
0x6: {  	s19 =	simm.s32 $0x0;
	s1 =	stileid.u32;
	s3 =	sshll.u32 s6, $0x4  }
0x7: {  	[smem:$0x7FF] =	sst s2;
	s6 =	ssub.s32 $0x2, s6;
	s7 =	sor.u32 s1, s3  }
0x8: {  	s4 =	sadd.s32 $0xFB200, s5;
	s9 =	sshrl.u32 s6, $0x1;
	s8 =	smul.u32 $0xC40, s7  }
0x9: {  	_ =	strace $0x80000047;
	s3 =	sadd.s32 $0x68800, s5;
	s9 =	ssub.s32 s6, s9  }
0xa: {  	s6 =	smul.u32 $0xC4, s7;
	s9 =	smax.u32 s9, $0x1;
	s8 =	sadd.s32 s8, s5  }
0xb: {  	s5 =	sadd.s32 $0x18E000, s5;
	s7 =	sadd.s32 $0x15D000, s8;
	s8 =	sadd.s32 $0x144800, s8  }
.LBB2_1:
0xc: {  	[tilespmem:s2], [sflag:$0x3] =	stream.linear.gather [hbm4b:s7+s2], $0x6200, $0x38;
	[tilespmem:$0x10400] =	vst v63  }
0xd: {  	_ =	swait.ge [sflag:s10], $0x6200  }
0xe: {  	[sflag:s10] =	ssyncset.done $0x0  }
0xf: {  	[sflag:s10] =	ssyncadd.s32 $0xFFFF9E00  }
0x10: {  	[tilespmem:s11], [sflag:$0x3] =	stream.linear.gather [hbm4b:s8+s2], $0x6200, $0x38;
	[tilespmem:$0x10400] =	vst v63  }
0x11: {  	_ =	swait.ge [sflag:s10], $0x6200  }
0x12: {  	[sflag:s10] =	ssyncset.done $0x0  }
0x13: {  	[sflag:s10] =	ssyncadd.s32 $0xFFFF9E00  }
0x14: {  	[tilespmem:s13], [sflag:$0x1] =	stream.indirect.gather [hbm4b:s3+s12], $0x20, s2, s12, $0xb8;
	[tilespmem:$0x10400] =	vst v63  }
0x15: {  	s20 =	simm.s32 $0x0  }
0x16: {  	[tilespmem:s14], [sflag:$0x1] =	stream.indirect.gather [hbm4b:s4+s12], $0x20, s11, s12, $0xb8;
	[tilespmem:$0x10400] =	vst v63  }
.LBB2_2:
0x17: {  	s21 =	sshllo.u32 s20, $0x1  }
0x18: {  	s22 =	sshll.u32 s21, $0x7  }
0x19: {  	[tilespmem:s15], [sflag:$0x2] =	stream.indirect.gather [hbm4b:s3+s12], $0x20, s22, s12, $0xb8;
	[tilespmem:$0x10400] =	vst v63  }
0x1a: {  	s22 =	sadd.s32 $0x6200, s22  }
0x1b: {  	[tilespmem:s16], [sflag:$0x2] =	stream.indirect.gather [hbm4b:s4+s12], $0x20, s22, s12, $0xb8;
	[tilespmem:$0x10400] =	vst v63  }
0x1c: {  	_ =	swait.ge [sflag:s17], $0x1000  }
0x1d: {  	[sflag:s17] =	ssyncset.done $0x0  }
0x1e: {  	[sflag:s17] =	ssyncadd.s32 $0xFFFFF000  }
0x1f: {  	_ =	swait.ge [sflag:s17], $0x1000  }
0x20: {  	[sflag:s17] =	ssyncset.done $0x0  }
0x21: {  	s22 =	simm.s32 $0xC480;
	[sflag:s17] =	ssyncadd.s32 $0xFFFFF000  }
0x22: {  	s23 =	simm.s32 $0xD480;
	v0 =	vld [tilespmem:s22+$0xFFFFFF80]  }
0x23: {  	v1 =	vld [tilespmem:s23+$0xFFFFFF80];
	_ =	sdelay $0x4  }
0x24: {  	v0 =	vadd.bf16 v1, v0;
	_ =	sdelay $0x1  }
0x25: {  	[tilespmem:s22+$0xFFFFFF80] =	vst v0;
	v0 =	vld [tilespmem:s22+$0xFFFFFF90]  }
0x26: {  	v1 =	vld [tilespmem:s23+$0xFFFFFF90];
	_ =	sdelay $0x4  }
0x27: {  	v0 =	vadd.bf16 v1, v0;
	_ =	sdelay $0x1  }
0x28: {  	[tilespmem:s22+$0xFFFFFF90] =	vst v0;
	v0 =	vld [tilespmem:s22+$0xFFFFFFA0]  }
0x29: {  	v1 =	vld [tilespmem:s23+$0xFFFFFFA0];
	_ =	sdelay $0x4  }
0x2a: {  	v0 =	vadd.bf16 v1, v0;
	_ =	sdelay $0x1  }
0x2b: {  	[tilespmem:s22+$0xFFFFFFA0] =	vst v0;
	v0 =	vld [tilespmem:s22+$0xFFFFFFB0]  }
0x2c: {  	v1 =	vld [tilespmem:s23+$0xFFFFFFB0];
	_ =	sdelay $0x4  }
0x2d: {  	v0 =	vadd.bf16 v1, v0;
	_ =	sdelay $0x1  }
0x2e: {  	[tilespmem:s22+$0xFFFFFFB0] =	vst v0;
	v0 =	vld [tilespmem:s22+$0xFFFFFFC0]  }
0x2f: {  	v1 =	vld [tilespmem:s23+$0xFFFFFFC0];
	_ =	sdelay $0x4  }
0x30: {  	v0 =	vadd.bf16 v1, v0;
	_ =	sdelay $0x1  }
0x31: {  	[tilespmem:s22+$0xFFFFFFC0] =	vst v0;
	v0 =	vld [tilespmem:s22+$0xFFFFFFD0]  }
0x32: {  	v1 =	vld [tilespmem:s23+$0xFFFFFFD0];
	_ =	sdelay $0x4  }
0x33: {  	v0 =	vadd.bf16 v1, v0;
	_ =	sdelay $0x1  }
0x34: {  	[tilespmem:s22+$0xFFFFFFD0] =	vst v0;
	v0 =	vld [tilespmem:s22+$0xFFFFFFE0]  }
0x35: {  	v1 =	vld [tilespmem:s23+$0xFFFFFFE0];
	_ =	sdelay $0x4  }
0x36: {  	v0 =	vadd.bf16 v1, v0;
	_ =	sdelay $0x1  }
0x37: {  	[tilespmem:s22+$0xFFFFFFE0] =	vst v0;
	v0 =	vld [tilespmem:s22+$0xFFFFFFF0]  }
0x38: {  	v1 =	vld [tilespmem:s23+$0xFFFFFFF0];
	_ =	sdelay $0x4  }
0x39: {  	v0 =	vadd.bf16 v1, v0;
	_ =	sdelay $0x1  }
0x3a: {  	[tilespmem:s22+$0xFFFFFFF0] =	vst v0;
	v0 =	vld [tilespmem:s22+$0x0]  }
0x3b: {  	v1 =	vld [tilespmem:s23+$0x0];
	_ =	sdelay $0x4  }
0x3c: {  	v0 =	vadd.bf16 v1, v0;
	_ =	sdelay $0x1  }
0x3d: {  	[tilespmem:s22+$0x0] =	vst v0;
	v0 =	vld [tilespmem:s22+$0x10]  }
0x3e: {  	v1 =	vld [tilespmem:s23+$0x10];
	_ =	sdelay $0x4  }
0x3f: {  	v0 =	vadd.bf16 v1, v0;
	_ =	sdelay $0x1  }
0x40: {  	[tilespmem:s22+$0x10] =	vst v0;
	v0 =	vld [tilespmem:s22+$0x20]  }
0x41: {  	v1 =	vld [tilespmem:s23+$0x20];
	_ =	sdelay $0x4  }
0x42: {  	v0 =	vadd.bf16 v1, v0;
	_ =	sdelay $0x1  }
0x43: {  	[tilespmem:s22+$0x20] =	vst v0;
	v0 =	vld [tilespmem:s22+$0x30]  }
0x44: {  	v1 =	vld [tilespmem:s23+$0x30];
	_ =	sdelay $0x4  }
0x45: {  	v0 =	vadd.bf16 v1, v0;
	_ =	sdelay $0x1  }
0x46: {  	[tilespmem:s22+$0x30] =	vst v0;
	v0 =	vld [tilespmem:s22+$0x40]  }
0x47: {  	v1 =	vld [tilespmem:s23+$0x40];
	_ =	sdelay $0x4  }
0x48: {  	v0 =	vadd.bf16 v1, v0;
	_ =	sdelay $0x1  }
0x49: {  	[tilespmem:s22+$0x40] =	vst v0;
	v0 =	vld [tilespmem:s22+$0x50]  }
0x4a: {  	v1 =	vld [tilespmem:s23+$0x50];
	_ =	sdelay $0x4  }
0x4b: {  	v0 =	vadd.bf16 v1, v0;
	_ =	sdelay $0x1  }
0x4c: {  	[tilespmem:s22+$0x50] =	vst v0;
	v0 =	vld [tilespmem:s22+$0x60]  }
0x4d: {  	v1 =	vld [tilespmem:s23+$0x60];
	_ =	sdelay $0x4  }
0x4e: {  	v0 =	vadd.bf16 v1, v0;
	_ =	sdelay $0x1  }
0x4f: {  	[tilespmem:s22+$0x60] =	vst v0;
	v0 =	vld [tilespmem:s22+$0x70]  }
0x50: {  	v1 =	vld [tilespmem:s23+$0x70];
	_ =	sdelay $0x4  }
0x51: {  	v0 =	vadd.bf16 v1, v0  }
0x52: {  	s24 =	sshll.u32 s20, $0x1;
	s25 =	simm.s32 $0x0;
	s26 =	simm.s32 $0xC580  }
.LBB2_3:
0x53: {  	v1 =	vld [tilespmem:s26+$0xFFFFFF80];
	[tilespmem:s22+$0x70] =	vst v0;
	s23 =	sadd.s32 $0x100, s23;
	s22 =	smov.u32 s26  }
0x54: {  	s25 =	sadd.s32 $0x8, s25;
	v0 =	vld [tilespmem:s23+$0xFFFFFF80]  }
0x55: {  	p0 =	slt.u32 s25, $0x78;
	_ =	sdelay $0x3  }
0x56: {  	v0 =	vadd.bf16 v0, v1;
	_ =	sdelay $0x1  }
0x57: {  	[tilespmem:s26+$0xFFFFFF80] =	vst v0;
	v0 =	vld [tilespmem:s26+$0xFFFFFF90]  }
0x58: {  	v1 =	vld [tilespmem:s23+$0xFFFFFF90];
	_ =	sdelay $0x4  }
0x59: {  	v0 =	vadd.bf16 v1, v0;
	_ =	sdelay $0x1  }
0x5a: {  	[tilespmem:s26+$0xFFFFFF90] =	vst v0;
	v0 =	vld [tilespmem:s26+$0xFFFFFFA0]  }
0x5b: {  	v1 =	vld [tilespmem:s23+$0xFFFFFFA0];
	_ =	sdelay $0x4  }
0x5c: {  	v0 =	vadd.bf16 v1, v0;
	_ =	sdelay $0x1  }
0x5d: {  	[tilespmem:s26+$0xFFFFFFA0] =	vst v0;
	v0 =	vld [tilespmem:s26+$0xFFFFFFB0]  }
0x5e: {  	v1 =	vld [tilespmem:s23+$0xFFFFFFB0];
	_ =	sdelay $0x4  }
0x5f: {  	v0 =	vadd.bf16 v1, v0;
	_ =	sdelay $0x1  }
0x60: {  	[tilespmem:s26+$0xFFFFFFB0] =	vst v0;
	v0 =	vld [tilespmem:s26+$0xFFFFFFC0]  }
0x61: {  	v1 =	vld [tilespmem:s23+$0xFFFFFFC0];
	_ =	sdelay $0x4  }
0x62: {  	v0 =	vadd.bf16 v1, v0;
	_ =	sdelay $0x1  }
0x63: {  	[tilespmem:s26+$0xFFFFFFC0] =	vst v0;
	v0 =	vld [tilespmem:s26+$0xFFFFFFD0]  }
0x64: {  	v1 =	vld [tilespmem:s23+$0xFFFFFFD0];
	_ =	sdelay $0x4  }
0x65: {  	v0 =	vadd.bf16 v1, v0;
	_ =	sdelay $0x1  }
0x66: {  	[tilespmem:s26+$0xFFFFFFD0] =	vst v0;
	v0 =	vld [tilespmem:s26+$0xFFFFFFE0]  }
0x67: {  	v1 =	vld [tilespmem:s23+$0xFFFFFFE0];
	_ =	sdelay $0x4  }
0x68: {  	v0 =	vadd.bf16 v1, v0;
	_ =	sdelay $0x1  }
0x69: {  	[tilespmem:s26+$0xFFFFFFE0] =	vst v0;
	v0 =	vld [tilespmem:s26+$0xFFFFFFF0]  }
0x6a: {  	v1 =	vld [tilespmem:s23+$0xFFFFFFF0];
	_ =	sdelay $0x4  }
0x6b: {  	v0 =	vadd.bf16 v1, v0;
	_ =	sdelay $0x1  }
0x6c: {  	[tilespmem:s26+$0xFFFFFFF0] =	vst v0;
	v0 =	vld [tilespmem:s26+$0x0]  }
0x6d: {  	v1 =	vld [tilespmem:s23+$0x0];
	_ =	sdelay $0x4  }
0x6e: {  	v0 =	vadd.bf16 v1, v0;
	_ =	sdelay $0x1  }
0x6f: {  	[tilespmem:s26+$0x0] =	vst v0;
	v0 =	vld [tilespmem:s26+$0x10]  }
0x70: {  	v1 =	vld [tilespmem:s23+$0x10];
	_ =	sdelay $0x4  }
0x71: {  	v0 =	vadd.bf16 v1, v0;
	_ =	sdelay $0x1  }
0x72: {  	[tilespmem:s26+$0x10] =	vst v0;
	v0 =	vld [tilespmem:s26+$0x20]  }
0x73: {  	v1 =	vld [tilespmem:s23+$0x20];
	_ =	sdelay $0x4  }
0x74: {  	v0 =	vadd.bf16 v1, v0;
	_ =	sdelay $0x1  }
0x75: {  	[tilespmem:s26+$0x20] =	vst v0;
	v0 =	vld [tilespmem:s26+$0x30]  }
0x76: {  	v1 =	vld [tilespmem:s23+$0x30];
	_ =	sdelay $0x4  }
0x77: {  	v0 =	vadd.bf16 v1, v0;
	_ =	sdelay $0x1  }
0x78: {  	[tilespmem:s26+$0x30] =	vst v0;
	v0 =	vld [tilespmem:s26+$0x40]  }
0x79: {  	v1 =	vld [tilespmem:s23+$0x40];
	_ =	sdelay $0x4  }
0x7a: {  	v0 =	vadd.bf16 v1, v0;
	_ =	sdelay $0x1  }
0x7b: {  	[tilespmem:s26+$0x40] =	vst v0;
	v0 =	vld [tilespmem:s26+$0x50]  }
0x7c: {  	v1 =	vld [tilespmem:s23+$0x50];
	_ =	sdelay $0x4  }
0x7d: {  	v0 =	vadd.bf16 v1, v0;
	_ =	sdelay $0x1  }
0x7e: {  	[tilespmem:s26+$0x50] =	vst v0;
	v0 =	vld [tilespmem:s26+$0x60]  }
0x7f: {  	v1 =	vld [tilespmem:s23+$0x60];
	_ =	sdelay $0x4  }
0x80: {  	v0 =	vadd.bf16 v1, v0;
	_ =	sdelay $0x1  }
0x81: {  	[tilespmem:s26+$0x60] =	vst v0;
	v0 =	vld [tilespmem:s26+$0x70]  }
0x82: {  	v1 =	vld [tilespmem:s23+$0x70];
	_ =	sdelay $0x1  }
.Ltmp0:
0x83: {  	(pc) =	sbr.rel @p0 .LBB2_3-.Ltmp0, $3  }
0x84: {  	_ =	sdelay $0x1  }
0x85: {  	v0 =	vadd.bf16 v1, v0  }
0x86: {  	s26 =	sadd.s32 $0x100, s26  }
0x87: {  	s23 =	sadd.s32 s6, s24  }
0x88: {  	s23 =	sshll.u32 s23, $0x9  }
0x89: {  	[tilespmem:s22+$0x70] =	vst v0;
	s31 =	sadd.s32 s5, s23  }
0x8a: {  	[hbm4b:s31+s2] =	stream.linear.scatter [tilespmem:s13], [sflag:$0x3], $0x1000, $0x38;
	[tilespmem:$0x10400] =	vst v63  }
0x8b: {  	p0 =	seq.s32 s20, $0x61;
	_ =	swait.ge [sflag:s10], $0x1000  }
0x8c: {  	s22 =	sshll.u32 @!p0 s20, $0x8;
	s24 =	simm.s32 @!p0 $0x80;
	[sflag:s10] =	ssyncset.done $0x0  }
0x8d: {  	s25 =	simm.s32 @!p0 $0xC400;
	s23 =	sadd.s32 @!p0 $0x100, s22;
	[sflag:s10] =	ssyncadd.s32 $0xFFFFF000  }
0x8e: {  	[tilespmem:s25], [sflag:$0x1] =	stream.indirect.gather @!p0 [hbm4b:s3+s24], $0x20, s23, s24, $0xb8;
	[tilespmem:$0x10400] =	vst v63  }
0x8f: {  	s22 =	sadd.s32 @!p0 $0x6300, s22;
	s23 =	simm.s32 @!p0 $0xD400  }
0x90: {  	[tilespmem:s23], [sflag:$0x1] =	stream.indirect.gather @!p0 [hbm4b:s4+s24], $0x20, s22, s24, $0xb8;
	[tilespmem:$0x10400] =	vst v63  }
0x91: {  	_ =	swait.ge [sflag:s18], $0x1000  }
0x92: {  	[sflag:s18] =	ssyncset.done $0x0  }
0x93: {  	[sflag:s18] =	ssyncadd.s32 $0xFFFFF000  }
0x94: {  	_ =	swait.ge [sflag:s18], $0x1000  }
0x95: {  	[sflag:s18] =	ssyncset.done $0x0  }
0x96: {  	s22 =	simm.s32 $0xE480;
	[sflag:s18] =	ssyncadd.s32 $0xFFFFF000  }
0x97: {  	s23 =	simm.s32 $0xF480;
	v0 =	vld [tilespmem:s22+$0xFFFFFF80]  }
0x98: {  	v1 =	vld [tilespmem:s23+$0xFFFFFF80];
	_ =	sdelay $0x4  }
0x99: {  	v0 =	vadd.bf16 v1, v0;
	_ =	sdelay $0x1  }
0x9a: {  	[tilespmem:s22+$0xFFFFFF80] =	vst v0;
	v0 =	vld [tilespmem:s22+$0xFFFFFF90]  }
0x9b: {  	v1 =	vld [tilespmem:s23+$0xFFFFFF90];
	_ =	sdelay $0x4  }
0x9c: {  	v0 =	vadd.bf16 v1, v0;
	_ =	sdelay $0x1  }
0x9d: {  	[tilespmem:s22+$0xFFFFFF90] =	vst v0;
	v0 =	vld [tilespmem:s22+$0xFFFFFFA0]  }
0x9e: {  	v1 =	vld [tilespmem:s23+$0xFFFFFFA0];
	_ =	sdelay $0x4  }
0x9f: {  	v0 =	vadd.bf16 v1, v0;
	_ =	sdelay $0x1  }
0xa0: {  	[tilespmem:s22+$0xFFFFFFA0] =	vst v0;
	v0 =	vld [tilespmem:s22+$0xFFFFFFB0]  }
0xa1: {  	v1 =	vld [tilespmem:s23+$0xFFFFFFB0];
	_ =	sdelay $0x4  }
0xa2: {  	v0 =	vadd.bf16 v1, v0;
	_ =	sdelay $0x1  }
0xa3: {  	[tilespmem:s22+$0xFFFFFFB0] =	vst v0;
	v0 =	vld [tilespmem:s22+$0xFFFFFFC0]  }
0xa4: {  	v1 =	vld [tilespmem:s23+$0xFFFFFFC0];
	_ =	sdelay $0x4  }
0xa5: {  	v0 =	vadd.bf16 v1, v0;
	_ =	sdelay $0x1  }
0xa6: {  	[tilespmem:s22+$0xFFFFFFC0] =	vst v0;
	v0 =	vld [tilespmem:s22+$0xFFFFFFD0]  }
0xa7: {  	v1 =	vld [tilespmem:s23+$0xFFFFFFD0];
	_ =	sdelay $0x4  }
0xa8: {  	v0 =	vadd.bf16 v1, v0;
	_ =	sdelay $0x1  }
0xa9: {  	[tilespmem:s22+$0xFFFFFFD0] =	vst v0;
	v0 =	vld [tilespmem:s22+$0xFFFFFFE0]  }
0xaa: {  	v1 =	vld [tilespmem:s23+$0xFFFFFFE0];
	_ =	sdelay $0x4  }
0xab: {  	v0 =	vadd.bf16 v1, v0;
	_ =	sdelay $0x1  }
0xac: {  	[tilespmem:s22+$0xFFFFFFE0] =	vst v0;
	v0 =	vld [tilespmem:s22+$0xFFFFFFF0]  }
0xad: {  	v1 =	vld [tilespmem:s23+$0xFFFFFFF0];
	_ =	sdelay $0x4  }
0xae: {  	v0 =	vadd.bf16 v1, v0;
	_ =	sdelay $0x1  }
0xaf: {  	[tilespmem:s22+$0xFFFFFFF0] =	vst v0;
	v0 =	vld [tilespmem:s22+$0x0]  }
0xb0: {  	v1 =	vld [tilespmem:s23+$0x0];
	_ =	sdelay $0x4  }
0xb1: {  	v0 =	vadd.bf16 v1, v0;
	_ =	sdelay $0x1  }
0xb2: {  	[tilespmem:s22+$0x0] =	vst v0;
	v0 =	vld [tilespmem:s22+$0x10]  }
0xb3: {  	v1 =	vld [tilespmem:s23+$0x10];
	_ =	sdelay $0x4  }
0xb4: {  	v0 =	vadd.bf16 v1, v0;
	_ =	sdelay $0x1  }
0xb5: {  	[tilespmem:s22+$0x10] =	vst v0;
	v0 =	vld [tilespmem:s22+$0x20]  }
0xb6: {  	v1 =	vld [tilespmem:s23+$0x20];
	_ =	sdelay $0x4  }
0xb7: {  	v0 =	vadd.bf16 v1, v0;
	_ =	sdelay $0x1  }
0xb8: {  	[tilespmem:s22+$0x20] =	vst v0;
	v0 =	vld [tilespmem:s22+$0x30]  }
0xb9: {  	v1 =	vld [tilespmem:s23+$0x30];
	_ =	sdelay $0x4  }
0xba: {  	v0 =	vadd.bf16 v1, v0;
	_ =	sdelay $0x1  }
0xbb: {  	[tilespmem:s22+$0x30] =	vst v0;
	v0 =	vld [tilespmem:s22+$0x40]  }
0xbc: {  	v1 =	vld [tilespmem:s23+$0x40];
	_ =	sdelay $0x4  }
0xbd: {  	v0 =	vadd.bf16 v1, v0;
	_ =	sdelay $0x1  }
0xbe: {  	[tilespmem:s22+$0x40] =	vst v0;
	v0 =	vld [tilespmem:s22+$0x50]  }
0xbf: {  	v1 =	vld [tilespmem:s23+$0x50];
	_ =	sdelay $0x4  }
0xc0: {  	v0 =	vadd.bf16 v1, v0;
	_ =	sdelay $0x1  }
0xc1: {  	[tilespmem:s22+$0x50] =	vst v0;
	v0 =	vld [tilespmem:s22+$0x60]  }
0xc2: {  	v1 =	vld [tilespmem:s23+$0x60];
	_ =	sdelay $0x4  }
0xc3: {  	v0 =	vadd.bf16 v1, v0;
	_ =	sdelay $0x1  }
0xc4: {  	[tilespmem:s22+$0x60] =	vst v0;
	v0 =	vld [tilespmem:s22+$0x70]  }
0xc5: {  	v1 =	vld [tilespmem:s23+$0x70];
	_ =	sdelay $0x4  }
0xc6: {  	v0 =	vadd.bf16 v1, v0  }
0xc7: {  	s25 =	simm.s32 $0xE580;
	s24 =	simm.s32 $0x0  }
.LBB2_5:
0xc8: {  	v1 =	vld [tilespmem:s25+$0xFFFFFF80];
	[tilespmem:s22+$0x70] =	vst v0;
	s23 =	sadd.s32 $0x100, s23;
	s22 =	smov.u32 s25  }
0xc9: {  	s24 =	sadd.s32 $0x8, s24;
	v0 =	vld [tilespmem:s23+$0xFFFFFF80]  }
0xca: {  	p0 =	slt.u32 s24, $0x78;
	_ =	sdelay $0x3  }
0xcb: {  	v0 =	vadd.bf16 v0, v1;
	_ =	sdelay $0x1  }
0xcc: {  	[tilespmem:s25+$0xFFFFFF80] =	vst v0;
	v0 =	vld [tilespmem:s25+$0xFFFFFF90]  }
0xcd: {  	v1 =	vld [tilespmem:s23+$0xFFFFFF90];
	_ =	sdelay $0x4  }
0xce: {  	v0 =	vadd.bf16 v1, v0;
	_ =	sdelay $0x1  }
0xcf: {  	[tilespmem:s25+$0xFFFFFF90] =	vst v0;
	v0 =	vld [tilespmem:s25+$0xFFFFFFA0]  }
0xd0: {  	v1 =	vld [tilespmem:s23+$0xFFFFFFA0];
	_ =	sdelay $0x4  }
0xd1: {  	v0 =	vadd.bf16 v1, v0;
	_ =	sdelay $0x1  }
0xd2: {  	[tilespmem:s25+$0xFFFFFFA0] =	vst v0;
	v0 =	vld [tilespmem:s25+$0xFFFFFFB0]  }
0xd3: {  	v1 =	vld [tilespmem:s23+$0xFFFFFFB0];
	_ =	sdelay $0x4  }
0xd4: {  	v0 =	vadd.bf16 v1, v0;
	_ =	sdelay $0x1  }
0xd5: {  	[tilespmem:s25+$0xFFFFFFB0] =	vst v0;
	v0 =	vld [tilespmem:s25+$0xFFFFFFC0]  }
0xd6: {  	v1 =	vld [tilespmem:s23+$0xFFFFFFC0];
	_ =	sdelay $0x4  }
0xd7: {  	v0 =	vadd.bf16 v1, v0;
	_ =	sdelay $0x1  }
0xd8: {  	[tilespmem:s25+$0xFFFFFFC0] =	vst v0;
	v0 =	vld [tilespmem:s25+$0xFFFFFFD0]  }
0xd9: {  	v1 =	vld [tilespmem:s23+$0xFFFFFFD0];
	_ =	sdelay $0x4  }
0xda: {  	v0 =	vadd.bf16 v1, v0;
	_ =	sdelay $0x1  }
0xdb: {  	[tilespmem:s25+$0xFFFFFFD0] =	vst v0;
	v0 =	vld [tilespmem:s25+$0xFFFFFFE0]  }
0xdc: {  	v1 =	vld [tilespmem:s23+$0xFFFFFFE0];
	_ =	sdelay $0x4  }
0xdd: {  	v0 =	vadd.bf16 v1, v0;
	_ =	sdelay $0x1  }
0xde: {  	[tilespmem:s25+$0xFFFFFFE0] =	vst v0;
	v0 =	vld [tilespmem:s25+$0xFFFFFFF0]  }
0xdf: {  	v1 =	vld [tilespmem:s23+$0xFFFFFFF0];
	_ =	sdelay $0x4  }
0xe0: {  	v0 =	vadd.bf16 v1, v0;
	_ =	sdelay $0x1  }
0xe1: {  	[tilespmem:s25+$0xFFFFFFF0] =	vst v0;
	v0 =	vld [tilespmem:s25+$0x0]  }
0xe2: {  	v1 =	vld [tilespmem:s23+$0x0];
	_ =	sdelay $0x4  }
0xe3: {  	v0 =	vadd.bf16 v1, v0;
	_ =	sdelay $0x1  }
0xe4: {  	[tilespmem:s25+$0x0] =	vst v0;
	v0 =	vld [tilespmem:s25+$0x10]  }
0xe5: {  	v1 =	vld [tilespmem:s23+$0x10];
	_ =	sdelay $0x4  }
0xe6: {  	v0 =	vadd.bf16 v1, v0;
	_ =	sdelay $0x1  }
0xe7: {  	[tilespmem:s25+$0x10] =	vst v0;
	v0 =	vld [tilespmem:s25+$0x20]  }
0xe8: {  	v1 =	vld [tilespmem:s23+$0x20];
	_ =	sdelay $0x4  }
0xe9: {  	v0 =	vadd.bf16 v1, v0;
	_ =	sdelay $0x1  }
0xea: {  	[tilespmem:s25+$0x20] =	vst v0;
	v0 =	vld [tilespmem:s25+$0x30]  }
0xeb: {  	v1 =	vld [tilespmem:s23+$0x30];
	_ =	sdelay $0x4  }
0xec: {  	v0 =	vadd.bf16 v1, v0;
	_ =	sdelay $0x1  }
0xed: {  	[tilespmem:s25+$0x30] =	vst v0;
	v0 =	vld [tilespmem:s25+$0x40]  }
0xee: {  	v1 =	vld [tilespmem:s23+$0x40];
	_ =	sdelay $0x4  }
0xef: {  	v0 =	vadd.bf16 v1, v0;
	_ =	sdelay $0x1  }
0xf0: {  	[tilespmem:s25+$0x40] =	vst v0;
	v0 =	vld [tilespmem:s25+$0x50]  }
0xf1: {  	v1 =	vld [tilespmem:s23+$0x50];
	_ =	sdelay $0x4  }
0xf2: {  	v0 =	vadd.bf16 v1, v0;
	_ =	sdelay $0x1  }
0xf3: {  	[tilespmem:s25+$0x50] =	vst v0;
	v0 =	vld [tilespmem:s25+$0x60]  }
0xf4: {  	v1 =	vld [tilespmem:s23+$0x60];
	_ =	sdelay $0x4  }
0xf5: {  	v0 =	vadd.bf16 v1, v0;
	_ =	sdelay $0x1  }
0xf6: {  	[tilespmem:s25+$0x60] =	vst v0;
	v0 =	vld [tilespmem:s25+$0x70]  }
0xf7: {  	v1 =	vld [tilespmem:s23+$0x70];
	_ =	sdelay $0x1  }
.Ltmp1:
0xf8: {  	(pc) =	sbr.rel @p0 .LBB2_5-.Ltmp1, $3  }
0xf9: {  	_ =	sdelay $0x1  }
0xfa: {  	v0 =	vadd.bf16 v1, v0  }
0xfb: {  	s25 =	sadd.s32 $0x100, s25  }
0xfc: {  	s21 =	sadd.s32 s6, s21  }
0xfd: {  	s20 =	sadd.s32 $0x1, s20;
	s21 =	sshll.u32 s21, $0x9  }
0xfe: {  	p0 =	sne.s32 s20, $0x62;
	s21 =	sand.u32 $0xFFFFE00, s21  }
.Ltmp2:
0xff: {  	[tilespmem:s22+$0x70] =	vst v0;
	s21 =	sadd.s32 s5, s21;
	(pc) =	sbr.rel @p0 .LBB2_2-.Ltmp2, $4  }
0x100: {  	[hbm4b:s21+s2] =	stream.linear.scatter [tilespmem:s15], [sflag:$0x3], $0x1000, $0x38;
	[tilespmem:$0x10400] =	vst v63  }
0x101: {  	_ =	swait.ge [sflag:s10], $0x1000  }
0x102: {  	[sflag:s10] =	ssyncset.done $0x0  }
0x103: {  	[sflag:s10] =	ssyncadd.s32 $0xFFFFF000  }
0x104: {  	s19 =	sadd.s32 $0x1, s19  }
0x105: {  	p0 =	sne.s32 s19, s9  }
.Ltmp3:
0x106: {  	_ = 	snop;
	(pc) =	sbr.rel @p0 .LBB2_1-.Ltmp3, $1  }
0x107: {  	_ =	sdelay $0x3  }
0x108: {  	_ =	sfence.sel $0x180000  }
0x109: {  	[bflag:$0x0] =	sbarrier.arrive $0xFFFF  }
0x10a: {  	p0 =	sne.s32 s1, $0x0;
	_ =	strace $0x90000047  }
0x10b: {  	s0 =	sadd.s32 @!p0 $0x100000, s0;
	[bflag:$0x2] =	sbarrier.arrive $0xFFFF  }
0x10c: {  	[sflag:s0] =	ssyncadd.tile.s32 @!p0 $0x1;
	_ =	shalt  }
.Lfunc_end2:
_tile_overlayer_lowered:
.L_overlay_start_2:
0x10d: {  	(tag) =	ssettag $0x2  }
0x10e: {  	s0 =	rddreg [dreg:$0x0];
	s2 =	stileid.u32  }
0x10f: {  	s1 =	rddreg [dreg:$0x1];
	p0 =	sne.s32 s2, $0x0  }
0x110: {  	s3 =	rddreg [dreg:$0x2];
	[bflag:$0x3] =	sbarrier.arrive $0xFFFF;
	s2 =	simm.s32 @!p0 $0x1C03  }
0x111: {  	[timem:s3], [sflag:s2] =	dma.local @!p0 [hbm:s0], s1  }
0x112: {  	s0 =	simm.s32 @!p0 $0x3  }
0x113: {  	_ =	swait.ge @!p0 [sflag:s0], s1  }
0x114: {  	s1 =	ssub.s32 @!p0 $0x0, s1;
	[sflag:s0] =	ssyncset.done @!p0 $0x0  }
0x115: {  	[sflag:s0] =	ssyncadd.s32 @!p0 s1  }
0x116: {  	[bflag:$0x3] =	sbarrier.arrive $0xFFFF  }
0x117: {  	_ =	shalt  }

</sc_bundles>
